<compile_context>
chip_gen: v7x
topology: tpu7x:2x2x1
jax: 0.10.2.dev20260603
libtpu: 0.0.44.dev20260713+nightly
codegen_flags: <defaults>
</compile_context>

<pallas_src>
import functools

import jax
import jax.numpy as jnp
from jax import lax
from jax.experimental import pallas as pl
from jax.experimental.pallas import tpu as pltpu
from jax.experimental.pallas import tpu_sc as plsc

N = 10000
E = 320000
D = 128
ED = 64
HD = 128

NW = 32
EPW = E // NW

_MESH = dict(core_axis_name="c", subcore_axis_name="s")


def _wid():
    return lax.axis_index("s") * 2 + lax.axis_index("c")




def _sc_gather2(P, Q, row, col, Dd, CH, pair_out=False, dtype=jnp.float32):
    nsteps = EPW // CH
    oshape = (E // 2, 2 * Dd) if pair_out else (E, Dd)

    @functools.partial(
        pl.kernel,
        out_type=jax.ShapeDtypeStruct(oshape, dtype),
        mesh=plsc.VectorSubcoreMesh(**_MESH),
        scratch_types=[
            pltpu.VMEM((CH,), jnp.int32),
            pltpu.VMEM((CH, Dd), dtype),
            pltpu.SemaphoreType.DMA,
        ],
        compiler_params=pltpu.CompilerParams(use_tc_tiling_on_sc=False),
    )
    def k(p_hbm, q_hbm, row_hbm, col_hbm, out_hbm, idx_v, buf, sem):
        wid = _wid()
        base = wid * EPW

        def body(i, c):
            off = base + i * CH
            pltpu.sync_copy(row_hbm.at[pl.ds(off, CH)], idx_v)
            pltpu.async_copy(p_hbm.at[idx_v], buf, sem).wait()
            pltpu.sync_copy(col_hbm.at[pl.ds(off, CH)], idx_v)
            pltpu.async_copy(q_hbm.at[idx_v], buf, sem, add=True).wait()
            if pair_out:
                @pl.when(wid < NW // 2)
                def _():
                    pltpu.sync_copy(buf, out_hbm.at[pl.ds(off, CH), pl.ds(0, Dd)])

                @pl.when(wid >= NW // 2)
                def _():
                    pltpu.sync_copy(
                        buf, out_hbm.at[pl.ds(off - E // 2, CH), pl.ds(Dd, Dd)])
            else:
                pltpu.sync_copy(buf, out_hbm.at[pl.ds(off, CH)])
            return c

        lax.fori_loop(0, nsteps, body, 0)

    return k(P, Q, row, col)


def _sc_degree(col, w):
    CH = 2000
    nsteps = EPW // CH

    @functools.partial(
        pl.kernel,
        out_type=jax.ShapeDtypeStruct((2, N), jnp.float32),
        mesh=plsc.VectorSubcoreMesh(**_MESH),
        scratch_types=[
            pltpu.VMEM((CH,), jnp.int32),
            pltpu.VMEM((CH,), jnp.float32),
            pltpu.VMEM_SHARED((N,), jnp.float32),
        ],
    )
    def k(col_hbm, w_hbm, out_hbm, idx_v, w_v, acc_sh):
        cid = lax.axis_index("c")
        sid = lax.axis_index("s")

        def z(i, c):
            w_v[pl.ds(i * 16, 16)] = jnp.zeros((16,), jnp.float32)
            return c

        lax.fori_loop(0, CH // 16, z, 0)

        nz = N // CH
        @pl.when(sid < nz)
        def _():
            pltpu.sync_copy(w_v, acc_sh.at[pl.ds(sid * CH, CH)])

        plsc.subcore_barrier()
        base = _wid() * EPW

        def body(i, c):
            off = base + i * CH
            pltpu.sync_copy(col_hbm.at[pl.ds(off, CH)], idx_v)
            pltpu.sync_copy(w_hbm.at[pl.ds(off, CH)], w_v)
            pltpu.sync_copy(w_v, acc_sh.at[idx_v], add=True)
            return c

        lax.fori_loop(0, nsteps, body, 0)
        plsc.subcore_barrier()

        @pl.when(sid == 0)
        def _():
            pltpu.sync_copy(acc_sh, out_hbm.at[cid])

    return k(col, w)


def _sc_aggregate(y, row, col, w):
    CH = 200
    nsteps = EPW // CH
    nz = N // CH

    @functools.partial(
        pl.kernel,
        out_type=jax.ShapeDtypeStruct((2, N, D), jnp.float32),
        mesh=plsc.VectorSubcoreMesh(**_MESH),
        scratch_types=[
            pltpu.VMEM((CH,), jnp.int32),
            pltpu.VMEM((CH + 16,), jnp.float32),
            pltpu.VMEM((CH, D), jnp.float32),
            pltpu.VMEM_SHARED((N, D), jnp.float32),
            pltpu.SemaphoreType.DMA,
        ],
    )
    def k(y_hbm, row_hbm, col_hbm, w_hbm, out_hbm, idx_v, w_v, buf, acc_sh, sem):
        cid = lax.axis_index("c")
        sid = lax.axis_index("s")

        def zrow(i, c):
            for kk in range(D // 16):
                buf[i, pl.ds(kk * 16, 16)] = jnp.zeros((16,), jnp.float32)
            return c

        lax.fori_loop(0, CH, zrow, 0)

        for jj in range((nz + 15) // 16):
            j = sid + 16 * jj

            @pl.when(j < nz)
            def _():
                pltpu.sync_copy(buf, acc_sh.at[pl.ds(j * CH, CH)])

        plsc.subcore_barrier()
        base = _wid() * EPW

        def body(i, c):
            off = base + i * CH
            pltpu.sync_copy(row_hbm.at[pl.ds(off, CH)], idx_v)
            pltpu.sync_copy(w_hbm.at[pl.ds(off, CH)], w_v.at[pl.ds(0, CH)])
            pltpu.async_copy(y_hbm.at[idx_v], buf, sem).wait()

            def srow(e, c2):
                we = w_v[pl.ds(e, 16)][0]
                for kk in range(D // 16):
                    buf[e, pl.ds(kk * 16, 16)] = buf[e, pl.ds(kk * 16, 16)] * we
                return c2

            lax.fori_loop(0, CH, srow, 0)
            pltpu.sync_copy(col_hbm.at[pl.ds(off, CH)], idx_v)
            pltpu.sync_copy(buf, acc_sh.at[idx_v], add=True)
            return c

        lax.fori_loop(0, nsteps, body, 0)
        plsc.subcore_barrier()

        for jj in range((nz + 15) // 16):
            j = sid + 16 * jj

            @pl.when(j < nz)
            def _():
                pltpu.sync_copy(acc_sh.at[pl.ds(j * CH, CH)],
                                out_hbm.at[cid, pl.ds(j * CH, CH)])

    return k(y, row, col, w)



_NB = 2000


def _tc_node1(x, W1a, W1b, b1):

    def body(x_ref, wa_ref, wb_ref, b1_ref, p_ref, q_ref):
        xb = x_ref[...]
        p_ref[...] = jnp.dot(xb, wa_ref[...], preferred_element_type=jnp.float32)
        q_ref[...] = jnp.dot(xb, wb_ref[...], preferred_element_type=jnp.float32) + b1_ref[...]

    return pl.pallas_call(
        body,
        grid=(N // _NB,),
        in_specs=[
            pl.BlockSpec((_NB, D), lambda i: (i, 0)),
            pl.BlockSpec((D, ED), lambda i: (0, 0)),
            pl.BlockSpec((D, ED), lambda i: (0, 0)),
            pl.BlockSpec((1, ED), lambda i: (0, 0)),
        ],
        out_specs=[
            pl.BlockSpec((_NB, ED), lambda i: (i, 0)),
            pl.BlockSpec((_NB, ED), lambda i: (i, 0)),
        ],
        out_shape=[jax.ShapeDtypeStruct((N, ED), jnp.float32)] * 2,
    )(x, W1a, W1b, b1.reshape(1, ED))


_EB = 4000
_NEB = E // _EB


_EB2 = _EB // 2


def _tc_edge1(PQ2, ei_W2, ei_b2, ew_W, ew_b):
    W2d = jnp.zeros((D, D), jnp.float32)
    W2d = W2d.at[:ED, :ED].set(ei_W2).at[ED:, ED:].set(ei_W2)
    b2p = jnp.concatenate([ei_b2, ei_b2]).reshape(1, D)

    Mb = jnp.zeros((8, D), jnp.float32)
    Mb = Mb.at[0, :ED].set(ew_W[:, 0]).at[1, ED:].set(ew_W[:, 0])

    def body(pq_ref, w2d_ref, b2p_ref, mb_ref, ewb_ref, ef_ref, we_ref, wo_ref):
        efp = jnp.dot(jnp.maximum(pq_ref[...], 0.0), w2d_ref[...],
                      preferred_element_type=jnp.float32) + b2p_ref[...]
        ef_ref[...] = efp
        l = lax.dot_general(mb_ref[...], efp, (((1,), (1,)), ((), ())),
                            preferred_element_type=jnp.float32)
        z = jax.nn.sigmoid(l[0:2] + ewb_ref[0, 0])
        we_ref[...] = z[0:1].reshape(1, 1, _EB2)
        wo_ref[...] = z[1:2].reshape(1, 1, _EB2)

    ef, we, wo = pl.pallas_call(
        body,
        grid=(_NEB,),
        in_specs=[
            pl.BlockSpec((_EB2, D), lambda i: (i, 0)),
            pl.BlockSpec((D, D), lambda i: (0, 0)),
            pl.BlockSpec((1, D), lambda i: (0, 0)),
            pl.BlockSpec((8, D), lambda i: (0, 0)),
            pl.BlockSpec((1, 1), lambda i: (0, 0)),
        ],
        out_specs=[
            pl.BlockSpec((_EB2, D), lambda i: (i, 0)),
            pl.BlockSpec((1, 1, _EB2), lambda i: (i, 0, 0)),
            pl.BlockSpec((1, 1, _EB2), lambda i: (i, 0, 0)),
        ],
        out_shape=[
            jax.ShapeDtypeStruct((E // 2, D), jnp.float32),
            jax.ShapeDtypeStruct((_NEB, 1, _EB2), jnp.float32),
            jax.ShapeDtypeStruct((_NEB, 1, _EB2), jnp.float32),
        ],
    )(PQ2, W2d, b2p, Mb, ew_b.reshape(1, 1))
    w1 = jnp.concatenate([we.reshape(E // 2), wo.reshape(E // 2)])
    return ef, w1


def _tc_mid(degp, x, gW):

    def body(degp_ref, x_ref, gw_ref, dinv_ref, y_ref):
        deg = 1.0 + degp_ref[0] + degp_ref[1]
        dinv = lax.rsqrt(deg)
        dinv_ref[...] = dinv
        xw = jnp.dot(x_ref[...], gw_ref[...], preferred_element_type=jnp.float32)
        y_ref[...] = xw * dinv

    return pl.pallas_call(
        body,
        grid=(N // _NB,),
        in_specs=[
            pl.BlockSpec((2, _NB, 1), lambda i: (0, i, 0)),
            pl.BlockSpec((_NB, D), lambda i: (i, 0)),
            pl.BlockSpec((D, D), lambda i: (0, 0)),
        ],
        out_specs=[
            pl.BlockSpec((_NB, 1), lambda i: (i, 0)),
            pl.BlockSpec((_NB, D), lambda i: (i, 0)),
        ],
        out_shape=[
            jax.ShapeDtypeStruct((N, 1), jnp.float32),
            jax.ShapeDtypeStruct((N, D), jnp.float32),
        ],
    )(degp.reshape(2, N, 1), x, gW)


def _gelu_ln(pre, g_ref, b_ref):
    h = 0.5 * pre * (1.0 + lax.erf(pre * (2.0 ** -0.5)))
    m = jnp.mean(h, axis=-1, keepdims=True)
    v = jnp.mean((h - m) ** 2, axis=-1, keepdims=True)
    return (h - m) * lax.rsqrt(v + 1e-5) * g_ref[...] + b_ref[...]


def _tc_out1(accp, y1, dinv1, gcn1_b, n1_g, n1_b, eu_A, eu_B, eu_b1, gcn2_W):

    def body(accp_ref, y_ref, dinv_ref, gb_ref, g_ref, b_ref, a_ref, bb_ref,
             eb1_ref, gw2_ref, r_ref, s_ref, xw2_ref):
        pre = dinv_ref[...] * (accp_ref[0] + accp_ref[1] + y_ref[...]) + gb_ref[...]
        out1 = _gelu_ln(pre, g_ref, b_ref)
        r_ref[...] = jnp.dot(out1, a_ref[...], preferred_element_type=jnp.float32)
        s_ref[...] = jnp.dot(out1, bb_ref[...],
                             preferred_element_type=jnp.float32) + eb1_ref[...]
        xw2_ref[...] = jnp.dot(out1, gw2_ref[...], preferred_element_type=jnp.float32)

    return pl.pallas_call(
        body,
        grid=(N // _NB,),
        in_specs=[
            pl.BlockSpec((2, _NB, D), lambda i: (0, i, 0)),
            pl.BlockSpec((_NB, D), lambda i: (i, 0)),
            pl.BlockSpec((_NB, 1), lambda i: (i, 0)),
            pl.BlockSpec((1, D), lambda i: (0, 0)),
            pl.BlockSpec((1, D), lambda i: (0, 0)),
            pl.BlockSpec((1, D), lambda i: (0, 0)),
            pl.BlockSpec((D, D), lambda i: (0, 0)),
            pl.BlockSpec((D, D), lambda i: (0, 0)),
            pl.BlockSpec((1, D), lambda i: (0, 0)),
            pl.BlockSpec((D, D), lambda i: (0, 0)),
        ],
        out_specs=[
            pl.BlockSpec((_NB, D), lambda i: (i, 0)),
            pl.BlockSpec((_NB, D), lambda i: (i, 0)),
            pl.BlockSpec((_NB, D), lambda i: (i, 0)),
        ],
        out_shape=[jax.ShapeDtypeStruct((N, D), jnp.float32)] * 3,
    )(accp, y1, dinv1, gcn1_b.reshape(1, D), n1_g.reshape(1, D),
      n1_b.reshape(1, D), eu_A, eu_B, eu_b1.reshape(1, D), gcn2_W)


def _tc_edge2(RS, ef, eu_C, eu_W2, eu_b2, ne_g, ne_b, ew_W, ew_b):
    gw = ne_g * ew_W[:, 0]
    cb = (jnp.sum(ne_b * ew_W[:, 0]) + ew_b[0]).reshape(1, 1)
    noff = E // 2 // _EB2
    Me = jnp.zeros((8, ED), jnp.float32)
    Me = Me.at[0].set(1.0).at[1].set(gw - jnp.sum(gw) / ED)
    Ms = jnp.zeros((8, ED), jnp.float32).at[0].set(1.0)

    def _half(rs, ef, c_ref, w2_ref, b2_ref, me_ref, ms_ref, cb_ref):
        h = jnp.maximum(
            rs + jnp.dot(ef, c_ref[...], preferred_element_type=jnp.float32), 0.0)
        upd = jnp.dot(h, w2_ref[...], preferred_element_type=jnp.float32) + b2_ref[...]
        ef2 = ef + upd
        dims = (((1,), (1,)), ((), ()))
        t1 = lax.dot_general(me_ref[...], ef2, dims,
                             preferred_element_type=jnp.float32)
        t2 = lax.dot_general(ms_ref[...], ef2 * ef2, dims,
                             preferred_element_type=jnp.float32)
        s0, s1, s2 = t1[0:1], t1[1:2], t2[0:1]
        m = s0 * (1.0 / ED)
        var = s2 * (1.0 / ED) - m * m
        logit = s1 * lax.rsqrt(var + 1e-5) + cb_ref[0, 0]
        return jax.nn.sigmoid(logit).reshape(1, 1, _EB2)

    def body(rs1_ref, rs2_ref, ef_ref, c_ref, w2_ref, b2_ref, me_ref, ms_ref,
             cb_ref, w2e_ref, w2o_ref):
        efp = ef_ref[...]
        w2e_ref[...] = _half(rs1_ref[...], efp[:, :ED], c_ref, w2_ref, b2_ref,
                             me_ref, ms_ref, cb_ref)
        w2o_ref[...] = _half(rs2_ref[...], efp[:, ED:], c_ref, w2_ref, b2_ref,
                             me_ref, ms_ref, cb_ref)

    w2e, w2o = pl.pallas_call(
        body,
        grid=(_NEB,),
        in_specs=[
            pl.BlockSpec((_EB2, D), lambda i: (i, 0)),
            pl.BlockSpec((_EB2, D), lambda i: (i + noff, 0)),
            pl.BlockSpec((_EB2, D), lambda i: (i, 0)),
            pl.BlockSpec((ED, D), lambda i: (0, 0)),
            pl.BlockSpec((D, ED), lambda i: (0, 0)),
            pl.BlockSpec((1, ED), lambda i: (0, 0)),
            pl.BlockSpec((8, ED), lambda i: (0, 0)),
            pl.BlockSpec((8, ED), lambda i: (0, 0)),
            pl.BlockSpec((1, 1), lambda i: (0, 0)),
        ],
        out_specs=[
            pl.BlockSpec((1, 1, _EB2), lambda i: (i, 0, 0)),
            pl.BlockSpec((1, 1, _EB2), lambda i: (i, 0, 0)),
        ],
        out_shape=[
            jax.ShapeDtypeStruct((_NEB, 1, _EB2), jnp.float32),
            jax.ShapeDtypeStruct((_NEB, 1, _EB2), jnp.float32),
        ],
    )(RS, RS, ef, eu_C, eu_W2, eu_b2.reshape(1, ED), Me, Ms, cb)
    return jnp.concatenate([w2e.reshape(E // 2), w2o.reshape(E // 2)])


def _tc_out2(accp, y2, dinv2, gcn2_b, n2_g, n2_b):

    def body(accp_ref, y_ref, dinv_ref, gb_ref, g_ref, b_ref, o_ref):
        pre = dinv_ref[...] * (accp_ref[0] + accp_ref[1] + y_ref[...]) + gb_ref[...]
        o_ref[...] = _gelu_ln(pre, g_ref, b_ref)

    return pl.pallas_call(
        body,
        grid=(N // _NB,),
        in_specs=[
            pl.BlockSpec((2, _NB, D), lambda i: (0, i, 0)),
            pl.BlockSpec((_NB, D), lambda i: (i, 0)),
            pl.BlockSpec((_NB, 1), lambda i: (i, 0)),
            pl.BlockSpec((1, D), lambda i: (0, 0)),
            pl.BlockSpec((1, D), lambda i: (0, 0)),
            pl.BlockSpec((1, D), lambda i: (0, 0)),
        ],
        out_specs=pl.BlockSpec((_NB, D), lambda i: (i, 0)),
        out_shape=jax.ShapeDtypeStruct((N, D), jnp.float32),
    )(accp, y2, dinv2, gcn2_b.reshape(1, D), n2_g.reshape(1, D),
      n2_b.reshape(1, D))




def kernel(x, edge_index, gcn1_W, gcn1_b, gcn2_W, gcn2_b, n1_g, n1_b, n2_g,
           n2_b, ne_g, ne_b, ei_W1, ei_b1, ei_W2, ei_b2, eu_W1, eu_b1, eu_W2,
           eu_b2, ew_W, ew_b):
    row = edge_index[0]
    col = edge_index[1]

    P, Q = _tc_node1(x, ei_W1[:D], ei_W1[D:], ei_b1)
    PQ2 = _sc_gather2(P, Q, row, col, ED, 1000, pair_out=True)
    ef, w1 = _tc_edge1(PQ2, ei_W2, ei_b2, ew_W, ew_b)

    deg1p = _sc_degree(col, w1)
    dinv1, y1 = _tc_mid(deg1p, x, gcn1_W)
    acc1p = _sc_aggregate(y1, row, col, w1)
    R, S, xw2 = _tc_out1(acc1p, y1, dinv1, gcn1_b, n1_g, n1_b,
                         eu_W1[:D], eu_W1[D:2 * D], eu_b1, gcn2_W)

    RS = _sc_gather2(R, S, row, col, D, 400)
    w2 = _tc_edge2(RS, ef, eu_W1[2 * D:], eu_W2, eu_b2, ne_g, ne_b, ew_W, ew_b)

    deg2p = _sc_degree(col, w2)

    def _scale_body(degp_ref, xw_ref, dinv_ref, y_ref):
        deg = 1.0 + degp_ref[0] + degp_ref[1]
        dinv = lax.rsqrt(deg)
        dinv_ref[...] = dinv
        y_ref[...] = xw_ref[...] * dinv

    dinv2, y2 = pl.pallas_call(
        _scale_body,
        grid=(N // _NB,),
        in_specs=[
            pl.BlockSpec((2, _NB, 1), lambda i: (0, i, 0)),
            pl.BlockSpec((_NB, D), lambda i: (i, 0)),
        ],
        out_specs=[
            pl.BlockSpec((_NB, 1), lambda i: (i, 0)),
            pl.BlockSpec((_NB, D), lambda i: (i, 0)),
        ],
        out_shape=[
            jax.ShapeDtypeStruct((N, 1), jnp.float32),
            jax.ShapeDtypeStruct((N, D), jnp.float32),
        ],
    )(deg2p.reshape(2, N, 1), xw2)

    acc2p = _sc_aggregate(y2, row, col, w2)
    return _tc_out2(acc2p, y2, dinv2, gcn2_b, n2_g, n2_b)

# --- scband reference (transcript-rebuilt; emitter-appended) ---
"""Pipeline reference for scband-one-hop-expert-58342835749141 (READ-ONLY COPY).

The authoritative reference and input builder live on the scoring server;
editing this copy changes nothing except your own understanding.
"""

import jax, jax.numpy as jnp
import numpy as np

N = 10000
E = 320000
D = 128
ED = 64
HD = 128


def layer_norm(x, g, b, eps=1e-5):
    m = jnp.mean(x, axis=-1, keepdims=True)
    v = jnp.mean((x - m) ** 2, axis=-1, keepdims=True)
    return (x - m) / jnp.sqrt(v + eps) * g + b


def gcn_conv(x, edge_index, edge_weight, W, b):
    n = x.shape[0]
    loop = jnp.arange(n, dtype=edge_index.dtype)
    row = jnp.concatenate([edge_index[0], loop])
    col = jnp.concatenate([edge_index[1], loop])
    ew = jnp.concatenate([edge_weight, jnp.ones((n,), x.dtype)])
    deg = jax.ops.segment_sum(ew, col, num_segments=n)
    dinv = jnp.where(deg > 0, deg ** -0.5, 0.0)
    norm = dinv[row] * ew * dinv[col]
    xw = x @ W
    out = jax.ops.segment_sum(xw[row] * norm[:, None], col, num_segments=n)
    return out + b


def _forward(x, edge_index, p):
    row, col = edge_index[0], edge_index[1]
    ei = jnp.concatenate([x[row], x[col]], axis=-1)
    ef = jnp.maximum(ei @ p['ei_W1'] + p['ei_b1'], 0.0) @ p['ei_W2'] + p['ei_b2']
    w1 = jax.nn.sigmoid(ef @ p['ew_W'] + p['ew_b'])[:, 0]
    out1 = gcn_conv(x, edge_index, w1, p['gcn1_W'], p['gcn1_b'])
    out1 = layer_norm(jax.nn.gelu(out1, approximate=False), p['n1_g'], p['n1_b'])
    eu = jnp.concatenate([out1[row], out1[col], ef], axis=-1)
    upd = jnp.maximum(eu @ p['eu_W1'] + p['eu_b1'], 0.0) @ p['eu_W2'] + p['eu_b2']
    ef = layer_norm(ef + upd, p['ne_g'], p['ne_b'])
    w2 = jax.nn.sigmoid(ef @ p['ew_W'] + p['ew_b'])[:, 0]
    out2 = gcn_conv(out1, edge_index, w2, p['gcn2_W'], p['gcn2_b'])
    out2 = layer_norm(jax.nn.gelu(out2, approximate=False), p['n2_g'], p['n2_b'])
    return out2


def setup_inputs(seed: int = 0):
    key = jax.random.key(seed)
    ks = jax.random.split(key, 16)

    def init(k, shape, fan_in):
        bnd = 1.0 / np.sqrt(fan_in)
        return jax.random.uniform(k, shape, jnp.float32, -bnd, bnd)

    inp = {}
    inp['x'] = jax.random.normal(ks[0], (N, D), jnp.float32)
    inp['edge_index'] = jax.random.randint(ks[1], (2, E), 0, N, jnp.int32)
    inp['gcn1_W'] = init(ks[2], (D, D), D)
    inp['gcn1_b'] = jnp.zeros((D,), jnp.float32)
    inp['gcn2_W'] = init(ks[3], (D, D), D)
    inp['gcn2_b'] = jnp.zeros((D,), jnp.float32)
    inp['n1_g'] = jnp.ones((D,), jnp.float32)
    inp['n1_b'] = jnp.zeros((D,), jnp.float32)
    inp['n2_g'] = jnp.ones((D,), jnp.float32)
    inp['n2_b'] = jnp.zeros((D,), jnp.float32)
    inp['ne_g'] = jnp.ones((ED,), jnp.float32)
    inp['ne_b'] = jnp.zeros((ED,), jnp.float32)
    inp['ei_W1'] = init(ks[4], (2 * D, ED), 2 * D)
    inp['ei_b1'] = init(ks[5], (ED,), 2 * D)
    inp['ei_W2'] = init(ks[6], (ED, ED), ED)
    inp['ei_b2'] = init(ks[7], (ED,), ED)
    inp['eu_W1'] = init(ks[8], (2 * D + ED, HD), 2 * D + ED)
    inp['eu_b1'] = init(ks[9], (HD,), 2 * D + ED)
    inp['eu_W2'] = init(ks[10], (HD, ED), HD)
    inp['eu_b2'] = init(ks[11], (ED,), HD)
    inp['ew_W'] = init(ks[12], (ED, 1), ED)
    inp['ew_b'] = init(ks[13], (1,), ED)
    return inp


def reference(x, edge_index, gcn1_W, gcn1_b, gcn2_W, gcn2_b, n1_g, n1_b, n2_g, n2_b, ne_g, ne_b, ei_W1, ei_b1, ei_W2, ei_b2, eu_W1, eu_b1, eu_W2, eu_b2, ew_W, ew_b):
    p = dict(gcn1_W=gcn1_W, gcn1_b=gcn1_b, gcn2_W=gcn2_W, gcn2_b=gcn2_b, n1_g=n1_g, n1_b=n1_b, n2_g=n2_g, n2_b=n2_b, ne_g=ne_g, ne_b=ne_b, ei_W1=ei_W1, ei_b1=ei_b1, ei_W2=ei_W2, ei_b2=ei_b2, eu_W1=eu_W1, eu_b1=eu_b1, eu_W2=eu_W2, eu_b2=eu_b2, ew_W=ew_W, ew_b=ew_b)
    return _forward(x, edge_index, p)

if __name__ == "__main__":
    import jax
    _d = setup_inputs()
    print(jax.jit(kernel)(*tuple(_d.values())))

</pallas_src>

<mosaic_0001>
#map = affine_map<(d0, d1) -> (0, 0)>
#map1 = affine_map<(d0, d1) -> (0)>
module attributes {stable_mosaic.version = 14 : i64} {
  func.func @k(%arg0: i32, %arg1: i32, %arg2: memref<10000x128xf32, #tpu.memory_space<hbm>>, %arg3: memref<10000x128xf32, #tpu.memory_space<hbm>>, %arg4: memref<320000xi32, #tpu.memory_space<hbm>>, %arg5: memref<320000xi32, #tpu.memory_space<hbm>>, %arg6: memref<320000x128xf32, #tpu.memory_space<hbm>>, %arg7: memref<400xi32, #tpu.memory_space<vmem>>, %arg8: memref<400x128xf32, #tpu.memory_space<vmem>>, %arg9: memref<!tpu.dma_semaphore, #tpu.memory_space<semaphore_mem>>) attributes {dimension_semantics = [#tpu.dimension_semantics<core_parallel>, #tpu.dimension_semantics<subcore_parallel>], iteration_bounds = array<i64: 2, 16>, scalar_prefetch = 0 : i64, scratch_operands = 3 : i64, tpu.core_type = #tpu.core_type<sc_vector_subcore>, window_params = [{transform_indices = #map}, {transform_indices = #map}, {transform_indices = #map1}, {transform_indices = #map1}, {transform_indices = #map}]} {
    %mul3A = arith.constant 2 : i32
    %mul3A_0 = arith.muli %arg1, %mul3A : i32
    %add3A = arith.addi %mul3A_0, %arg0 : i32
    %mul3A_1 = arith.constant 10000 : i32
    %mul3A_2 = arith.muli %add3A, %mul3A_1 : i32
    %scan3A = arith.constant 0 : i32
    %scan3A_3 = arith.constant 0 : i32
    %scan3A_4 = arith.constant 25 : i32
    %scan3A_5 = arith.addi %scan3A_3, %scan3A_4 : i32
    %scan3A_6 = arith.constant 1 : i32
    scf.for %scan3A_8 = %scan3A_3 to %scan3A_5 step %scan3A_6  : i32 {
      %mul3A_9 = arith.constant 400 : i32
      %mul3A_10 = arith.muli %scan3A_8, %mul3A_9 : i32
      %add3A_11 = arith.addi %mul3A_2, %mul3A_10 : i32
      "tpu.region"() ({
        %run_scoped3A = tpu.sem_alloc : memref<!tpu.dma_semaphore, #tpu.memory_space<semaphore_mem>>
        %dma_start3A_22 = tpu.memref_slice %arg4[%add3A_11] : memref<320000xi32, #tpu.memory_space<hbm>> -> memref<400xi32, #tpu.memory_space<hbm>>
        %dma_start3A_23 = tpu.memref_slice %arg4[%add3A_11] : memref<320000xi32, #tpu.memory_space<hbm>> -> memref<400xi32, #tpu.memory_space<hbm>>
        tpu.enqueue_dma source(%dma_start3A_23 : memref<400xi32, #tpu.memory_space<hbm>>) target(%arg7 : memref<400xi32, #tpu.memory_space<vmem>>) target_semaphore(%run_scoped3A : memref<!tpu.dma_semaphore, #tpu.memory_space<semaphore_mem>>)
        %dma_wait3A_24 = tpu.memref_slice %arg4[%add3A_11] : memref<320000xi32, #tpu.memory_space<hbm>> -> memref<400xi32, #tpu.memory_space<hbm>>
        %dma_wait3A_25 = tpu.memref_slice %arg4[%add3A_11] : memref<320000xi32, #tpu.memory_space<hbm>> -> memref<400xi32, #tpu.memory_space<hbm>>
        tpu.wait_dma2 semaphore(%run_scoped3A : memref<!tpu.dma_semaphore, #tpu.memory_space<semaphore_mem>>) src(%dma_wait3A_25 : memref<400xi32, #tpu.memory_space<hbm>>) dst(%arg7 : memref<400xi32, #tpu.memory_space<vmem>>)
        tpu.yield
      }) : () -> ()
      %dma_start3A = arith.constant 0 : i32
      %dma_start3A_12 = arith.constant 0 : i32
      %dma_start3A_13 = tpu.memref_slice %arg2[%dma_start3A, %dma_start3A_12] : memref<10000x128xf32, #tpu.memory_space<hbm>> -> memref<10000x128xf32, #tpu.memory_space<hbm>>
      tpu.enqueue_indirect_dma source(%dma_start3A_13 : memref<10000x128xf32, #tpu.memory_space<hbm>>) target(%arg8 : memref<400x128xf32, #tpu.memory_space<vmem>>) offsets(%arg7 : memref<400xi32, #tpu.memory_space<vmem>>) semaphore(%arg9 : memref<!tpu.dma_semaphore, #tpu.memory_space<semaphore_mem>>)
      %dma_wait3A = arith.constant 0 : i32
      %dma_wait3A_14 = arith.constant 0 : i32
      %dma_wait3A_15 = tpu.memref_slice %arg2[%dma_wait3A, %dma_wait3A_14] : memref<10000x128xf32, #tpu.memory_space<hbm>> -> memref<10000x128xf32, #tpu.memory_space<hbm>>
      tpu.wait_indirect_dma semaphore(%arg9 : memref<!tpu.dma_semaphore, #tpu.memory_space<semaphore_mem>>) src(%dma_wait3A_15 : memref<10000x128xf32, #tpu.memory_space<hbm>>) dst(%arg8 : memref<400x128xf32, #tpu.memory_space<vmem>>)
      "tpu.region"() ({
        %run_scoped3A = tpu.sem_alloc : memref<!tpu.dma_semaphore, #tpu.memory_space<semaphore_mem>>
        %dma_start3A_22 = tpu.memref_slice %arg5[%add3A_11] : memref<320000xi32, #tpu.memory_space<hbm>> -> memref<400xi32, #tpu.memory_space<hbm>>
        %dma_start3A_23 = tpu.memref_slice %arg5[%add3A_11] : memref<320000xi32, #tpu.memory_space<hbm>> -> memref<400xi32, #tpu.memory_space<hbm>>
        tpu.enqueue_dma source(%dma_start3A_23 : memref<400xi32, #tpu.memory_space<hbm>>) target(%arg7 : memref<400xi32, #tpu.memory_space<vmem>>) target_semaphore(%run_scoped3A : memref<!tpu.dma_semaphore, #tpu.memory_space<semaphore_mem>>)
        %dma_wait3A_24 = tpu.memref_slice %arg5[%add3A_11] : memref<320000xi32, #tpu.memory_space<hbm>> -> memref<400xi32, #tpu.memory_space<hbm>>
        %dma_wait3A_25 = tpu.memref_slice %arg5[%add3A_11] : memref<320000xi32, #tpu.memory_space<hbm>> -> memref<400xi32, #tpu.memory_space<hbm>>
        tpu.wait_dma2 semaphore(%run_scoped3A : memref<!tpu.dma_semaphore, #tpu.memory_space<semaphore_mem>>) src(%dma_wait3A_25 : memref<400xi32, #tpu.memory_space<hbm>>) dst(%arg7 : memref<400xi32, #tpu.memory_space<vmem>>)
        tpu.yield
      }) : () -> ()
      %dma_start3A_16 = arith.constant 0 : i32
      %dma_start3A_17 = arith.constant 0 : i32
      %dma_start3A_18 = tpu.memref_slice %arg3[%dma_start3A_16, %dma_start3A_17] : memref<10000x128xf32, #tpu.memory_space<hbm>> -> memref<10000x128xf32, #tpu.memory_space<hbm>>
      tpu.enqueue_indirect_dma source(%dma_start3A_18 : memref<10000x128xf32, #tpu.memory_space<hbm>>) target(%arg8 : memref<400x128xf32, #tpu.memory_space<vmem>>) offsets(%arg7 : memref<400xi32, #tpu.memory_space<vmem>>) semaphore(%arg9 : memref<!tpu.dma_semaphore, #tpu.memory_space<semaphore_mem>>) {add = true}
      %dma_wait3A_19 = arith.constant 0 : i32
      %dma_wait3A_20 = arith.constant 0 : i32
      %dma_wait3A_21 = tpu.memref_slice %arg3[%dma_wait3A_19, %dma_wait3A_20] : memref<10000x128xf32, #tpu.memory_space<hbm>> -> memref<10000x128xf32, #tpu.memory_space<hbm>>
      tpu.wait_indirect_dma semaphore(%arg9 : memref<!tpu.dma_semaphore, #tpu.memory_space<semaphore_mem>>) src(%dma_wait3A_21 : memref<10000x128xf32, #tpu.memory_space<hbm>>) dst(%arg8 : memref<400x128xf32, #tpu.memory_space<vmem>>)
      "tpu.region"() ({
        %run_scoped3A = tpu.sem_alloc : memref<!tpu.dma_semaphore, #tpu.memory_space<semaphore_mem>>
        %dma_start3A_22 = arith.constant 0 : i32
        %dma_start3A_23 = tpu.memref_slice %arg6[%add3A_11, %dma_start3A_22] : memref<320000x128xf32, #tpu.memory_space<hbm>> -> memref<400x128xf32, #tpu.memory_space<hbm>>
        %dma_start3A_24 = arith.constant 0 : i32
        %dma_start3A_25 = tpu.memref_slice %arg6[%add3A_11, %dma_start3A_24] : memref<320000x128xf32, #tpu.memory_space<hbm>> -> memref<400x128xf32, #tpu.memory_space<hbm>>
        tpu.enqueue_dma source(%arg8 : memref<400x128xf32, #tpu.memory_space<vmem>>) target(%dma_start3A_25 : memref<400x128xf32, #tpu.memory_space<hbm>>) target_semaphore(%run_scoped3A : memref<!tpu.dma_semaphore, #tpu.memory_space<semaphore_mem>>)
        %dma_wait3A_26 = arith.constant 0 : i32
        %dma_wait3A_27 = tpu.memref_slice %arg6[%add3A_11, %dma_wait3A_26] : memref<320000x128xf32, #tpu.memory_space<hbm>> -> memref<400x128xf32, #tpu.memory_space<hbm>>
        %dma_wait3A_28 = arith.constant 0 : i32
        %dma_wait3A_29 = tpu.memref_slice %arg6[%add3A_11, %dma_wait3A_28] : memref<320000x128xf32, #tpu.memory_space<hbm>> -> memref<400x128xf32, #tpu.memory_space<hbm>>
        tpu.wait_dma2 semaphore(%run_scoped3A : memref<!tpu.dma_semaphore, #tpu.memory_space<semaphore_mem>>) src(%arg8 : memref<400x128xf32, #tpu.memory_space<vmem>>) dst(%dma_wait3A_29 : memref<400x128xf32, #tpu.memory_space<hbm>>)
        tpu.yield
      }) : () -> ()
    }
    %scan3A_7 = arith.constant 25 : i32
    return
  }
}

#map = affine_map<(d0, d1) -> (0, 0)>
#map1 = affine_map<(d0, d1) -> (0)>
#map2 = affine_map<(d0, d1) -> (0, 0, 0)>
module attributes {stable_mosaic.version = 14 : i64} {
  func.func @k(%arg0: i32, %arg1: i32, %arg2: memref<10000x128xf32, #tpu.memory_space<hbm>>, %arg3: memref<320000xi32, #tpu.memory_space<hbm>>, %arg4: memref<320000xi32, #tpu.memory_space<hbm>>, %arg5: memref<320000xf32, #tpu.memory_space<hbm>>, %arg6: memref<2x10000x128xf32, #tpu.memory_space<hbm>>, %arg7: memref<200xi32, #tpu.memory_space<vmem>>, %arg8: memref<216xf32, #tpu.memory_space<vmem>>, %arg9: memref<200x128xf32, #tpu.memory_space<vmem>>, %arg10: memref<10000x128xf32, #tpu.memory_space<vmem_shared>>, %arg11: memref<!tpu.dma_semaphore, #tpu.memory_space<semaphore_mem>>) attributes {dimension_semantics = [#tpu.dimension_semantics<core_parallel>, #tpu.dimension_semantics<subcore_parallel>], iteration_bounds = array<i64: 2, 16>, scalar_prefetch = 0 : i64, scratch_operands = 5 : i64, tpu.core_type = #tpu.core_type<sc_vector_subcore>, window_params = [{transform_indices = #map}, {transform_indices = #map1}, {transform_indices = #map1}, {transform_indices = #map1}, {transform_indices = #map2}]} {
    %scan3A = arith.constant 0 : i32
    %scan3A_0 = arith.constant 0 : i32
    %scan3A_1 = arith.constant 200 : i32
    %scan3A_2 = arith.addi %scan3A_0, %scan3A_1 : i32
    %scan3A_3 = arith.constant 1 : i32
    scf.for %scan3A_68 = %scan3A_0 to %scan3A_2 step %scan3A_3  : i32 {
      %broadcast_in_dim3A = arith.constant 0.000000e+00 : f32
      %broadcast_in_dim3A_69 = vector.broadcast %broadcast_in_dim3A : f32 to vector<16xf32>
      %swap3A = arith.index_cast %scan3A_68 : i32 to index
      %swap3A_70 = arith.constant 0 : index
      %swap3A_71 = tpu.vector_load %arg9[%swap3A, %swap3A_70] {strides = array<i32>} : memref<200x128xf32, #tpu.memory_space<vmem>>, vector<1x16xf32>,
      %swap3A_72 = vector.shape_cast %swap3A_71 : vector<1x16xf32> to vector<16xf32>
      %swap3A_73 = vector.shape_cast %broadcast_in_dim3A_69 : vector<16xf32> to vector<1x16xf32>
      tpu.vector_store %arg9[%swap3A, %swap3A_70], %swap3A_73 {strides = array<i32>} : memref<200x128xf32, #tpu.memory_space<vmem>>, vector<1x16xf32>,
      %broadcast_in_dim3A_74 = arith.constant 0.000000e+00 : f32
      %broadcast_in_dim3A_75 = vector.broadcast %broadcast_in_dim3A_74 : f32 to vector<16xf32>
      %swap3A_76 = arith.index_cast %scan3A_68 : i32 to index
      %swap3A_77 = arith.constant 16 : index
      %swap3A_78 = tpu.vector_load %arg9[%swap3A_76, %swap3A_77] {strides = array<i32>} : memref<200x128xf32, #tpu.memory_space<vmem>>, vector<1x16xf32>,
      %swap3A_79 = vector.shape_cast %swap3A_78 : vector<1x16xf32> to vector<16xf32>
      %swap3A_80 = vector.shape_cast %broadcast_in_dim3A_75 : vector<16xf32> to vector<1x16xf32>
      tpu.vector_store %arg9[%swap3A_76, %swap3A_77], %swap3A_80 {strides = array<i32>} : memref<200x128xf32, #tpu.memory_space<vmem>>, vector<1x16xf32>,
      %broadcast_in_dim3A_81 = arith.constant 0.000000e+00 : f32
      %broadcast_in_dim3A_82 = vector.broadcast %broadcast_in_dim3A_81 : f32 to vector<16xf32>
      %swap3A_83 = arith.index_cast %scan3A_68 : i32 to index
      %swap3A_84 = arith.constant 32 : index
      %swap3A_85 = tpu.vector_load %arg9[%swap3A_83, %swap3A_84] {strides = array<i32>} : memref<200x128xf32, #tpu.memory_space<vmem>>, vector<1x16xf32>,
      %swap3A_86 = vector.shape_cast %swap3A_85 : vector<1x16xf32> to vector<16xf32>
      %swap3A_87 = vector.shape_cast %broadcast_in_dim3A_82 : vector<16xf32> to vector<1x16xf32>
      tpu.vector_store %arg9[%swap3A_83, %swap3A_84], %swap3A_87 {strides = array<i32>} : memref<200x128xf32, #tpu.memory_space<vmem>>, vector<1x16xf32>,
      %broadcast_in_dim3A_88 = arith.constant 0.000000e+00 : f32
      %broadcast_in_dim3A_89 = vector.broadcast %broadcast_in_dim3A_88 : f32 to vector<16xf32>
      %swap3A_90 = arith.index_cast %scan3A_68 : i32 to index
      %swap3A_91 = arith.constant 48 : index
      %swap3A_92 = tpu.vector_load %arg9[%swap3A_90, %swap3A_91] {strides = array<i32>} : memref<200x128xf32, #tpu.memory_space<vmem>>, vector<1x16xf32>,
      %swap3A_93 = vector.shape_cast %swap3A_92 : vector<1x16xf32> to vector<16xf32>
      %swap3A_94 = vector.shape_cast %broadcast_in_dim3A_89 : vector<16xf32> to vector<1x16xf32>
      tpu.vector_store %arg9[%swap3A_90, %swap3A_91], %swap3A_94 {strides = array<i32>} : memref<200x128xf32, #tpu.memory_space<vmem>>, vector<1x16xf32>,
      %broadcast_in_dim3A_95 = arith.constant 0.000000e+00 : f32
      %broadcast_in_dim3A_96 = vector.broadcast %broadcast_in_dim3A_95 : f32 to vector<16xf32>
      %swap3A_97 = arith.index_cast %scan3A_68 : i32 to index
      %swap3A_98 = arith.constant 64 : index
      %swap3A_99 = tpu.vector_load %arg9[%swap3A_97, %swap3A_98] {strides = array<i32>} : memref<200x128xf32, #tpu.memory_space<vmem>>, vector<1x16xf32>,
      %swap3A_100 = vector.shape_cast %swap3A_99 : vector<1x16xf32> to vector<16xf32>
      %swap3A_101 = vector.shape_cast %broadcast_in_dim3A_96 : vector<16xf32> to vector<1x16xf32>
      tpu.vector_store %arg9[%swap3A_97, %swap3A_98], %swap3A_101 {strides = array<i32>} : memref<200x128xf32, #tpu.memory_space<vmem>>, vector<1x16xf32>,
      %broadcast_in_dim3A_102 = arith.constant 0.000000e+00 : f32
      %broadcast_in_dim3A_103 = vector.broadcast %broadcast_in_dim3A_102 : f32 to vector<16xf32>
      %swap3A_104 = arith.index_cast %scan3A_68 : i32 to index
      %swap3A_105 = arith.constant 80 : index
      %swap3A_106 = tpu.vector_load %arg9[%swap3A_104, %swap3A_105] {strides = array<i32>} : memref<200x128xf32, #tpu.memory_space<vmem>>, vector<1x16xf32>,
      %swap3A_107 = vector.shape_cast %swap3A_106 : vector<1x16xf32> to vector<16xf32>
      %swap3A_108 = vector.shape_cast %broadcast_in_dim3A_103 : vector<16xf32> to vector<1x16xf32>
      tpu.vector_store %arg9[%swap3A_104, %swap3A_105], %swap3A_108 {strides = array<i32>} : memref<200x128xf32, #tpu.memory_space<vmem>>, vector<1x16xf32>,
      %broadcast_in_dim3A_109 = arith.constant 0.000000e+00 : f32
      %broadcast_in_dim3A_110 = vector.broadcast %broadcast_in_dim3A_109 : f32 to vector<16xf32>
      %swap3A_111 = arith.index_cast %scan3A_68 : i32 to index
      %swap3A_112 = arith.constant 96 : index
      %swap3A_113 = tpu.vector_load %arg9[%swap3A_111, %swap3A_112] {strides = array<i32>} : memref<200x128xf32, #tpu.memory_space<vmem>>, vector<1x16xf32>,
      %swap3A_114 = vector.shape_cast %swap3A_113 : vector<1x16xf32> to vector<16xf32>
      %swap3A_115 = vector.shape_cast %broadcast_in_dim3A_110 : vector<16xf32> to vector<1x16xf32>
      tpu.vector_store %arg9[%swap3A_111, %swap3A_112], %swap3A_115 {strides = array<i32>} : memref<200x128xf32, #tpu.memory_space<vmem>>, vector<1x16xf32>,
      %broadcast_in_dim3A_116 = arith.constant 0.000000e+00 : f32
      %broadcast_in_dim3A_117 = vector.broadcast %broadcast_in_dim3A_116 : f32 to vector<16xf32>
      %swap3A_118 = arith.index_cast %scan3A_68 : i32 to index
      %swap3A_119 = arith.constant 112 : index
      %swap3A_120 = tpu.vector_load %arg9[%swap3A_118, %swap3A_119] {strides = array<i32>} : memref<200x128xf32, #tpu.memory_space<vmem>>, vector<1x16xf32>,
      %swap3A_121 = vector.shape_cast %swap3A_120 : vector<1x16xf32> to vector<16xf32>
      %swap3A_122 = vector.shape_cast %broadcast_in_dim3A_117 : vector<16xf32> to vector<1x16xf32>
      tpu.vector_store %arg9[%swap3A_118, %swap3A_119], %swap3A_122 {strides = array<i32>} : memref<200x128xf32, #tpu.memory_space<vmem>>, vector<1x16xf32>,
    }
    %scan3A_4 = arith.constant 200 : i32
    %add3A = arith.constant 0 : i32
    %add3A_5 = arith.addi %arg1, %add3A : i32
    %lt3A = arith.constant 50 : i32
    %lt3A_6 = arith.cmpi slt, %add3A_5, %lt3A : i32
    %convert_element_type3A = arith.extui %lt3A_6 : i1 to i32
    %cond3A = arith.constant 0 : i32
    %cond3A_7 = arith.cmpi ne, %convert_element_type3A, %cond3A : i32
    scf.if %cond3A_7 {
      %mul3A_68 = arith.constant 200 : i32
      %mul3A_69 = arith.muli %add3A_5, %mul3A_68 : i32
      "tpu.region"() ({
        %run_scoped3A = tpu.sem_alloc : memref<!tpu.dma_semaphore, #tpu.memory_space<semaphore_mem>>
        %dma_start3A = arith.constant 0 : i32
        %dma_start3A_70 = tpu.memref_slice %arg10[%mul3A_69, %dma_start3A] : memref<10000x128xf32, #tpu.memory_space<vmem_shared>> -> memref<200x128xf32, #tpu.memory_space<vmem_shared>>
        %dma_start3A_71 = arith.constant 0 : i32
        %dma_start3A_72 = tpu.memref_slice %arg10[%mul3A_69, %dma_start3A_71] : memref<10000x128xf32, #tpu.memory_space<vmem_shared>> -> memref<200x128xf32, #tpu.memory_space<vmem_shared>>
        tpu.enqueue_dma source(%arg9 : memref<200x128xf32, #tpu.memory_space<vmem>>) target(%dma_start3A_72 : memref<200x128xf32, #tpu.memory_space<vmem_shared>>) target_semaphore(%run_scoped3A : memref<!tpu.dma_semaphore, #tpu.memory_space<semaphore_mem>>)
        %dma_wait3A = arith.constant 0 : i32
        %dma_wait3A_73 = tpu.memref_slice %arg10[%mul3A_69, %dma_wait3A] : memref<10000x128xf32, #tpu.memory_space<vmem_shared>> -> memref<200x128xf32, #tpu.memory_space<vmem_shared>>
        %dma_wait3A_74 = arith.constant 0 : i32
        %dma_wait3A_75 = tpu.memref_slice %arg10[%mul3A_69, %dma_wait3A_74] : memref<10000x128xf32, #tpu.memory_space<vmem_shared>> -> memref<200x128xf32, #tpu.memory_space<vmem_shared>>
        tpu.wait_dma2 semaphore(%run_scoped3A : memref<!tpu.dma_semaphore, #tpu.memory_space<semaphore_mem>>) src(%arg9 : memref<200x128xf32, #tpu.memory_space<vmem>>) dst(%dma_wait3A_75 : memref<200x128xf32, #tpu.memory_space<vmem_shared>>)
        tpu.yield
      }) : () -> ()
    } else {
    }
    %add3A_8 = arith.constant 16 : i32
    %add3A_9 = arith.addi %arg1, %add3A_8 : i32
    %lt3A_10 = arith.constant 50 : i32
    %lt3A_11 = arith.cmpi slt, %add3A_9, %lt3A_10 : i32
    %convert_element_type3A_12 = arith.extui %lt3A_11 : i1 to i32
    %cond3A_13 = arith.constant 0 : i32
    %cond3A_14 = arith.cmpi ne, %convert_element_type3A_12, %cond3A_13 : i32
    scf.if %cond3A_14 {
      %mul3A_68 = arith.constant 200 : i32
      %mul3A_69 = arith.muli %add3A_9, %mul3A_68 : i32
      "tpu.region"() ({
        %run_scoped3A = tpu.sem_alloc : memref<!tpu.dma_semaphore, #tpu.memory_space<semaphore_mem>>
        %dma_start3A = arith.constant 0 : i32
        %dma_start3A_70 = tpu.memref_slice %arg10[%mul3A_69, %dma_start3A] : memref<10000x128xf32, #tpu.memory_space<vmem_shared>> -> memref<200x128xf32, #tpu.memory_space<vmem_shared>>
        %dma_start3A_71 = arith.constant 0 : i32
        %dma_start3A_72 = tpu.memref_slice %arg10[%mul3A_69, %dma_start3A_71] : memref<10000x128xf32, #tpu.memory_space<vmem_shared>> -> memref<200x128xf32, #tpu.memory_space<vmem_shared>>
        tpu.enqueue_dma source(%arg9 : memref<200x128xf32, #tpu.memory_space<vmem>>) target(%dma_start3A_72 : memref<200x128xf32, #tpu.memory_space<vmem_shared>>) target_semaphore(%run_scoped3A : memref<!tpu.dma_semaphore, #tpu.memory_space<semaphore_mem>>)
        %dma_wait3A = arith.constant 0 : i32
        %dma_wait3A_73 = tpu.memref_slice %arg10[%mul3A_69, %dma_wait3A] : memref<10000x128xf32, #tpu.memory_space<vmem_shared>> -> memref<200x128xf32, #tpu.memory_space<vmem_shared>>
        %dma_wait3A_74 = arith.constant 0 : i32
        %dma_wait3A_75 = tpu.memref_slice %arg10[%mul3A_69, %dma_wait3A_74] : memref<10000x128xf32, #tpu.memory_space<vmem_shared>> -> memref<200x128xf32, #tpu.memory_space<vmem_shared>>
        tpu.wait_dma2 semaphore(%run_scoped3A : memref<!tpu.dma_semaphore, #tpu.memory_space<semaphore_mem>>) src(%arg9 : memref<200x128xf32, #tpu.memory_space<vmem>>) dst(%dma_wait3A_75 : memref<200x128xf32, #tpu.memory_space<vmem_shared>>)
        tpu.yield
      }) : () -> ()
    } else {
    }
    %add3A_15 = arith.constant 32 : i32
    %add3A_16 = arith.addi %arg1, %add3A_15 : i32
    %lt3A_17 = arith.constant 50 : i32
    %lt3A_18 = arith.cmpi slt, %add3A_16, %lt3A_17 : i32
    %convert_element_type3A_19 = arith.extui %lt3A_18 : i1 to i32
    %cond3A_20 = arith.constant 0 : i32
    %cond3A_21 = arith.cmpi ne, %convert_element_type3A_19, %cond3A_20 : i32
    scf.if %cond3A_21 {
      %mul3A_68 = arith.constant 200 : i32
      %mul3A_69 = arith.muli %add3A_16, %mul3A_68 : i32
      "tpu.region"() ({
        %run_scoped3A = tpu.sem_alloc : memref<!tpu.dma_semaphore, #tpu.memory_space<semaphore_mem>>
        %dma_start3A = arith.constant 0 : i32
        %dma_start3A_70 = tpu.memref_slice %arg10[%mul3A_69, %dma_start3A] : memref<10000x128xf32, #tpu.memory_space<vmem_shared>> -> memref<200x128xf32, #tpu.memory_space<vmem_shared>>
        %dma_start3A_71 = arith.constant 0 : i32
        %dma_start3A_72 = tpu.memref_slice %arg10[%mul3A_69, %dma_start3A_71] : memref<10000x128xf32, #tpu.memory_space<vmem_shared>> -> memref<200x128xf32, #tpu.memory_space<vmem_shared>>
        tpu.enqueue_dma source(%arg9 : memref<200x128xf32, #tpu.memory_space<vmem>>) target(%dma_start3A_72 : memref<200x128xf32, #tpu.memory_space<vmem_shared>>) target_semaphore(%run_scoped3A : memref<!tpu.dma_semaphore, #tpu.memory_space<semaphore_mem>>)
        %dma_wait3A = arith.constant 0 : i32
        %dma_wait3A_73 = tpu.memref_slice %arg10[%mul3A_69, %dma_wait3A] : memref<10000x128xf32, #tpu.memory_space<vmem_shared>> -> memref<200x128xf32, #tpu.memory_space<vmem_shared>>
        %dma_wait3A_74 = arith.constant 0 : i32
        %dma_wait3A_75 = tpu.memref_slice %arg10[%mul3A_69, %dma_wait3A_74] : memref<10000x128xf32, #tpu.memory_space<vmem_shared>> -> memref<200x128xf32, #tpu.memory_space<vmem_shared>>
        tpu.wait_dma2 semaphore(%run_scoped3A : memref<!tpu.dma_semaphore, #tpu.memory_space<semaphore_mem>>) src(%arg9 : memref<200x128xf32, #tpu.memory_space<vmem>>) dst(%dma_wait3A_75 : memref<200x128xf32, #tpu.memory_space<vmem_shared>>)
        tpu.yield
      }) : () -> ()
    } else {
    }
    %add3A_22 = arith.constant 48 : i32
    %add3A_23 = arith.addi %arg1, %add3A_22 : i32
    %lt3A_24 = arith.constant 50 : i32
    %lt3A_25 = arith.cmpi slt, %add3A_23, %lt3A_24 : i32
    %convert_element_type3A_26 = arith.extui %lt3A_25 : i1 to i32
    %cond3A_27 = arith.constant 0 : i32
    %cond3A_28 = arith.cmpi ne, %convert_element_type3A_26, %cond3A_27 : i32
    scf.if %cond3A_28 {
      %mul3A_68 = arith.constant 200 : i32
      %mul3A_69 = arith.muli %add3A_23, %mul3A_68 : i32
      "tpu.region"() ({
        %run_scoped3A = tpu.sem_alloc : memref<!tpu.dma_semaphore, #tpu.memory_space<semaphore_mem>>
        %dma_start3A = arith.constant 0 : i32
        %dma_start3A_70 = tpu.memref_slice %arg10[%mul3A_69, %dma_start3A] : memref<10000x128xf32, #tpu.memory_space<vmem_shared>> -> memref<200x128xf32, #tpu.memory_space<vmem_shared>>
        %dma_start3A_71 = arith.constant 0 : i32
        %dma_start3A_72 = tpu.memref_slice %arg10[%mul3A_69, %dma_start3A_71] : memref<10000x128xf32, #tpu.memory_space<vmem_shared>> -> memref<200x128xf32, #tpu.memory_space<vmem_shared>>
        tpu.enqueue_dma source(%arg9 : memref<200x128xf32, #tpu.memory_space<vmem>>) target(%dma_start3A_72 : memref<200x128xf32, #tpu.memory_space<vmem_shared>>) target_semaphore(%run_scoped3A : memref<!tpu.dma_semaphore, #tpu.memory_space<semaphore_mem>>)
        %dma_wait3A = arith.constant 0 : i32
        %dma_wait3A_73 = tpu.memref_slice %arg10[%mul3A_69, %dma_wait3A] : memref<10000x128xf32, #tpu.memory_space<vmem_shared>> -> memref<200x128xf32, #tpu.memory_space<vmem_shared>>
        %dma_wait3A_74 = arith.constant 0 : i32
        %dma_wait3A_75 = tpu.memref_slice %arg10[%mul3A_69, %dma_wait3A_74] : memref<10000x128xf32, #tpu.memory_space<vmem_shared>> -> memref<200x128xf32, #tpu.memory_space<vmem_shared>>
        tpu.wait_dma2 semaphore(%run_scoped3A : memref<!tpu.dma_semaphore, #tpu.memory_space<semaphore_mem>>) src(%arg9 : memref<200x128xf32, #tpu.memory_space<vmem>>) dst(%dma_wait3A_75 : memref<200x128xf32, #tpu.memory_space<vmem_shared>>)
        tpu.yield
      }) : () -> ()
    } else {
    }
    %barrier3A = arith.constant 0 : index
    tpu.barrier barrier_id(%barrier3A)
    %mul3A = arith.constant 2 : i32
    %mul3A_29 = arith.muli %arg1, %mul3A : i32
    %add3A_30 = arith.addi %mul3A_29, %arg0 : i32
    %mul3A_31 = arith.constant 10000 : i32
    %mul3A_32 = arith.muli %add3A_30, %mul3A_31 : i32
    %scan3A_33 = arith.constant 0 : i32
    %scan3A_34 = arith.constant 0 : i32
    %scan3A_35 = arith.constant 50 : i32
    %scan3A_36 = arith.addi %scan3A_34, %scan3A_35 : i32
    %scan3A_37 = arith.constant 1 : i32
    scf.for %scan3A_68 = %scan3A_34 to %scan3A_36 step %scan3A_37  : i32 {
      %mul3A_69 = arith.constant 200 : i32
      %mul3A_70 = arith.muli %scan3A_68, %mul3A_69 : i32
      %add3A_71 = arith.addi %mul3A_32, %mul3A_70 : i32
      "tpu.region"() ({
        %run_scoped3A = tpu.sem_alloc : memref<!tpu.dma_semaphore, #tpu.memory_space<semaphore_mem>>
        %dma_start3A_82 = tpu.memref_slice %arg3[%add3A_71] : memref<320000xi32, #tpu.memory_space<hbm>> -> memref<200xi32, #tpu.memory_space<hbm>>
        %dma_start3A_83 = tpu.memref_slice %arg3[%add3A_71] : memref<320000xi32, #tpu.memory_space<hbm>> -> memref<200xi32, #tpu.memory_space<hbm>>
        tpu.enqueue_dma source(%dma_start3A_83 : memref<200xi32, #tpu.memory_space<hbm>>) target(%arg7 : memref<200xi32, #tpu.memory_space<vmem>>) target_semaphore(%run_scoped3A : memref<!tpu.dma_semaphore, #tpu.memory_space<semaphore_mem>>)
        %dma_wait3A_84 = tpu.memref_slice %arg3[%add3A_71] : memref<320000xi32, #tpu.memory_space<hbm>> -> memref<200xi32, #tpu.memory_space<hbm>>
        %dma_wait3A_85 = tpu.memref_slice %arg3[%add3A_71] : memref<320000xi32, #tpu.memory_space<hbm>> -> memref<200xi32, #tpu.memory_space<hbm>>
        tpu.wait_dma2 semaphore(%run_scoped3A : memref<!tpu.dma_semaphore, #tpu.memory_space<semaphore_mem>>) src(%dma_wait3A_85 : memref<200xi32, #tpu.memory_space<hbm>>) dst(%arg7 : memref<200xi32, #tpu.memory_space<vmem>>)
        tpu.yield
      }) : () -> ()
      "tpu.region"() ({
        %run_scoped3A = tpu.sem_alloc : memref<!tpu.dma_semaphore, #tpu.memory_space<semaphore_mem>>
        %dma_start3A_82 = arith.constant 0 : i32
        %dma_start3A_83 = tpu.memref_slice %arg8[%dma_start3A_82] : memref<216xf32, #tpu.memory_space<vmem>> -> memref<200xf32, #tpu.memory_space<vmem>>
        %dma_start3A_84 = tpu.memref_slice %arg5[%add3A_71] : memref<320000xf32, #tpu.memory_space<hbm>> -> memref<200xf32, #tpu.memory_space<hbm>>
        %dma_start3A_85 = arith.constant 0 : i32
        %dma_start3A_86 = tpu.memref_slice %arg8[%dma_start3A_85] : memref<216xf32, #tpu.memory_space<vmem>> -> memref<200xf32, #tpu.memory_space<vmem>>
        %dma_start3A_87 = tpu.memref_slice %arg5[%add3A_71] : memref<320000xf32, #tpu.memory_space<hbm>> -> memref<200xf32, #tpu.memory_space<hbm>>
        tpu.enqueue_dma source(%dma_start3A_87 : memref<200xf32, #tpu.memory_space<hbm>>) target(%dma_start3A_86 : memref<200xf32, #tpu.memory_space<vmem>>) target_semaphore(%run_scoped3A : memref<!tpu.dma_semaphore, #tpu.memory_space<semaphore_mem>>)
        %dma_wait3A_88 = arith.constant 0 : i32
        %dma_wait3A_89 = tpu.memref_slice %arg8[%dma_wait3A_88] : memref<216xf32, #tpu.memory_space<vmem>> -> memref<200xf32, #tpu.memory_space<vmem>>
        %dma_wait3A_90 = tpu.memref_slice %arg5[%add3A_71] : memref<320000xf32, #tpu.memory_space<hbm>> -> memref<200xf32, #tpu.memory_space<hbm>>
        %dma_wait3A_91 = arith.constant 0 : i32
        %dma_wait3A_92 = tpu.memref_slice %arg8[%dma_wait3A_91] : memref<216xf32, #tpu.memory_space<vmem>> -> memref<200xf32, #tpu.memory_space<vmem>>
        %dma_wait3A_93 = tpu.memref_slice %arg5[%add3A_71] : memref<320000xf32, #tpu.memory_space<hbm>> -> memref<200xf32, #tpu.memory_space<hbm>>
        tpu.wait_dma2 semaphore(%run_scoped3A : memref<!tpu.dma_semaphore, #tpu.memory_space<semaphore_mem>>) src(%dma_wait3A_93 : memref<200xf32, #tpu.memory_space<hbm>>) dst(%dma_wait3A_92 : memref<200xf32, #tpu.memory_space<vmem>>)
        tpu.yield
      }) : () -> ()
      %dma_start3A = arith.constant 0 : i32
      %dma_start3A_72 = arith.constant 0 : i32
      %dma_start3A_73 = tpu.memref_slice %arg2[%dma_start3A, %dma_start3A_72] : memref<10000x128xf32, #tpu.memory_space<hbm>> -> memref<10000x128xf32, #tpu.memory_space<hbm>>
      tpu.enqueue_indirect_dma source(%dma_start3A_73 : memref<10000x128xf32, #tpu.memory_space<hbm>>) target(%arg9 : memref<200x128xf32, #tpu.memory_space<vmem>>) offsets(%arg7 : memref<200xi32, #tpu.memory_space<vmem>>) semaphore(%arg11 : memref<!tpu.dma_semaphore, #tpu.memory_space<semaphore_mem>>)
      %dma_wait3A = arith.constant 0 : i32
      %dma_wait3A_74 = arith.constant 0 : i32
      %dma_wait3A_75 = tpu.memref_slice %arg2[%dma_wait3A, %dma_wait3A_74] : memref<10000x128xf32, #tpu.memory_space<hbm>> -> memref<10000x128xf32, #tpu.memory_space<hbm>>
      tpu.wait_indirect_dma semaphore(%arg11 : memref<!tpu.dma_semaphore, #tpu.memory_space<semaphore_mem>>) src(%dma_wait3A_75 : memref<10000x128xf32, #tpu.memory_space<hbm>>) dst(%arg9 : memref<200x128xf32, #tpu.memory_space<vmem>>)
      %scan3A_76 = arith.constant 0 : i32
      %scan3A_77 = arith.constant 0 : i32
      %scan3A_78 = arith.constant 200 : i32
      %scan3A_79 = arith.addi %scan3A_77, %scan3A_78 : i32
      %scan3A_80 = arith.constant 1 : i32
      scf.for %scan3A_82 = %scan3A_77 to %scan3A_79 step %scan3A_80  : i32 {
        %get3A = arith.index_cast %scan3A_82 : i32 to index
        %get3A_83 = tpu.vector_load %arg8[%get3A] {strides = array<i32>} : memref<216xf32, #tpu.memory_space<vmem>>, vector<16xf32>,
        %get3A_84 = vector.shape_cast %get3A_83 : vector<16xf32> to vector<16xf32>
        %slice3A = vector.extract_strided_slice %get3A_84 {offsets = [0], sizes = [1], strides = [1]} : vector<16xf32> to vector<1xf32>
        %squeeze3A = vector.extract %slice3A[0] : f32 from vector<1xf32>
        %get3A_85 = arith.index_cast %scan3A_82 : i32 to index
        %get3A_86 = arith.constant 0 : index
        %get3A_87 = tpu.vector_load %arg9[%get3A_85, %get3A_86] {strides = array<i32>} : memref<200x128xf32, #tpu.memory_space<vmem>>, vector<1x16xf32>,
        %get3A_88 = vector.shape_cast %get3A_87 : vector<1x16xf32> to vector<16xf32>
        %mul3A_89 = vector.broadcast %squeeze3A : f32 to vector<16xf32>
        %mul3A_90 = arith.mulf %get3A_88, %mul3A_89 : vector<16xf32>
        %swap3A = arith.index_cast %scan3A_82 : i32 to index
        %swap3A_91 = arith.constant 0 : index
        %swap3A_92 = tpu.vector_load %arg9[%swap3A, %swap3A_91] {strides = array<i32>} : memref<200x128xf32, #tpu.memory_space<vmem>>, vector<1x16xf32>,
        %swap3A_93 = vector.shape_cast %swap3A_92 : vector<1x16xf32> to vector<16xf32>
        %swap3A_94 = vector.shape_cast %mul3A_90 : vector<16xf32> to vector<1x16xf32>
        tpu.vector_store %arg9[%swap3A, %swap3A_91], %swap3A_94 {strides = array<i32>} : memref<200x128xf32, #tpu.memory_space<vmem>>, vector<1x16xf32>,
        %get3A_95 = arith.index_cast %scan3A_82 : i32 to index
        %get3A_96 = arith.constant 16 : index
        %get3A_97 = tpu.vector_load %arg9[%get3A_95, %get3A_96] {strides = array<i32>} : memref<200x128xf32, #tpu.memory_space<vmem>>, vector<1x16xf32>,
        %get3A_98 = vector.shape_cast %get3A_97 : vector<1x16xf32> to vector<16xf32>
        %mul3A_99 = vector.broadcast %squeeze3A : f32 to vector<16xf32>
        %mul3A_100 = arith.mulf %get3A_98, %mul3A_99 : vector<16xf32>
        %swap3A_101 = arith.index_cast %scan3A_82 : i32 to index
        %swap3A_102 = arith.constant 16 : index
        %swap3A_103 = tpu.vector_load %arg9[%swap3A_101, %swap3A_102] {strides = array<i32>} : memref<200x128xf32, #tpu.memory_space<vmem>>, vector<1x16xf32>,
        %swap3A_104 = vector.shape_cast %swap3A_103 : vector<1x16xf32> to vector<16xf32>
        %swap3A_105 = vector.shape_cast %mul3A_100 : vector<16xf32> to vector<1x16xf32>
        tpu.vector_store %arg9[%swap3A_101, %swap3A_102], %swap3A_105 {strides = array<i32>} : memref<200x128xf32, #tpu.memory_space<vmem>>, vector<1x16xf32>,
        %get3A_106 = arith.index_cast %scan3A_82 : i32 to index
        %get3A_107 = arith.constant 32 : index
        %get3A_108 = tpu.vector_load %arg9[%get3A_106, %get3A_107] {strides = array<i32>} : memref<200x128xf32, #tpu.memory_space<vmem>>, vector<1x16xf32>,
        %get3A_109 = vector.shape_cast %get3A_108 : vector<1x16xf32> to vector<16xf32>
        %mul3A_110 = vector.broadcast %squeeze3A : f32 to vector<16xf32>
        %mul3A_111 = arith.mulf %get3A_109, %mul3A_110 : vector<16xf32>
        %swap3A_112 = arith.index_cast %scan3A_82 : i32 to index
        %swap3A_113 = arith.constant 32 : index
        %swap3A_114 = tpu.vector_load %arg9[%swap3A_112, %swap3A_113] {strides = array<i32>} : memref<200x128xf32, #tpu.memory_space<vmem>>, vector<1x16xf32>,
        %swap3A_115 = vector.shape_cast %swap3A_114 : vector<1x16xf32> to vector<16xf32>
        %swap3A_116 = vector.shape_cast %mul3A_111 : vector<16xf32> to vector<1x16xf32>
        tpu.vector_store %arg9[%swap3A_112, %swap3A_113], %swap3A_116 {strides = array<i32>} : memref<200x128xf32, #tpu.memory_space<vmem>>, vector<1x16xf32>,
        %get3A_117 = arith.index_cast %scan3A_82 : i32 to index
        %get3A_118 = arith.constant 48 : index
        %get3A_119 = tpu.vector_load %arg9[%get3A_117, %get3A_118] {strides = array<i32>} : memref<200x128xf32, #tpu.memory_space<vmem>>, vector<1x16xf32>,
        %get3A_120 = vector.shape_cast %get3A_119 : vector<1x16xf32> to vector<16xf32>
        %mul3A_121 = vector.broadcast %squeeze3A : f32 to vector<16xf32>
        %mul3A_122 = arith.mulf %get3A_120, %mul3A_121 : vector<16xf32>
        %swap3A_123 = arith.index_cast %scan3A_82 : i32 to index
        %swap3A_124 = arith.constant 48 : index
        %swap3A_125 = tpu.vector_load %arg9[%swap3A_123, %swap3A_124] {strides = array<i32>} : memref<200x128xf32, #tpu.memory_space<vmem>>, vector<1x16xf32>,
        %swap3A_126 = vector.shape_cast %swap3A_125 : vector<1x16xf32> to vector<16xf32>
        %swap3A_127 = vector.shape_cast %mul3A_122 : vector<16xf32> to vector<1x16xf32>
        tpu.vector_store %arg9[%swap3A_123, %swap3A_124], %swap3A_127 {strides = array<i32>} : memref<200x128xf32, #tpu.memory_space<vmem>>, vector<1x16xf32>,
        %get3A_128 = arith.index_cast %scan3A_82 : i32 to index
        %get3A_129 = arith.constant 64 : index
        %get3A_130 = tpu.vector_load %arg9[%get3A_128, %get3A_129] {strides = array<i32>} : memref<200x128xf32, #tpu.memory_space<vmem>>, vector<1x16xf32>,
        %get3A_131 = vector.shape_cast %get3A_130 : vector<1x16xf32> to vector<16xf32>
        %mul3A_132 = vector.broadcast %squeeze3A : f32 to vector<16xf32>
        %mul3A_133 = arith.mulf %get3A_131, %mul3A_132 : vector<16xf32>
        %swap3A_134 = arith.index_cast %scan3A_82 : i32 to index
        %swap3A_135 = arith.constant 64 : index
        %swap3A_136 = tpu.vector_load %arg9[%swap3A_134, %swap3A_135] {strides = array<i32>} : memref<200x128xf32, #tpu.memory_space<vmem>>, vector<1x16xf32>,
        %swap3A_137 = vector.shape_cast %swap3A_136 : vector<1x16xf32> to vector<16xf32>
        %swap3A_138 = vector.shape_cast %mul3A_133 : vector<16xf32> to vector<1x16xf32>
        tpu.vector_store %arg9[%swap3A_134, %swap3A_135], %swap3A_138 {strides = array<i32>} : memref<200x128xf32, #tpu.memory_space<vmem>>, vector<1x16xf32>,
        %get3A_139 = arith.index_cast %scan3A_82 : i32 to index
        %get3A_140 = arith.constant 80 : index
        %get3A_141 = tpu.vector_load %arg9[%get3A_139, %get3A_140] {strides = array<i32>} : memref<200x128xf32, #tpu.memory_space<vmem>>, vector<1x16xf32>,
        %get3A_142 = vector.shape_cast %get3A_141 : vector<1x16xf32> to vector<16xf32>
        %mul3A_143 = vector.broadcast %squeeze3A : f32 to vector<16xf32>
        %mul3A_144 = arith.mulf %get3A_142, %mul3A_143 : vector<16xf32>
        %swap3A_145 = arith.index_cast %scan3A_82 : i32 to index
        %swap3A_146 = arith.constant 80 : index
        %swap3A_147 = tpu.vector_load %arg9[%swap3A_145, %swap3A_146] {strides = array<i32>} : memref<200x128xf32, #tpu.memory_space<vmem>>, vector<1x16xf32>,
        %swap3A_148 = vector.shape_cast %swap3A_147 : vector<1x16xf32> to vector<16xf32>
        %swap3A_149 = vector.shape_cast %mul3A_144 : vector<16xf32> to vector<1x16xf32>
        tpu.vector_store %arg9[%swap3A_145, %swap3A_146], %swap3A_149 {strides = array<i32>} : memref<200x128xf32, #tpu.memory_space<vmem>>, vector<1x16xf32>,
        %get3A_150 = arith.index_cast %scan3A_82 : i32 to index
        %get3A_151 = arith.constant 96 : index
        %get3A_152 = tpu.vector_load %arg9[%get3A_150, %get3A_151] {strides = array<i32>} : memref<200x128xf32, #tpu.memory_space<vmem>>, vector<1x16xf32>,
        %get3A_153 = vector.shape_cast %get3A_152 : vector<1x16xf32> to vector<16xf32>
        %mul3A_154 = vector.broadcast %squeeze3A : f32 to vector<16xf32>
        %mul3A_155 = arith.mulf %get3A_153, %mul3A_154 : vector<16xf32>
        %swap3A_156 = arith.index_cast %scan3A_82 : i32 to index
        %swap3A_157 = arith.constant 96 : index
        %swap3A_158 = tpu.vector_load %arg9[%swap3A_156, %swap3A_157] {strides = array<i32>} : memref<200x128xf32, #tpu.memory_space<vmem>>, vector<1x16xf32>,
        %swap3A_159 = vector.shape_cast %swap3A_158 : vector<1x16xf32> to vector<16xf32>
        %swap3A_160 = vector.shape_cast %mul3A_155 : vector<16xf32> to vector<1x16xf32>
        tpu.vector_store %arg9[%swap3A_156, %swap3A_157], %swap3A_160 {strides = array<i32>} : memref<200x128xf32, #tpu.memory_space<vmem>>, vector<1x16xf32>,
        %get3A_161 = arith.index_cast %scan3A_82 : i32 to index
        %get3A_162 = arith.constant 112 : index
        %get3A_163 = tpu.vector_load %arg9[%get3A_161, %get3A_162] {strides = array<i32>} : memref<200x128xf32, #tpu.memory_space<vmem>>, vector<1x16xf32>,
        %get3A_164 = vector.shape_cast %get3A_163 : vector<1x16xf32> to vector<16xf32>
        %mul3A_165 = vector.broadcast %squeeze3A : f32 to vector<16xf32>
        %mul3A_166 = arith.mulf %get3A_164, %mul3A_165 : vector<16xf32>
        %swap3A_167 = arith.index_cast %scan3A_82 : i32 to index
        %swap3A_168 = arith.constant 112 : index
        %swap3A_169 = tpu.vector_load %arg9[%swap3A_167, %swap3A_168] {strides = array<i32>} : memref<200x128xf32, #tpu.memory_space<vmem>>, vector<1x16xf32>,
        %swap3A_170 = vector.shape_cast %swap3A_169 : vector<1x16xf32> to vector<16xf32>
        %swap3A_171 = vector.shape_cast %mul3A_166 : vector<16xf32> to vector<1x16xf32>
        tpu.vector_store %arg9[%swap3A_167, %swap3A_168], %swap3A_171 {strides = array<i32>} : memref<200x128xf32, #tpu.memory_space<vmem>>, vector<1x16xf32>,
      }
      %scan3A_81 = arith.constant 200 : i32
      "tpu.region"() ({
        %run_scoped3A = tpu.sem_alloc : memref<!tpu.dma_semaphore, #tpu.memory_space<semaphore_mem>>
        %dma_start3A_82 = tpu.memref_slice %arg4[%add3A_71] : memref<320000xi32, #tpu.memory_space<hbm>> -> memref<200xi32, #tpu.memory_space<hbm>>
        %dma_start3A_83 = tpu.memref_slice %arg4[%add3A_71] : memref<320000xi32, #tpu.memory_space<hbm>> -> memref<200xi32, #tpu.memory_space<hbm>>
        tpu.enqueue_dma source(%dma_start3A_83 : memref<200xi32, #tpu.memory_space<hbm>>) target(%arg7 : memref<200xi32, #tpu.memory_space<vmem>>) target_semaphore(%run_scoped3A : memref<!tpu.dma_semaphore, #tpu.memory_space<semaphore_mem>>)
        %dma_wait3A_84 = tpu.memref_slice %arg4[%add3A_71] : memref<320000xi32, #tpu.memory_space<hbm>> -> memref<200xi32, #tpu.memory_space<hbm>>
        %dma_wait3A_85 = tpu.memref_slice %arg4[%add3A_71] : memref<320000xi32, #tpu.memory_space<hbm>> -> memref<200xi32, #tpu.memory_space<hbm>>
        tpu.wait_dma2 semaphore(%run_scoped3A : memref<!tpu.dma_semaphore, #tpu.memory_space<semaphore_mem>>) src(%dma_wait3A_85 : memref<200xi32, #tpu.memory_space<hbm>>) dst(%arg7 : memref<200xi32, #tpu.memory_space<vmem>>)
        tpu.yield
      }) : () -> ()
      "tpu.region"() ({
        %run_scoped3A = tpu.sem_alloc : memref<!tpu.dma_semaphore, #tpu.memory_space<semaphore_mem>>
        %dma_start3A_82 = arith.constant 0 : i32
        %dma_start3A_83 = arith.constant 0 : i32
        %dma_start3A_84 = tpu.memref_slice %arg10[%dma_start3A_82, %dma_start3A_83] : memref<10000x128xf32, #tpu.memory_space<vmem_shared>> -> memref<10000x128xf32, #tpu.memory_space<vmem_shared>>
        tpu.enqueue_indirect_dma source(%arg9 : memref<200x128xf32, #tpu.memory_space<vmem>>) target(%dma_start3A_84 : memref<10000x128xf32, #tpu.memory_space<vmem_shared>>) offsets(%arg7 : memref<200xi32, #tpu.memory_space<vmem>>) semaphore(%run_scoped3A : memref<!tpu.dma_semaphore, #tpu.memory_space<semaphore_mem>>) {add = true}
        %dma_wait3A_85 = arith.constant 0 : i32
        %dma_wait3A_86 = arith.constant 0 : i32
        %dma_wait3A_87 = tpu.memref_slice %arg10[%dma_wait3A_85, %dma_wait3A_86] : memref<10000x128xf32, #tpu.memory_space<vmem_shared>> -> memref<10000x128xf32, #tpu.memory_space<vmem_shared>>
        tpu.wait_indirect_dma semaphore(%run_scoped3A : memref<!tpu.dma_semaphore, #tpu.memory_space<semaphore_mem>>) src(%arg9 : memref<200x128xf32, #tpu.memory_space<vmem>>) dst(%dma_wait3A_87 : memref<10000x128xf32, #tpu.memory_space<vmem_shared>>)
        tpu.yield
      }) : () -> ()
    }
    %scan3A_38 = arith.constant 50 : i32
    %barrier3A_39 = arith.constant 0 : index
    tpu.barrier barrier_id(%barrier3A_39)
    %add3A_40 = arith.constant 0 : i32
    %add3A_41 = arith.addi %arg1, %add3A_40 : i32
    %lt3A_42 = arith.constant 50 : i32
    %lt3A_43 = arith.cmpi slt, %add3A_41, %lt3A_42 : i32
    %convert_element_type3A_44 = arith.extui %lt3A_43 : i1 to i32
    %cond3A_45 = arith.constant 0 : i32
    %cond3A_46 = arith.cmpi ne, %convert_element_type3A_44, %cond3A_45 : i32
    scf.if %cond3A_46 {
      %mul3A_68 = arith.constant 200 : i32
      %mul3A_69 = arith.muli %add3A_41, %mul3A_68 : i32
      %mul3A_70 = arith.constant 200 : i32
      %mul3A_71 = arith.muli %add3A_41, %mul3A_70 : i32
      "tpu.region"() ({
        %run_scoped3A = tpu.sem_alloc : memref<!tpu.dma_semaphore, #tpu.memory_space<semaphore_mem>>
        %dma_start3A = arith.constant 0 : i32
        %dma_start3A_72 = tpu.memref_slice %arg6[%arg0, %mul3A_71, %dma_start3A] : memref<2x10000x128xf32, #tpu.memory_space<hbm>> -> memref<1x200x128xf32, #tpu.memory_space<hbm>>
        %dma_start3A_73 = tpu.memref_squeeze %dma_start3A_72 : memref<1x200x128xf32, #tpu.memory_space<hbm>> -> memref<200x128xf32, #tpu.memory_space<hbm>>
        %dma_start3A_74 = arith.constant 0 : i32
        %dma_start3A_75 = tpu.memref_slice %arg10[%mul3A_69, %dma_start3A_74] : memref<10000x128xf32, #tpu.memory_space<vmem_shared>> -> memref<200x128xf32, #tpu.memory_space<vmem_shared>>
        tpu.enqueue_dma source(%dma_start3A_75 : memref<200x128xf32, #tpu.memory_space<vmem_shared>>) target(%dma_start3A_73 : memref<200x128xf32, #tpu.memory_space<hbm>>) target_semaphore(%run_scoped3A : memref<!tpu.dma_semaphore, #tpu.memory_space<semaphore_mem>>)
        %dma_wait3A = arith.constant 0 : i32
        %dma_wait3A_76 = tpu.memref_slice %arg6[%arg0, %mul3A_71, %dma_wait3A] : memref<2x10000x128xf32, #tpu.memory_space<hbm>> -> memref<1x200x128xf32, #tpu.memory_space<hbm>>
        %dma_wait3A_77 = tpu.memref_squeeze %dma_wait3A_76 : memref<1x200x128xf32, #tpu.memory_space<hbm>> -> memref<200x128xf32, #tpu.memory_space<hbm>>
        %dma_wait3A_78 = arith.constant 0 : i32
        %dma_wait3A_79 = tpu.memref_slice %arg10[%mul3A_69, %dma_wait3A_78] : memref<10000x128xf32, #tpu.memory_space<vmem_shared>> -> memref<200x128xf32, #tpu.memory_space<vmem_shared>>
        tpu.wait_dma2 semaphore(%run_scoped3A : memref<!tpu.dma_semaphore, #tpu.memory_space<semaphore_mem>>) src(%dma_wait3A_79 : memref<200x128xf32, #tpu.memory_space<vmem_shared>>) dst(%dma_wait3A_77 : memref<200x128xf32, #tpu.memory_space<hbm>>)
        tpu.yield
      }) : () -> ()
    } else {
    }
    %add3A_47 = arith.constant 16 : i32
    %add3A_48 = arith.addi %arg1, %add3A_47 : i32
    %lt3A_49 = arith.constant 50 : i32
    %lt3A_50 = arith.cmpi slt, %add3A_48, %lt3A_49 : i32
    %convert_element_type3A_51 = arith.extui %lt3A_50 : i1 to i32
    %cond3A_52 = arith.constant 0 : i32
    %cond3A_53 = arith.cmpi ne, %convert_element_type3A_51, %cond3A_52 : i32
    scf.if %cond3A_53 {
      %mul3A_68 = arith.constant 200 : i32
      %mul3A_69 = arith.muli %add3A_48, %mul3A_68 : i32
      %mul3A_70 = arith.constant 200 : i32
      %mul3A_71 = arith.muli %add3A_48, %mul3A_70 : i32
      "tpu.region"() ({
        %run_scoped3A = tpu.sem_alloc : memref<!tpu.dma_semaphore, #tpu.memory_space<semaphore_mem>>
        %dma_start3A = arith.constant 0 : i32
        %dma_start3A_72 = tpu.memref_slice %arg6[%arg0, %mul3A_71, %dma_start3A] : memref<2x10000x128xf32, #tpu.memory_space<hbm>> -> memref<1x200x128xf32, #tpu.memory_space<hbm>>
        %dma_start3A_73 = tpu.memref_squeeze %dma_start3A_72 : memref<1x200x128xf32, #tpu.memory_space<hbm>> -> memref<200x128xf32, #tpu.memory_space<hbm>>
        %dma_start3A_74 = arith.constant 0 : i32
        %dma_start3A_75 = tpu.memref_slice %arg10[%mul3A_69, %dma_start3A_74] : memref<10000x128xf32, #tpu.memory_space<vmem_shared>> -> memref<200x128xf32, #tpu.memory_space<vmem_shared>>
        tpu.enqueue_dma source(%dma_start3A_75 : memref<200x128xf32, #tpu.memory_space<vmem_shared>>) target(%dma_start3A_73 : memref<200x128xf32, #tpu.memory_space<hbm>>) target_semaphore(%run_scoped3A : memref<!tpu.dma_semaphore, #tpu.memory_space<semaphore_mem>>)
        %dma_wait3A = arith.constant 0 : i32
        %dma_wait3A_76 = tpu.memref_slice %arg6[%arg0, %mul3A_71, %dma_wait3A] : memref<2x10000x128xf32, #tpu.memory_space<hbm>> -> memref<1x200x128xf32, #tpu.memory_space<hbm>>
        %dma_wait3A_77 = tpu.memref_squeeze %dma_wait3A_76 : memref<1x200x128xf32, #tpu.memory_space<hbm>> -> memref<200x128xf32, #tpu.memory_space<hbm>>
        %dma_wait3A_78 = arith.constant 0 : i32
        %dma_wait3A_79 = tpu.memref_slice %arg10[%mul3A_69, %dma_wait3A_78] : memref<10000x128xf32, #tpu.memory_space<vmem_shared>> -> memref<200x128xf32, #tpu.memory_space<vmem_shared>>
        tpu.wait_dma2 semaphore(%run_scoped3A : memref<!tpu.dma_semaphore, #tpu.memory_space<semaphore_mem>>) src(%dma_wait3A_79 : memref<200x128xf32, #tpu.memory_space<vmem_shared>>) dst(%dma_wait3A_77 : memref<200x128xf32, #tpu.memory_space<hbm>>)
        tpu.yield
      }) : () -> ()
    } else {
    }
    %add3A_54 = arith.constant 32 : i32
    %add3A_55 = arith.addi %arg1, %add3A_54 : i32
    %lt3A_56 = arith.constant 50 : i32
    %lt3A_57 = arith.cmpi slt, %add3A_55, %lt3A_56 : i32
    %convert_element_type3A_58 = arith.extui %lt3A_57 : i1 to i32
    %cond3A_59 = arith.constant 0 : i32
    %cond3A_60 = arith.cmpi ne, %convert_element_type3A_58, %cond3A_59 : i32
    scf.if %cond3A_60 {
      %mul3A_68 = arith.constant 200 : i32
      %mul3A_69 = arith.muli %add3A_55, %mul3A_68 : i32
      %mul3A_70 = arith.constant 200 : i32
      %mul3A_71 = arith.muli %add3A_55, %mul3A_70 : i32
      "tpu.region"() ({
        %run_scoped3A = tpu.sem_alloc : memref<!tpu.dma_semaphore, #tpu.memory_space<semaphore_mem>>
        %dma_start3A = arith.constant 0 : i32
        %dma_start3A_72 = tpu.memref_slice %arg6[%arg0, %mul3A_71, %dma_start3A] : memref<2x10000x128xf32, #tpu.memory_space<hbm>> -> memref<1x200x128xf32, #tpu.memory_space<hbm>>
        %dma_start3A_73 = tpu.memref_squeeze %dma_start3A_72 : memref<1x200x128xf32, #tpu.memory_space<hbm>> -> memref<200x128xf32, #tpu.memory_space<hbm>>
        %dma_start3A_74 = arith.constant 0 : i32
        %dma_start3A_75 = tpu.memref_slice %arg10[%mul3A_69, %dma_start3A_74] : memref<10000x128xf32, #tpu.memory_space<vmem_shared>> -> memref<200x128xf32, #tpu.memory_space<vmem_shared>>
        tpu.enqueue_dma source(%dma_start3A_75 : memref<200x128xf32, #tpu.memory_space<vmem_shared>>) target(%dma_start3A_73 : memref<200x128xf32, #tpu.memory_space<hbm>>) target_semaphore(%run_scoped3A : memref<!tpu.dma_semaphore, #tpu.memory_space<semaphore_mem>>)
        %dma_wait3A = arith.constant 0 : i32
        %dma_wait3A_76 = tpu.memref_slice %arg6[%arg0, %mul3A_71, %dma_wait3A] : memref<2x10000x128xf32, #tpu.memory_space<hbm>> -> memref<1x200x128xf32, #tpu.memory_space<hbm>>
        %dma_wait3A_77 = tpu.memref_squeeze %dma_wait3A_76 : memref<1x200x128xf32, #tpu.memory_space<hbm>> -> memref<200x128xf32, #tpu.memory_space<hbm>>
        %dma_wait3A_78 = arith.constant 0 : i32
        %dma_wait3A_79 = tpu.memref_slice %arg10[%mul3A_69, %dma_wait3A_78] : memref<10000x128xf32, #tpu.memory_space<vmem_shared>> -> memref<200x128xf32, #tpu.memory_space<vmem_shared>>
        tpu.wait_dma2 semaphore(%run_scoped3A : memref<!tpu.dma_semaphore, #tpu.memory_space<semaphore_mem>>) src(%dma_wait3A_79 : memref<200x128xf32, #tpu.memory_space<vmem_shared>>) dst(%dma_wait3A_77 : memref<200x128xf32, #tpu.memory_space<hbm>>)
        tpu.yield
      }) : () -> ()
    } else {
    }
    %add3A_61 = arith.constant 48 : i32
    %add3A_62 = arith.addi %arg1, %add3A_61 : i32
    %lt3A_63 = arith.constant 50 : i32
    %lt3A_64 = arith.cmpi slt, %add3A_62, %lt3A_63 : i32
    %convert_element_type3A_65 = arith.extui %lt3A_64 : i1 to i32
    %cond3A_66 = arith.constant 0 : i32
    %cond3A_67 = arith.cmpi ne, %convert_element_type3A_65, %cond3A_66 : i32
    scf.if %cond3A_67 {
      %mul3A_68 = arith.constant 200 : i32
      %mul3A_69 = arith.muli %add3A_62, %mul3A_68 : i32
      %mul3A_70 = arith.constant 200 : i32
      %mul3A_71 = arith.muli %add3A_62, %mul3A_70 : i32
      "tpu.region"() ({
        %run_scoped3A = tpu.sem_alloc : memref<!tpu.dma_semaphore, #tpu.memory_space<semaphore_mem>>
        %dma_start3A = arith.constant 0 : i32
        %dma_start3A_72 = tpu.memref_slice %arg6[%arg0, %mul3A_71, %dma_start3A] : memref<2x10000x128xf32, #tpu.memory_space<hbm>> -> memref<1x200x128xf32, #tpu.memory_space<hbm>>
        %dma_start3A_73 = tpu.memref_squeeze %dma_start3A_72 : memref<1x200x128xf32, #tpu.memory_space<hbm>> -> memref<200x128xf32, #tpu.memory_space<hbm>>
        %dma_start3A_74 = arith.constant 0 : i32
        %dma_start3A_75 = tpu.memref_slice %arg10[%mul3A_69, %dma_start3A_74] : memref<10000x128xf32, #tpu.memory_space<vmem_shared>> -> memref<200x128xf32, #tpu.memory_space<vmem_shared>>
        tpu.enqueue_dma source(%dma_start3A_75 : memref<200x128xf32, #tpu.memory_space<vmem_shared>>) target(%dma_start3A_73 : memref<200x128xf32, #tpu.memory_space<hbm>>) target_semaphore(%run_scoped3A : memref<!tpu.dma_semaphore, #tpu.memory_space<semaphore_mem>>)
        %dma_wait3A = arith.constant 0 : i32
        %dma_wait3A_76 = tpu.memref_slice %arg6[%arg0, %mul3A_71, %dma_wait3A] : memref<2x10000x128xf32, #tpu.memory_space<hbm>> -> memref<1x200x128xf32, #tpu.memory_space<hbm>>
        %dma_wait3A_77 = tpu.memref_squeeze %dma_wait3A_76 : memref<1x200x128xf32, #tpu.memory_space<hbm>> -> memref<200x128xf32, #tpu.memory_space<hbm>>
        %dma_wait3A_78 = arith.constant 0 : i32
        %dma_wait3A_79 = tpu.memref_slice %arg10[%mul3A_69, %dma_wait3A_78] : memref<10000x128xf32, #tpu.memory_space<vmem_shared>> -> memref<200x128xf32, #tpu.memory_space<vmem_shared>>
        tpu.wait_dma2 semaphore(%run_scoped3A : memref<!tpu.dma_semaphore, #tpu.memory_space<semaphore_mem>>) src(%dma_wait3A_79 : memref<200x128xf32, #tpu.memory_space<vmem_shared>>) dst(%dma_wait3A_77 : memref<200x128xf32, #tpu.memory_space<hbm>>)
        tpu.yield
      }) : () -> ()
    } else {
    }
    return
  }
}

#map = affine_map<(d0, d1) -> (0, 0)>
#map1 = affine_map<(d0, d1) -> (0)>
module attributes {stable_mosaic.version = 14 : i64} {
  func.func @k(%arg0: i32, %arg1: i32, %arg2: memref<10000x64xf32, #tpu.memory_space<hbm>>, %arg3: memref<10000x64xf32, #tpu.memory_space<hbm>>, %arg4: memref<320000xi32, #tpu.memory_space<hbm>>, %arg5: memref<320000xi32, #tpu.memory_space<hbm>>, %arg6: memref<160000x128xf32, #tpu.memory_space<hbm>>, %arg7: memref<1000xi32, #tpu.memory_space<vmem>>, %arg8: memref<1000x64xf32, #tpu.memory_space<vmem>>, %arg9: memref<!tpu.dma_semaphore, #tpu.memory_space<semaphore_mem>>) attributes {dimension_semantics = [#tpu.dimension_semantics<core_parallel>, #tpu.dimension_semantics<subcore_parallel>], iteration_bounds = array<i64: 2, 16>, scalar_prefetch = 0 : i64, scratch_operands = 3 : i64, tpu.core_type = #tpu.core_type<sc_vector_subcore>, window_params = [{transform_indices = #map}, {transform_indices = #map}, {transform_indices = #map1}, {transform_indices = #map1}, {transform_indices = #map}]} {
    %mul3A = arith.constant 2 : i32
    %mul3A_0 = arith.muli %arg1, %mul3A : i32
    %add3A = arith.addi %mul3A_0, %arg0 : i32
    %mul3A_1 = arith.constant 10000 : i32
    %mul3A_2 = arith.muli %add3A, %mul3A_1 : i32
    %scan3A = arith.constant 0 : i32
    %scan3A_3 = arith.constant 0 : i32
    %scan3A_4 = arith.constant 10 : i32
    %scan3A_5 = arith.addi %scan3A_3, %scan3A_4 : i32
    %scan3A_6 = arith.constant 1 : i32
    scf.for %scan3A_8 = %scan3A_3 to %scan3A_5 step %scan3A_6  : i32 {
      %mul3A_9 = arith.constant 1000 : i32
      %mul3A_10 = arith.muli %scan3A_8, %mul3A_9 : i32
      %add3A_11 = arith.addi %mul3A_2, %mul3A_10 : i32
      "tpu.region"() ({
        %run_scoped3A = tpu.sem_alloc : memref<!tpu.dma_semaphore, #tpu.memory_space<semaphore_mem>>
        %dma_start3A_28 = tpu.memref_slice %arg4[%add3A_11] : memref<320000xi32, #tpu.memory_space<hbm>> -> memref<1000xi32, #tpu.memory_space<hbm>>
        %dma_start3A_29 = tpu.memref_slice %arg4[%add3A_11] : memref<320000xi32, #tpu.memory_space<hbm>> -> memref<1000xi32, #tpu.memory_space<hbm>>
        tpu.enqueue_dma source(%dma_start3A_29 : memref<1000xi32, #tpu.memory_space<hbm>>) target(%arg7 : memref<1000xi32, #tpu.memory_space<vmem>>) target_semaphore(%run_scoped3A : memref<!tpu.dma_semaphore, #tpu.memory_space<semaphore_mem>>)
        %dma_wait3A_30 = tpu.memref_slice %arg4[%add3A_11] : memref<320000xi32, #tpu.memory_space<hbm>> -> memref<1000xi32, #tpu.memory_space<hbm>>
        %dma_wait3A_31 = tpu.memref_slice %arg4[%add3A_11] : memref<320000xi32, #tpu.memory_space<hbm>> -> memref<1000xi32, #tpu.memory_space<hbm>>
        tpu.wait_dma2 semaphore(%run_scoped3A : memref<!tpu.dma_semaphore, #tpu.memory_space<semaphore_mem>>) src(%dma_wait3A_31 : memref<1000xi32, #tpu.memory_space<hbm>>) dst(%arg7 : memref<1000xi32, #tpu.memory_space<vmem>>)
        tpu.yield
      }) : () -> ()
      %dma_start3A = arith.constant 0 : i32
      %dma_start3A_12 = arith.constant 0 : i32
      %dma_start3A_13 = tpu.memref_slice %arg2[%dma_start3A, %dma_start3A_12] : memref<10000x64xf32, #tpu.memory_space<hbm>> -> memref<10000x64xf32, #tpu.memory_space<hbm>>
      tpu.enqueue_indirect_dma source(%dma_start3A_13 : memref<10000x64xf32, #tpu.memory_space<hbm>>) target(%arg8 : memref<1000x64xf32, #tpu.memory_space<vmem>>) offsets(%arg7 : memref<1000xi32, #tpu.memory_space<vmem>>) semaphore(%arg9 : memref<!tpu.dma_semaphore, #tpu.memory_space<semaphore_mem>>)
      %dma_wait3A = arith.constant 0 : i32
      %dma_wait3A_14 = arith.constant 0 : i32
      %dma_wait3A_15 = tpu.memref_slice %arg2[%dma_wait3A, %dma_wait3A_14] : memref<10000x64xf32, #tpu.memory_space<hbm>> -> memref<10000x64xf32, #tpu.memory_space<hbm>>
      tpu.wait_indirect_dma semaphore(%arg9 : memref<!tpu.dma_semaphore, #tpu.memory_space<semaphore_mem>>) src(%dma_wait3A_15 : memref<10000x64xf32, #tpu.memory_space<hbm>>) dst(%arg8 : memref<1000x64xf32, #tpu.memory_space<vmem>>)
      "tpu.region"() ({
        %run_scoped3A = tpu.sem_alloc : memref<!tpu.dma_semaphore, #tpu.memory_space<semaphore_mem>>
        %dma_start3A_28 = tpu.memref_slice %arg5[%add3A_11] : memref<320000xi32, #tpu.memory_space<hbm>> -> memref<1000xi32, #tpu.memory_space<hbm>>
        %dma_start3A_29 = tpu.memref_slice %arg5[%add3A_11] : memref<320000xi32, #tpu.memory_space<hbm>> -> memref<1000xi32, #tpu.memory_space<hbm>>
        tpu.enqueue_dma source(%dma_start3A_29 : memref<1000xi32, #tpu.memory_space<hbm>>) target(%arg7 : memref<1000xi32, #tpu.memory_space<vmem>>) target_semaphore(%run_scoped3A : memref<!tpu.dma_semaphore, #tpu.memory_space<semaphore_mem>>)
        %dma_wait3A_30 = tpu.memref_slice %arg5[%add3A_11] : memref<320000xi32, #tpu.memory_space<hbm>> -> memref<1000xi32, #tpu.memory_space<hbm>>
        %dma_wait3A_31 = tpu.memref_slice %arg5[%add3A_11] : memref<320000xi32, #tpu.memory_space<hbm>> -> memref<1000xi32, #tpu.memory_space<hbm>>
        tpu.wait_dma2 semaphore(%run_scoped3A : memref<!tpu.dma_semaphore, #tpu.memory_space<semaphore_mem>>) src(%dma_wait3A_31 : memref<1000xi32, #tpu.memory_space<hbm>>) dst(%arg7 : memref<1000xi32, #tpu.memory_space<vmem>>)
        tpu.yield
      }) : () -> ()
      %dma_start3A_16 = arith.constant 0 : i32
      %dma_start3A_17 = arith.constant 0 : i32
      %dma_start3A_18 = tpu.memref_slice %arg3[%dma_start3A_16, %dma_start3A_17] : memref<10000x64xf32, #tpu.memory_space<hbm>> -> memref<10000x64xf32, #tpu.memory_space<hbm>>
      tpu.enqueue_indirect_dma source(%dma_start3A_18 : memref<10000x64xf32, #tpu.memory_space<hbm>>) target(%arg8 : memref<1000x64xf32, #tpu.memory_space<vmem>>) offsets(%arg7 : memref<1000xi32, #tpu.memory_space<vmem>>) semaphore(%arg9 : memref<!tpu.dma_semaphore, #tpu.memory_space<semaphore_mem>>) {add = true}
      %dma_wait3A_19 = arith.constant 0 : i32
      %dma_wait3A_20 = arith.constant 0 : i32
      %dma_wait3A_21 = tpu.memref_slice %arg3[%dma_wait3A_19, %dma_wait3A_20] : memref<10000x64xf32, #tpu.memory_space<hbm>> -> memref<10000x64xf32, #tpu.memory_space<hbm>>
      tpu.wait_indirect_dma semaphore(%arg9 : memref<!tpu.dma_semaphore, #tpu.memory_space<semaphore_mem>>) src(%dma_wait3A_21 : memref<10000x64xf32, #tpu.memory_space<hbm>>) dst(%arg8 : memref<1000x64xf32, #tpu.memory_space<vmem>>)
      %lt3A = arith.constant 16 : i32
      %lt3A_22 = arith.cmpi slt, %add3A, %lt3A : i32
      %convert_element_type3A = arith.extui %lt3A_22 : i1 to i32
      %cond3A = arith.constant 0 : i32
      %cond3A_23 = arith.cmpi ne, %convert_element_type3A, %cond3A : i32
      scf.if %cond3A_23 {
        "tpu.region"() ({
          %run_scoped3A = tpu.sem_alloc : memref<!tpu.dma_semaphore, #tpu.memory_space<semaphore_mem>>
          %dma_start3A_28 = arith.constant 0 : i32
          %dma_start3A_29 = tpu.memref_slice %arg6[%add3A_11, %dma_start3A_28] : memref<160000x128xf32, #tpu.memory_space<hbm>> -> memref<1000x64xf32, #tpu.memory_space<hbm>>
          %dma_start3A_30 = arith.constant 0 : i32
          %dma_start3A_31 = tpu.memref_slice %arg6[%add3A_11, %dma_start3A_30] : memref<160000x128xf32, #tpu.memory_space<hbm>> -> memref<1000x64xf32, #tpu.memory_space<hbm>>
          tpu.enqueue_dma source(%arg8 : memref<1000x64xf32, #tpu.memory_space<vmem>>) target(%dma_start3A_31 : memref<1000x64xf32, #tpu.memory_space<hbm>>) target_semaphore(%run_scoped3A : memref<!tpu.dma_semaphore, #tpu.memory_space<semaphore_mem>>)
          %dma_wait3A_32 = arith.constant 0 : i32
          %dma_wait3A_33 = tpu.memref_slice %arg6[%add3A_11, %dma_wait3A_32] : memref<160000x128xf32, #tpu.memory_space<hbm>> -> memref<1000x64xf32, #tpu.memory_space<hbm>>
          %dma_wait3A_34 = arith.constant 0 : i32
          %dma_wait3A_35 = tpu.memref_slice %arg6[%add3A_11, %dma_wait3A_34] : memref<160000x128xf32, #tpu.memory_space<hbm>> -> memref<1000x64xf32, #tpu.memory_space<hbm>>
          tpu.wait_dma2 semaphore(%run_scoped3A : memref<!tpu.dma_semaphore, #tpu.memory_space<semaphore_mem>>) src(%arg8 : memref<1000x64xf32, #tpu.memory_space<vmem>>) dst(%dma_wait3A_35 : memref<1000x64xf32, #tpu.memory_space<hbm>>)
          tpu.yield
        }) : () -> ()
      } else {
      }
      %ge3A = arith.constant 16 : i32
      %ge3A_24 = arith.cmpi sge, %add3A, %ge3A : i32
      %convert_element_type3A_25 = arith.extui %ge3A_24 : i1 to i32
      %cond3A_26 = arith.constant 0 : i32
      %cond3A_27 = arith.cmpi ne, %convert_element_type3A_25, %cond3A_26 : i32
      scf.if %cond3A_27 {
        %sub3A = arith.constant 160000 : i32
        %sub3A_28 = arith.subi %add3A_11, %sub3A : i32
        "tpu.region"() ({
          %run_scoped3A = tpu.sem_alloc : memref<!tpu.dma_semaphore, #tpu.memory_space<semaphore_mem>>
          %dma_start3A_29 = arith.constant 64 : i32
          %dma_start3A_30 = tpu.memref_slice %arg6[%sub3A_28, %dma_start3A_29] : memref<160000x128xf32, #tpu.memory_space<hbm>> -> memref<1000x64xf32, #tpu.memory_space<hbm>>
          %dma_start3A_31 = arith.constant 64 : i32
          %dma_start3A_32 = tpu.memref_slice %arg6[%sub3A_28, %dma_start3A_31] : memref<160000x128xf32, #tpu.memory_space<hbm>> -> memref<1000x64xf32, #tpu.memory_space<hbm>>
          tpu.enqueue_dma source(%arg8 : memref<1000x64xf32, #tpu.memory_space<vmem>>) target(%dma_start3A_32 : memref<1000x64xf32, #tpu.memory_space<hbm>>) target_semaphore(%run_scoped3A : memref<!tpu.dma_semaphore, #tpu.memory_space<semaphore_mem>>)
          %dma_wait3A_33 = arith.constant 64 : i32
          %dma_wait3A_34 = tpu.memref_slice %arg6[%sub3A_28, %dma_wait3A_33] : memref<160000x128xf32, #tpu.memory_space<hbm>> -> memref<1000x64xf32, #tpu.memory_space<hbm>>
          %dma_wait3A_35 = arith.constant 64 : i32
          %dma_wait3A_36 = tpu.memref_slice %arg6[%sub3A_28, %dma_wait3A_35] : memref<160000x128xf32, #tpu.memory_space<hbm>> -> memref<1000x64xf32, #tpu.memory_space<hbm>>
          tpu.wait_dma2 semaphore(%run_scoped3A : memref<!tpu.dma_semaphore, #tpu.memory_space<semaphore_mem>>) src(%arg8 : memref<1000x64xf32, #tpu.memory_space<vmem>>) dst(%dma_wait3A_36 : memref<1000x64xf32, #tpu.memory_space<hbm>>)
          tpu.yield
        }) : () -> ()
      } else {
      }
    }
    %scan3A_7 = arith.constant 10 : i32
    return
  }
}

#map = affine_map<(d0, d1) -> (0)>
#map1 = affine_map<(d0, d1) -> (0, 0)>
module attributes {stable_mosaic.version = 14 : i64} {
  func.func @k(%arg0: i32, %arg1: i32, %arg2: memref<320000xi32, #tpu.memory_space<hbm>>, %arg3: memref<320000xf32, #tpu.memory_space<hbm>>, %arg4: memref<2x10000xf32, #tpu.memory_space<hbm>>, %arg5: memref<2000xi32, #tpu.memory_space<vmem>>, %arg6: memref<2000xf32, #tpu.memory_space<vmem>>, %arg7: memref<10000xf32, #tpu.memory_space<vmem_shared>>) attributes {dimension_semantics = [#tpu.dimension_semantics<core_parallel>, #tpu.dimension_semantics<subcore_parallel>], iteration_bounds = array<i64: 2, 16>, scalar_prefetch = 0 : i64, scratch_operands = 3 : i64, tpu.core_type = #tpu.core_type<sc_vector_subcore>, window_params = [{transform_indices = #map}, {transform_indices = #map}, {transform_indices = #map1}]} {
    %scan3A = arith.constant 0 : i32
    %scan3A_0 = arith.constant 0 : i32
    %scan3A_1 = arith.constant 125 : i32
    %scan3A_2 = arith.addi %scan3A_0, %scan3A_1 : i32
    %scan3A_3 = arith.constant 1 : i32
    scf.for %scan3A_21 = %scan3A_0 to %scan3A_2 step %scan3A_3  : i32 {
      %broadcast_in_dim3A = arith.constant 0.000000e+00 : f32
      %broadcast_in_dim3A_22 = vector.broadcast %broadcast_in_dim3A : f32 to vector<16xf32>
      %mul3A_23 = arith.constant 16 : i32
      %mul3A_24 = arith.muli %scan3A_21, %mul3A_23 : i32
      %swap3A = arith.index_cast %mul3A_24 : i32 to index
      %swap3A_25 = tpu.vector_load %arg6[%swap3A] {strides = array<i32>} : memref<2000xf32, #tpu.memory_space<vmem>>, vector<16xf32>,
      %swap3A_26 = vector.shape_cast %swap3A_25 : vector<16xf32> to vector<16xf32>
      %swap3A_27 = vector.shape_cast %broadcast_in_dim3A_22 : vector<16xf32> to vector<16xf32>
      tpu.vector_store %arg6[%swap3A], %swap3A_27 {strides = array<i32>} : memref<2000xf32, #tpu.memory_space<vmem>>, vector<16xf32>,
    }
    %scan3A_4 = arith.constant 125 : i32
    %lt3A = arith.constant 5 : i32
    %lt3A_5 = arith.cmpi slt, %arg1, %lt3A : i32
    %convert_element_type3A = arith.extui %lt3A_5 : i1 to i32
    %cond3A = arith.constant 0 : i32
    %cond3A_6 = arith.cmpi ne, %convert_element_type3A, %cond3A : i32
    scf.if %cond3A_6 {
      %mul3A_21 = arith.constant 2000 : i32
      %mul3A_22 = arith.muli %arg1, %mul3A_21 : i32
      "tpu.region"() ({
        %run_scoped3A = tpu.sem_alloc : memref<!tpu.dma_semaphore, #tpu.memory_space<semaphore_mem>>
        %dma_start3A = tpu.memref_slice %arg7[%mul3A_22] : memref<10000xf32, #tpu.memory_space<vmem_shared>> -> memref<2000xf32, #tpu.memory_space<vmem_shared>>
        %dma_start3A_23 = tpu.memref_slice %arg7[%mul3A_22] : memref<10000xf32, #tpu.memory_space<vmem_shared>> -> memref<2000xf32, #tpu.memory_space<vmem_shared>>
        tpu.enqueue_dma source(%arg6 : memref<2000xf32, #tpu.memory_space<vmem>>) target(%dma_start3A_23 : memref<2000xf32, #tpu.memory_space<vmem_shared>>) target_semaphore(%run_scoped3A : memref<!tpu.dma_semaphore, #tpu.memory_space<semaphore_mem>>)
        %dma_wait3A = tpu.memref_slice %arg7[%mul3A_22] : memref<10000xf32, #tpu.memory_space<vmem_shared>> -> memref<2000xf32, #tpu.memory_space<vmem_shared>>
        %dma_wait3A_24 = tpu.memref_slice %arg7[%mul3A_22] : memref<10000xf32, #tpu.memory_space<vmem_shared>> -> memref<2000xf32, #tpu.memory_space<vmem_shared>>
        tpu.wait_dma2 semaphore(%run_scoped3A : memref<!tpu.dma_semaphore, #tpu.memory_space<semaphore_mem>>) src(%arg6 : memref<2000xf32, #tpu.memory_space<vmem>>) dst(%dma_wait3A_24 : memref<2000xf32, #tpu.memory_space<vmem_shared>>)
        tpu.yield
      }) : () -> ()
    } else {
    }
    %barrier3A = arith.constant 0 : index
    tpu.barrier barrier_id(%barrier3A)
    %mul3A = arith.constant 2 : i32
    %mul3A_7 = arith.muli %arg1, %mul3A : i32
    %add3A = arith.addi %mul3A_7, %arg0 : i32
    %mul3A_8 = arith.constant 10000 : i32
    %mul3A_9 = arith.muli %add3A, %mul3A_8 : i32
    %scan3A_10 = arith.constant 0 : i32
    %scan3A_11 = arith.constant 0 : i32
    %scan3A_12 = arith.constant 5 : i32
    %scan3A_13 = arith.addi %scan3A_11, %scan3A_12 : i32
    %scan3A_14 = arith.constant 1 : i32
    scf.for %scan3A_21 = %scan3A_11 to %scan3A_13 step %scan3A_14  : i32 {
      %mul3A_22 = arith.constant 2000 : i32
      %mul3A_23 = arith.muli %scan3A_21, %mul3A_22 : i32
      %add3A_24 = arith.addi %mul3A_9, %mul3A_23 : i32
      "tpu.region"() ({
        %run_scoped3A = tpu.sem_alloc : memref<!tpu.dma_semaphore, #tpu.memory_space<semaphore_mem>>
        %dma_start3A = tpu.memref_slice %arg2[%add3A_24] : memref<320000xi32, #tpu.memory_space<hbm>> -> memref<2000xi32, #tpu.memory_space<hbm>>
        %dma_start3A_25 = tpu.memref_slice %arg2[%add3A_24] : memref<320000xi32, #tpu.memory_space<hbm>> -> memref<2000xi32, #tpu.memory_space<hbm>>
        tpu.enqueue_dma source(%dma_start3A_25 : memref<2000xi32, #tpu.memory_space<hbm>>) target(%arg5 : memref<2000xi32, #tpu.memory_space<vmem>>) target_semaphore(%run_scoped3A : memref<!tpu.dma_semaphore, #tpu.memory_space<semaphore_mem>>)
        %dma_wait3A = tpu.memref_slice %arg2[%add3A_24] : memref<320000xi32, #tpu.memory_space<hbm>> -> memref<2000xi32, #tpu.memory_space<hbm>>
        %dma_wait3A_26 = tpu.memref_slice %arg2[%add3A_24] : memref<320000xi32, #tpu.memory_space<hbm>> -> memref<2000xi32, #tpu.memory_space<hbm>>
        tpu.wait_dma2 semaphore(%run_scoped3A : memref<!tpu.dma_semaphore, #tpu.memory_space<semaphore_mem>>) src(%dma_wait3A_26 : memref<2000xi32, #tpu.memory_space<hbm>>) dst(%arg5 : memref<2000xi32, #tpu.memory_space<vmem>>)
        tpu.yield
      }) : () -> ()
      "tpu.region"() ({
        %run_scoped3A = tpu.sem_alloc : memref<!tpu.dma_semaphore, #tpu.memory_space<semaphore_mem>>
        %dma_start3A = tpu.memref_slice %arg3[%add3A_24] : memref<320000xf32, #tpu.memory_space<hbm>> -> memref<2000xf32, #tpu.memory_space<hbm>>
        %dma_start3A_25 = tpu.memref_slice %arg3[%add3A_24] : memref<320000xf32, #tpu.memory_space<hbm>> -> memref<2000xf32, #tpu.memory_space<hbm>>
        tpu.enqueue_dma source(%dma_start3A_25 : memref<2000xf32, #tpu.memory_space<hbm>>) target(%arg6 : memref<2000xf32, #tpu.memory_space<vmem>>) target_semaphore(%run_scoped3A : memref<!tpu.dma_semaphore, #tpu.memory_space<semaphore_mem>>)
        %dma_wait3A = tpu.memref_slice %arg3[%add3A_24] : memref<320000xf32, #tpu.memory_space<hbm>> -> memref<2000xf32, #tpu.memory_space<hbm>>
        %dma_wait3A_26 = tpu.memref_slice %arg3[%add3A_24] : memref<320000xf32, #tpu.memory_space<hbm>> -> memref<2000xf32, #tpu.memory_space<hbm>>
        tpu.wait_dma2 semaphore(%run_scoped3A : memref<!tpu.dma_semaphore, #tpu.memory_space<semaphore_mem>>) src(%dma_wait3A_26 : memref<2000xf32, #tpu.memory_space<hbm>>) dst(%arg6 : memref<2000xf32, #tpu.memory_space<vmem>>)
        tpu.yield
      }) : () -> ()
      "tpu.region"() ({
        %run_scoped3A = tpu.sem_alloc : memref<!tpu.dma_semaphore, #tpu.memory_space<semaphore_mem>>
        %dma_start3A = arith.constant 0 : i32
        %dma_start3A_25 = tpu.memref_slice %arg7[%dma_start3A] : memref<10000xf32, #tpu.memory_space<vmem_shared>> -> memref<10000xf32, #tpu.memory_space<vmem_shared>>
        tpu.enqueue_indirect_dma source(%arg6 : memref<2000xf32, #tpu.memory_space<vmem>>) target(%dma_start3A_25 : memref<10000xf32, #tpu.memory_space<vmem_shared>>) offsets(%arg5 : memref<2000xi32, #tpu.memory_space<vmem>>) semaphore(%run_scoped3A : memref<!tpu.dma_semaphore, #tpu.memory_space<semaphore_mem>>) {add = true}
        %dma_wait3A = arith.constant 0 : i32
        %dma_wait3A_26 = tpu.memref_slice %arg7[%dma_wait3A] : memref<10000xf32, #tpu.memory_space<vmem_shared>> -> memref<10000xf32, #tpu.memory_space<vmem_shared>>
        tpu.wait_indirect_dma semaphore(%run_scoped3A : memref<!tpu.dma_semaphore, #tpu.memory_space<semaphore_mem>>) src(%arg6 : memref<2000xf32, #tpu.memory_space<vmem>>) dst(%dma_wait3A_26 : memref<10000xf32, #tpu.memory_space<vmem_shared>>)
        tpu.yield
      }) : () -> ()
    }
    %scan3A_15 = arith.constant 5 : i32
    %barrier3A_16 = arith.constant 0 : index
    tpu.barrier barrier_id(%barrier3A_16)
    %eq3A = arith.constant 0 : i32
    %eq3A_17 = arith.cmpi eq, %arg1, %eq3A : i32
    %convert_element_type3A_18 = arith.extui %eq3A_17 : i1 to i32
    %cond3A_19 = arith.constant 0 : i32
    %cond3A_20 = arith.cmpi ne, %convert_element_type3A_18, %cond3A_19 : i32
    scf.if %cond3A_20 {
      "tpu.region"() ({
        %run_scoped3A = tpu.sem_alloc : memref<!tpu.dma_semaphore, #tpu.memory_space<semaphore_mem>>
        %dma_start3A = arith.constant 0 : i32
        %dma_start3A_21 = tpu.memref_slice %arg4[%arg0, %dma_start3A] : memref<2x10000xf32, #tpu.memory_space<hbm>> -> memref<1x10000xf32, #tpu.memory_space<hbm>>
        %dma_start3A_22 = tpu.memref_squeeze %dma_start3A_21 : memref<1x10000xf32, #tpu.memory_space<hbm>> -> memref<10000xf32, #tpu.memory_space<hbm>>
        tpu.enqueue_dma source(%arg7 : memref<10000xf32, #tpu.memory_space<vmem_shared>>) target(%dma_start3A_22 : memref<10000xf32, #tpu.memory_space<hbm>>) target_semaphore(%run_scoped3A : memref<!tpu.dma_semaphore, #tpu.memory_space<semaphore_mem>>)
        %dma_wait3A = arith.constant 0 : i32
        %dma_wait3A_23 = tpu.memref_slice %arg4[%arg0, %dma_wait3A] : memref<2x10000xf32, #tpu.memory_space<hbm>> -> memref<1x10000xf32, #tpu.memory_space<hbm>>
        %dma_wait3A_24 = tpu.memref_squeeze %dma_wait3A_23 : memref<1x10000xf32, #tpu.memory_space<hbm>> -> memref<10000xf32, #tpu.memory_space<hbm>>
        tpu.wait_dma2 semaphore(%run_scoped3A : memref<!tpu.dma_semaphore, #tpu.memory_space<semaphore_mem>>) src(%arg7 : memref<10000xf32, #tpu.memory_space<vmem_shared>>) dst(%dma_wait3A_24 : memref<10000xf32, #tpu.memory_space<hbm>>)
        tpu.yield
      }) : () -> ()
    } else {
    }
    return
  }
}

#map = affine_map<(d0, d1) -> (0)>
#map1 = affine_map<(d0, d1) -> (0, 0)>
module attributes {stable_mosaic.version = 14 : i64} {
  func.func @k(%arg0: i32, %arg1: i32, %arg2: memref<320000xi32, #tpu.memory_space<hbm>>, %arg3: memref<320000xf32, #tpu.memory_space<hbm>>, %arg4: memref<2x10000xf32, #tpu.memory_space<hbm>>, %arg5: memref<2000xi32, #tpu.memory_space<vmem>>, %arg6: memref<2000xf32, #tpu.memory_space<vmem>>, %arg7: memref<10000xf32, #tpu.memory_space<vmem_shared>>) attributes {dimension_semantics = [#tpu.dimension_semantics<core_parallel>, #tpu.dimension_semantics<subcore_parallel>], iteration_bounds = array<i64: 2, 16>, scalar_prefetch = 0 : i64, scratch_operands = 3 : i64, tpu.core_type = #tpu.core_type<sc_vector_subcore>, window_params = [{transform_indices = #map}, {transform_indices = #map}, {transform_indices = #map1}]} {
    %scan3A = arith.constant 0 : i32
    %scan3A_0 = arith.constant 0 : i32
    %scan3A_1 = arith.constant 125 : i32
    %scan3A_2 = arith.addi %scan3A_0, %scan3A_1 : i32
    %scan3A_3 = arith.constant 1 : i32
    scf.for %scan3A_21 = %scan3A_0 to %scan3A_2 step %scan3A_3  : i32 {
      %broadcast_in_dim3A = arith.constant 0.000000e+00 : f32
      %broadcast_in_dim3A_22 = vector.broadcast %broadcast_in_dim3A : f32 to vector<16xf32>
      %mul3A_23 = arith.constant 16 : i32
      %mul3A_24 = arith.muli %scan3A_21, %mul3A_23 : i32
      %swap3A = arith.index_cast %mul3A_24 : i32 to index
      %swap3A_25 = tpu.vector_load %arg6[%swap3A] {strides = array<i32>} : memref<2000xf32, #tpu.memory_space<vmem>>, vector<16xf32>,
      %swap3A_26 = vector.shape_cast %swap3A_25 : vector<16xf32> to vector<16xf32>
      %swap3A_27 = vector.shape_cast %broadcast_in_dim3A_22 : vector<16xf32> to vector<16xf32>
      tpu.vector_store %arg6[%swap3A], %swap3A_27 {strides = array<i32>} : memref<2000xf32, #tpu.memory_space<vmem>>, vector<16xf32>,
    }
    %scan3A_4 = arith.constant 125 : i32
    %lt3A = arith.constant 5 : i32
    %lt3A_5 = arith.cmpi slt, %arg1, %lt3A : i32
    %convert_element_type3A = arith.extui %lt3A_5 : i1 to i32
    %cond3A = arith.constant 0 : i32
    %cond3A_6 = arith.cmpi ne, %convert_element_type3A, %cond3A : i32
    scf.if %cond3A_6 {
      %mul3A_21 = arith.constant 2000 : i32
      %mul3A_22 = arith.muli %arg1, %mul3A_21 : i32
      "tpu.region"() ({
        %run_scoped3A = tpu.sem_alloc : memref<!tpu.dma_semaphore, #tpu.memory_space<semaphore_mem>>
        %dma_start3A = tpu.memref_slice %arg7[%mul3A_22] : memref<10000xf32, #tpu.memory_space<vmem_shared>> -> memref<2000xf32, #tpu.memory_space<vmem_shared>>
        %dma_start3A_23 = tpu.memref_slice %arg7[%mul3A_22] : memref<10000xf32, #tpu.memory_space<vmem_shared>> -> memref<2000xf32, #tpu.memory_space<vmem_shared>>
        tpu.enqueue_dma source(%arg6 : memref<2000xf32, #tpu.memory_space<vmem>>) target(%dma_start3A_23 : memref<2000xf32, #tpu.memory_space<vmem_shared>>) target_semaphore(%run_scoped3A : memref<!tpu.dma_semaphore, #tpu.memory_space<semaphore_mem>>)
        %dma_wait3A = tpu.memref_slice %arg7[%mul3A_22] : memref<10000xf32, #tpu.memory_space<vmem_shared>> -> memref<2000xf32, #tpu.memory_space<vmem_shared>>
        %dma_wait3A_24 = tpu.memref_slice %arg7[%mul3A_22] : memref<10000xf32, #tpu.memory_space<vmem_shared>> -> memref<2000xf32, #tpu.memory_space<vmem_shared>>
        tpu.wait_dma2 semaphore(%run_scoped3A : memref<!tpu.dma_semaphore, #tpu.memory_space<semaphore_mem>>) src(%arg6 : memref<2000xf32, #tpu.memory_space<vmem>>) dst(%dma_wait3A_24 : memref<2000xf32, #tpu.memory_space<vmem_shared>>)
        tpu.yield
      }) : () -> ()
    } else {
    }
    %barrier3A = arith.constant 0 : index
    tpu.barrier barrier_id(%barrier3A)
    %mul3A = arith.constant 2 : i32
    %mul3A_7 = arith.muli %arg1, %mul3A : i32
    %add3A = arith.addi %mul3A_7, %arg0 : i32
    %mul3A_8 = arith.constant 10000 : i32
    %mul3A_9 = arith.muli %add3A, %mul3A_8 : i32
    %scan3A_10 = arith.constant 0 : i32
    %scan3A_11 = arith.constant 0 : i32
    %scan3A_12 = arith.constant 5 : i32
    %scan3A_13 = arith.addi %scan3A_11, %scan3A_12 : i32
    %scan3A_14 = arith.constant 1 : i32
    scf.for %scan3A_21 = %scan3A_11 to %scan3A_13 step %scan3A_14  : i32 {
      %mul3A_22 = arith.constant 2000 : i32
      %mul3A_23 = arith.muli %scan3A_21, %mul3A_22 : i32
      %add3A_24 = arith.addi %mul3A_9, %mul3A_23 : i32
      "tpu.region"() ({
        %run_scoped3A = tpu.sem_alloc : memref<!tpu.dma_semaphore, #tpu.memory_space<semaphore_mem>>
        %dma_start3A = tpu.memref_slice %arg2[%add3A_24] : memref<320000xi32, #tpu.memory_space<hbm>> -> memref<2000xi32, #tpu.memory_space<hbm>>
        %dma_start3A_25 = tpu.memref_slice %arg2[%add3A_24] : memref<320000xi32, #tpu.memory_space<hbm>> -> memref<2000xi32, #tpu.memory_space<hbm>>
        tpu.enqueue_dma source(%dma_start3A_25 : memref<2000xi32, #tpu.memory_space<hbm>>) target(%arg5 : memref<2000xi32, #tpu.memory_space<vmem>>) target_semaphore(%run_scoped3A : memref<!tpu.dma_semaphore, #tpu.memory_space<semaphore_mem>>)
        %dma_wait3A = tpu.memref_slice %arg2[%add3A_24] : memref<320000xi32, #tpu.memory_space<hbm>> -> memref<2000xi32, #tpu.memory_space<hbm>>
        %dma_wait3A_26 = tpu.memref_slice %arg2[%add3A_24] : memref<320000xi32, #tpu.memory_space<hbm>> -> memref<2000xi32, #tpu.memory_space<hbm>>
        tpu.wait_dma2 semaphore(%run_scoped3A : memref<!tpu.dma_semaphore, #tpu.memory_space<semaphore_mem>>) src(%dma_wait3A_26 : memref<2000xi32, #tpu.memory_space<hbm>>) dst(%arg5 : memref<2000xi32, #tpu.memory_space<vmem>>)
        tpu.yield
      }) : () -> ()
      "tpu.region"() ({
        %run_scoped3A = tpu.sem_alloc : memref<!tpu.dma_semaphore, #tpu.memory_space<semaphore_mem>>
        %dma_start3A = tpu.memref_slice %arg3[%add3A_24] : memref<320000xf32, #tpu.memory_space<hbm>> -> memref<2000xf32, #tpu.memory_space<hbm>>
        %dma_start3A_25 = tpu.memref_slice %arg3[%add3A_24] : memref<320000xf32, #tpu.memory_space<hbm>> -> memref<2000xf32, #tpu.memory_space<hbm>>
        tpu.enqueue_dma source(%dma_start3A_25 : memref<2000xf32, #tpu.memory_space<hbm>>) target(%arg6 : memref<2000xf32, #tpu.memory_space<vmem>>) target_semaphore(%run_scoped3A : memref<!tpu.dma_semaphore, #tpu.memory_space<semaphore_mem>>)
        %dma_wait3A = tpu.memref_slice %arg3[%add3A_24] : memref<320000xf32, #tpu.memory_space<hbm>> -> memref<2000xf32, #tpu.memory_space<hbm>>
        %dma_wait3A_26 = tpu.memref_slice %arg3[%add3A_24] : memref<320000xf32, #tpu.memory_space<hbm>> -> memref<2000xf32, #tpu.memory_space<hbm>>
        tpu.wait_dma2 semaphore(%run_scoped3A : memref<!tpu.dma_semaphore, #tpu.memory_space<semaphore_mem>>) src(%dma_wait3A_26 : memref<2000xf32, #tpu.memory_space<hbm>>) dst(%arg6 : memref<2000xf32, #tpu.memory_space<vmem>>)
        tpu.yield
      }) : () -> ()
      "tpu.region"() ({
        %run_scoped3A = tpu.sem_alloc : memref<!tpu.dma_semaphore, #tpu.memory_space<semaphore_mem>>
        %dma_start3A = arith.constant 0 : i32
        %dma_start3A_25 = tpu.memref_slice %arg7[%dma_start3A] : memref<10000xf32, #tpu.memory_space<vmem_shared>> -> memref<10000xf32, #tpu.memory_space<vmem_shared>>
        tpu.enqueue_indirect_dma source(%arg6 : memref<2000xf32, #tpu.memory_space<vmem>>) target(%dma_start3A_25 : memref<10000xf32, #tpu.memory_space<vmem_shared>>) offsets(%arg5 : memref<2000xi32, #tpu.memory_space<vmem>>) semaphore(%run_scoped3A : memref<!tpu.dma_semaphore, #tpu.memory_space<semaphore_mem>>) {add = true}
        %dma_wait3A = arith.constant 0 : i32
        %dma_wait3A_26 = tpu.memref_slice %arg7[%dma_wait3A] : memref<10000xf32, #tpu.memory_space<vmem_shared>> -> memref<10000xf32, #tpu.memory_space<vmem_shared>>
        tpu.wait_indirect_dma semaphore(%run_scoped3A : memref<!tpu.dma_semaphore, #tpu.memory_space<semaphore_mem>>) src(%arg6 : memref<2000xf32, #tpu.memory_space<vmem>>) dst(%dma_wait3A_26 : memref<10000xf32, #tpu.memory_space<vmem_shared>>)
        tpu.yield
      }) : () -> ()
    }
    %scan3A_15 = arith.constant 5 : i32
    %barrier3A_16 = arith.constant 0 : index
    tpu.barrier barrier_id(%barrier3A_16)
    %eq3A = arith.constant 0 : i32
    %eq3A_17 = arith.cmpi eq, %arg1, %eq3A : i32
    %convert_element_type3A_18 = arith.extui %eq3A_17 : i1 to i32
    %cond3A_19 = arith.constant 0 : i32
    %cond3A_20 = arith.cmpi ne, %convert_element_type3A_18, %cond3A_19 : i32
    scf.if %cond3A_20 {
      "tpu.region"() ({
        %run_scoped3A = tpu.sem_alloc : memref<!tpu.dma_semaphore, #tpu.memory_space<semaphore_mem>>
        %dma_start3A = arith.constant 0 : i32
        %dma_start3A_21 = tpu.memref_slice %arg4[%arg0, %dma_start3A] : memref<2x10000xf32, #tpu.memory_space<hbm>> -> memref<1x10000xf32, #tpu.memory_space<hbm>>
        %dma_start3A_22 = tpu.memref_squeeze %dma_start3A_21 : memref<1x10000xf32, #tpu.memory_space<hbm>> -> memref<10000xf32, #tpu.memory_space<hbm>>
        tpu.enqueue_dma source(%arg7 : memref<10000xf32, #tpu.memory_space<vmem_shared>>) target(%dma_start3A_22 : memref<10000xf32, #tpu.memory_space<hbm>>) target_semaphore(%run_scoped3A : memref<!tpu.dma_semaphore, #tpu.memory_space<semaphore_mem>>)
        %dma_wait3A = arith.constant 0 : i32
        %dma_wait3A_23 = tpu.memref_slice %arg4[%arg0, %dma_wait3A] : memref<2x10000xf32, #tpu.memory_space<hbm>> -> memref<1x10000xf32, #tpu.memory_space<hbm>>
        %dma_wait3A_24 = tpu.memref_squeeze %dma_wait3A_23 : memref<1x10000xf32, #tpu.memory_space<hbm>> -> memref<10000xf32, #tpu.memory_space<hbm>>
        tpu.wait_dma2 semaphore(%run_scoped3A : memref<!tpu.dma_semaphore, #tpu.memory_space<semaphore_mem>>) src(%arg7 : memref<10000xf32, #tpu.memory_space<vmem_shared>>) dst(%dma_wait3A_24 : memref<10000xf32, #tpu.memory_space<hbm>>)
        tpu.yield
      }) : () -> ()
    } else {
    }
    return
  }
}

#map = affine_map<(d0, d1) -> (0, 0)>
#map1 = affine_map<(d0, d1) -> (0)>
#map2 = affine_map<(d0, d1) -> (0, 0, 0)>
module attributes {stable_mosaic.version = 14 : i64} {
  func.func @k(%arg0: i32, %arg1: i32, %arg2: memref<10000x128xf32, #tpu.memory_space<hbm>>, %arg3: memref<320000xi32, #tpu.memory_space<hbm>>, %arg4: memref<320000xi32, #tpu.memory_space<hbm>>, %arg5: memref<320000xf32, #tpu.memory_space<hbm>>, %arg6: memref<2x10000x128xf32, #tpu.memory_space<hbm>>, %arg7: memref<200xi32, #tpu.memory_space<vmem>>, %arg8: memref<216xf32, #tpu.memory_space<vmem>>, %arg9: memref<200x128xf32, #tpu.memory_space<vmem>>, %arg10: memref<10000x128xf32, #tpu.memory_space<vmem_shared>>, %arg11: memref<!tpu.dma_semaphore, #tpu.memory_space<semaphore_mem>>) attributes {dimension_semantics = [#tpu.dimension_semantics<core_parallel>, #tpu.dimension_semantics<subcore_parallel>], iteration_bounds = array<i64: 2, 16>, scalar_prefetch = 0 : i64, scratch_operands = 5 : i64, tpu.core_type = #tpu.core_type<sc_vector_subcore>, window_params = [{transform_indices = #map}, {transform_indices = #map1}, {transform_indices = #map1}, {transform_indices = #map1}, {transform_indices = #map2}]} {
    %scan3A = arith.constant 0 : i32
    %scan3A_0 = arith.constant 0 : i32
    %scan3A_1 = arith.constant 200 : i32
    %scan3A_2 = arith.addi %scan3A_0, %scan3A_1 : i32
    %scan3A_3 = arith.constant 1 : i32
    scf.for %scan3A_68 = %scan3A_0 to %scan3A_2 step %scan3A_3  : i32 {
      %broadcast_in_dim3A = arith.constant 0.000000e+00 : f32
      %broadcast_in_dim3A_69 = vector.broadcast %broadcast_in_dim3A : f32 to vector<16xf32>
      %swap3A = arith.index_cast %scan3A_68 : i32 to index
      %swap3A_70 = arith.constant 0 : index
      %swap3A_71 = tpu.vector_load %arg9[%swap3A, %swap3A_70] {strides = array<i32>} : memref<200x128xf32, #tpu.memory_space<vmem>>, vector<1x16xf32>,
      %swap3A_72 = vector.shape_cast %swap3A_71 : vector<1x16xf32> to vector<16xf32>
      %swap3A_73 = vector.shape_cast %broadcast_in_dim3A_69 : vector<16xf32> to vector<1x16xf32>
      tpu.vector_store %arg9[%swap3A, %swap3A_70], %swap3A_73 {strides = array<i32>} : memref<200x128xf32, #tpu.memory_space<vmem>>, vector<1x16xf32>,
      %broadcast_in_dim3A_74 = arith.constant 0.000000e+00 : f32
      %broadcast_in_dim3A_75 = vector.broadcast %broadcast_in_dim3A_74 : f32 to vector<16xf32>
      %swap3A_76 = arith.index_cast %scan3A_68 : i32 to index
      %swap3A_77 = arith.constant 16 : index
      %swap3A_78 = tpu.vector_load %arg9[%swap3A_76, %swap3A_77] {strides = array<i32>} : memref<200x128xf32, #tpu.memory_space<vmem>>, vector<1x16xf32>,
      %swap3A_79 = vector.shape_cast %swap3A_78 : vector<1x16xf32> to vector<16xf32>
      %swap3A_80 = vector.shape_cast %broadcast_in_dim3A_75 : vector<16xf32> to vector<1x16xf32>
      tpu.vector_store %arg9[%swap3A_76, %swap3A_77], %swap3A_80 {strides = array<i32>} : memref<200x128xf32, #tpu.memory_space<vmem>>, vector<1x16xf32>,
      %broadcast_in_dim3A_81 = arith.constant 0.000000e+00 : f32
      %broadcast_in_dim3A_82 = vector.broadcast %broadcast_in_dim3A_81 : f32 to vector<16xf32>
      %swap3A_83 = arith.index_cast %scan3A_68 : i32 to index
      %swap3A_84 = arith.constant 32 : index
      %swap3A_85 = tpu.vector_load %arg9[%swap3A_83, %swap3A_84] {strides = array<i32>} : memref<200x128xf32, #tpu.memory_space<vmem>>, vector<1x16xf32>,
      %swap3A_86 = vector.shape_cast %swap3A_85 : vector<1x16xf32> to vector<16xf32>
      %swap3A_87 = vector.shape_cast %broadcast_in_dim3A_82 : vector<16xf32> to vector<1x16xf32>
      tpu.vector_store %arg9[%swap3A_83, %swap3A_84], %swap3A_87 {strides = array<i32>} : memref<200x128xf32, #tpu.memory_space<vmem>>, vector<1x16xf32>,
      %broadcast_in_dim3A_88 = arith.constant 0.000000e+00 : f32
      %broadcast_in_dim3A_89 = vector.broadcast %broadcast_in_dim3A_88 : f32 to vector<16xf32>
      %swap3A_90 = arith.index_cast %scan3A_68 : i32 to index
      %swap3A_91 = arith.constant 48 : index
      %swap3A_92 = tpu.vector_load %arg9[%swap3A_90, %swap3A_91] {strides = array<i32>} : memref<200x128xf32, #tpu.memory_space<vmem>>, vector<1x16xf32>,
      %swap3A_93 = vector.shape_cast %swap3A_92 : vector<1x16xf32> to vector<16xf32>
      %swap3A_94 = vector.shape_cast %broadcast_in_dim3A_89 : vector<16xf32> to vector<1x16xf32>
      tpu.vector_store %arg9[%swap3A_90, %swap3A_91], %swap3A_94 {strides = array<i32>} : memref<200x128xf32, #tpu.memory_space<vmem>>, vector<1x16xf32>,
      %broadcast_in_dim3A_95 = arith.constant 0.000000e+00 : f32
      %broadcast_in_dim3A_96 = vector.broadcast %broadcast_in_dim3A_95 : f32 to vector<16xf32>
      %swap3A_97 = arith.index_cast %scan3A_68 : i32 to index
      %swap3A_98 = arith.constant 64 : index
      %swap3A_99 = tpu.vector_load %arg9[%swap3A_97, %swap3A_98] {strides = array<i32>} : memref<200x128xf32, #tpu.memory_space<vmem>>, vector<1x16xf32>,
      %swap3A_100 = vector.shape_cast %swap3A_99 : vector<1x16xf32> to vector<16xf32>
      %swap3A_101 = vector.shape_cast %broadcast_in_dim3A_96 : vector<16xf32> to vector<1x16xf32>
      tpu.vector_store %arg9[%swap3A_97, %swap3A_98], %swap3A_101 {strides = array<i32>} : memref<200x128xf32, #tpu.memory_space<vmem>>, vector<1x16xf32>,
      %broadcast_in_dim3A_102 = arith.constant 0.000000e+00 : f32
      %broadcast_in_dim3A_103 = vector.broadcast %broadcast_in_dim3A_102 : f32 to vector<16xf32>
      %swap3A_104 = arith.index_cast %scan3A_68 : i32 to index
      %swap3A_105 = arith.constant 80 : index
      %swap3A_106 = tpu.vector_load %arg9[%swap3A_104, %swap3A_105] {strides = array<i32>} : memref<200x128xf32, #tpu.memory_space<vmem>>, vector<1x16xf32>,
      %swap3A_107 = vector.shape_cast %swap3A_106 : vector<1x16xf32> to vector<16xf32>
      %swap3A_108 = vector.shape_cast %broadcast_in_dim3A_103 : vector<16xf32> to vector<1x16xf32>
      tpu.vector_store %arg9[%swap3A_104, %swap3A_105], %swap3A_108 {strides = array<i32>} : memref<200x128xf32, #tpu.memory_space<vmem>>, vector<1x16xf32>,
      %broadcast_in_dim3A_109 = arith.constant 0.000000e+00 : f32
      %broadcast_in_dim3A_110 = vector.broadcast %broadcast_in_dim3A_109 : f32 to vector<16xf32>
      %swap3A_111 = arith.index_cast %scan3A_68 : i32 to index
      %swap3A_112 = arith.constant 96 : index
      %swap3A_113 = tpu.vector_load %arg9[%swap3A_111, %swap3A_112] {strides = array<i32>} : memref<200x128xf32, #tpu.memory_space<vmem>>, vector<1x16xf32>,
      %swap3A_114 = vector.shape_cast %swap3A_113 : vector<1x16xf32> to vector<16xf32>
      %swap3A_115 = vector.shape_cast %broadcast_in_dim3A_110 : vector<16xf32> to vector<1x16xf32>
      tpu.vector_store %arg9[%swap3A_111, %swap3A_112], %swap3A_115 {strides = array<i32>} : memref<200x128xf32, #tpu.memory_space<vmem>>, vector<1x16xf32>,
      %broadcast_in_dim3A_116 = arith.constant 0.000000e+00 : f32
      %broadcast_in_dim3A_117 = vector.broadcast %broadcast_in_dim3A_116 : f32 to vector<16xf32>
      %swap3A_118 = arith.index_cast %scan3A_68 : i32 to index
      %swap3A_119 = arith.constant 112 : index
      %swap3A_120 = tpu.vector_load %arg9[%swap3A_118, %swap3A_119] {strides = array<i32>} : memref<200x128xf32, #tpu.memory_space<vmem>>, vector<1x16xf32>,
      %swap3A_121 = vector.shape_cast %swap3A_120 : vector<1x16xf32> to vector<16xf32>
      %swap3A_122 = vector.shape_cast %broadcast_in_dim3A_117 : vector<16xf32> to vector<1x16xf32>
      tpu.vector_store %arg9[%swap3A_118, %swap3A_119], %swap3A_122 {strides = array<i32>} : memref<200x128xf32, #tpu.memory_space<vmem>>, vector<1x16xf32>,
    }
    %scan3A_4 = arith.constant 200 : i32
    %add3A = arith.constant 0 : i32
    %add3A_5 = arith.addi %arg1, %add3A : i32
    %lt3A = arith.constant 50 : i32
    %lt3A_6 = arith.cmpi slt, %add3A_5, %lt3A : i32
    %convert_element_type3A = arith.extui %lt3A_6 : i1 to i32
    %cond3A = arith.constant 0 : i32
    %cond3A_7 = arith.cmpi ne, %convert_element_type3A, %cond3A : i32
    scf.if %cond3A_7 {
      %mul3A_68 = arith.constant 200 : i32
      %mul3A_69 = arith.muli %add3A_5, %mul3A_68 : i32
      "tpu.region"() ({
        %run_scoped3A = tpu.sem_alloc : memref<!tpu.dma_semaphore, #tpu.memory_space<semaphore_mem>>
        %dma_start3A = arith.constant 0 : i32
        %dma_start3A_70 = tpu.memref_slice %arg10[%mul3A_69, %dma_start3A] : memref<10000x128xf32, #tpu.memory_space<vmem_shared>> -> memref<200x128xf32, #tpu.memory_space<vmem_shared>>
        %dma_start3A_71 = arith.constant 0 : i32
        %dma_start3A_72 = tpu.memref_slice %arg10[%mul3A_69, %dma_start3A_71] : memref<10000x128xf32, #tpu.memory_space<vmem_shared>> -> memref<200x128xf32, #tpu.memory_space<vmem_shared>>
        tpu.enqueue_dma source(%arg9 : memref<200x128xf32, #tpu.memory_space<vmem>>) target(%dma_start3A_72 : memref<200x128xf32, #tpu.memory_space<vmem_shared>>) target_semaphore(%run_scoped3A : memref<!tpu.dma_semaphore, #tpu.memory_space<semaphore_mem>>)
        %dma_wait3A = arith.constant 0 : i32
        %dma_wait3A_73 = tpu.memref_slice %arg10[%mul3A_69, %dma_wait3A] : memref<10000x128xf32, #tpu.memory_space<vmem_shared>> -> memref<200x128xf32, #tpu.memory_space<vmem_shared>>
        %dma_wait3A_74 = arith.constant 0 : i32
        %dma_wait3A_75 = tpu.memref_slice %arg10[%mul3A_69, %dma_wait3A_74] : memref<10000x128xf32, #tpu.memory_space<vmem_shared>> -> memref<200x128xf32, #tpu.memory_space<vmem_shared>>
        tpu.wait_dma2 semaphore(%run_scoped3A : memref<!tpu.dma_semaphore, #tpu.memory_space<semaphore_mem>>) src(%arg9 : memref<200x128xf32, #tpu.memory_space<vmem>>) dst(%dma_wait3A_75 : memref<200x128xf32, #tpu.memory_space<vmem_shared>>)
        tpu.yield
      }) : () -> ()
    } else {
    }
    %add3A_8 = arith.constant 16 : i32
    %add3A_9 = arith.addi %arg1, %add3A_8 : i32
    %lt3A_10 = arith.constant 50 : i32
    %lt3A_11 = arith.cmpi slt, %add3A_9, %lt3A_10 : i32
    %convert_element_type3A_12 = arith.extui %lt3A_11 : i1 to i32
    %cond3A_13 = arith.constant 0 : i32
    %cond3A_14 = arith.cmpi ne, %convert_element_type3A_12, %cond3A_13 : i32
    scf.if %cond3A_14 {
      %mul3A_68 = arith.constant 200 : i32
      %mul3A_69 = arith.muli %add3A_9, %mul3A_68 : i32
      "tpu.region"() ({
        %run_scoped3A = tpu.sem_alloc : memref<!tpu.dma_semaphore, #tpu.memory_space<semaphore_mem>>
        %dma_start3A = arith.constant 0 : i32
        %dma_start3A_70 = tpu.memref_slice %arg10[%mul3A_69, %dma_start3A] : memref<10000x128xf32, #tpu.memory_space<vmem_shared>> -> memref<200x128xf32, #tpu.memory_space<vmem_shared>>
        %dma_start3A_71 = arith.constant 0 : i32
        %dma_start3A_72 = tpu.memref_slice %arg10[%mul3A_69, %dma_start3A_71] : memref<10000x128xf32, #tpu.memory_space<vmem_shared>> -> memref<200x128xf32, #tpu.memory_space<vmem_shared>>
        tpu.enqueue_dma source(%arg9 : memref<200x128xf32, #tpu.memory_space<vmem>>) target(%dma_start3A_72 : memref<200x128xf32, #tpu.memory_space<vmem_shared>>) target_semaphore(%run_scoped3A : memref<!tpu.dma_semaphore, #tpu.memory_space<semaphore_mem>>)
        %dma_wait3A = arith.constant 0 : i32
        %dma_wait3A_73 = tpu.memref_slice %arg10[%mul3A_69, %dma_wait3A] : memref<10000x128xf32, #tpu.memory_space<vmem_shared>> -> memref<200x128xf32, #tpu.memory_space<vmem_shared>>
        %dma_wait3A_74 = arith.constant 0 : i32
        %dma_wait3A_75 = tpu.memref_slice %arg10[%mul3A_69, %dma_wait3A_74] : memref<10000x128xf32, #tpu.memory_space<vmem_shared>> -> memref<200x128xf32, #tpu.memory_space<vmem_shared>>
        tpu.wait_dma2 semaphore(%run_scoped3A : memref<!tpu.dma_semaphore, #tpu.memory_space<semaphore_mem>>) src(%arg9 : memref<200x128xf32, #tpu.memory_space<vmem>>) dst(%dma_wait3A_75 : memref<200x128xf32, #tpu.memory_space<vmem_shared>>)
        tpu.yield
      }) : () -> ()
    } else {
    }
    %add3A_15 = arith.constant 32 : i32
    %add3A_16 = arith.addi %arg1, %add3A_15 : i32
    %lt3A_17 = arith.constant 50 : i32
    %lt3A_18 = arith.cmpi slt, %add3A_16, %lt3A_17 : i32
    %convert_element_type3A_19 = arith.extui %lt3A_18 : i1 to i32
    %cond3A_20 = arith.constant 0 : i32
    %cond3A_21 = arith.cmpi ne, %convert_element_type3A_19, %cond3A_20 : i32
    scf.if %cond3A_21 {
      %mul3A_68 = arith.constant 200 : i32
      %mul3A_69 = arith.muli %add3A_16, %mul3A_68 : i32
      "tpu.region"() ({
        %run_scoped3A = tpu.sem_alloc : memref<!tpu.dma_semaphore, #tpu.memory_space<semaphore_mem>>
        %dma_start3A = arith.constant 0 : i32
        %dma_start3A_70 = tpu.memref_slice %arg10[%mul3A_69, %dma_start3A] : memref<10000x128xf32, #tpu.memory_space<vmem_shared>> -> memref<200x128xf32, #tpu.memory_space<vmem_shared>>
        %dma_start3A_71 = arith.constant 0 : i32
        %dma_start3A_72 = tpu.memref_slice %arg10[%mul3A_69, %dma_start3A_71] : memref<10000x128xf32, #tpu.memory_space<vmem_shared>> -> memref<200x128xf32, #tpu.memory_space<vmem_shared>>
        tpu.enqueue_dma source(%arg9 : memref<200x128xf32, #tpu.memory_space<vmem>>) target(%dma_start3A_72 : memref<200x128xf32, #tpu.memory_space<vmem_shared>>) target_semaphore(%run_scoped3A : memref<!tpu.dma_semaphore, #tpu.memory_space<semaphore_mem>>)
        %dma_wait3A = arith.constant 0 : i32
        %dma_wait3A_73 = tpu.memref_slice %arg10[%mul3A_69, %dma_wait3A] : memref<10000x128xf32, #tpu.memory_space<vmem_shared>> -> memref<200x128xf32, #tpu.memory_space<vmem_shared>>
        %dma_wait3A_74 = arith.constant 0 : i32
        %dma_wait3A_75 = tpu.memref_slice %arg10[%mul3A_69, %dma_wait3A_74] : memref<10000x128xf32, #tpu.memory_space<vmem_shared>> -> memref<200x128xf32, #tpu.memory_space<vmem_shared>>
        tpu.wait_dma2 semaphore(%run_scoped3A : memref<!tpu.dma_semaphore, #tpu.memory_space<semaphore_mem>>) src(%arg9 : memref<200x128xf32, #tpu.memory_space<vmem>>) dst(%dma_wait3A_75 : memref<200x128xf32, #tpu.memory_space<vmem_shared>>)
        tpu.yield
      }) : () -> ()
    } else {
    }
    %add3A_22 = arith.constant 48 : i32
    %add3A_23 = arith.addi %arg1, %add3A_22 : i32
    %lt3A_24 = arith.constant 50 : i32
    %lt3A_25 = arith.cmpi slt, %add3A_23, %lt3A_24 : i32
    %convert_element_type3A_26 = arith.extui %lt3A_25 : i1 to i32
    %cond3A_27 = arith.constant 0 : i32
    %cond3A_28 = arith.cmpi ne, %convert_element_type3A_26, %cond3A_27 : i32
    scf.if %cond3A_28 {
      %mul3A_68 = arith.constant 200 : i32
      %mul3A_69 = arith.muli %add3A_23, %mul3A_68 : i32
      "tpu.region"() ({
        %run_scoped3A = tpu.sem_alloc : memref<!tpu.dma_semaphore, #tpu.memory_space<semaphore_mem>>
        %dma_start3A = arith.constant 0 : i32
        %dma_start3A_70 = tpu.memref_slice %arg10[%mul3A_69, %dma_start3A] : memref<10000x128xf32, #tpu.memory_space<vmem_shared>> -> memref<200x128xf32, #tpu.memory_space<vmem_shared>>
        %dma_start3A_71 = arith.constant 0 : i32
        %dma_start3A_72 = tpu.memref_slice %arg10[%mul3A_69, %dma_start3A_71] : memref<10000x128xf32, #tpu.memory_space<vmem_shared>> -> memref<200x128xf32, #tpu.memory_space<vmem_shared>>
        tpu.enqueue_dma source(%arg9 : memref<200x128xf32, #tpu.memory_space<vmem>>) target(%dma_start3A_72 : memref<200x128xf32, #tpu.memory_space<vmem_shared>>) target_semaphore(%run_scoped3A : memref<!tpu.dma_semaphore, #tpu.memory_space<semaphore_mem>>)
        %dma_wait3A = arith.constant 0 : i32
        %dma_wait3A_73 = tpu.memref_slice %arg10[%mul3A_69, %dma_wait3A] : memref<10000x128xf32, #tpu.memory_space<vmem_shared>> -> memref<200x128xf32, #tpu.memory_space<vmem_shared>>
        %dma_wait3A_74 = arith.constant 0 : i32
        %dma_wait3A_75 = tpu.memref_slice %arg10[%mul3A_69, %dma_wait3A_74] : memref<10000x128xf32, #tpu.memory_space<vmem_shared>> -> memref<200x128xf32, #tpu.memory_space<vmem_shared>>
        tpu.wait_dma2 semaphore(%run_scoped3A : memref<!tpu.dma_semaphore, #tpu.memory_space<semaphore_mem>>) src(%arg9 : memref<200x128xf32, #tpu.memory_space<vmem>>) dst(%dma_wait3A_75 : memref<200x128xf32, #tpu.memory_space<vmem_shared>>)
        tpu.yield
      }) : () -> ()
    } else {
    }
    %barrier3A = arith.constant 0 : index
    tpu.barrier barrier_id(%barrier3A)
    %mul3A = arith.constant 2 : i32
    %mul3A_29 = arith.muli %arg1, %mul3A : i32
    %add3A_30 = arith.addi %mul3A_29, %arg0 : i32
    %mul3A_31 = arith.constant 10000 : i32
    %mul3A_32 = arith.muli %add3A_30, %mul3A_31 : i32
    %scan3A_33 = arith.constant 0 : i32
    %scan3A_34 = arith.constant 0 : i32
    %scan3A_35 = arith.constant 50 : i32
    %scan3A_36 = arith.addi %scan3A_34, %scan3A_35 : i32
    %scan3A_37 = arith.constant 1 : i32
    scf.for %scan3A_68 = %scan3A_34 to %scan3A_36 step %scan3A_37  : i32 {
      %mul3A_69 = arith.constant 200 : i32
      %mul3A_70 = arith.muli %scan3A_68, %mul3A_69 : i32
      %add3A_71 = arith.addi %mul3A_32, %mul3A_70 : i32
      "tpu.region"() ({
        %run_scoped3A = tpu.sem_alloc : memref<!tpu.dma_semaphore, #tpu.memory_space<semaphore_mem>>
        %dma_start3A_82 = tpu.memref_slice %arg3[%add3A_71] : memref<320000xi32, #tpu.memory_space<hbm>> -> memref<200xi32, #tpu.memory_space<hbm>>
        %dma_start3A_83 = tpu.memref_slice %arg3[%add3A_71] : memref<320000xi32, #tpu.memory_space<hbm>> -> memref<200xi32, #tpu.memory_space<hbm>>
        tpu.enqueue_dma source(%dma_start3A_83 : memref<200xi32, #tpu.memory_space<hbm>>) target(%arg7 : memref<200xi32, #tpu.memory_space<vmem>>) target_semaphore(%run_scoped3A : memref<!tpu.dma_semaphore, #tpu.memory_space<semaphore_mem>>)
        %dma_wait3A_84 = tpu.memref_slice %arg3[%add3A_71] : memref<320000xi32, #tpu.memory_space<hbm>> -> memref<200xi32, #tpu.memory_space<hbm>>
        %dma_wait3A_85 = tpu.memref_slice %arg3[%add3A_71] : memref<320000xi32, #tpu.memory_space<hbm>> -> memref<200xi32, #tpu.memory_space<hbm>>
        tpu.wait_dma2 semaphore(%run_scoped3A : memref<!tpu.dma_semaphore, #tpu.memory_space<semaphore_mem>>) src(%dma_wait3A_85 : memref<200xi32, #tpu.memory_space<hbm>>) dst(%arg7 : memref<200xi32, #tpu.memory_space<vmem>>)
        tpu.yield
      }) : () -> ()
      "tpu.region"() ({
        %run_scoped3A = tpu.sem_alloc : memref<!tpu.dma_semaphore, #tpu.memory_space<semaphore_mem>>
        %dma_start3A_82 = arith.constant 0 : i32
        %dma_start3A_83 = tpu.memref_slice %arg8[%dma_start3A_82] : memref<216xf32, #tpu.memory_space<vmem>> -> memref<200xf32, #tpu.memory_space<vmem>>
        %dma_start3A_84 = tpu.memref_slice %arg5[%add3A_71] : memref<320000xf32, #tpu.memory_space<hbm>> -> memref<200xf32, #tpu.memory_space<hbm>>
        %dma_start3A_85 = arith.constant 0 : i32
        %dma_start3A_86 = tpu.memref_slice %arg8[%dma_start3A_85] : memref<216xf32, #tpu.memory_space<vmem>> -> memref<200xf32, #tpu.memory_space<vmem>>
        %dma_start3A_87 = tpu.memref_slice %arg5[%add3A_71] : memref<320000xf32, #tpu.memory_space<hbm>> -> memref<200xf32, #tpu.memory_space<hbm>>
        tpu.enqueue_dma source(%dma_start3A_87 : memref<200xf32, #tpu.memory_space<hbm>>) target(%dma_start3A_86 : memref<200xf32, #tpu.memory_space<vmem>>) target_semaphore(%run_scoped3A : memref<!tpu.dma_semaphore, #tpu.memory_space<semaphore_mem>>)
        %dma_wait3A_88 = arith.constant 0 : i32
        %dma_wait3A_89 = tpu.memref_slice %arg8[%dma_wait3A_88] : memref<216xf32, #tpu.memory_space<vmem>> -> memref<200xf32, #tpu.memory_space<vmem>>
        %dma_wait3A_90 = tpu.memref_slice %arg5[%add3A_71] : memref<320000xf32, #tpu.memory_space<hbm>> -> memref<200xf32, #tpu.memory_space<hbm>>
        %dma_wait3A_91 = arith.constant 0 : i32
        %dma_wait3A_92 = tpu.memref_slice %arg8[%dma_wait3A_91] : memref<216xf32, #tpu.memory_space<vmem>> -> memref<200xf32, #tpu.memory_space<vmem>>
        %dma_wait3A_93 = tpu.memref_slice %arg5[%add3A_71] : memref<320000xf32, #tpu.memory_space<hbm>> -> memref<200xf32, #tpu.memory_space<hbm>>
        tpu.wait_dma2 semaphore(%run_scoped3A : memref<!tpu.dma_semaphore, #tpu.memory_space<semaphore_mem>>) src(%dma_wait3A_93 : memref<200xf32, #tpu.memory_space<hbm>>) dst(%dma_wait3A_92 : memref<200xf32, #tpu.memory_space<vmem>>)
        tpu.yield
      }) : () -> ()
      %dma_start3A = arith.constant 0 : i32
      %dma_start3A_72 = arith.constant 0 : i32
      %dma_start3A_73 = tpu.memref_slice %arg2[%dma_start3A, %dma_start3A_72] : memref<10000x128xf32, #tpu.memory_space<hbm>> -> memref<10000x128xf32, #tpu.memory_space<hbm>>
      tpu.enqueue_indirect_dma source(%dma_start3A_73 : memref<10000x128xf32, #tpu.memory_space<hbm>>) target(%arg9 : memref<200x128xf32, #tpu.memory_space<vmem>>) offsets(%arg7 : memref<200xi32, #tpu.memory_space<vmem>>) semaphore(%arg11 : memref<!tpu.dma_semaphore, #tpu.memory_space<semaphore_mem>>)
      %dma_wait3A = arith.constant 0 : i32
      %dma_wait3A_74 = arith.constant 0 : i32
      %dma_wait3A_75 = tpu.memref_slice %arg2[%dma_wait3A, %dma_wait3A_74] : memref<10000x128xf32, #tpu.memory_space<hbm>> -> memref<10000x128xf32, #tpu.memory_space<hbm>>
      tpu.wait_indirect_dma semaphore(%arg11 : memref<!tpu.dma_semaphore, #tpu.memory_space<semaphore_mem>>) src(%dma_wait3A_75 : memref<10000x128xf32, #tpu.memory_space<hbm>>) dst(%arg9 : memref<200x128xf32, #tpu.memory_space<vmem>>)
      %scan3A_76 = arith.constant 0 : i32
      %scan3A_77 = arith.constant 0 : i32
      %scan3A_78 = arith.constant 200 : i32
      %scan3A_79 = arith.addi %scan3A_77, %scan3A_78 : i32
      %scan3A_80 = arith.constant 1 : i32
      scf.for %scan3A_82 = %scan3A_77 to %scan3A_79 step %scan3A_80  : i32 {
        %get3A = arith.index_cast %scan3A_82 : i32 to index
        %get3A_83 = tpu.vector_load %arg8[%get3A] {strides = array<i32>} : memref<216xf32, #tpu.memory_space<vmem>>, vector<16xf32>,
        %get3A_84 = vector.shape_cast %get3A_83 : vector<16xf32> to vector<16xf32>
        %slice3A = vector.extract_strided_slice %get3A_84 {offsets = [0], sizes = [1], strides = [1]} : vector<16xf32> to vector<1xf32>
        %squeeze3A = vector.extract %slice3A[0] : f32 from vector<1xf32>
        %get3A_85 = arith.index_cast %scan3A_82 : i32 to index
        %get3A_86 = arith.constant 0 : index
        %get3A_87 = tpu.vector_load %arg9[%get3A_85, %get3A_86] {strides = array<i32>} : memref<200x128xf32, #tpu.memory_space<vmem>>, vector<1x16xf32>,
        %get3A_88 = vector.shape_cast %get3A_87 : vector<1x16xf32> to vector<16xf32>
        %mul3A_89 = vector.broadcast %squeeze3A : f32 to vector<16xf32>
        %mul3A_90 = arith.mulf %get3A_88, %mul3A_89 : vector<16xf32>
        %swap3A = arith.index_cast %scan3A_82 : i32 to index
        %swap3A_91 = arith.constant 0 : index
        %swap3A_92 = tpu.vector_load %arg9[%swap3A, %swap3A_91] {strides = array<i32>} : memref<200x128xf32, #tpu.memory_space<vmem>>, vector<1x16xf32>,
        %swap3A_93 = vector.shape_cast %swap3A_92 : vector<1x16xf32> to vector<16xf32>
        %swap3A_94 = vector.shape_cast %mul3A_90 : vector<16xf32> to vector<1x16xf32>
        tpu.vector_store %arg9[%swap3A, %swap3A_91], %swap3A_94 {strides = array<i32>} : memref<200x128xf32, #tpu.memory_space<vmem>>, vector<1x16xf32>,
        %get3A_95 = arith.index_cast %scan3A_82 : i32 to index
        %get3A_96 = arith.constant 16 : index
        %get3A_97 = tpu.vector_load %arg9[%get3A_95, %get3A_96] {strides = array<i32>} : memref<200x128xf32, #tpu.memory_space<vmem>>, vector<1x16xf32>,
        %get3A_98 = vector.shape_cast %get3A_97 : vector<1x16xf32> to vector<16xf32>
        %mul3A_99 = vector.broadcast %squeeze3A : f32 to vector<16xf32>
        %mul3A_100 = arith.mulf %get3A_98, %mul3A_99 : vector<16xf32>
        %swap3A_101 = arith.index_cast %scan3A_82 : i32 to index
        %swap3A_102 = arith.constant 16 : index
        %swap3A_103 = tpu.vector_load %arg9[%swap3A_101, %swap3A_102] {strides = array<i32>} : memref<200x128xf32, #tpu.memory_space<vmem>>, vector<1x16xf32>,
        %swap3A_104 = vector.shape_cast %swap3A_103 : vector<1x16xf32> to vector<16xf32>
        %swap3A_105 = vector.shape_cast %mul3A_100 : vector<16xf32> to vector<1x16xf32>
        tpu.vector_store %arg9[%swap3A_101, %swap3A_102], %swap3A_105 {strides = array<i32>} : memref<200x128xf32, #tpu.memory_space<vmem>>, vector<1x16xf32>,
        %get3A_106 = arith.index_cast %scan3A_82 : i32 to index
        %get3A_107 = arith.constant 32 : index
        %get3A_108 = tpu.vector_load %arg9[%get3A_106, %get3A_107] {strides = array<i32>} : memref<200x128xf32, #tpu.memory_space<vmem>>, vector<1x16xf32>,
        %get3A_109 = vector.shape_cast %get3A_108 : vector<1x16xf32> to vector<16xf32>
        %mul3A_110 = vector.broadcast %squeeze3A : f32 to vector<16xf32>
        %mul3A_111 = arith.mulf %get3A_109, %mul3A_110 : vector<16xf32>
        %swap3A_112 = arith.index_cast %scan3A_82 : i32 to index
        %swap3A_113 = arith.constant 32 : index
        %swap3A_114 = tpu.vector_load %arg9[%swap3A_112, %swap3A_113] {strides = array<i32>} : memref<200x128xf32, #tpu.memory_space<vmem>>, vector<1x16xf32>,
        %swap3A_115 = vector.shape_cast %swap3A_114 : vector<1x16xf32> to vector<16xf32>
        %swap3A_116 = vector.shape_cast %mul3A_111 : vector<16xf32> to vector<1x16xf32>
        tpu.vector_store %arg9[%swap3A_112, %swap3A_113], %swap3A_116 {strides = array<i32>} : memref<200x128xf32, #tpu.memory_space<vmem>>, vector<1x16xf32>,
        %get3A_117 = arith.index_cast %scan3A_82 : i32 to index
        %get3A_118 = arith.constant 48 : index
        %get3A_119 = tpu.vector_load %arg9[%get3A_117, %get3A_118] {strides = array<i32>} : memref<200x128xf32, #tpu.memory_space<vmem>>, vector<1x16xf32>,
        %get3A_120 = vector.shape_cast %get3A_119 : vector<1x16xf32> to vector<16xf32>
        %mul3A_121 = vector.broadcast %squeeze3A : f32 to vector<16xf32>
        %mul3A_122 = arith.mulf %get3A_120, %mul3A_121 : vector<16xf32>
        %swap3A_123 = arith.index_cast %scan3A_82 : i32 to index
        %swap3A_124 = arith.constant 48 : index
        %swap3A_125 = tpu.vector_load %arg9[%swap3A_123, %swap3A_124] {strides = array<i32>} : memref<200x128xf32, #tpu.memory_space<vmem>>, vector<1x16xf32>,
        %swap3A_126 = vector.shape_cast %swap3A_125 : vector<1x16xf32> to vector<16xf32>
        %swap3A_127 = vector.shape_cast %mul3A_122 : vector<16xf32> to vector<1x16xf32>
        tpu.vector_store %arg9[%swap3A_123, %swap3A_124], %swap3A_127 {strides = array<i32>} : memref<200x128xf32, #tpu.memory_space<vmem>>, vector<1x16xf32>,
        %get3A_128 = arith.index_cast %scan3A_82 : i32 to index
        %get3A_129 = arith.constant 64 : index
        %get3A_130 = tpu.vector_load %arg9[%get3A_128, %get3A_129] {strides = array<i32>} : memref<200x128xf32, #tpu.memory_space<vmem>>, vector<1x16xf32>,
        %get3A_131 = vector.shape_cast %get3A_130 : vector<1x16xf32> to vector<16xf32>
        %mul3A_132 = vector.broadcast %squeeze3A : f32 to vector<16xf32>
        %mul3A_133 = arith.mulf %get3A_131, %mul3A_132 : vector<16xf32>
        %swap3A_134 = arith.index_cast %scan3A_82 : i32 to index
        %swap3A_135 = arith.constant 64 : index
        %swap3A_136 = tpu.vector_load %arg9[%swap3A_134, %swap3A_135] {strides = array<i32>} : memref<200x128xf32, #tpu.memory_space<vmem>>, vector<1x16xf32>,
        %swap3A_137 = vector.shape_cast %swap3A_136 : vector<1x16xf32> to vector<16xf32>
        %swap3A_138 = vector.shape_cast %mul3A_133 : vector<16xf32> to vector<1x16xf32>
        tpu.vector_store %arg9[%swap3A_134, %swap3A_135], %swap3A_138 {strides = array<i32>} : memref<200x128xf32, #tpu.memory_space<vmem>>, vector<1x16xf32>,
        %get3A_139 = arith.index_cast %scan3A_82 : i32 to index
        %get3A_140 = arith.constant 80 : index
        %get3A_141 = tpu.vector_load %arg9[%get3A_139, %get3A_140] {strides = array<i32>} : memref<200x128xf32, #tpu.memory_space<vmem>>, vector<1x16xf32>,
        %get3A_142 = vector.shape_cast %get3A_141 : vector<1x16xf32> to vector<16xf32>
        %mul3A_143 = vector.broadcast %squeeze3A : f32 to vector<16xf32>
        %mul3A_144 = arith.mulf %get3A_142, %mul3A_143 : vector<16xf32>
        %swap3A_145 = arith.index_cast %scan3A_82 : i32 to index
        %swap3A_146 = arith.constant 80 : index
        %swap3A_147 = tpu.vector_load %arg9[%swap3A_145, %swap3A_146] {strides = array<i32>} : memref<200x128xf32, #tpu.memory_space<vmem>>, vector<1x16xf32>,
        %swap3A_148 = vector.shape_cast %swap3A_147 : vector<1x16xf32> to vector<16xf32>
        %swap3A_149 = vector.shape_cast %mul3A_144 : vector<16xf32> to vector<1x16xf32>
        tpu.vector_store %arg9[%swap3A_145, %swap3A_146], %swap3A_149 {strides = array<i32>} : memref<200x128xf32, #tpu.memory_space<vmem>>, vector<1x16xf32>,
        %get3A_150 = arith.index_cast %scan3A_82 : i32 to index
        %get3A_151 = arith.constant 96 : index
        %get3A_152 = tpu.vector_load %arg9[%get3A_150, %get3A_151] {strides = array<i32>} : memref<200x128xf32, #tpu.memory_space<vmem>>, vector<1x16xf32>,
        %get3A_153 = vector.shape_cast %get3A_152 : vector<1x16xf32> to vector<16xf32>
        %mul3A_154 = vector.broadcast %squeeze3A : f32 to vector<16xf32>
        %mul3A_155 = arith.mulf %get3A_153, %mul3A_154 : vector<16xf32>
        %swap3A_156 = arith.index_cast %scan3A_82 : i32 to index
        %swap3A_157 = arith.constant 96 : index
        %swap3A_158 = tpu.vector_load %arg9[%swap3A_156, %swap3A_157] {strides = array<i32>} : memref<200x128xf32, #tpu.memory_space<vmem>>, vector<1x16xf32>,
        %swap3A_159 = vector.shape_cast %swap3A_158 : vector<1x16xf32> to vector<16xf32>
        %swap3A_160 = vector.shape_cast %mul3A_155 : vector<16xf32> to vector<1x16xf32>
        tpu.vector_store %arg9[%swap3A_156, %swap3A_157], %swap3A_160 {strides = array<i32>} : memref<200x128xf32, #tpu.memory_space<vmem>>, vector<1x16xf32>,
        %get3A_161 = arith.index_cast %scan3A_82 : i32 to index
        %get3A_162 = arith.constant 112 : index
        %get3A_163 = tpu.vector_load %arg9[%get3A_161, %get3A_162] {strides = array<i32>} : memref<200x128xf32, #tpu.memory_space<vmem>>, vector<1x16xf32>,
        %get3A_164 = vector.shape_cast %get3A_163 : vector<1x16xf32> to vector<16xf32>
        %mul3A_165 = vector.broadcast %squeeze3A : f32 to vector<16xf32>
        %mul3A_166 = arith.mulf %get3A_164, %mul3A_165 : vector<16xf32>
        %swap3A_167 = arith.index_cast %scan3A_82 : i32 to index
        %swap3A_168 = arith.constant 112 : index
        %swap3A_169 = tpu.vector_load %arg9[%swap3A_167, %swap3A_168] {strides = array<i32>} : memref<200x128xf32, #tpu.memory_space<vmem>>, vector<1x16xf32>,
        %swap3A_170 = vector.shape_cast %swap3A_169 : vector<1x16xf32> to vector<16xf32>
        %swap3A_171 = vector.shape_cast %mul3A_166 : vector<16xf32> to vector<1x16xf32>
        tpu.vector_store %arg9[%swap3A_167, %swap3A_168], %swap3A_171 {strides = array<i32>} : memref<200x128xf32, #tpu.memory_space<vmem>>, vector<1x16xf32>,
      }
      %scan3A_81 = arith.constant 200 : i32
      "tpu.region"() ({
        %run_scoped3A = tpu.sem_alloc : memref<!tpu.dma_semaphore, #tpu.memory_space<semaphore_mem>>
        %dma_start3A_82 = tpu.memref_slice %arg4[%add3A_71] : memref<320000xi32, #tpu.memory_space<hbm>> -> memref<200xi32, #tpu.memory_space<hbm>>
        %dma_start3A_83 = tpu.memref_slice %arg4[%add3A_71] : memref<320000xi32, #tpu.memory_space<hbm>> -> memref<200xi32, #tpu.memory_space<hbm>>
        tpu.enqueue_dma source(%dma_start3A_83 : memref<200xi32, #tpu.memory_space<hbm>>) target(%arg7 : memref<200xi32, #tpu.memory_space<vmem>>) target_semaphore(%run_scoped3A : memref<!tpu.dma_semaphore, #tpu.memory_space<semaphore_mem>>)
        %dma_wait3A_84 = tpu.memref_slice %arg4[%add3A_71] : memref<320000xi32, #tpu.memory_space<hbm>> -> memref<200xi32, #tpu.memory_space<hbm>>
        %dma_wait3A_85 = tpu.memref_slice %arg4[%add3A_71] : memref<320000xi32, #tpu.memory_space<hbm>> -> memref<200xi32, #tpu.memory_space<hbm>>
        tpu.wait_dma2 semaphore(%run_scoped3A : memref<!tpu.dma_semaphore, #tpu.memory_space<semaphore_mem>>) src(%dma_wait3A_85 : memref<200xi32, #tpu.memory_space<hbm>>) dst(%arg7 : memref<200xi32, #tpu.memory_space<vmem>>)
        tpu.yield
      }) : () -> ()
      "tpu.region"() ({
        %run_scoped3A = tpu.sem_alloc : memref<!tpu.dma_semaphore, #tpu.memory_space<semaphore_mem>>
        %dma_start3A_82 = arith.constant 0 : i32
        %dma_start3A_83 = arith.constant 0 : i32
        %dma_start3A_84 = tpu.memref_slice %arg10[%dma_start3A_82, %dma_start3A_83] : memref<10000x128xf32, #tpu.memory_space<vmem_shared>> -> memref<10000x128xf32, #tpu.memory_space<vmem_shared>>
        tpu.enqueue_indirect_dma source(%arg9 : memref<200x128xf32, #tpu.memory_space<vmem>>) target(%dma_start3A_84 : memref<10000x128xf32, #tpu.memory_space<vmem_shared>>) offsets(%arg7 : memref<200xi32, #tpu.memory_space<vmem>>) semaphore(%run_scoped3A : memref<!tpu.dma_semaphore, #tpu.memory_space<semaphore_mem>>) {add = true}
        %dma_wait3A_85 = arith.constant 0 : i32
        %dma_wait3A_86 = arith.constant 0 : i32
        %dma_wait3A_87 = tpu.memref_slice %arg10[%dma_wait3A_85, %dma_wait3A_86] : memref<10000x128xf32, #tpu.memory_space<vmem_shared>> -> memref<10000x128xf32, #tpu.memory_space<vmem_shared>>
        tpu.wait_indirect_dma semaphore(%run_scoped3A : memref<!tpu.dma_semaphore, #tpu.memory_space<semaphore_mem>>) src(%arg9 : memref<200x128xf32, #tpu.memory_space<vmem>>) dst(%dma_wait3A_87 : memref<10000x128xf32, #tpu.memory_space<vmem_shared>>)
        tpu.yield
      }) : () -> ()
    }
    %scan3A_38 = arith.constant 50 : i32
    %barrier3A_39 = arith.constant 0 : index
    tpu.barrier barrier_id(%barrier3A_39)
    %add3A_40 = arith.constant 0 : i32
    %add3A_41 = arith.addi %arg1, %add3A_40 : i32
    %lt3A_42 = arith.constant 50 : i32
    %lt3A_43 = arith.cmpi slt, %add3A_41, %lt3A_42 : i32
    %convert_element_type3A_44 = arith.extui %lt3A_43 : i1 to i32
    %cond3A_45 = arith.constant 0 : i32
    %cond3A_46 = arith.cmpi ne, %convert_element_type3A_44, %cond3A_45 : i32
    scf.if %cond3A_46 {
      %mul3A_68 = arith.constant 200 : i32
      %mul3A_69 = arith.muli %add3A_41, %mul3A_68 : i32
      %mul3A_70 = arith.constant 200 : i32
      %mul3A_71 = arith.muli %add3A_41, %mul3A_70 : i32
      "tpu.region"() ({
        %run_scoped3A = tpu.sem_alloc : memref<!tpu.dma_semaphore, #tpu.memory_space<semaphore_mem>>
        %dma_start3A = arith.constant 0 : i32
        %dma_start3A_72 = tpu.memref_slice %arg6[%arg0, %mul3A_71, %dma_start3A] : memref<2x10000x128xf32, #tpu.memory_space<hbm>> -> memref<1x200x128xf32, #tpu.memory_space<hbm>>
        %dma_start3A_73 = tpu.memref_squeeze %dma_start3A_72 : memref<1x200x128xf32, #tpu.memory_space<hbm>> -> memref<200x128xf32, #tpu.memory_space<hbm>>
        %dma_start3A_74 = arith.constant 0 : i32
        %dma_start3A_75 = tpu.memref_slice %arg10[%mul3A_69, %dma_start3A_74] : memref<10000x128xf32, #tpu.memory_space<vmem_shared>> -> memref<200x128xf32, #tpu.memory_space<vmem_shared>>
        tpu.enqueue_dma source(%dma_start3A_75 : memref<200x128xf32, #tpu.memory_space<vmem_shared>>) target(%dma_start3A_73 : memref<200x128xf32, #tpu.memory_space<hbm>>) target_semaphore(%run_scoped3A : memref<!tpu.dma_semaphore, #tpu.memory_space<semaphore_mem>>)
        %dma_wait3A = arith.constant 0 : i32
        %dma_wait3A_76 = tpu.memref_slice %arg6[%arg0, %mul3A_71, %dma_wait3A] : memref<2x10000x128xf32, #tpu.memory_space<hbm>> -> memref<1x200x128xf32, #tpu.memory_space<hbm>>
        %dma_wait3A_77 = tpu.memref_squeeze %dma_wait3A_76 : memref<1x200x128xf32, #tpu.memory_space<hbm>> -> memref<200x128xf32, #tpu.memory_space<hbm>>
        %dma_wait3A_78 = arith.constant 0 : i32
        %dma_wait3A_79 = tpu.memref_slice %arg10[%mul3A_69, %dma_wait3A_78] : memref<10000x128xf32, #tpu.memory_space<vmem_shared>> -> memref<200x128xf32, #tpu.memory_space<vmem_shared>>
        tpu.wait_dma2 semaphore(%run_scoped3A : memref<!tpu.dma_semaphore, #tpu.memory_space<semaphore_mem>>) src(%dma_wait3A_79 : memref<200x128xf32, #tpu.memory_space<vmem_shared>>) dst(%dma_wait3A_77 : memref<200x128xf32, #tpu.memory_space<hbm>>)
        tpu.yield
      }) : () -> ()
    } else {
    }
    %add3A_47 = arith.constant 16 : i32
    %add3A_48 = arith.addi %arg1, %add3A_47 : i32
    %lt3A_49 = arith.constant 50 : i32
    %lt3A_50 = arith.cmpi slt, %add3A_48, %lt3A_49 : i32
    %convert_element_type3A_51 = arith.extui %lt3A_50 : i1 to i32
    %cond3A_52 = arith.constant 0 : i32
    %cond3A_53 = arith.cmpi ne, %convert_element_type3A_51, %cond3A_52 : i32
    scf.if %cond3A_53 {
      %mul3A_68 = arith.constant 200 : i32
      %mul3A_69 = arith.muli %add3A_48, %mul3A_68 : i32
      %mul3A_70 = arith.constant 200 : i32
      %mul3A_71 = arith.muli %add3A_48, %mul3A_70 : i32
      "tpu.region"() ({
        %run_scoped3A = tpu.sem_alloc : memref<!tpu.dma_semaphore, #tpu.memory_space<semaphore_mem>>
        %dma_start3A = arith.constant 0 : i32
        %dma_start3A_72 = tpu.memref_slice %arg6[%arg0, %mul3A_71, %dma_start3A] : memref<2x10000x128xf32, #tpu.memory_space<hbm>> -> memref<1x200x128xf32, #tpu.memory_space<hbm>>
        %dma_start3A_73 = tpu.memref_squeeze %dma_start3A_72 : memref<1x200x128xf32, #tpu.memory_space<hbm>> -> memref<200x128xf32, #tpu.memory_space<hbm>>
        %dma_start3A_74 = arith.constant 0 : i32
        %dma_start3A_75 = tpu.memref_slice %arg10[%mul3A_69, %dma_start3A_74] : memref<10000x128xf32, #tpu.memory_space<vmem_shared>> -> memref<200x128xf32, #tpu.memory_space<vmem_shared>>
        tpu.enqueue_dma source(%dma_start3A_75 : memref<200x128xf32, #tpu.memory_space<vmem_shared>>) target(%dma_start3A_73 : memref<200x128xf32, #tpu.memory_space<hbm>>) target_semaphore(%run_scoped3A : memref<!tpu.dma_semaphore, #tpu.memory_space<semaphore_mem>>)
        %dma_wait3A = arith.constant 0 : i32
        %dma_wait3A_76 = tpu.memref_slice %arg6[%arg0, %mul3A_71, %dma_wait3A] : memref<2x10000x128xf32, #tpu.memory_space<hbm>> -> memref<1x200x128xf32, #tpu.memory_space<hbm>>
        %dma_wait3A_77 = tpu.memref_squeeze %dma_wait3A_76 : memref<1x200x128xf32, #tpu.memory_space<hbm>> -> memref<200x128xf32, #tpu.memory_space<hbm>>
        %dma_wait3A_78 = arith.constant 0 : i32
        %dma_wait3A_79 = tpu.memref_slice %arg10[%mul3A_69, %dma_wait3A_78] : memref<10000x128xf32, #tpu.memory_space<vmem_shared>> -> memref<200x128xf32, #tpu.memory_space<vmem_shared>>
        tpu.wait_dma2 semaphore(%run_scoped3A : memref<!tpu.dma_semaphore, #tpu.memory_space<semaphore_mem>>) src(%dma_wait3A_79 : memref<200x128xf32, #tpu.memory_space<vmem_shared>>) dst(%dma_wait3A_77 : memref<200x128xf32, #tpu.memory_space<hbm>>)
        tpu.yield
      }) : () -> ()
    } else {
    }
    %add3A_54 = arith.constant 32 : i32
    %add3A_55 = arith.addi %arg1, %add3A_54 : i32
    %lt3A_56 = arith.constant 50 : i32
    %lt3A_57 = arith.cmpi slt, %add3A_55, %lt3A_56 : i32
    %convert_element_type3A_58 = arith.extui %lt3A_57 : i1 to i32
    %cond3A_59 = arith.constant 0 : i32
    %cond3A_60 = arith.cmpi ne, %convert_element_type3A_58, %cond3A_59 : i32
    scf.if %cond3A_60 {
      %mul3A_68 = arith.constant 200 : i32
      %mul3A_69 = arith.muli %add3A_55, %mul3A_68 : i32
      %mul3A_70 = arith.constant 200 : i32
      %mul3A_71 = arith.muli %add3A_55, %mul3A_70 : i32
      "tpu.region"() ({
        %run_scoped3A = tpu.sem_alloc : memref<!tpu.dma_semaphore, #tpu.memory_space<semaphore_mem>>
        %dma_start3A = arith.constant 0 : i32
        %dma_start3A_72 = tpu.memref_slice %arg6[%arg0, %mul3A_71, %dma_start3A] : memref<2x10000x128xf32, #tpu.memory_space<hbm>> -> memref<1x200x128xf32, #tpu.memory_space<hbm>>
        %dma_start3A_73 = tpu.memref_squeeze %dma_start3A_72 : memref<1x200x128xf32, #tpu.memory_space<hbm>> -> memref<200x128xf32, #tpu.memory_space<hbm>>
        %dma_start3A_74 = arith.constant 0 : i32
        %dma_start3A_75 = tpu.memref_slice %arg10[%mul3A_69, %dma_start3A_74] : memref<10000x128xf32, #tpu.memory_space<vmem_shared>> -> memref<200x128xf32, #tpu.memory_space<vmem_shared>>
        tpu.enqueue_dma source(%dma_start3A_75 : memref<200x128xf32, #tpu.memory_space<vmem_shared>>) target(%dma_start3A_73 : memref<200x128xf32, #tpu.memory_space<hbm>>) target_semaphore(%run_scoped3A : memref<!tpu.dma_semaphore, #tpu.memory_space<semaphore_mem>>)
        %dma_wait3A = arith.constant 0 : i32
        %dma_wait3A_76 = tpu.memref_slice %arg6[%arg0, %mul3A_71, %dma_wait3A] : memref<2x10000x128xf32, #tpu.memory_space<hbm>> -> memref<1x200x128xf32, #tpu.memory_space<hbm>>
        %dma_wait3A_77 = tpu.memref_squeeze %dma_wait3A_76 : memref<1x200x128xf32, #tpu.memory_space<hbm>> -> memref<200x128xf32, #tpu.memory_space<hbm>>
        %dma_wait3A_78 = arith.constant 0 : i32
        %dma_wait3A_79 = tpu.memref_slice %arg10[%mul3A_69, %dma_wait3A_78] : memref<10000x128xf32, #tpu.memory_space<vmem_shared>> -> memref<200x128xf32, #tpu.memory_space<vmem_shared>>
        tpu.wait_dma2 semaphore(%run_scoped3A : memref<!tpu.dma_semaphore, #tpu.memory_space<semaphore_mem>>) src(%dma_wait3A_79 : memref<200x128xf32, #tpu.memory_space<vmem_shared>>) dst(%dma_wait3A_77 : memref<200x128xf32, #tpu.memory_space<hbm>>)
        tpu.yield
      }) : () -> ()
    } else {
    }
    %add3A_61 = arith.constant 48 : i32
    %add3A_62 = arith.addi %arg1, %add3A_61 : i32
    %lt3A_63 = arith.constant 50 : i32
    %lt3A_64 = arith.cmpi slt, %add3A_62, %lt3A_63 : i32
    %convert_element_type3A_65 = arith.extui %lt3A_64 : i1 to i32
    %cond3A_66 = arith.constant 0 : i32
    %cond3A_67 = arith.cmpi ne, %convert_element_type3A_65, %cond3A_66 : i32
    scf.if %cond3A_67 {
      %mul3A_68 = arith.constant 200 : i32
      %mul3A_69 = arith.muli %add3A_62, %mul3A_68 : i32
      %mul3A_70 = arith.constant 200 : i32
      %mul3A_71 = arith.muli %add3A_62, %mul3A_70 : i32
      "tpu.region"() ({
        %run_scoped3A = tpu.sem_alloc : memref<!tpu.dma_semaphore, #tpu.memory_space<semaphore_mem>>
        %dma_start3A = arith.constant 0 : i32
        %dma_start3A_72 = tpu.memref_slice %arg6[%arg0, %mul3A_71, %dma_start3A] : memref<2x10000x128xf32, #tpu.memory_space<hbm>> -> memref<1x200x128xf32, #tpu.memory_space<hbm>>
        %dma_start3A_73 = tpu.memref_squeeze %dma_start3A_72 : memref<1x200x128xf32, #tpu.memory_space<hbm>> -> memref<200x128xf32, #tpu.memory_space<hbm>>
        %dma_start3A_74 = arith.constant 0 : i32
        %dma_start3A_75 = tpu.memref_slice %arg10[%mul3A_69, %dma_start3A_74] : memref<10000x128xf32, #tpu.memory_space<vmem_shared>> -> memref<200x128xf32, #tpu.memory_space<vmem_shared>>
        tpu.enqueue_dma source(%dma_start3A_75 : memref<200x128xf32, #tpu.memory_space<vmem_shared>>) target(%dma_start3A_73 : memref<200x128xf32, #tpu.memory_space<hbm>>) target_semaphore(%run_scoped3A : memref<!tpu.dma_semaphore, #tpu.memory_space<semaphore_mem>>)
        %dma_wait3A = arith.constant 0 : i32
        %dma_wait3A_76 = tpu.memref_slice %arg6[%arg0, %mul3A_71, %dma_wait3A] : memref<2x10000x128xf32, #tpu.memory_space<hbm>> -> memref<1x200x128xf32, #tpu.memory_space<hbm>>
        %dma_wait3A_77 = tpu.memref_squeeze %dma_wait3A_76 : memref<1x200x128xf32, #tpu.memory_space<hbm>> -> memref<200x128xf32, #tpu.memory_space<hbm>>
        %dma_wait3A_78 = arith.constant 0 : i32
        %dma_wait3A_79 = tpu.memref_slice %arg10[%mul3A_69, %dma_wait3A_78] : memref<10000x128xf32, #tpu.memory_space<vmem_shared>> -> memref<200x128xf32, #tpu.memory_space<vmem_shared>>
        tpu.wait_dma2 semaphore(%run_scoped3A : memref<!tpu.dma_semaphore, #tpu.memory_space<semaphore_mem>>) src(%dma_wait3A_79 : memref<200x128xf32, #tpu.memory_space<vmem_shared>>) dst(%dma_wait3A_77 : memref<200x128xf32, #tpu.memory_space<hbm>>)
        tpu.yield
      }) : () -> ()
    } else {
    }
    return
  }
}

module attributes {stable_mosaic.version = 14 : i64} {
  func.func @body(%arg0: i32, %arg1: memref<2000x128xf32, #tpu.memory_space<vmem>>, %arg2: memref<128x64xf32, #tpu.memory_space<vmem>>, %arg3: memref<128x64xf32, #tpu.memory_space<vmem>>, %arg4: memref<1x64xf32, #tpu.memory_space<vmem>>, %arg5: memref<2000x64xf32, #tpu.memory_space<vmem>>, %arg6: memref<2000x64xf32, #tpu.memory_space<vmem>>) attributes {dimension_semantics = [#tpu.dimension_semantics<arbitrary>], iteration_bounds = array<i64: 5>, scalar_prefetch = 0 : i64, scratch_operands = 0 : i64, tpu.core_type = #tpu.core_type<tc>, window_params = [{transform_indices = @transform_0, window_bounds = array<i64: 2000, 128>}, {pipeline_mode = #tpu.pipeline_mode<synchronous>, transform_indices = @transform_1, window_bounds = array<i64: 128, 64>}, {pipeline_mode = #tpu.pipeline_mode<synchronous>, transform_indices = @transform_2, window_bounds = array<i64: 128, 64>}, {pipeline_mode = #tpu.pipeline_mode<synchronous>, transform_indices = @transform_3, window_bounds = array<i64: 1, 64>}, {transform_indices = @transform_4, window_bounds = array<i64: 2000, 64>}, {transform_indices = @transform_5, window_bounds = array<i64: 2000, 64>}]} {
    %get3A = arith.constant 0 : index
    %get3A_0 = arith.constant 0 : index
    %get3A_1 = vector.load %arg1[%get3A, %get3A_0] : memref<2000x128xf32, #tpu.memory_space<vmem>>, vector<2000x128xf32>
    %get3A_2 = arith.constant 0 : index
    %get3A_3 = arith.constant 0 : index
    %get3A_4 = vector.load %arg2[%get3A_2, %get3A_3] : memref<128x64xf32, #tpu.memory_space<vmem>>, vector<128x64xf32>
    %dot_general3A = arith.constant dense<0.000000e+00> : vector<2000x64xf32>
    %dot_general3A_5 = tpu.matmul %get3A_1, %get3A_4, %dot_general3A {dimension_numbers = #tpu.dot_dimension_numbers<[1], [0], [0], [1], [0, 0, 1, 1], [], []>, transpose_lhs_hint = false} : vector<2000x128xf32>, vector<128x64xf32>, vector<2000x64xf32> -> vector<2000x64xf32>
    %swap3A = arith.constant 0 : index
    %swap3A_6 = arith.constant 0 : index
    %swap3A_7 = vector.load %arg5[%swap3A, %swap3A_6] : memref<2000x64xf32, #tpu.memory_space<vmem>>, vector<2000x64xf32>
    tpu.vector_store %arg5[%swap3A, %swap3A_6], %dot_general3A_5 {strides = array<i32>} : memref<2000x64xf32, #tpu.memory_space<vmem>>, vector<2000x64xf32>,
    %get3A_8 = arith.constant 0 : index
    %get3A_9 = arith.constant 0 : index
    %get3A_10 = vector.load %arg3[%get3A_8, %get3A_9] : memref<128x64xf32, #tpu.memory_space<vmem>>, vector<128x64xf32>
    %dot_general3A_11 = arith.constant dense<0.000000e+00> : vector<2000x64xf32>
    %dot_general3A_12 = tpu.matmul %get3A_1, %get3A_10, %dot_general3A_11 {dimension_numbers = #tpu.dot_dimension_numbers<[1], [0], [0], [1], [0, 0, 1, 1], [], []>, transpose_lhs_hint = false} : vector<2000x128xf32>, vector<128x64xf32>, vector<2000x64xf32> -> vector<2000x64xf32>
    %get3A_13 = arith.constant 0 : index
    %get3A_14 = arith.constant 0 : index
    %get3A_15 = vector.load %arg4[%get3A_13, %get3A_14] : memref<1x64xf32, #tpu.memory_space<vmem>>, vector<1x64xf32>
    %add3A = vector.broadcast %get3A_15 : vector<1x64xf32> to vector<2000x64xf32>
    %add3A_16 = arith.addf %dot_general3A_12, %add3A : vector<2000x64xf32>
    %swap3A_17 = arith.constant 0 : index
    %swap3A_18 = arith.constant 0 : index
    %swap3A_19 = vector.load %arg6[%swap3A_17, %swap3A_18] : memref<2000x64xf32, #tpu.memory_space<vmem>>, vector<2000x64xf32>
    tpu.vector_store %arg6[%swap3A_17, %swap3A_18], %add3A_16 {strides = array<i32>} : memref<2000x64xf32, #tpu.memory_space<vmem>>, vector<2000x64xf32>,
    return
  }
  func.func @transform_0(%arg0: i32) -> (i32, i32) {
    %c0_i32 = arith.constant 0 : i32
    %c0_i32_0 = arith.constant 0 : i32
    return %arg0, %c0_i32 : i32, i32
  }
  func.func @transform_1(%arg0: i32) -> (i32, i32) {
    %c0_i32 = arith.constant 0 : i32
    %c0_i32_0 = arith.constant 0 : i32
    %c0_i32_1 = arith.constant 0 : i32
    return %c0_i32, %c0_i32_0 : i32, i32
  }
  func.func @transform_2(%arg0: i32) -> (i32, i32) {
    %c0_i32 = arith.constant 0 : i32
    %c0_i32_0 = arith.constant 0 : i32
    %c0_i32_1 = arith.constant 0 : i32
    return %c0_i32, %c0_i32_0 : i32, i32
  }
  func.func @transform_3(%arg0: i32) -> (i32, i32) {
    %c0_i32 = arith.constant 0 : i32
    %c0_i32_0 = arith.constant 0 : i32
    %c0_i32_1 = arith.constant 0 : i32
    return %c0_i32, %c0_i32_0 : i32, i32
  }
  func.func @transform_4(%arg0: i32) -> (i32, i32) {
    %c0_i32 = arith.constant 0 : i32
    %c0_i32_0 = arith.constant 0 : i32
    return %arg0, %c0_i32 : i32, i32
  }
  func.func @transform_5(%arg0: i32) -> (i32, i32) {
    %c0_i32 = arith.constant 0 : i32
    %c0_i32_0 = arith.constant 0 : i32
    return %arg0, %c0_i32 : i32, i32
  }
}

module attributes {stable_mosaic.version = 14 : i64} {
  func.func @body(%arg0: i32, %arg1: memref<2000x128xf32, #tpu.memory_space<vmem>>, %arg2: memref<128x128xf32, #tpu.memory_space<vmem>>, %arg3: memref<1x128xf32, #tpu.memory_space<vmem>>, %arg4: memref<8x128xf32, #tpu.memory_space<vmem>>, %arg5: memref<1x1xf32, #tpu.memory_space<vmem>>, %arg6: memref<2000x128xf32, #tpu.memory_space<vmem>>, %arg7: memref<1x1x2000xf32, #tpu.memory_space<vmem>>, %arg8: memref<1x1x2000xf32, #tpu.memory_space<vmem>>) attributes {dimension_semantics = [#tpu.dimension_semantics<arbitrary>], iteration_bounds = array<i64: 80>, scalar_prefetch = 0 : i64, scratch_operands = 0 : i64, tpu.core_type = #tpu.core_type<tc>, window_params = [{transform_indices = @transform_0, window_bounds = array<i64: 2000, 128>}, {pipeline_mode = #tpu.pipeline_mode<synchronous>, transform_indices = @transform_1, window_bounds = array<i64: 128, 128>}, {pipeline_mode = #tpu.pipeline_mode<synchronous>, transform_indices = @transform_2, window_bounds = array<i64: 1, 128>}, {pipeline_mode = #tpu.pipeline_mode<synchronous>, transform_indices = @transform_3, window_bounds = array<i64: 8, 128>}, {pipeline_mode = #tpu.pipeline_mode<synchronous>, transform_indices = @transform_4, window_bounds = array<i64: 1, 1>}, {transform_indices = @transform_5, window_bounds = array<i64: 2000, 128>}, {transform_indices = @transform_6, window_bounds = array<i64: 1, 1, 2000>}, {transform_indices = @transform_7, window_bounds = array<i64: 1, 1, 2000>}]} {
    %get3A = arith.constant 0 : index
    %get3A_0 = arith.constant 0 : index
    %get3A_1 = vector.load %arg1[%get3A, %get3A_0] : memref<2000x128xf32, #tpu.memory_space<vmem>>, vector<2000x128xf32>
    %max3A = arith.constant 0.000000e+00 : f32
    %max3A_2 = vector.broadcast %max3A : f32 to vector<2000x128xf32>
    %max3A_3 = arith.maximumf %get3A_1, %max3A_2 : vector<2000x128xf32>
    %get3A_4 = arith.constant 0 : index
    %get3A_5 = arith.constant 0 : index
    %get3A_6 = vector.load %arg2[%get3A_4, %get3A_5] : memref<128x128xf32, #tpu.memory_space<vmem>>, vector<128x128xf32>
    %dot_general3A = arith.constant dense<0.000000e+00> : vector<2000x128xf32>
    %dot_general3A_7 = tpu.matmul %max3A_3, %get3A_6, %dot_general3A {dimension_numbers = #tpu.dot_dimension_numbers<[1], [0], [0], [1], [0, 0, 1, 1], [], []>, transpose_lhs_hint = false} : vector<2000x128xf32>, vector<128x128xf32>, vector<2000x128xf32> -> vector<2000x128xf32>
    %get3A_8 = arith.constant 0 : index
    %get3A_9 = arith.constant 0 : index
    %get3A_10 = vector.load %arg3[%get3A_8, %get3A_9] : memref<1x128xf32, #tpu.memory_space<vmem>>, vector<1x128xf32>
    %add3A = vector.broadcast %get3A_10 : vector<1x128xf32> to vector<2000x128xf32>
    %add3A_11 = arith.addf %dot_general3A_7, %add3A : vector<2000x128xf32>
    %swap3A = arith.constant 0 : index
    %swap3A_12 = arith.constant 0 : index
    %swap3A_13 = vector.load %arg6[%swap3A, %swap3A_12] : memref<2000x128xf32, #tpu.memory_space<vmem>>, vector<2000x128xf32>
    tpu.vector_store %arg6[%swap3A, %swap3A_12], %add3A_11 {strides = array<i32>} : memref<2000x128xf32, #tpu.memory_space<vmem>>, vector<2000x128xf32>,
    %get3A_14 = arith.constant 0 : index
    %get3A_15 = arith.constant 0 : index
    %get3A_16 = vector.load %arg4[%get3A_14, %get3A_15] : memref<8x128xf32, #tpu.memory_space<vmem>>, vector<8x128xf32>
    %dot_general3A_17 = arith.constant dense<0.000000e+00> : vector<8x2000xf32>
    %dot_general3A_18 = tpu.matmul %get3A_16, %add3A_11, %dot_general3A_17 {dimension_numbers = #tpu.dot_dimension_numbers<[1], [1], [0], [0], [0, 0, 1, 0], [], []>, transpose_lhs_hint = false} : vector<8x128xf32>, vector<2000x128xf32>, vector<8x2000xf32> -> vector<8x2000xf32>
    %slice3A = vector.extract_strided_slice %dot_general3A_18 {offsets = [0, 0], sizes = [2, 2000], strides = [1, 1]} : vector<8x2000xf32> to vector<2x2000xf32>
    %get3A_19 = arith.constant 0 : index
    %get3A_20 = arith.constant 0 : index
    %get3A_21 = vector.load %arg5[%get3A_19, %get3A_20] : memref<1x1xf32, #tpu.memory_space<vmem>>, vector<1x1xf32>
    %get3A_22 = vector.extract %get3A_21[0, 0] : f32 from vector<1x1xf32>
    %add3A_23 = vector.broadcast %get3A_22 : f32 to vector<2x2000xf32>
    %add3A_24 = arith.addf %slice3A, %add3A_23 : vector<2x2000xf32>
    %logistic3A = arith.negf %add3A_24 : vector<2x2000xf32>
    %logistic3A_25 = math.exp %logistic3A : vector<2x2000xf32>
    %logistic3A_26 = arith.constant 1.000000e+00 : f32
    %logistic3A_27 = vector.broadcast %logistic3A_26 : f32 to vector<2x2000xf32>
    %logistic3A_28 = arith.addf %logistic3A_27, %logistic3A_25 : vector<2x2000xf32>
    %logistic3A_29 = arith.divf %logistic3A_27, %logistic3A_28 : vector<2x2000xf32>
    %slice3A_30 = vector.extract_strided_slice %logistic3A_29 {offsets = [0, 0], sizes = [1, 2000], strides = [1, 1]} : vector<2x2000xf32> to vector<1x2000xf32>
    %reshape3A = vector.shape_cast %slice3A_30 : vector<1x2000xf32> to vector<1x1x2000xf32>
    %swap3A_31 = arith.constant 0 : index
    %swap3A_32 = arith.constant 0 : index
    %swap3A_33 = arith.constant 0 : index
    %swap3A_34 = vector.load %arg7[%swap3A_31, %swap3A_32, %swap3A_33] : memref<1x1x2000xf32, #tpu.memory_space<vmem>>, vector<1x1x2000xf32>
    tpu.vector_store %arg7[%swap3A_31, %swap3A_32, %swap3A_33], %reshape3A {strides = array<i32>} : memref<1x1x2000xf32, #tpu.memory_space<vmem>>, vector<1x1x2000xf32>,
    %slice3A_35 = vector.extract_strided_slice %logistic3A_29 {offsets = [1, 0], sizes = [1, 2000], strides = [1, 1]} : vector<2x2000xf32> to vector<1x2000xf32>
    %reshape3A_36 = vector.shape_cast %slice3A_35 : vector<1x2000xf32> to vector<1x1x2000xf32>
    %swap3A_37 = arith.constant 0 : index
    %swap3A_38 = arith.constant 0 : index
    %swap3A_39 = arith.constant 0 : index
    %swap3A_40 = vector.load %arg8[%swap3A_37, %swap3A_38, %swap3A_39] : memref<1x1x2000xf32, #tpu.memory_space<vmem>>, vector<1x1x2000xf32>
    tpu.vector_store %arg8[%swap3A_37, %swap3A_38, %swap3A_39], %reshape3A_36 {strides = array<i32>} : memref<1x1x2000xf32, #tpu.memory_space<vmem>>, vector<1x1x2000xf32>,
    return
  }
  func.func @transform_0(%arg0: i32) -> (i32, i32) {
    %c0_i32 = arith.constant 0 : i32
    %c0_i32_0 = arith.constant 0 : i32
    return %arg0, %c0_i32 : i32, i32
  }
  func.func @transform_1(%arg0: i32) -> (i32, i32) {
    %c0_i32 = arith.constant 0 : i32
    %c0_i32_0 = arith.constant 0 : i32
    %c0_i32_1 = arith.constant 0 : i32
    return %c0_i32, %c0_i32_0 : i32, i32
  }
  func.func @transform_2(%arg0: i32) -> (i32, i32) {
    %c0_i32 = arith.constant 0 : i32
    %c0_i32_0 = arith.constant 0 : i32
    %c0_i32_1 = arith.constant 0 : i32
    return %c0_i32, %c0_i32_0 : i32, i32
  }
  func.func @transform_3(%arg0: i32) -> (i32, i32) {
    %c0_i32 = arith.constant 0 : i32
    %c0_i32_0 = arith.constant 0 : i32
    %c0_i32_1 = arith.constant 0 : i32
    return %c0_i32, %c0_i32_0 : i32, i32
  }
  func.func @transform_4(%arg0: i32) -> (i32, i32) {
    %c0_i32 = arith.constant 0 : i32
    %c0_i32_0 = arith.constant 0 : i32
    %c0_i32_1 = arith.constant 0 : i32
    return %c0_i32, %c0_i32_0 : i32, i32
  }
  func.func @transform_5(%arg0: i32) -> (i32, i32) {
    %c0_i32 = arith.constant 0 : i32
    %c0_i32_0 = arith.constant 0 : i32
    return %arg0, %c0_i32 : i32, i32
  }
  func.func @transform_6(%arg0: i32) -> (i32, i32, i32) {
    %c0_i32 = arith.constant 0 : i32
    %c0_i32_0 = arith.constant 0 : i32
    %c0_i32_1 = arith.constant 0 : i32
    return %arg0, %c0_i32, %c0_i32_0 : i32, i32, i32
  }
  func.func @transform_7(%arg0: i32) -> (i32, i32, i32) {
    %c0_i32 = arith.constant 0 : i32
    %c0_i32_0 = arith.constant 0 : i32
    %c0_i32_1 = arith.constant 0 : i32
    return %arg0, %c0_i32, %c0_i32_0 : i32, i32, i32
  }
}

module attributes {stable_mosaic.version = 14 : i64} {
  func.func @body(%arg0: i32, %arg1: memref<2x2000x1xf32, #tpu.memory_space<vmem>>, %arg2: memref<2000x128xf32, #tpu.memory_space<vmem>>, %arg3: memref<128x128xf32, #tpu.memory_space<vmem>>, %arg4: memref<2000x1xf32, #tpu.memory_space<vmem>>, %arg5: memref<2000x128xf32, #tpu.memory_space<vmem>>) attributes {dimension_semantics = [#tpu.dimension_semantics<arbitrary>], iteration_bounds = array<i64: 5>, scalar_prefetch = 0 : i64, scratch_operands = 0 : i64, tpu.core_type = #tpu.core_type<tc>, window_params = [{transform_indices = @transform_0, window_bounds = array<i64: 2, 2000, 1>}, {transform_indices = @transform_1, window_bounds = array<i64: 2000, 128>}, {pipeline_mode = #tpu.pipeline_mode<synchronous>, transform_indices = @transform_2, window_bounds = array<i64: 128, 128>}, {transform_indices = @transform_3, window_bounds = array<i64: 2000, 1>}, {transform_indices = @transform_4, window_bounds = array<i64: 2000, 128>}]} {
    %get3A = arith.constant 0 : index
    %get3A_0 = arith.constant 0 : index
    %get3A_1 = arith.constant 0 : index
    %get3A_2 = vector.load %arg1[%get3A, %get3A_0, %get3A_1] : memref<2x2000x1xf32, #tpu.memory_space<vmem>>, vector<1x2000x1xf32>
    %get3A_3 = vector.shape_cast %get3A_2 : vector<1x2000x1xf32> to vector<2000x1xf32>
    %add3A = arith.constant 1.000000e+00 : f32
    %add3A_4 = vector.broadcast %add3A : f32 to vector<2000x1xf32>
    %add3A_5 = arith.addf %add3A_4, %get3A_3 : vector<2000x1xf32>
    %get3A_6 = arith.constant 1 : index
    %get3A_7 = arith.constant 0 : index
    %get3A_8 = arith.constant 0 : index
    %get3A_9 = vector.load %arg1[%get3A_6, %get3A_7, %get3A_8] : memref<2x2000x1xf32, #tpu.memory_space<vmem>>, vector<1x2000x1xf32>
    %get3A_10 = vector.shape_cast %get3A_9 : vector<1x2000x1xf32> to vector<2000x1xf32>
    %add3A_11 = arith.addf %add3A_5, %get3A_10 : vector<2000x1xf32>
    %rsqrt3A = math.rsqrt %add3A_11 : vector<2000x1xf32>
    %swap3A = arith.constant 0 : index
    %swap3A_12 = arith.constant 0 : index
    %swap3A_13 = vector.load %arg4[%swap3A, %swap3A_12] : memref<2000x1xf32, #tpu.memory_space<vmem>>, vector<2000x1xf32>
    tpu.vector_store %arg4[%swap3A, %swap3A_12], %rsqrt3A {strides = array<i32>} : memref<2000x1xf32, #tpu.memory_space<vmem>>, vector<2000x1xf32>,
    %get3A_14 = arith.constant 0 : index
    %get3A_15 = arith.constant 0 : index
    %get3A_16 = vector.load %arg2[%get3A_14, %get3A_15] : memref<2000x128xf32, #tpu.memory_space<vmem>>, vector<2000x128xf32>
    %get3A_17 = arith.constant 0 : index
    %get3A_18 = arith.constant 0 : index
    %get3A_19 = vector.load %arg3[%get3A_17, %get3A_18] : memref<128x128xf32, #tpu.memory_space<vmem>>, vector<128x128xf32>
    %dot_general3A = arith.constant dense<0.000000e+00> : vector<2000x128xf32>
    %dot_general3A_20 = tpu.matmul %get3A_16, %get3A_19, %dot_general3A {dimension_numbers = #tpu.dot_dimension_numbers<[1], [0], [0], [1], [0, 0, 1, 1], [], []>, transpose_lhs_hint = false} : vector<2000x128xf32>, vector<128x128xf32>, vector<2000x128xf32> -> vector<2000x128xf32>
    %mul3A = vector.broadcast %rsqrt3A : vector<2000x1xf32> to vector<2000x128xf32>
    %mul3A_21 = arith.mulf %dot_general3A_20, %mul3A : vector<2000x128xf32>
    %swap3A_22 = arith.constant 0 : index
    %swap3A_23 = arith.constant 0 : index
    %swap3A_24 = vector.load %arg5[%swap3A_22, %swap3A_23] : memref<2000x128xf32, #tpu.memory_space<vmem>>, vector<2000x128xf32>
    tpu.vector_store %arg5[%swap3A_22, %swap3A_23], %mul3A_21 {strides = array<i32>} : memref<2000x128xf32, #tpu.memory_space<vmem>>, vector<2000x128xf32>,
    return
  }
  func.func @transform_0(%arg0: i32) -> (i32, i32, i32) {
    %c0_i32 = arith.constant 0 : i32
    %c0_i32_0 = arith.constant 0 : i32
    %c0_i32_1 = arith.constant 0 : i32
    return %c0_i32, %arg0, %c0_i32_0 : i32, i32, i32
  }
  func.func @transform_1(%arg0: i32) -> (i32, i32) {
    %c0_i32 = arith.constant 0 : i32
    %c0_i32_0 = arith.constant 0 : i32
    return %arg0, %c0_i32 : i32, i32
  }
  func.func @transform_2(%arg0: i32) -> (i32, i32) {
    %c0_i32 = arith.constant 0 : i32
    %c0_i32_0 = arith.constant 0 : i32
    %c0_i32_1 = arith.constant 0 : i32
    return %c0_i32, %c0_i32_0 : i32, i32
  }
  func.func @transform_3(%arg0: i32) -> (i32, i32) {
    %c0_i32 = arith.constant 0 : i32
    %c0_i32_0 = arith.constant 0 : i32
    return %arg0, %c0_i32 : i32, i32
  }
  func.func @transform_4(%arg0: i32) -> (i32, i32) {
    %c0_i32 = arith.constant 0 : i32
    %c0_i32_0 = arith.constant 0 : i32
    return %arg0, %c0_i32 : i32, i32
  }
}

module attributes {stable_mosaic.version = 14 : i64} {
  func.func @body(%arg0: i32, %arg1: memref<2x2000x128xf32, #tpu.memory_space<vmem>>, %arg2: memref<2000x128xf32, #tpu.memory_space<vmem>>, %arg3: memref<2000x1xf32, #tpu.memory_space<vmem>>, %arg4: memref<1x128xf32, #tpu.memory_space<vmem>>, %arg5: memref<1x128xf32, #tpu.memory_space<vmem>>, %arg6: memref<1x128xf32, #tpu.memory_space<vmem>>, %arg7: memref<128x128xf32, #tpu.memory_space<vmem>>, %arg8: memref<128x128xf32, #tpu.memory_space<vmem>>, %arg9: memref<1x128xf32, #tpu.memory_space<vmem>>, %arg10: memref<128x128xf32, #tpu.memory_space<vmem>>, %arg11: memref<2000x128xf32, #tpu.memory_space<vmem>>, %arg12: memref<2000x128xf32, #tpu.memory_space<vmem>>, %arg13: memref<2000x128xf32, #tpu.memory_space<vmem>>) attributes {dimension_semantics = [#tpu.dimension_semantics<arbitrary>], iteration_bounds = array<i64: 5>, scalar_prefetch = 0 : i64, scratch_operands = 0 : i64, tpu.core_type = #tpu.core_type<tc>, window_params = [{transform_indices = @transform_0, window_bounds = array<i64: 2, 2000, 128>}, {transform_indices = @transform_1, window_bounds = array<i64: 2000, 128>}, {transform_indices = @transform_2, window_bounds = array<i64: 2000, 1>}, {pipeline_mode = #tpu.pipeline_mode<synchronous>, transform_indices = @transform_3, window_bounds = array<i64: 1, 128>}, {pipeline_mode = #tpu.pipeline_mode<synchronous>, transform_indices = @transform_4, window_bounds = array<i64: 1, 128>}, {pipeline_mode = #tpu.pipeline_mode<synchronous>, transform_indices = @transform_5, window_bounds = array<i64: 1, 128>}, {pipeline_mode = #tpu.pipeline_mode<synchronous>, transform_indices = @transform_6, window_bounds = array<i64: 128, 128>}, {pipeline_mode = #tpu.pipeline_mode<synchronous>, transform_indices = @transform_7, window_bounds = array<i64: 128, 128>}, {pipeline_mode = #tpu.pipeline_mode<synchronous>, transform_indices = @transform_8, window_bounds = array<i64: 1, 128>}, {pipeline_mode = #tpu.pipeline_mode<synchronous>, transform_indices = @transform_9, window_bounds = array<i64: 128, 128>}, {transform_indices = @transform_10, window_bounds = array<i64: 2000, 128>}, {transform_indices = @transform_11, window_bounds = array<i64: 2000, 128>}, {transform_indices = @transform_12, window_bounds = array<i64: 2000, 128>}]} {
    %get3A = arith.constant 0 : index
    %get3A_0 = arith.constant 0 : index
    %get3A_1 = vector.load %arg3[%get3A, %get3A_0] : memref<2000x1xf32, #tpu.memory_space<vmem>>, vector<2000x1xf32>
    %get3A_2 = arith.constant 0 : index
    %get3A_3 = arith.constant 0 : index
    %get3A_4 = arith.constant 0 : index
    %get3A_5 = vector.load %arg1[%get3A_2, %get3A_3, %get3A_4] : memref<2x2000x128xf32, #tpu.memory_space<vmem>>, vector<1x2000x128xf32>
    %get3A_6 = vector.shape_cast %get3A_5 : vector<1x2000x128xf32> to vector<2000x128xf32>
    %get3A_7 = arith.constant 1 : index
    %get3A_8 = arith.constant 0 : index
    %get3A_9 = arith.constant 0 : index
    %get3A_10 = vector.load %arg1[%get3A_7, %get3A_8, %get3A_9] : memref<2x2000x128xf32, #tpu.memory_space<vmem>>, vector<1x2000x128xf32>
    %get3A_11 = vector.shape_cast %get3A_10 : vector<1x2000x128xf32> to vector<2000x128xf32>
    %add3A = arith.addf %get3A_6, %get3A_11 : vector<2000x128xf32>
    %get3A_12 = arith.constant 0 : index
    %get3A_13 = arith.constant 0 : index
    %get3A_14 = vector.load %arg2[%get3A_12, %get3A_13] : memref<2000x128xf32, #tpu.memory_space<vmem>>, vector<2000x128xf32>
    %add3A_15 = arith.addf %add3A, %get3A_14 : vector<2000x128xf32>
    %mul3A = vector.broadcast %get3A_1 : vector<2000x1xf32> to vector<2000x128xf32>
    %mul3A_16 = arith.mulf %mul3A, %add3A_15 : vector<2000x128xf32>
    %get3A_17 = arith.constant 0 : index
    %get3A_18 = arith.constant 0 : index
    %get3A_19 = vector.load %arg4[%get3A_17, %get3A_18] : memref<1x128xf32, #tpu.memory_space<vmem>>, vector<1x128xf32>
    %add3A_20 = vector.broadcast %get3A_19 : vector<1x128xf32> to vector<2000x128xf32>
    %add3A_21 = arith.addf %mul3A_16, %add3A_20 : vector<2000x128xf32>
    %mul3A_22 = arith.constant 5.000000e-01 : f32
    %mul3A_23 = vector.broadcast %mul3A_22 : f32 to vector<2000x128xf32>
    %mul3A_24 = arith.mulf %mul3A_23, %add3A_21 : vector<2000x128xf32>
    %mul3A_25 = arith.constant 0.707106769 : f32
    %mul3A_26 = vector.broadcast %mul3A_25 : f32 to vector<2000x128xf32>
    %mul3A_27 = arith.mulf %add3A_21, %mul3A_26 : vector<2000x128xf32>
    %erf3A = math.erf %mul3A_27 : vector<2000x128xf32>
    %add3A_28 = arith.constant 1.000000e+00 : f32
    %add3A_29 = vector.broadcast %add3A_28 : f32 to vector<2000x128xf32>
    %add3A_30 = arith.addf %add3A_29, %erf3A : vector<2000x128xf32>
    %mul3A_31 = arith.mulf %mul3A_24, %add3A_30 : vector<2000x128xf32>
    %reduce_sum3A = arith.constant dense<0.000000e+00> : vector<2000xf32>
    %reduce_sum3A_32 = vector.multi_reduction <add>, %mul3A_31, %reduce_sum3A [1] : vector<2000x128xf32> to vector<2000xf32>
    %broadcast_in_dim3A = vector.shape_cast %reduce_sum3A_32 : vector<2000xf32> to vector<2000x1xf32>
    %div3A = arith.constant 1.280000e+02 : f32
    %div3A_33 = vector.broadcast %div3A : f32 to vector<2000x1xf32>
    %div3A_34 = arith.divf %broadcast_in_dim3A, %div3A_33 : vector<2000x1xf32>
    %sub3A = vector.broadcast %div3A_34 : vector<2000x1xf32> to vector<2000x128xf32>
    %sub3A_35 = arith.subf %mul3A_31, %sub3A : vector<2000x128xf32>
    %integer_pow3A = arith.mulf %sub3A_35, %sub3A_35 : vector<2000x128xf32>
    %reduce_sum3A_36 = arith.constant dense<0.000000e+00> : vector<2000xf32>
    %reduce_sum3A_37 = vector.multi_reduction <add>, %integer_pow3A, %reduce_sum3A_36 [1] : vector<2000x128xf32> to vector<2000xf32>
    %broadcast_in_dim3A_38 = vector.shape_cast %reduce_sum3A_37 : vector<2000xf32> to vector<2000x1xf32>
    %div3A_39 = arith.constant 1.280000e+02 : f32
    %div3A_40 = vector.broadcast %div3A_39 : f32 to vector<2000x1xf32>
    %div3A_41 = arith.divf %broadcast_in_dim3A_38, %div3A_40 : vector<2000x1xf32>
    %sub3A_42 = vector.broadcast %div3A_34 : vector<2000x1xf32> to vector<2000x128xf32>
    %sub3A_43 = arith.subf %mul3A_31, %sub3A_42 : vector<2000x128xf32>
    %add3A_44 = arith.constant 9.99999974E-6 : f32
    %add3A_45 = vector.broadcast %add3A_44 : f32 to vector<2000x1xf32>
    %add3A_46 = arith.addf %div3A_41, %add3A_45 : vector<2000x1xf32>
    %rsqrt3A = math.rsqrt %add3A_46 : vector<2000x1xf32>
    %mul3A_47 = vector.broadcast %rsqrt3A : vector<2000x1xf32> to vector<2000x128xf32>
    %mul3A_48 = arith.mulf %sub3A_43, %mul3A_47 : vector<2000x128xf32>
    %get3A_49 = arith.constant 0 : index
    %get3A_50 = arith.constant 0 : index
    %get3A_51 = vector.load %arg5[%get3A_49, %get3A_50] : memref<1x128xf32, #tpu.memory_space<vmem>>, vector<1x128xf32>
    %mul3A_52 = vector.broadcast %get3A_51 : vector<1x128xf32> to vector<2000x128xf32>
    %mul3A_53 = arith.mulf %mul3A_48, %mul3A_52 : vector<2000x128xf32>
    %get3A_54 = arith.constant 0 : index
    %get3A_55 = arith.constant 0 : index
    %get3A_56 = vector.load %arg6[%get3A_54, %get3A_55] : memref<1x128xf32, #tpu.memory_space<vmem>>, vector<1x128xf32>
    %add3A_57 = vector.broadcast %get3A_56 : vector<1x128xf32> to vector<2000x128xf32>
    %add3A_58 = arith.addf %mul3A_53, %add3A_57 : vector<2000x128xf32>
    %get3A_59 = arith.constant 0 : index
    %get3A_60 = arith.constant 0 : index
    %get3A_61 = vector.load %arg7[%get3A_59, %get3A_60] : memref<128x128xf32, #tpu.memory_space<vmem>>, vector<128x128xf32>
    %dot_general3A = arith.constant dense<0.000000e+00> : vector<2000x128xf32>
    %dot_general3A_62 = tpu.matmul %add3A_58, %get3A_61, %dot_general3A {dimension_numbers = #tpu.dot_dimension_numbers<[1], [0], [0], [1], [0, 0, 1, 1], [], []>, transpose_lhs_hint = false} : vector<2000x128xf32>, vector<128x128xf32>, vector<2000x128xf32> -> vector<2000x128xf32>
    %swap3A = arith.constant 0 : index
    %swap3A_63 = arith.constant 0 : index
    %swap3A_64 = vector.load %arg11[%swap3A, %swap3A_63] : memref<2000x128xf32, #tpu.memory_space<vmem>>, vector<2000x128xf32>
    tpu.vector_store %arg11[%swap3A, %swap3A_63], %dot_general3A_62 {strides = array<i32>} : memref<2000x128xf32, #tpu.memory_space<vmem>>, vector<2000x128xf32>,
    %get3A_65 = arith.constant 0 : index
    %get3A_66 = arith.constant 0 : index
    %get3A_67 = vector.load %arg8[%get3A_65, %get3A_66] : memref<128x128xf32, #tpu.memory_space<vmem>>, vector<128x128xf32>
    %dot_general3A_68 = arith.constant dense<0.000000e+00> : vector<2000x128xf32>
    %dot_general3A_69 = tpu.matmul %add3A_58, %get3A_67, %dot_general3A_68 {dimension_numbers = #tpu.dot_dimension_numbers<[1], [0], [0], [1], [0, 0, 1, 1], [], []>, transpose_lhs_hint = false} : vector<2000x128xf32>, vector<128x128xf32>, vector<2000x128xf32> -> vector<2000x128xf32>
    %get3A_70 = arith.constant 0 : index
    %get3A_71 = arith.constant 0 : index
    %get3A_72 = vector.load %arg9[%get3A_70, %get3A_71] : memref<1x128xf32, #tpu.memory_space<vmem>>, vector<1x128xf32>
    %add3A_73 = vector.broadcast %get3A_72 : vector<1x128xf32> to vector<2000x128xf32>
    %add3A_74 = arith.addf %dot_general3A_69, %add3A_73 : vector<2000x128xf32>
    %swap3A_75 = arith.constant 0 : index
    %swap3A_76 = arith.constant 0 : index
    %swap3A_77 = vector.load %arg12[%swap3A_75, %swap3A_76] : memref<2000x128xf32, #tpu.memory_space<vmem>>, vector<2000x128xf32>
    tpu.vector_store %arg12[%swap3A_75, %swap3A_76], %add3A_74 {strides = array<i32>} : memref<2000x128xf32, #tpu.memory_space<vmem>>, vector<2000x128xf32>,
    %get3A_78 = arith.constant 0 : index
    %get3A_79 = arith.constant 0 : index
    %get3A_80 = vector.load %arg10[%get3A_78, %get3A_79] : memref<128x128xf32, #tpu.memory_space<vmem>>, vector<128x128xf32>
    %dot_general3A_81 = arith.constant dense<0.000000e+00> : vector<2000x128xf32>
    %dot_general3A_82 = tpu.matmul %add3A_58, %get3A_80, %dot_general3A_81 {dimension_numbers = #tpu.dot_dimension_numbers<[1], [0], [0], [1], [0, 0, 1, 1], [], []>, transpose_lhs_hint = false} : vector<2000x128xf32>, vector<128x128xf32>, vector<2000x128xf32> -> vector<2000x128xf32>
    %swap3A_83 = arith.constant 0 : index
    %swap3A_84 = arith.constant 0 : index
    %swap3A_85 = vector.load %arg13[%swap3A_83, %swap3A_84] : memref<2000x128xf32, #tpu.memory_space<vmem>>, vector<2000x128xf32>
    tpu.vector_store %arg13[%swap3A_83, %swap3A_84], %dot_general3A_82 {strides = array<i32>} : memref<2000x128xf32, #tpu.memory_space<vmem>>, vector<2000x128xf32>,
    return
  }
  func.func @transform_0(%arg0: i32) -> (i32, i32, i32) {
    %c0_i32 = arith.constant 0 : i32
    %c0_i32_0 = arith.constant 0 : i32
    %c0_i32_1 = arith.constant 0 : i32
    return %c0_i32, %arg0, %c0_i32_0 : i32, i32, i32
  }
  func.func @transform_1(%arg0: i32) -> (i32, i32) {
    %c0_i32 = arith.constant 0 : i32
    %c0_i32_0 = arith.constant 0 : i32
    return %arg0, %c0_i32 : i32, i32
  }
  func.func @transform_2(%arg0: i32) -> (i32, i32) {
    %c0_i32 = arith.constant 0 : i32
    %c0_i32_0 = arith.constant 0 : i32
    return %arg0, %c0_i32 : i32, i32
  }
  func.func @transform_3(%arg0: i32) -> (i32, i32) {
    %c0_i32 = arith.constant 0 : i32
    %c0_i32_0 = arith.constant 0 : i32
    %c0_i32_1 = arith.constant 0 : i32
    return %c0_i32, %c0_i32_0 : i32, i32
  }
  func.func @transform_4(%arg0: i32) -> (i32, i32) {
    %c0_i32 = arith.constant 0 : i32
    %c0_i32_0 = arith.constant 0 : i32
    %c0_i32_1 = arith.constant 0 : i32
    return %c0_i32, %c0_i32_0 : i32, i32
  }
  func.func @transform_5(%arg0: i32) -> (i32, i32) {
    %c0_i32 = arith.constant 0 : i32
    %c0_i32_0 = arith.constant 0 : i32
    %c0_i32_1 = arith.constant 0 : i32
    return %c0_i32, %c0_i32_0 : i32, i32
  }
  func.func @transform_6(%arg0: i32) -> (i32, i32) {
    %c0_i32 = arith.constant 0 : i32
    %c0_i32_0 = arith.constant 0 : i32
    %c0_i32_1 = arith.constant 0 : i32
    return %c0_i32, %c0_i32_0 : i32, i32
  }
  func.func @transform_7(%arg0: i32) -> (i32, i32) {
    %c0_i32 = arith.constant 0 : i32
    %c0_i32_0 = arith.constant 0 : i32
    %c0_i32_1 = arith.constant 0 : i32
    return %c0_i32, %c0_i32_0 : i32, i32
  }
  func.func @transform_8(%arg0: i32) -> (i32, i32) {
    %c0_i32 = arith.constant 0 : i32
    %c0_i32_0 = arith.constant 0 : i32
    %c0_i32_1 = arith.constant 0 : i32
    return %c0_i32, %c0_i32_0 : i32, i32
  }
  func.func @transform_9(%arg0: i32) -> (i32, i32) {
    %c0_i32 = arith.constant 0 : i32
    %c0_i32_0 = arith.constant 0 : i32
    %c0_i32_1 = arith.constant 0 : i32
    return %c0_i32, %c0_i32_0 : i32, i32
  }
  func.func @transform_10(%arg0: i32) -> (i32, i32) {
    %c0_i32 = arith.constant 0 : i32
    %c0_i32_0 = arith.constant 0 : i32
    return %arg0, %c0_i32 : i32, i32
  }
  func.func @transform_11(%arg0: i32) -> (i32, i32) {
    %c0_i32 = arith.constant 0 : i32
    %c0_i32_0 = arith.constant 0 : i32
    return %arg0, %c0_i32 : i32, i32
  }
  func.func @transform_12(%arg0: i32) -> (i32, i32) {
    %c0_i32 = arith.constant 0 : i32
    %c0_i32_0 = arith.constant 0 : i32
    return %arg0, %c0_i32 : i32, i32
  }
}

module attributes {stable_mosaic.version = 14 : i64} {
  func.func @body(%arg0: i32, %arg1: memref<2000x128xf32, #tpu.memory_space<vmem>>, %arg2: memref<2000x128xf32, #tpu.memory_space<vmem>>, %arg3: memref<2000x128xf32, #tpu.memory_space<vmem>>, %arg4: memref<64x128xf32, #tpu.memory_space<vmem>>, %arg5: memref<128x64xf32, #tpu.memory_space<vmem>>, %arg6: memref<1x64xf32, #tpu.memory_space<vmem>>, %arg7: memref<8x64xf32, #tpu.memory_space<vmem>>, %arg8: memref<8x64xf32, #tpu.memory_space<vmem>>, %arg9: memref<1x1xf32, #tpu.memory_space<vmem>>, %arg10: memref<1x1x2000xf32, #tpu.memory_space<vmem>>, %arg11: memref<1x1x2000xf32, #tpu.memory_space<vmem>>) attributes {dimension_semantics = [#tpu.dimension_semantics<arbitrary>], iteration_bounds = array<i64: 80>, scalar_prefetch = 0 : i64, scratch_operands = 0 : i64, tpu.core_type = #tpu.core_type<tc>, window_params = [{transform_indices = @transform_0, window_bounds = array<i64: 2000, 128>}, {transform_indices = @transform_1, window_bounds = array<i64: 2000, 128>}, {transform_indices = @transform_2, window_bounds = array<i64: 2000, 128>}, {pipeline_mode = #tpu.pipeline_mode<synchronous>, transform_indices = @transform_3, window_bounds = array<i64: 64, 128>}, {pipeline_mode = #tpu.pipeline_mode<synchronous>, transform_indices = @transform_4, window_bounds = array<i64: 128, 64>}, {pipeline_mode = #tpu.pipeline_mode<synchronous>, transform_indices = @transform_5, window_bounds = array<i64: 1, 64>}, {pipeline_mode = #tpu.pipeline_mode<synchronous>, transform_indices = @transform_6, window_bounds = array<i64: 8, 64>}, {pipeline_mode = #tpu.pipeline_mode<synchronous>, transform_indices = @transform_7, window_bounds = array<i64: 8, 64>}, {pipeline_mode = #tpu.pipeline_mode<synchronous>, transform_indices = @transform_8, window_bounds = array<i64: 1, 1>}, {transform_indices = @transform_9, window_bounds = array<i64: 1, 1, 2000>}, {transform_indices = @transform_10, window_bounds = array<i64: 1, 1, 2000>}]} {
    %get3A = arith.constant 0 : index
    %get3A_0 = arith.constant 0 : index
    %get3A_1 = vector.load %arg3[%get3A, %get3A_0] : memref<2000x128xf32, #tpu.memory_space<vmem>>, vector<2000x128xf32>
    %get3A_2 = arith.constant 0 : index
    %get3A_3 = arith.constant 0 : index
    %get3A_4 = vector.load %arg1[%get3A_2, %get3A_3] : memref<2000x128xf32, #tpu.memory_space<vmem>>, vector<2000x128xf32>
    %slice3A = vector.extract_strided_slice %get3A_1 {offsets = [0, 0], sizes = [2000, 64], strides = [1, 1]} : vector<2000x128xf32> to vector<2000x64xf32>
    %get3A_5 = arith.constant 0 : index
    %get3A_6 = arith.constant 0 : index
    %get3A_7 = vector.load %arg4[%get3A_5, %get3A_6] : memref<64x128xf32, #tpu.memory_space<vmem>>, vector<64x128xf32>
    %dot_general3A = arith.constant dense<0.000000e+00> : vector<2000x128xf32>
    %dot_general3A_8 = tpu.matmul %slice3A, %get3A_7, %dot_general3A {dimension_numbers = #tpu.dot_dimension_numbers<[1], [0], [0], [1], [0, 0, 1, 1], [], []>, transpose_lhs_hint = false} : vector<2000x64xf32>, vector<64x128xf32>, vector<2000x128xf32> -> vector<2000x128xf32>
    %add3A = arith.addf %get3A_4, %dot_general3A_8 : vector<2000x128xf32>
    %max3A = arith.constant 0.000000e+00 : f32
    %max3A_9 = vector.broadcast %max3A : f32 to vector<2000x128xf32>
    %max3A_10 = arith.maximumf %add3A, %max3A_9 : vector<2000x128xf32>
    %get3A_11 = arith.constant 0 : index
    %get3A_12 = arith.constant 0 : index
    %get3A_13 = vector.load %arg5[%get3A_11, %get3A_12] : memref<128x64xf32, #tpu.memory_space<vmem>>, vector<128x64xf32>
    %dot_general3A_14 = arith.constant dense<0.000000e+00> : vector<2000x64xf32>
    %dot_general3A_15 = tpu.matmul %max3A_10, %get3A_13, %dot_general3A_14 {dimension_numbers = #tpu.dot_dimension_numbers<[1], [0], [0], [1], [0, 0, 1, 1], [], []>, transpose_lhs_hint = false} : vector<2000x128xf32>, vector<128x64xf32>, vector<2000x64xf32> -> vector<2000x64xf32>
    %get3A_16 = arith.constant 0 : index
    %get3A_17 = arith.constant 0 : index
    %get3A_18 = vector.load %arg6[%get3A_16, %get3A_17] : memref<1x64xf32, #tpu.memory_space<vmem>>, vector<1x64xf32>
    %add3A_19 = vector.broadcast %get3A_18 : vector<1x64xf32> to vector<2000x64xf32>
    %add3A_20 = arith.addf %dot_general3A_15, %add3A_19 : vector<2000x64xf32>
    %add3A_21 = arith.addf %slice3A, %add3A_20 : vector<2000x64xf32>
    %get3A_22 = arith.constant 0 : index
    %get3A_23 = arith.constant 0 : index
    %get3A_24 = vector.load %arg7[%get3A_22, %get3A_23] : memref<8x64xf32, #tpu.memory_space<vmem>>, vector<8x64xf32>
    %dot_general3A_25 = arith.constant dense<0.000000e+00> : vector<8x2000xf32>
    %dot_general3A_26 = tpu.matmul %get3A_24, %add3A_21, %dot_general3A_25 {dimension_numbers = #tpu.dot_dimension_numbers<[1], [1], [0], [0], [0, 0, 1, 0], [], []>, transpose_lhs_hint = false} : vector<8x64xf32>, vector<2000x64xf32>, vector<8x2000xf32> -> vector<8x2000xf32>
    %get3A_27 = arith.constant 0 : index
    %get3A_28 = arith.constant 0 : index
    %get3A_29 = vector.load %arg8[%get3A_27, %get3A_28] : memref<8x64xf32, #tpu.memory_space<vmem>>, vector<8x64xf32>
    %mul3A = arith.mulf %add3A_21, %add3A_21 : vector<2000x64xf32>
    %dot_general3A_30 = arith.constant dense<0.000000e+00> : vector<8x2000xf32>
    %dot_general3A_31 = tpu.matmul %get3A_29, %mul3A, %dot_general3A_30 {dimension_numbers = #tpu.dot_dimension_numbers<[1], [1], [0], [0], [0, 0, 1, 0], [], []>, transpose_lhs_hint = false} : vector<8x64xf32>, vector<2000x64xf32>, vector<8x2000xf32> -> vector<8x2000xf32>
    %slice3A_32 = vector.extract_strided_slice %dot_general3A_26 {offsets = [0, 0], sizes = [1, 2000], strides = [1, 1]} : vector<8x2000xf32> to vector<1x2000xf32>
    %slice3A_33 = vector.extract_strided_slice %dot_general3A_26 {offsets = [1, 0], sizes = [1, 2000], strides = [1, 1]} : vector<8x2000xf32> to vector<1x2000xf32>
    %slice3A_34 = vector.extract_strided_slice %dot_general3A_31 {offsets = [0, 0], sizes = [1, 2000], strides = [1, 1]} : vector<8x2000xf32> to vector<1x2000xf32>
    %mul3A_35 = arith.constant 1.562500e-02 : f32
    %mul3A_36 = vector.broadcast %mul3A_35 : f32 to vector<1x2000xf32>
    %mul3A_37 = arith.mulf %slice3A_32, %mul3A_36 : vector<1x2000xf32>
    %mul3A_38 = arith.constant 1.562500e-02 : f32
    %mul3A_39 = vector.broadcast %mul3A_38 : f32 to vector<1x2000xf32>
    %mul3A_40 = arith.mulf %slice3A_34, %mul3A_39 : vector<1x2000xf32>
    %mul3A_41 = arith.mulf %mul3A_37, %mul3A_37 : vector<1x2000xf32>
    %sub3A = arith.subf %mul3A_40, %mul3A_41 : vector<1x2000xf32>
    %add3A_42 = arith.constant 9.99999974E-6 : f32
    %add3A_43 = vector.broadcast %add3A_42 : f32 to vector<1x2000xf32>
    %add3A_44 = arith.addf %sub3A, %add3A_43 : vector<1x2000xf32>
    %rsqrt3A = math.rsqrt %add3A_44 : vector<1x2000xf32>
    %mul3A_45 = arith.mulf %slice3A_33, %rsqrt3A : vector<1x2000xf32>
    %get3A_46 = arith.constant 0 : index
    %get3A_47 = arith.constant 0 : index
    %get3A_48 = vector.load %arg9[%get3A_46, %get3A_47] : memref<1x1xf32, #tpu.memory_space<vmem>>, vector<1x1xf32>
    %get3A_49 = vector.extract %get3A_48[0, 0] : f32 from vector<1x1xf32>
    %add3A_50 = vector.broadcast %get3A_49 : f32 to vector<1x2000xf32>
    %add3A_51 = arith.addf %mul3A_45, %add3A_50 : vector<1x2000xf32>
    %logistic3A = arith.negf %add3A_51 : vector<1x2000xf32>
    %logistic3A_52 = math.exp %logistic3A : vector<1x2000xf32>
    %logistic3A_53 = arith.constant 1.000000e+00 : f32
    %logistic3A_54 = vector.broadcast %logistic3A_53 : f32 to vector<1x2000xf32>
    %logistic3A_55 = arith.addf %logistic3A_54, %logistic3A_52 : vector<1x2000xf32>
    %logistic3A_56 = arith.divf %logistic3A_54, %logistic3A_55 : vector<1x2000xf32>
    %reshape3A = vector.shape_cast %logistic3A_56 : vector<1x2000xf32> to vector<1x1x2000xf32>
    %swap3A = arith.constant 0 : index
    %swap3A_57 = arith.constant 0 : index
    %swap3A_58 = arith.constant 0 : index
    %swap3A_59 = vector.load %arg10[%swap3A, %swap3A_57, %swap3A_58] : memref<1x1x2000xf32, #tpu.memory_space<vmem>>, vector<1x1x2000xf32>
    tpu.vector_store %arg10[%swap3A, %swap3A_57, %swap3A_58], %reshape3A {strides = array<i32>} : memref<1x1x2000xf32, #tpu.memory_space<vmem>>, vector<1x1x2000xf32>,
    %get3A_60 = arith.constant 0 : index
    %get3A_61 = arith.constant 0 : index
    %get3A_62 = vector.load %arg2[%get3A_60, %get3A_61] : memref<2000x128xf32, #tpu.memory_space<vmem>>, vector<2000x128xf32>
    %slice3A_63 = vector.extract_strided_slice %get3A_1 {offsets = [0, 64], sizes = [2000, 64], strides = [1, 1]} : vector<2000x128xf32> to vector<2000x64xf32>
    %get3A_64 = arith.constant 0 : index
    %get3A_65 = arith.constant 0 : index
    %get3A_66 = vector.load %arg4[%get3A_64, %get3A_65] : memref<64x128xf32, #tpu.memory_space<vmem>>, vector<64x128xf32>
    %dot_general3A_67 = arith.constant dense<0.000000e+00> : vector<2000x128xf32>
    %dot_general3A_68 = tpu.matmul %slice3A_63, %get3A_66, %dot_general3A_67 {dimension_numbers = #tpu.dot_dimension_numbers<[1], [0], [0], [1], [0, 0, 1, 1], [], []>, transpose_lhs_hint = false} : vector<2000x64xf32>, vector<64x128xf32>, vector<2000x128xf32> -> vector<2000x128xf32>
    %add3A_69 = arith.addf %get3A_62, %dot_general3A_68 : vector<2000x128xf32>
    %max3A_70 = arith.constant 0.000000e+00 : f32
    %max3A_71 = vector.broadcast %max3A_70 : f32 to vector<2000x128xf32>
    %max3A_72 = arith.maximumf %add3A_69, %max3A_71 : vector<2000x128xf32>
    %get3A_73 = arith.constant 0 : index
    %get3A_74 = arith.constant 0 : index
    %get3A_75 = vector.load %arg5[%get3A_73, %get3A_74] : memref<128x64xf32, #tpu.memory_space<vmem>>, vector<128x64xf32>
    %dot_general3A_76 = arith.constant dense<0.000000e+00> : vector<2000x64xf32>
    %dot_general3A_77 = tpu.matmul %max3A_72, %get3A_75, %dot_general3A_76 {dimension_numbers = #tpu.dot_dimension_numbers<[1], [0], [0], [1], [0, 0, 1, 1], [], []>, transpose_lhs_hint = false} : vector<2000x128xf32>, vector<128x64xf32>, vector<2000x64xf32> -> vector<2000x64xf32>
    %get3A_78 = arith.constant 0 : index
    %get3A_79 = arith.constant 0 : index
    %get3A_80 = vector.load %arg6[%get3A_78, %get3A_79] : memref<1x64xf32, #tpu.memory_space<vmem>>, vector<1x64xf32>
    %add3A_81 = vector.broadcast %get3A_80 : vector<1x64xf32> to vector<2000x64xf32>
    %add3A_82 = arith.addf %dot_general3A_77, %add3A_81 : vector<2000x64xf32>
    %add3A_83 = arith.addf %slice3A_63, %add3A_82 : vector<2000x64xf32>
    %get3A_84 = arith.constant 0 : index
    %get3A_85 = arith.constant 0 : index
    %get3A_86 = vector.load %arg7[%get3A_84, %get3A_85] : memref<8x64xf32, #tpu.memory_space<vmem>>, vector<8x64xf32>
    %dot_general3A_87 = arith.constant dense<0.000000e+00> : vector<8x2000xf32>
    %dot_general3A_88 = tpu.matmul %get3A_86, %add3A_83, %dot_general3A_87 {dimension_numbers = #tpu.dot_dimension_numbers<[1], [1], [0], [0], [0, 0, 1, 0], [], []>, transpose_lhs_hint = false} : vector<8x64xf32>, vector<2000x64xf32>, vector<8x2000xf32> -> vector<8x2000xf32>
    %get3A_89 = arith.constant 0 : index
    %get3A_90 = arith.constant 0 : index
    %get3A_91 = vector.load %arg8[%get3A_89, %get3A_90] : memref<8x64xf32, #tpu.memory_space<vmem>>, vector<8x64xf32>
    %mul3A_92 = arith.mulf %add3A_83, %add3A_83 : vector<2000x64xf32>
    %dot_general3A_93 = arith.constant dense<0.000000e+00> : vector<8x2000xf32>
    %dot_general3A_94 = tpu.matmul %get3A_91, %mul3A_92, %dot_general3A_93 {dimension_numbers = #tpu.dot_dimension_numbers<[1], [1], [0], [0], [0, 0, 1, 0], [], []>, transpose_lhs_hint = false} : vector<8x64xf32>, vector<2000x64xf32>, vector<8x2000xf32> -> vector<8x2000xf32>
    %slice3A_95 = vector.extract_strided_slice %dot_general3A_88 {offsets = [0, 0], sizes = [1, 2000], strides = [1, 1]} : vector<8x2000xf32> to vector<1x2000xf32>
    %slice3A_96 = vector.extract_strided_slice %dot_general3A_88 {offsets = [1, 0], sizes = [1, 2000], strides = [1, 1]} : vector<8x2000xf32> to vector<1x2000xf32>
    %slice3A_97 = vector.extract_strided_slice %dot_general3A_94 {offsets = [0, 0], sizes = [1, 2000], strides = [1, 1]} : vector<8x2000xf32> to vector<1x2000xf32>
    %mul3A_98 = arith.constant 1.562500e-02 : f32
    %mul3A_99 = vector.broadcast %mul3A_98 : f32 to vector<1x2000xf32>
    %mul3A_100 = arith.mulf %slice3A_95, %mul3A_99 : vector<1x2000xf32>
    %mul3A_101 = arith.constant 1.562500e-02 : f32
    %mul3A_102 = vector.broadcast %mul3A_101 : f32 to vector<1x2000xf32>
    %mul3A_103 = arith.mulf %slice3A_97, %mul3A_102 : vector<1x2000xf32>
    %mul3A_104 = arith.mulf %mul3A_100, %mul3A_100 : vector<1x2000xf32>
    %sub3A_105 = arith.subf %mul3A_103, %mul3A_104 : vector<1x2000xf32>
    %add3A_106 = arith.constant 9.99999974E-6 : f32
    %add3A_107 = vector.broadcast %add3A_106 : f32 to vector<1x2000xf32>
    %add3A_108 = arith.addf %sub3A_105, %add3A_107 : vector<1x2000xf32>
    %rsqrt3A_109 = math.rsqrt %add3A_108 : vector<1x2000xf32>
    %mul3A_110 = arith.mulf %slice3A_96, %rsqrt3A_109 : vector<1x2000xf32>
    %get3A_111 = arith.constant 0 : index
    %get3A_112 = arith.constant 0 : index
    %get3A_113 = vector.load %arg9[%get3A_111, %get3A_112] : memref<1x1xf32, #tpu.memory_space<vmem>>, vector<1x1xf32>
    %get3A_114 = vector.extract %get3A_113[0, 0] : f32 from vector<1x1xf32>
    %add3A_115 = vector.broadcast %get3A_114 : f32 to vector<1x2000xf32>
    %add3A_116 = arith.addf %mul3A_110, %add3A_115 : vector<1x2000xf32>
    %logistic3A_117 = arith.negf %add3A_116 : vector<1x2000xf32>
    %logistic3A_118 = math.exp %logistic3A_117 : vector<1x2000xf32>
    %logistic3A_119 = arith.constant 1.000000e+00 : f32
    %logistic3A_120 = vector.broadcast %logistic3A_119 : f32 to vector<1x2000xf32>
    %logistic3A_121 = arith.addf %logistic3A_120, %logistic3A_118 : vector<1x2000xf32>
    %logistic3A_122 = arith.divf %logistic3A_120, %logistic3A_121 : vector<1x2000xf32>
    %reshape3A_123 = vector.shape_cast %logistic3A_122 : vector<1x2000xf32> to vector<1x1x2000xf32>
    %swap3A_124 = arith.constant 0 : index
    %swap3A_125 = arith.constant 0 : index
    %swap3A_126 = arith.constant 0 : index
    %swap3A_127 = vector.load %arg11[%swap3A_124, %swap3A_125, %swap3A_126] : memref<1x1x2000xf32, #tpu.memory_space<vmem>>, vector<1x1x2000xf32>
    tpu.vector_store %arg11[%swap3A_124, %swap3A_125, %swap3A_126], %reshape3A_123 {strides = array<i32>} : memref<1x1x2000xf32, #tpu.memory_space<vmem>>, vector<1x1x2000xf32>,
    return
  }
  func.func @transform_0(%arg0: i32) -> (i32, i32) {
    %c0_i32 = arith.constant 0 : i32
    %c0_i32_0 = arith.constant 0 : i32
    return %arg0, %c0_i32 : i32, i32
  }
  func.func @transform_1(%arg0: i32) -> (i32, i32) {
    %add3A = arith.constant 80 : i32
    %add3A_0 = arith.addi %arg0, %add3A : i32
    %c0_i32 = arith.constant 0 : i32
    %c0_i32_1 = arith.constant 0 : i32
    return %add3A_0, %c0_i32 : i32, i32
  }
  func.func @transform_2(%arg0: i32) -> (i32, i32) {
    %c0_i32 = arith.constant 0 : i32
    %c0_i32_0 = arith.constant 0 : i32
    return %arg0, %c0_i32 : i32, i32
  }
  func.func @transform_3(%arg0: i32) -> (i32, i32) {
    %c0_i32 = arith.constant 0 : i32
    %c0_i32_0 = arith.constant 0 : i32
    %c0_i32_1 = arith.constant 0 : i32
    return %c0_i32, %c0_i32_0 : i32, i32
  }
  func.func @transform_4(%arg0: i32) -> (i32, i32) {
    %c0_i32 = arith.constant 0 : i32
    %c0_i32_0 = arith.constant 0 : i32
    %c0_i32_1 = arith.constant 0 : i32
    return %c0_i32, %c0_i32_0 : i32, i32
  }
  func.func @transform_5(%arg0: i32) -> (i32, i32) {
    %c0_i32 = arith.constant 0 : i32
    %c0_i32_0 = arith.constant 0 : i32
    %c0_i32_1 = arith.constant 0 : i32
    return %c0_i32, %c0_i32_0 : i32, i32
  }
  func.func @transform_6(%arg0: i32) -> (i32, i32) {
    %c0_i32 = arith.constant 0 : i32
    %c0_i32_0 = arith.constant 0 : i32
    %c0_i32_1 = arith.constant 0 : i32
    return %c0_i32, %c0_i32_0 : i32, i32
  }
  func.func @transform_7(%arg0: i32) -> (i32, i32) {
    %c0_i32 = arith.constant 0 : i32
    %c0_i32_0 = arith.constant 0 : i32
    %c0_i32_1 = arith.constant 0 : i32
    return %c0_i32, %c0_i32_0 : i32, i32
  }
  func.func @transform_8(%arg0: i32) -> (i32, i32) {
    %c0_i32 = arith.constant 0 : i32
    %c0_i32_0 = arith.constant 0 : i32
    %c0_i32_1 = arith.constant 0 : i32
    return %c0_i32, %c0_i32_0 : i32, i32
  }
  func.func @transform_9(%arg0: i32) -> (i32, i32, i32) {
    %c0_i32 = arith.constant 0 : i32
    %c0_i32_0 = arith.constant 0 : i32
    %c0_i32_1 = arith.constant 0 : i32
    return %arg0, %c0_i32, %c0_i32_0 : i32, i32, i32
  }
  func.func @transform_10(%arg0: i32) -> (i32, i32, i32) {
    %c0_i32 = arith.constant 0 : i32
    %c0_i32_0 = arith.constant 0 : i32
    %c0_i32_1 = arith.constant 0 : i32
    return %arg0, %c0_i32, %c0_i32_0 : i32, i32, i32
  }
}

module attributes {stable_mosaic.version = 14 : i64} {
  func.func @_scale_body(%arg0: i32, %arg1: memref<2x2000x1xf32, #tpu.memory_space<vmem>>, %arg2: memref<2000x128xf32, #tpu.memory_space<vmem>>, %arg3: memref<2000x1xf32, #tpu.memory_space<vmem>>, %arg4: memref<2000x128xf32, #tpu.memory_space<vmem>>) attributes {dimension_semantics = [#tpu.dimension_semantics<arbitrary>], iteration_bounds = array<i64: 5>, scalar_prefetch = 0 : i64, scratch_operands = 0 : i64, tpu.core_type = #tpu.core_type<tc>, window_params = [{transform_indices = @transform_0, window_bounds = array<i64: 2, 2000, 1>}, {transform_indices = @transform_1, window_bounds = array<i64: 2000, 128>}, {transform_indices = @transform_2, window_bounds = array<i64: 2000, 1>}, {transform_indices = @transform_3, window_bounds = array<i64: 2000, 128>}]} {
    %get3A = arith.constant 0 : index
    %get3A_0 = arith.constant 0 : index
    %get3A_1 = arith.constant 0 : index
    %get3A_2 = vector.load %arg1[%get3A, %get3A_0, %get3A_1] : memref<2x2000x1xf32, #tpu.memory_space<vmem>>, vector<1x2000x1xf32>
    %get3A_3 = vector.shape_cast %get3A_2 : vector<1x2000x1xf32> to vector<2000x1xf32>
    %add3A = arith.constant 1.000000e+00 : f32
    %add3A_4 = vector.broadcast %add3A : f32 to vector<2000x1xf32>
    %add3A_5 = arith.addf %add3A_4, %get3A_3 : vector<2000x1xf32>
    %get3A_6 = arith.constant 1 : index
    %get3A_7 = arith.constant 0 : index
    %get3A_8 = arith.constant 0 : index
    %get3A_9 = vector.load %arg1[%get3A_6, %get3A_7, %get3A_8] : memref<2x2000x1xf32, #tpu.memory_space<vmem>>, vector<1x2000x1xf32>
    %get3A_10 = vector.shape_cast %get3A_9 : vector<1x2000x1xf32> to vector<2000x1xf32>
    %add3A_11 = arith.addf %add3A_5, %get3A_10 : vector<2000x1xf32>
    %rsqrt3A = math.rsqrt %add3A_11 : vector<2000x1xf32>
    %swap3A = arith.constant 0 : index
    %swap3A_12 = arith.constant 0 : index
    %swap3A_13 = vector.load %arg3[%swap3A, %swap3A_12] : memref<2000x1xf32, #tpu.memory_space<vmem>>, vector<2000x1xf32>
    tpu.vector_store %arg3[%swap3A, %swap3A_12], %rsqrt3A {strides = array<i32>} : memref<2000x1xf32, #tpu.memory_space<vmem>>, vector<2000x1xf32>,
    %get3A_14 = arith.constant 0 : index
    %get3A_15 = arith.constant 0 : index
    %get3A_16 = vector.load %arg2[%get3A_14, %get3A_15] : memref<2000x128xf32, #tpu.memory_space<vmem>>, vector<2000x128xf32>
    %mul3A = vector.broadcast %rsqrt3A : vector<2000x1xf32> to vector<2000x128xf32>
    %mul3A_17 = arith.mulf %get3A_16, %mul3A : vector<2000x128xf32>
    %swap3A_18 = arith.constant 0 : index
    %swap3A_19 = arith.constant 0 : index
    %swap3A_20 = vector.load %arg4[%swap3A_18, %swap3A_19] : memref<2000x128xf32, #tpu.memory_space<vmem>>, vector<2000x128xf32>
    tpu.vector_store %arg4[%swap3A_18, %swap3A_19], %mul3A_17 {strides = array<i32>} : memref<2000x128xf32, #tpu.memory_space<vmem>>, vector<2000x128xf32>,
    return
  }
  func.func @transform_0(%arg0: i32) -> (i32, i32, i32) {
    %c0_i32 = arith.constant 0 : i32
    %c0_i32_0 = arith.constant 0 : i32
    %c0_i32_1 = arith.constant 0 : i32
    return %c0_i32, %arg0, %c0_i32_0 : i32, i32, i32
  }
  func.func @transform_1(%arg0: i32) -> (i32, i32) {
    %c0_i32 = arith.constant 0 : i32
    %c0_i32_0 = arith.constant 0 : i32
    return %arg0, %c0_i32 : i32, i32
  }
  func.func @transform_2(%arg0: i32) -> (i32, i32) {
    %c0_i32 = arith.constant 0 : i32
    %c0_i32_0 = arith.constant 0 : i32
    return %arg0, %c0_i32 : i32, i32
  }
  func.func @transform_3(%arg0: i32) -> (i32, i32) {
    %c0_i32 = arith.constant 0 : i32
    %c0_i32_0 = arith.constant 0 : i32
    return %arg0, %c0_i32 : i32, i32
  }
}

module attributes {stable_mosaic.version = 14 : i64} {
  func.func @body(%arg0: i32, %arg1: memref<2x2000x128xf32, #tpu.memory_space<vmem>>, %arg2: memref<2000x128xf32, #tpu.memory_space<vmem>>, %arg3: memref<2000x1xf32, #tpu.memory_space<vmem>>, %arg4: memref<1x128xf32, #tpu.memory_space<vmem>>, %arg5: memref<1x128xf32, #tpu.memory_space<vmem>>, %arg6: memref<1x128xf32, #tpu.memory_space<vmem>>, %arg7: memref<2000x128xf32, #tpu.memory_space<vmem>>) attributes {dimension_semantics = [#tpu.dimension_semantics<arbitrary>], iteration_bounds = array<i64: 5>, scalar_prefetch = 0 : i64, scratch_operands = 0 : i64, tpu.core_type = #tpu.core_type<tc>, window_params = [{transform_indices = @transform_0, window_bounds = array<i64: 2, 2000, 128>}, {transform_indices = @transform_1, window_bounds = array<i64: 2000, 128>}, {transform_indices = @transform_2, window_bounds = array<i64: 2000, 1>}, {pipeline_mode = #tpu.pipeline_mode<synchronous>, transform_indices = @transform_3, window_bounds = array<i64: 1, 128>}, {pipeline_mode = #tpu.pipeline_mode<synchronous>, transform_indices = @transform_4, window_bounds = array<i64: 1, 128>}, {pipeline_mode = #tpu.pipeline_mode<synchronous>, transform_indices = @transform_5, window_bounds = array<i64: 1, 128>}, {transform_indices = @transform_6, window_bounds = array<i64: 2000, 128>}]} {
    %get3A = arith.constant 0 : index
    %get3A_0 = arith.constant 0 : index
    %get3A_1 = vector.load %arg3[%get3A, %get3A_0] : memref<2000x1xf32, #tpu.memory_space<vmem>>, vector<2000x1xf32>
    %get3A_2 = arith.constant 0 : index
    %get3A_3 = arith.constant 0 : index
    %get3A_4 = arith.constant 0 : index
    %get3A_5 = vector.load %arg1[%get3A_2, %get3A_3, %get3A_4] : memref<2x2000x128xf32, #tpu.memory_space<vmem>>, vector<1x2000x128xf32>
    %get3A_6 = vector.shape_cast %get3A_5 : vector<1x2000x128xf32> to vector<2000x128xf32>
    %get3A_7 = arith.constant 1 : index
    %get3A_8 = arith.constant 0 : index
    %get3A_9 = arith.constant 0 : index
    %get3A_10 = vector.load %arg1[%get3A_7, %get3A_8, %get3A_9] : memref<2x2000x128xf32, #tpu.memory_space<vmem>>, vector<1x2000x128xf32>
    %get3A_11 = vector.shape_cast %get3A_10 : vector<1x2000x128xf32> to vector<2000x128xf32>
    %add3A = arith.addf %get3A_6, %get3A_11 : vector<2000x128xf32>
    %get3A_12 = arith.constant 0 : index
    %get3A_13 = arith.constant 0 : index
    %get3A_14 = vector.load %arg2[%get3A_12, %get3A_13] : memref<2000x128xf32, #tpu.memory_space<vmem>>, vector<2000x128xf32>
    %add3A_15 = arith.addf %add3A, %get3A_14 : vector<2000x128xf32>
    %mul3A = vector.broadcast %get3A_1 : vector<2000x1xf32> to vector<2000x128xf32>
    %mul3A_16 = arith.mulf %mul3A, %add3A_15 : vector<2000x128xf32>
    %get3A_17 = arith.constant 0 : index
    %get3A_18 = arith.constant 0 : index
    %get3A_19 = vector.load %arg4[%get3A_17, %get3A_18] : memref<1x128xf32, #tpu.memory_space<vmem>>, vector<1x128xf32>
    %add3A_20 = vector.broadcast %get3A_19 : vector<1x128xf32> to vector<2000x128xf32>
    %add3A_21 = arith.addf %mul3A_16, %add3A_20 : vector<2000x128xf32>
    %mul3A_22 = arith.constant 5.000000e-01 : f32
    %mul3A_23 = vector.broadcast %mul3A_22 : f32 to vector<2000x128xf32>
    %mul3A_24 = arith.mulf %mul3A_23, %add3A_21 : vector<2000x128xf32>
    %mul3A_25 = arith.constant 0.707106769 : f32
    %mul3A_26 = vector.broadcast %mul3A_25 : f32 to vector<2000x128xf32>
    %mul3A_27 = arith.mulf %add3A_21, %mul3A_26 : vector<2000x128xf32>
    %erf3A = math.erf %mul3A_27 : vector<2000x128xf32>
    %add3A_28 = arith.constant 1.000000e+00 : f32
    %add3A_29 = vector.broadcast %add3A_28 : f32 to vector<2000x128xf32>
    %add3A_30 = arith.addf %add3A_29, %erf3A : vector<2000x128xf32>
    %mul3A_31 = arith.mulf %mul3A_24, %add3A_30 : vector<2000x128xf32>
    %reduce_sum3A = arith.constant dense<0.000000e+00> : vector<2000xf32>
    %reduce_sum3A_32 = vector.multi_reduction <add>, %mul3A_31, %reduce_sum3A [1] : vector<2000x128xf32> to vector<2000xf32>
    %broadcast_in_dim3A = vector.shape_cast %reduce_sum3A_32 : vector<2000xf32> to vector<2000x1xf32>
    %div3A = arith.constant 1.280000e+02 : f32
    %div3A_33 = vector.broadcast %div3A : f32 to vector<2000x1xf32>
    %div3A_34 = arith.divf %broadcast_in_dim3A, %div3A_33 : vector<2000x1xf32>
    %sub3A = vector.broadcast %div3A_34 : vector<2000x1xf32> to vector<2000x128xf32>
    %sub3A_35 = arith.subf %mul3A_31, %sub3A : vector<2000x128xf32>
    %integer_pow3A = arith.mulf %sub3A_35, %sub3A_35 : vector<2000x128xf32>
    %reduce_sum3A_36 = arith.constant dense<0.000000e+00> : vector<2000xf32>
    %reduce_sum3A_37 = vector.multi_reduction <add>, %integer_pow3A, %reduce_sum3A_36 [1] : vector<2000x128xf32> to vector<2000xf32>
    %broadcast_in_dim3A_38 = vector.shape_cast %reduce_sum3A_37 : vector<2000xf32> to vector<2000x1xf32>
    %div3A_39 = arith.constant 1.280000e+02 : f32
    %div3A_40 = vector.broadcast %div3A_39 : f32 to vector<2000x1xf32>
    %div3A_41 = arith.divf %broadcast_in_dim3A_38, %div3A_40 : vector<2000x1xf32>
    %sub3A_42 = vector.broadcast %div3A_34 : vector<2000x1xf32> to vector<2000x128xf32>
    %sub3A_43 = arith.subf %mul3A_31, %sub3A_42 : vector<2000x128xf32>
    %add3A_44 = arith.constant 9.99999974E-6 : f32
    %add3A_45 = vector.broadcast %add3A_44 : f32 to vector<2000x1xf32>
    %add3A_46 = arith.addf %div3A_41, %add3A_45 : vector<2000x1xf32>
    %rsqrt3A = math.rsqrt %add3A_46 : vector<2000x1xf32>
    %mul3A_47 = vector.broadcast %rsqrt3A : vector<2000x1xf32> to vector<2000x128xf32>
    %mul3A_48 = arith.mulf %sub3A_43, %mul3A_47 : vector<2000x128xf32>
    %get3A_49 = arith.constant 0 : index
    %get3A_50 = arith.constant 0 : index
    %get3A_51 = vector.load %arg5[%get3A_49, %get3A_50] : memref<1x128xf32, #tpu.memory_space<vmem>>, vector<1x128xf32>
    %mul3A_52 = vector.broadcast %get3A_51 : vector<1x128xf32> to vector<2000x128xf32>
    %mul3A_53 = arith.mulf %mul3A_48, %mul3A_52 : vector<2000x128xf32>
    %get3A_54 = arith.constant 0 : index
    %get3A_55 = arith.constant 0 : index
    %get3A_56 = vector.load %arg6[%get3A_54, %get3A_55] : memref<1x128xf32, #tpu.memory_space<vmem>>, vector<1x128xf32>
    %add3A_57 = vector.broadcast %get3A_56 : vector<1x128xf32> to vector<2000x128xf32>
    %add3A_58 = arith.addf %mul3A_53, %add3A_57 : vector<2000x128xf32>
    %swap3A = arith.constant 0 : index
    %swap3A_59 = arith.constant 0 : index
    %swap3A_60 = vector.load %arg7[%swap3A, %swap3A_59] : memref<2000x128xf32, #tpu.memory_space<vmem>>, vector<2000x128xf32>
    tpu.vector_store %arg7[%swap3A, %swap3A_59], %add3A_58 {strides = array<i32>} : memref<2000x128xf32, #tpu.memory_space<vmem>>, vector<2000x128xf32>,
    return
  }
  func.func @transform_0(%arg0: i32) -> (i32, i32, i32) {
    %c0_i32 = arith.constant 0 : i32
    %c0_i32_0 = arith.constant 0 : i32
    %c0_i32_1 = arith.constant 0 : i32
    return %c0_i32, %arg0, %c0_i32_0 : i32, i32, i32
  }
  func.func @transform_1(%arg0: i32) -> (i32, i32) {
    %c0_i32 = arith.constant 0 : i32
    %c0_i32_0 = arith.constant 0 : i32
    return %arg0, %c0_i32 : i32, i32
  }
  func.func @transform_2(%arg0: i32) -> (i32, i32) {
    %c0_i32 = arith.constant 0 : i32
    %c0_i32_0 = arith.constant 0 : i32
    return %arg0, %c0_i32 : i32, i32
  }
  func.func @transform_3(%arg0: i32) -> (i32, i32) {
    %c0_i32 = arith.constant 0 : i32
    %c0_i32_0 = arith.constant 0 : i32
    %c0_i32_1 = arith.constant 0 : i32
    return %c0_i32, %c0_i32_0 : i32, i32
  }
  func.func @transform_4(%arg0: i32) -> (i32, i32) {
    %c0_i32 = arith.constant 0 : i32
    %c0_i32_0 = arith.constant 0 : i32
    %c0_i32_1 = arith.constant 0 : i32
    return %c0_i32, %c0_i32_0 : i32, i32
  }
  func.func @transform_5(%arg0: i32) -> (i32, i32) {
    %c0_i32 = arith.constant 0 : i32
    %c0_i32_0 = arith.constant 0 : i32
    %c0_i32_1 = arith.constant 0 : i32
    return %c0_i32, %c0_i32_0 : i32, i32
  }
  func.func @transform_6(%arg0: i32) -> (i32, i32) {
    %c0_i32 = arith.constant 0 : i32
    %c0_i32_0 = arith.constant 0 : i32
    return %arg0, %c0_i32 : i32, i32
  }
}

</mosaic_0001>

<sc_bundles>
// kernel: kernel.15.cloned.1.call-start
scs
__scs_entry_jumppad:
0x0: {  	(pc) =	sbr.rel $0x88, $3  }
0x1: {  	(tag) =	ssettag $0x0;
	lr =	simm.s32 $0x1  }
0x2: {  	[smem:$0x3F8B] =	sst lr;
	_ =	strace $0xD0000000  }
0x3: {  	_ = 	snop  }
0x4: {  	_ = 	snop  }
0x5: {  	_ = 	snop  }
0x6: {  	_ = 	snop  }
0x7: {  	_ = 	snop  }
__scs_overlays_trampoline_lowered:
0x8: {  	[smem:$0x3F9A] =	sst s0  }
0x9: {  	[smem:$0x3F9B] =	sst s1  }
0xa: {  	[smem:$0x3F9C] =	sst s2  }
0xb: {  	[smem:$0x3F9D] =	sst s3  }
0xc: {  	[smem:$0x3F9E] =	sst s4  }
0xd: {  	[smem:$0x3F9F] =	sst s5  }
0xe: {  	[smem:$0x3FA0] =	sst s6  }
0xf: {  	[smem:$0x3FA1] =	sst s7  }
0x10: {  	[smem:$0x3FA2] =	sst s8  }
0x11: {  	[smem:$0x3FA3] =	sst s9;
	s0 =	simm.s32 @!p0 $0x0  }
0x12: {  	s1 =	sld [smem:$0x3F89];
	s0 =	simm.s32 @p0 $0x1  }
0x13: {  	[smem:$0x3FA4] =	sst s0;
	s0 =	simm.s32 @!p1 $0x0  }
0x14: {  	s2 =	sld [smem:$0x3F88];
	s0 =	simm.s32 @p1 $0x1  }
0x15: {  	[smem:$0x3FA5] =	sst s0;
	s0 =	simm.s32 @!p2 $0x0  }
0x16: {  	s3 =	sld [smem:$0x3FDB];
	s0 =	simm.s32 @p2 $0x1  }
0x17: {  	s4 =	simm.s32 $0x1BF5;
	[smem:$0x3FA7] =	sst s0  }
0x18: {  	s0 =	sld [smem:$0x3F8A];
	_ =	swait.ge [sflag:s4], $0x0  }
0x19: {  	s7 =	sld [smem:$0x3F8B]  }
0x1a: {  	s8 =	sadd.s32 $0xFFFFE003, lr  }
0x1b: {  	s9 =	sadd.s32 $0xFFFFFEF7, lr;
	s5 =	simm.s32 $0xFFFFFFFF;
	p2 =	slt.u32 s8, $0xFFFFF086  }
0x1c: {  	p1 =	slt.u32 s9, $0xF7A;
	s5 =	simm.s32 @!p2 $0x0  }
0x1d: {  	s5 =	simm.s32 @p1 $0x1;
	p0 =	seq.s32 s7, s2  }
0x1e: {  	s7 =	smul.u32 @!p0 $0xF7A, s2;
	p2 =	seq.s32 @!p0 s5, $0x0  }
0x1f: {  	s9 =	smul.u32 $0xF7A, s1;
	s8 =	simm.s32 @!p0 $0x1BF5;
	p2 =	por !p2, p0  }
0x20: {  	[sflag:s8] =	ssyncset.s32 @!p0 $0xFFFFF086;
	s6 =	sadd.s32 @!p0 s3, s7;
	s7 =	simm.s32 @!p0 $0x108  }
0x21: {  	s3 =	sadd.s32 s3, s9;
	s6 =	sadd.s32 @!p0 $0x88, s6;
	s7 =	simm.s32 @p2 $0x1082  }
0x22: {  	[simem:s7], [sflag:s8] =	dma.local @!p0 [hbm:s6], $0xF7A  }
0x23: {  	s9 =	sor.u32 $0xD0000000, s2;
	s6 =	simm.s32 $0x108;
	_ =	swait.ge @!p0 [sflag:s8], $0x0  }
0x24: {  	s3 =	sadd.s32 $0x88, s3;
	s6 =	simm.s32 @!p1 $0x1082;
	[sflag:s4] =	ssyncset.s32 $0xFFFFF086  }
0x25: {  	[simem:s6], [sflag:s4] =	dma.local [hbm:s3], $0xF7A  }
0x26: {  	[smem:$0x3F8B] =	sst s1;
	(tag) =	ssettag s2;
	_ =	strace s9  }
0x27: {  	s1 =	sld [smem:$0x3F9B]  }
0x28: {  	s2 =	sld [smem:$0x3F9C]  }
0x29: {  	s4 =	sld [smem:$0x3F9E]  }
0x2a: {  	p0 =	seq.s32 s5, $0x0;
	s5 =	sld [smem:$0x3F9F]  }
0x2b: {  	s6 =	sld [smem:$0x3FA0]  }
0x2c: {  	s7 =	sld [smem:$0x3FA1]  }
0x2d: {  	s3 =	simm.s32 $0x108;
	s8 =	sld [smem:$0x3FA2]  }
0x2e: {  	s3 =	simm.s32 @!p0 $0x1082;
	s9 =	sld [smem:$0x3FA3]  }
0x2f: {  	lr =	sadd.s32 s0, s3;
	s0 =	sld [smem:$0x3F9A]  }
0x30: {  	s3 =	sld [smem:$0x3F9D]  }
0x31: {  	[smem:$0x3FA6] =	sst s10  }
0x32: {  	s10 =	sld [smem:$0x3FA4];
	_ =	sdelay $0x3  }
0x33: {  	p0 =	seq.s32 s10, $0x1;
	s10 =	sld [smem:$0x3FA6];
	_ =	sdelay $0x3  }
0x34: {  	[smem:$0x3FA6] =	sst s10  }
0x35: {  	s10 =	sld [smem:$0x3FA5];
	_ =	sdelay $0x3  }
0x36: {  	p1 =	seq.s32 s10, $0x1;
	s10 =	sld [smem:$0x3FA6];
	_ =	sdelay $0x3  }
0x37: {  	[smem:$0x3FA6] =	sst s10  }
0x38: {  	s10 =	sld [smem:$0x3FA7]  }
0x39: {  	_ = 	snop;
	(pc) =	sbr.ind lr, $3  }
0x3a: {  	_ = 	snop  }
0x3b: {  	_ = 	snop  }
0x3c: {  	p2 =	seq.s32 s10, $0x1;
	s10 =	sld [smem:$0x3FA6]  }
0x3d: {  	_ =	shalt  }
0x3e: {  	_ =	shalt  }
0x3f: {  	_ =	shalt  }
0x40: {  	_ =	shalt  }
0x41: {  	_ =	shalt  }
0x42: {  	_ =	shalt  }
0x43: {  	_ =	shalt  }
0x44: {  	_ =	shalt  }
0x45: {  	_ =	shalt  }
0x46: {  	_ =	shalt  }
0x47: {  	_ =	shalt  }
0x48: {  	_ =	shalt  }
0x49: {  	_ =	shalt  }
0x4a: {  	_ =	shalt  }
0x4b: {  	_ =	shalt  }
0x4c: {  	_ =	shalt  }
0x4d: {  	_ =	shalt  }
0x4e: {  	_ =	shalt  }
0x4f: {  	_ =	shalt  }
0x50: {  	_ =	shalt  }
0x51: {  	_ =	shalt  }
0x52: {  	_ =	shalt  }
0x53: {  	_ =	shalt  }
0x54: {  	_ =	shalt  }
0x55: {  	_ =	shalt  }
0x56: {  	_ =	shalt  }
0x57: {  	_ =	shalt  }
0x58: {  	_ =	shalt  }
0x59: {  	_ =	shalt  }
0x5a: {  	_ =	shalt  }
0x5b: {  	_ =	shalt  }
0x5c: {  	_ =	shalt  }
0x5d: {  	_ =	shalt  }
0x5e: {  	_ =	shalt  }
0x5f: {  	_ =	shalt  }
0x60: {  	_ =	shalt  }
0x61: {  	_ =	shalt  }
0x62: {  	_ =	shalt  }
0x63: {  	_ =	shalt  }
0x64: {  	_ =	shalt  }
0x65: {  	_ =	shalt  }
0x66: {  	_ =	shalt  }
0x67: {  	_ =	shalt  }
0x68: {  	_ =	shalt  }
0x69: {  	_ =	shalt  }
0x6a: {  	_ =	shalt  }
0x6b: {  	_ =	shalt  }
0x6c: {  	_ =	shalt  }
0x6d: {  	_ =	shalt  }
0x6e: {  	_ =	shalt  }
0x6f: {  	_ =	shalt  }
0x70: {  	_ =	shalt  }
0x71: {  	_ =	shalt  }
0x72: {  	_ =	shalt  }
0x73: {  	_ =	shalt  }
0x74: {  	_ =	shalt  }
0x75: {  	_ =	shalt  }
0x76: {  	_ =	shalt  }
0x77: {  	_ =	shalt  }
0x78: {  	_ =	shalt  }
0x79: {  	_ =	shalt  }
0x7a: {  	_ =	shalt  }
0x7b: {  	_ =	shalt  }
0x7c: {  	_ =	shalt  }
0x7d: {  	_ =	shalt  }
0x7e: {  	_ =	shalt  }
0x7f: {  	_ =	shalt  }
0x80: {  	_ =	shalt  }
0x81: {  	_ =	shalt  }
0x82: {  	_ =	shalt  }
0x83: {  	_ =	shalt  }
0x84: {  	_ =	shalt  }
0x85: {  	_ =	shalt  }
0x86: {  	_ =	shalt  }
0x87: {  	_ =	shalt  }
.Lfunc_end0:
.L_simem_size_0:
called_computation_lowered:
.L_overlay_start_0:
0x88: {  	s2 =	sld [smem:$0x3FD9]  }
0x89: {  	s3 =	sld [smem:$0x3FFE];
	_ =	sdelay $0x1  }
0x8a: {  	s1 =	srdreg.scid  }
0x8b: {  	s0 =	sand.u32 $0x1, s1  }
0x8c: {  	s17 =	sshll.u32 s0, $0xA;
	s2 =	sadd.s32 s3, s2  }
0x8d: {  	s2 =	sadd.s32 s2, s17  }
0x8e: {  	[smem:$0x3FB2] =	sst s2  }
0x8f: {  	_ = 	snop  }
0x90: {  	s2 =	sld [smem:$0x3FD0];
	(tm) =	ssettm $0x1  }
0x91: {  	s18 =	sld [smem:$0x3FFB];
	_ =	sdelay $0x3  }
0x92: {  	_ =	strace s18  }
0x93: {  	s3 =	sld [smem:$0x3FFC];
	_ =	sdelay $0x3  }
0x94: {  	_ =	strace s3  }
0x95: {  	s3 =	sld [smem:$0x3FFD];
	_ =	sdelay $0x3  }
0x96: {  	_ =	strace s3  }
0x97: {  	_ =	strace $0x8FFFFFFF  }
0x98: {  	s19 =	sld [smem:$0x3FDB];
	_ =	sdelay $0x1  }
0x99: {  	s4 =	simm.s32 $_scs_section_size  }
0x9a: {  	s5 =	simm.s32 $_size__tile_overlayer_lowered;
	s6 =	simm.s32 $_tile_overlayer_lowered  }
0x9b: {  	s22 =	simm.s32 $0x1BFF;
	s21 =	sshll.u32 s6, $0x1;
	s3 =	sadd.s32 s4, s19  }
0x9c: {  	s7 =	simm.s32 $0x0;
	s20 =	sshll.u32 s5, $0x1;
	s5 =	sadd.s32 s21, s3  }
0x9d: {  	[timem:s7], [sflag:s22] =	dma.local [hbm:s5], s20  }
0x9e: {  	_ =	swait.ge [sflag:s22], s20  }
0x9f: {  	s4 =	ssub.s32 $0x0, s20;
	[sflag:s22] =	ssyncset.done $0x0  }
0xa0: {  	[sflag:s22] =	ssyncadd.s32 s4;
	_ =	sdelay $0x1  }
0xa1: {  	s23 =	simm.s32 $0x1B8B  }
0xa2: {  	_ =	swait.ge [sflag:s23], $0x1  }
0xa3: {  	[sflag:s23] =	ssyncset.done $0x0  }
0xa4: {  	s25 =	simm.s32 $0x1B8E;
	s24 =	sld [smem:$0x3FFE];
	[sflag:s23] =	ssyncadd.s32 $0xFFFFFFFF  }
0xa5: {  	s26 =	simm.s32 $execute0_lowered;
	[smem:$0x3FD2] =	sst s25  }
0xa6: {  	s5 =	sshll.u32 s26, $0x1;
	_ =	strace $0x80000046;
	[dreg:$0x1] =	wrdreg $0xFFFFFFFF  }
0xa7: {  	s28 =	simm.s32 $_size_execute0_lowered;
	s3 =	sadd.s32 s3, s5;
	[dreg:$0x0] =	wrdreg $0x0  }
0xa8: {  	s5 =	sshll.u32 s28, $0x1;
	[dreg:$0x2] =	wrdreg s3  }
0xa9: {  	[dreg:$0x3] =	wrdreg s5  }
0xaa: {  	[dreg:$0x4] =	wrdreg $0xC0  }
0xab: {  	_ =	task [dreg:s7], $0x5FFFF  }
0xac: {  	[dreg:$0x1] =	wrdreg $0xFFFFFFFF  }
0xad: {  	[dreg:$0x0] =	wrdreg $0x60  }
0xae: {  	[dreg:$0x2] =	wrdreg s2  }
0xaf: {  	[dreg:$0x3] =	wrdreg s24  }
0xb0: {  	[dreg:$0x4] =	wrdreg $0x9  }
0xb1: {  	_ =	task.clear_ibuf [dreg:s7], $0x5FFFF;
	_ =	strace $0x90000046  }
0xb2: {  	s29 =	simm.s32 $0x9;
	_ =	strace $0x80000048  }
0xb3: {  	_ =	swait.ge [sflag:s29], $0x1  }
0xb4: {  	[sflag:s29] =	ssyncadd.s32 $0xFFFFFFFF  }
0xb5: {  	_ =	strace $0x90000048  }
0xb6: {  	_ =	sfence  }
0xb7: {  	s30 =	sld [smem:$0x0];
	_ =	sdelay $0x2  }
0xb8: {  	s31 =	sshll.u32 s1, $0xD;
	s1 =	sshrl.u32 s1, $0x2  }
0xb9: {  	s3 =	sand.u32 $0x4000, s31;
	s1 =	sadd.s32 s1, s30  }
0xba: {  	s0 =	sor.u32 s3, s0;
	s1 =	sshll.u32 s1, $0x11  }
0xbb: {  	s0 =	sor.u32 s1, s0  }
0xbc: {  	s0 =	sadd.s32 $0x8F2B, s0  }
0xbd: {  	[sflag:s0] =	ssyncadd.remote.s32 $0x1  }
0xbe: {  	_ =	sfence.sel $0xFFFF  }
0xbf: {  	[dreg:$0x0] =	wrdreg $0xFFFFFFFF;
	(pc) =	sbr.abs _section_cstart, $3  }
0xc0: {  	[dreg:$0x1] =	wrdreg $0xFFFFFFFF  }
0xc1: {  	_ =	task.clear_ibuf [dreg:s7], $0x2FFFF;
	_ =	strace $0x9FFFFFFF  }
0xc2: {  	(tm) =	ssettm $0x7FFFFFFF  }
0xc3: {  	_ =	shalt  }
tec
execute0_lowered:
.L_overlay_start_1:
0x0: {  	(tag) =	ssettag $0x1  }
0x1: {  	s2 =	rddreg [dreg:$0x0]  }
0x2: {  	s5 =	rddreg [dreg:$0x1]  }
0x3: {  	s0 =	rddreg [dreg:$0x2]  }
0x4: {  	s4 =	srdreg.scid;
	s1 =	stileid.u32  }
0x5: {  	s3 =	simm.s32 $0x0;
	s13 =	simm.s32 $0x1;
	s7 =	smul.u32 $0x4E20, s1  }
0x6: {  	s14 =	simm.s32 $0x0;
	s6 =	sand.u32 $0x1, s4;
	s26 =	smul.u32 $0x271000, s1  }
0x7: {  	[smem:$0x7FF] =	sst s3;
	s4 =	sadd.s32 $0x18E00, s5;
	s8 =	smul.u32 $0x2710, s6  }
0x8: {  	s12 =	smul.u32 $0x4E200, s1;
	p0 =	sgt.u32 s1, $0x7;
	_ =	strace $0x80000047  }
0x9: {  	s9 =	ssub.s32 $0x2, s6;
	s10 =	smul.u32 $0x138800, s6;
	s7 =	sadd.s32 s8, s7  }
0xa: {  	s29 =	smul.u32 $0x27100, s6;
	s28 =	sshrl.u32 s9, $0x1;
	s7 =	sshrl.u32 s7, $0x3  }
0xb: {  	s11 =	sadd.s32 s7, s5;
	s5 =	sadd.s32 $0x2C800, s5;
	s7 =	ssub.s32 s9, s28  }
0xc: {  	s30 =	sadd.s32 s10, s26;
	s6 =	smax.u32 s7, $0x1;
	s31 =	sadd.s32 s12, s5  }
0xd: {  	s7 =	sadd.s32 $0xFEC78040, s30;
	s9 =	sadd.s32 $0xF000, s11;
	s10 =	sadd.s32 $0x5200, s11  }
0xe: {  	s11 =	simm.s32 $0x3;
	s12 =	simm.s32 $0x3E8;
	s8 =	sadd.s32 s29, s31  }
.LBB2_1:
0xf: {  	s15 =	sadd.s32 $0x0, s10  }
0x10: {  	[tilespmem:s3], [sflag:$0x3] =	stream.linear.gather [hbm4b:s15+s3], $0x3E8, $0x38;
	[tilespmem:$0xFDE8] =	vst v63  }
0x11: {  	_ =	swait.ge [sflag:s11], $0x3E8  }
0x12: {  	[sflag:s11] =	ssyncset.done $0x0  }
0x13: {  	[sflag:s11] =	ssyncadd.s32 $0xFFFFFC18  }
0x14: {  	[tilespmem:s12], [sflag:$0x1] =	stream.indirect.gather [hbm4b:s2+s12], $0x40, s3, s12, $0xb8;
	[tilespmem:$0xFDE8] =	vst v63  }
0x15: {  	_ =	swait.ge [sflag:s13], $0xFA00  }
0x16: {  	[sflag:s13] =	ssyncset.done $0x0  }
0x17: {  	s31 =	sadd.s32 $0x0, s9;
	[sflag:s13] =	ssyncadd.s32 $0xFFFF0600  }
0x18: {  	[tilespmem:s3], [sflag:$0x3] =	stream.linear.gather [hbm4b:s31+s3], $0x3E8, $0x38;
	[tilespmem:$0xFDE8] =	vst v63  }
0x19: {  	_ =	swait.ge [sflag:s11], $0x3E8  }
0x1a: {  	[sflag:s11] =	ssyncset.done $0x0  }
0x1b: {  	[sflag:s11] =	ssyncadd.s32 $0xFFFFFC18  }
0x1c: {  	[tilespmem:s12], [sflag:$0x1] =	stream.indirect.gather.add.f32 [hbm:s4], $0x40, s3, s12, $0xb8;
	[tilespmem:$0xFDE8] =	vst v63  }
0x1d: {  	s17 =	simm.s32 @p0 $0x3E8;
	s18 =	simm.s32 @p0 $0x2;
	_ =	swait.ge [sflag:s13], $0xFA00  }
0x1e: {  	s19 =	simm.s32 @p0 $0x80;
	s15 =	sshrl.u32 @p0 s7, $0x3;
	[sflag:s13] =	ssyncset.done $0x0  }
0x1f: {  	s21 =	simm.s32 @p0 $0x40;
	s15 =	sadd.s32 @p0 s5, s15;
	[sflag:s13] =	ssyncadd.s32 $0xFFFF0600  }
0x20: {  	[hbm4b:s15+s21] =	stream.strided.scatter @p0 [tilespmem:s17], [sflag:$0x2], $0xFA00, s19, s21, $0x38;
	[tilespmem:$0xFDE8] =	vst v63  }
0x21: {  	_ =	swait.ge @p0 [sflag:s18], $0xFA00  }
0x22: {  	s22 =	simm.s32 @!p0 $0x3;
	s23 =	simm.s32 @!p0 $0x3E8;
	[sflag:s18] =	ssyncset.done @p0 $0x0  }
0x23: {  	s24 =	simm.s32 @!p0 $0x40;
	s25 =	simm.s32 @!p0 $0x80;
	[sflag:s18] =	ssyncadd.s32 @p0 $0xFFFF0600  }
0x24: {  	[hbm4b:s8+s24] =	stream.strided.scatter @!p0 [tilespmem:s23], [sflag:$0x3], $0xFA00, s25, s24, $0x38;
	[tilespmem:$0xFDE8] =	vst v63  }
0x25: {  	s20 =	simm.s32 $0x7D;
	s26 =	simm.s32 $0xFA;
	_ =	swait.ge @!p0 [sflag:s22], $0xFA00  }
0x26: {  	s16 =	sadd.s32 $0x1F400, s7;
	s15 =	sadd.s32 $0x3E80, s8;
	[sflag:s22] =	ssyncset.done @!p0 $0x0  }
.LBB2_2:
0x27: {  	s28 =	sadd.s32 s20, s10  }
0x28: {  	[sflag:s22] =	ssyncadd.s32 @!p0 $0xFFFF0600;
	s29 =	smov.u32 s26;
	s26 =	sadd.s32 $0x7D, s26  }
0x29: {  	[tilespmem:s3], [sflag:$0x3] =	stream.linear.gather [hbm4b:s28+s3], $0x3E8, $0x38;
	[tilespmem:$0xFDE8] =	vst v63  }
0x2a: {  	p1 =	sne.s32 s26, $0x4E2;
	_ =	swait.ge [sflag:s11], $0x3E8  }
0x2b: {  	[sflag:s11] =	ssyncset.done $0x0  }
0x2c: {  	[sflag:s11] =	ssyncadd.s32 $0xFFFFFC18  }
0x2d: {  	[tilespmem:s12], [sflag:$0x1] =	stream.indirect.gather [hbm4b:s2+s12], $0x40, s3, s12, $0xb8;
	[tilespmem:$0xFDE8] =	vst v63  }
0x2e: {  	_ =	swait.ge [sflag:s13], $0xFA00  }
0x2f: {  	[sflag:s13] =	ssyncset.done $0x0  }
0x30: {  	s28 =	sadd.s32 s20, s9;
	s20 =	smov.u32 s29;
	[sflag:s13] =	ssyncadd.s32 $0xFFFF0600  }
0x31: {  	[tilespmem:s3], [sflag:$0x3] =	stream.linear.gather [hbm4b:s28+s3], $0x3E8, $0x38;
	[tilespmem:$0xFDE8] =	vst v63  }
0x32: {  	_ =	swait.ge [sflag:s11], $0x3E8  }
0x33: {  	[sflag:s11] =	ssyncset.done $0x0  }
0x34: {  	[sflag:s11] =	ssyncadd.s32 $0xFFFFFC18  }
0x35: {  	[tilespmem:s12], [sflag:$0x1] =	stream.indirect.gather.add.f32 [hbm:s4], $0x40, s3, s12, $0xb8;
	[tilespmem:$0xFDE8] =	vst v63  }
0x36: {  	_ =	swait.ge [sflag:s13], $0xFA00  }
0x37: {  	s28 =	sshrl.u32 @p0 s16, $0x3;
	[sflag:s13] =	ssyncset.done $0x0  }
0x38: {  	s28 =	sadd.s32 @p0 s5, s28;
	[sflag:s13] =	ssyncadd.s32 $0xFFFF0600  }
0x39: {  	[hbm4b:s28+s21] =	stream.strided.scatter @p0 [tilespmem:s17], [sflag:$0x2], $0xFA00, s19, s21, $0x38;
	[tilespmem:$0xFDE8] =	vst v63  }
0x3a: {  	_ =	swait.ge @p0 [sflag:s18], $0xFA00  }
.Ltmp0:
0x3b: {  	[sflag:s18] =	ssyncset.done @p0 $0x0;
	(pc) =	sbr.rel @p1 .LBB2_2-.Ltmp0, $4  }
0x3c: {  	[sflag:s18] =	ssyncadd.s32 @p0 $0xFFFF0600  }
0x3d: {  	[hbm4b:s15+s24] =	stream.strided.scatter @!p0 [tilespmem:s23], [sflag:$0x3], $0xFA00, s25, s24, $0x38;
	[tilespmem:$0xFDE8] =	vst v63  }
0x3e: {  	_ =	swait.ge @!p0 [sflag:s22], $0xFA00  }
0x3f: {  	s16 =	sadd.s32 $0x1F400, s16;
	s15 =	sadd.s32 $0x3E80, s15;
	[sflag:s22] =	ssyncset.done @!p0 $0x0  }
0x40: {  	s17 =	sadd.s32 s20, s10;
	[sflag:s22] =	ssyncadd.s32 @!p0 $0xFFFF0600  }
0x41: {  	[tilespmem:s3], [sflag:$0x3] =	stream.linear.gather [hbm4b:s17+s3], $0x3E8, $0x38;
	[tilespmem:$0xFDE8] =	vst v63  }
0x42: {  	_ =	swait.ge [sflag:s11], $0x3E8  }
0x43: {  	[sflag:s11] =	ssyncset.done $0x0  }
0x44: {  	[sflag:s11] =	ssyncadd.s32 $0xFFFFFC18  }
0x45: {  	[tilespmem:s12], [sflag:$0x1] =	stream.indirect.gather [hbm4b:s2+s12], $0x40, s3, s12, $0xb8;
	[tilespmem:$0xFDE8] =	vst v63  }
0x46: {  	_ =	swait.ge [sflag:s13], $0xFA00  }
0x47: {  	[sflag:s13] =	ssyncset.done $0x0  }
0x48: {  	s31 =	sadd.s32 s20, s9;
	[sflag:s13] =	ssyncadd.s32 $0xFFFF0600  }
0x49: {  	[tilespmem:s3], [sflag:$0x3] =	stream.linear.gather [hbm4b:s31+s3], $0x3E8, $0x38;
	[tilespmem:$0xFDE8] =	vst v63  }
0x4a: {  	_ =	swait.ge [sflag:s11], $0x3E8  }
0x4b: {  	[sflag:s11] =	ssyncset.done $0x0  }
0x4c: {  	s18 =	simm.s32 @p0 $0x2;
	[sflag:s11] =	ssyncadd.s32 $0xFFFFFC18  }
0x4d: {  	[tilespmem:s12], [sflag:$0x1] =	stream.indirect.gather.add.f32 [hbm:s4], $0x40, s3, s12, $0xb8;
	[tilespmem:$0xFDE8] =	vst v63  }
0x4e: {  	s16 =	sshrl.u32 @p0 s16, $0x3;
	s19 =	simm.s32 @p0 $0x80;
	_ =	swait.ge [sflag:s13], $0xFA00  }
0x4f: {  	s20 =	simm.s32 @p0 $0x40;
	s14 =	sadd.s32 $0x1, s14;
	[sflag:s13] =	ssyncset.done $0x0  }
0x50: {  	s17 =	simm.s32 @p0 $0x3E8;
	s16 =	sadd.s32 @p0 s5, s16;
	[sflag:s13] =	ssyncadd.s32 $0xFFFF0600  }
0x51: {  	[hbm4b:s16+s20] =	stream.strided.scatter @p0 [tilespmem:s17], [sflag:$0x2], $0xFA00, s19, s20, $0x38;
	[tilespmem:$0xFDE8] =	vst v63  }
0x52: {  	p1 =	sne.s32 s14, s6;
	s16 =	simm.s32 @!p0 $0x3;
	_ =	swait.ge @p0 [sflag:s18], $0xFA00  }
0x53: {  	s17 =	simm.s32 @!p0 $0x3E8;
	s19 =	simm.s32 @!p0 $0x80;
	[sflag:s18] =	ssyncset.done @p0 $0x0  }
.Ltmp1:
0x54: {  	[sflag:s18] =	ssyncadd.s32 @p0 $0xFFFF0600;
	s18 =	simm.s32 @!p0 $0x40;
	(pc) =	sbr.rel @p1 .LBB2_1-.Ltmp1, $4  }
0x55: {  	[hbm4b:s15+s18] =	stream.strided.scatter @!p0 [tilespmem:s17], [sflag:$0x3], $0xFA00, s19, s18, $0x38;
	[tilespmem:$0xFDE8] =	vst v63  }
0x56: {  	_ =	swait.ge @!p0 [sflag:s16], $0xFA00  }
0x57: {  	[sflag:s16] =	ssyncset.done @!p0 $0x0  }
0x58: {  	[sflag:s16] =	ssyncadd.s32 @!p0 $0xFFFF0600  }
0x59: {  	_ =	sfence.sel $0x180000  }
0x5a: {  	[bflag:$0x0] =	sbarrier.arrive $0xFFFF  }
0x5b: {  	p0 =	sne.s32 s1, $0x0;
	_ =	strace $0x90000047  }
0x5c: {  	s0 =	sadd.s32 @!p0 $0x100000, s0;
	[bflag:$0x2] =	sbarrier.arrive $0xFFFF  }
0x5d: {  	[sflag:s0] =	ssyncadd.tile.s32 @!p0 $0x1;
	_ =	shalt  }
.Lfunc_end2:
_tile_overlayer_lowered:
.L_overlay_start_2:
0x5e: {  	(tag) =	ssettag $0x2  }
0x5f: {  	s0 =	rddreg [dreg:$0x0];
	s2 =	stileid.u32  }
0x60: {  	s1 =	rddreg [dreg:$0x1];
	p0 =	sne.s32 s2, $0x0  }
0x61: {  	s3 =	rddreg [dreg:$0x2];
	[bflag:$0x3] =	sbarrier.arrive $0xFFFF;
	s2 =	simm.s32 @!p0 $0x1C02  }
0x62: {  	[timem:s3], [sflag:s2] =	dma.local @!p0 [hbm:s0], s1  }
0x63: {  	s0 =	simm.s32 @!p0 $0x2  }
0x64: {  	_ =	swait.ge @!p0 [sflag:s0], s1  }
0x65: {  	s1 =	ssub.s32 @!p0 $0x0, s1;
	[sflag:s0] =	ssyncset.done @!p0 $0x0  }
0x66: {  	[sflag:s0] =	ssyncadd.s32 @!p0 s1  }
0x67: {  	[bflag:$0x3] =	sbarrier.arrive $0xFFFF  }
0x68: {  	_ =	shalt  }

// kernel: kernel.18.cloned.1.call-start
scs
__scs_entry_jumppad:
0x0: {  	(pc) =	sbr.rel $0x88, $3  }
0x1: {  	(tag) =	ssettag $0x0;
	lr =	simm.s32 $0x1  }
0x2: {  	[smem:$0x3F8B] =	sst lr;
	_ =	strace $0xD0000000  }
0x3: {  	_ = 	snop  }
0x4: {  	_ = 	snop  }
0x5: {  	_ = 	snop  }
0x6: {  	_ = 	snop  }
0x7: {  	_ = 	snop  }
__scs_overlays_trampoline_lowered:
0x8: {  	[smem:$0x3F9A] =	sst s0  }
0x9: {  	[smem:$0x3F9B] =	sst s1  }
0xa: {  	[smem:$0x3F9C] =	sst s2  }
0xb: {  	[smem:$0x3F9D] =	sst s3  }
0xc: {  	[smem:$0x3F9E] =	sst s4  }
0xd: {  	[smem:$0x3F9F] =	sst s5  }
0xe: {  	[smem:$0x3FA0] =	sst s6  }
0xf: {  	[smem:$0x3FA1] =	sst s7  }
0x10: {  	[smem:$0x3FA2] =	sst s8  }
0x11: {  	[smem:$0x3FA3] =	sst s9;
	s0 =	simm.s32 @!p0 $0x0  }
0x12: {  	s1 =	sld [smem:$0x3F89];
	s0 =	simm.s32 @p0 $0x1  }
0x13: {  	[smem:$0x3FA4] =	sst s0;
	s0 =	simm.s32 @!p1 $0x0  }
0x14: {  	s2 =	sld [smem:$0x3F88];
	s0 =	simm.s32 @p1 $0x1  }
0x15: {  	[smem:$0x3FA5] =	sst s0;
	s0 =	simm.s32 @!p2 $0x0  }
0x16: {  	s3 =	sld [smem:$0x3FDB];
	s0 =	simm.s32 @p2 $0x1  }
0x17: {  	s4 =	simm.s32 $0x1BF5;
	[smem:$0x3FA7] =	sst s0  }
0x18: {  	s0 =	sld [smem:$0x3F8A];
	_ =	swait.ge [sflag:s4], $0x0  }
0x19: {  	s7 =	sld [smem:$0x3F8B]  }
0x1a: {  	s8 =	sadd.s32 $0xFFFFE003, lr  }
0x1b: {  	s9 =	sadd.s32 $0xFFFFFEF7, lr;
	s5 =	simm.s32 $0xFFFFFFFF;
	p2 =	slt.u32 s8, $0xFFFFF086  }
0x1c: {  	p1 =	slt.u32 s9, $0xF7A;
	s5 =	simm.s32 @!p2 $0x0  }
0x1d: {  	s5 =	simm.s32 @p1 $0x1;
	p0 =	seq.s32 s7, s2  }
0x1e: {  	s7 =	smul.u32 @!p0 $0xF7A, s2;
	p2 =	seq.s32 @!p0 s5, $0x0  }
0x1f: {  	s9 =	smul.u32 $0xF7A, s1;
	s8 =	simm.s32 @!p0 $0x1BF5;
	p2 =	por !p2, p0  }
0x20: {  	[sflag:s8] =	ssyncset.s32 @!p0 $0xFFFFF086;
	s6 =	sadd.s32 @!p0 s3, s7;
	s7 =	simm.s32 @!p0 $0x108  }
0x21: {  	s3 =	sadd.s32 s3, s9;
	s6 =	sadd.s32 @!p0 $0x88, s6;
	s7 =	simm.s32 @p2 $0x1082  }
0x22: {  	[simem:s7], [sflag:s8] =	dma.local @!p0 [hbm:s6], $0xF7A  }
0x23: {  	s9 =	sor.u32 $0xD0000000, s2;
	s6 =	simm.s32 $0x108;
	_ =	swait.ge @!p0 [sflag:s8], $0x0  }
0x24: {  	s3 =	sadd.s32 $0x88, s3;
	s6 =	simm.s32 @!p1 $0x1082;
	[sflag:s4] =	ssyncset.s32 $0xFFFFF086  }
0x25: {  	[simem:s6], [sflag:s4] =	dma.local [hbm:s3], $0xF7A  }
0x26: {  	[smem:$0x3F8B] =	sst s1;
	(tag) =	ssettag s2;
	_ =	strace s9  }
0x27: {  	s1 =	sld [smem:$0x3F9B]  }
0x28: {  	s2 =	sld [smem:$0x3F9C]  }
0x29: {  	s4 =	sld [smem:$0x3F9E]  }
0x2a: {  	p0 =	seq.s32 s5, $0x0;
	s5 =	sld [smem:$0x3F9F]  }
0x2b: {  	s6 =	sld [smem:$0x3FA0]  }
0x2c: {  	s7 =	sld [smem:$0x3FA1]  }
0x2d: {  	s3 =	simm.s32 $0x108;
	s8 =	sld [smem:$0x3FA2]  }
0x2e: {  	s3 =	simm.s32 @!p0 $0x1082;
	s9 =	sld [smem:$0x3FA3]  }
0x2f: {  	lr =	sadd.s32 s0, s3;
	s0 =	sld [smem:$0x3F9A]  }
0x30: {  	s3 =	sld [smem:$0x3F9D]  }
0x31: {  	[smem:$0x3FA6] =	sst s10  }
0x32: {  	s10 =	sld [smem:$0x3FA4];
	_ =	sdelay $0x3  }
0x33: {  	p0 =	seq.s32 s10, $0x1;
	s10 =	sld [smem:$0x3FA6];
	_ =	sdelay $0x3  }
0x34: {  	[smem:$0x3FA6] =	sst s10  }
0x35: {  	s10 =	sld [smem:$0x3FA5];
	_ =	sdelay $0x3  }
0x36: {  	p1 =	seq.s32 s10, $0x1;
	s10 =	sld [smem:$0x3FA6];
	_ =	sdelay $0x3  }
0x37: {  	[smem:$0x3FA6] =	sst s10  }
0x38: {  	s10 =	sld [smem:$0x3FA7]  }
0x39: {  	_ = 	snop;
	(pc) =	sbr.ind lr, $3  }
0x3a: {  	_ = 	snop  }
0x3b: {  	_ = 	snop  }
0x3c: {  	p2 =	seq.s32 s10, $0x1;
	s10 =	sld [smem:$0x3FA6]  }
0x3d: {  	_ =	shalt  }
0x3e: {  	_ =	shalt  }
0x3f: {  	_ =	shalt  }
0x40: {  	_ =	shalt  }
0x41: {  	_ =	shalt  }
0x42: {  	_ =	shalt  }
0x43: {  	_ =	shalt  }
0x44: {  	_ =	shalt  }
0x45: {  	_ =	shalt  }
0x46: {  	_ =	shalt  }
0x47: {  	_ =	shalt  }
0x48: {  	_ =	shalt  }
0x49: {  	_ =	shalt  }
0x4a: {  	_ =	shalt  }
0x4b: {  	_ =	shalt  }
0x4c: {  	_ =	shalt  }
0x4d: {  	_ =	shalt  }
0x4e: {  	_ =	shalt  }
0x4f: {  	_ =	shalt  }
0x50: {  	_ =	shalt  }
0x51: {  	_ =	shalt  }
0x52: {  	_ =	shalt  }
0x53: {  	_ =	shalt  }
0x54: {  	_ =	shalt  }
0x55: {  	_ =	shalt  }
0x56: {  	_ =	shalt  }
0x57: {  	_ =	shalt  }
0x58: {  	_ =	shalt  }
0x59: {  	_ =	shalt  }
0x5a: {  	_ =	shalt  }
0x5b: {  	_ =	shalt  }
0x5c: {  	_ =	shalt  }
0x5d: {  	_ =	shalt  }
0x5e: {  	_ =	shalt  }
0x5f: {  	_ =	shalt  }
0x60: {  	_ =	shalt  }
0x61: {  	_ =	shalt  }
0x62: {  	_ =	shalt  }
0x63: {  	_ =	shalt  }
0x64: {  	_ =	shalt  }
0x65: {  	_ =	shalt  }
0x66: {  	_ =	shalt  }
0x67: {  	_ =	shalt  }
0x68: {  	_ =	shalt  }
0x69: {  	_ =	shalt  }
0x6a: {  	_ =	shalt  }
0x6b: {  	_ =	shalt  }
0x6c: {  	_ =	shalt  }
0x6d: {  	_ =	shalt  }
0x6e: {  	_ =	shalt  }
0x6f: {  	_ =	shalt  }
0x70: {  	_ =	shalt  }
0x71: {  	_ =	shalt  }
0x72: {  	_ =	shalt  }
0x73: {  	_ =	shalt  }
0x74: {  	_ =	shalt  }
0x75: {  	_ =	shalt  }
0x76: {  	_ =	shalt  }
0x77: {  	_ =	shalt  }
0x78: {  	_ =	shalt  }
0x79: {  	_ =	shalt  }
0x7a: {  	_ =	shalt  }
0x7b: {  	_ =	shalt  }
0x7c: {  	_ =	shalt  }
0x7d: {  	_ =	shalt  }
0x7e: {  	_ =	shalt  }
0x7f: {  	_ =	shalt  }
0x80: {  	_ =	shalt  }
0x81: {  	_ =	shalt  }
0x82: {  	_ =	shalt  }
0x83: {  	_ =	shalt  }
0x84: {  	_ =	shalt  }
0x85: {  	_ =	shalt  }
0x86: {  	_ =	shalt  }
0x87: {  	_ =	shalt  }
.Lfunc_end0:
.L_simem_size_0:
called_computation.1_lowered:
.L_overlay_start_0:
0x88: {  	s2 =	sld [smem:$0x3FD9]  }
0x89: {  	s3 =	sld [smem:$0x3FFE];
	_ =	sdelay $0x1  }
0x8a: {  	s1 =	srdreg.scid  }
0x8b: {  	s0 =	sand.u32 $0x1, s1  }
0x8c: {  	s17 =	sshll.u32 s0, $0xA;
	s2 =	sadd.s32 s3, s2  }
0x8d: {  	s2 =	sadd.s32 s2, s17  }
0x8e: {  	[smem:$0x3FB2] =	sst s2  }
0x8f: {  	_ = 	snop  }
0x90: {  	s2 =	sld [smem:$0x3FD0];
	(tm) =	ssettm $0x1  }
0x91: {  	s18 =	sld [smem:$0x3FFB];
	_ =	sdelay $0x3  }
0x92: {  	_ =	strace s18  }
0x93: {  	s3 =	sld [smem:$0x3FFC];
	_ =	sdelay $0x3  }
0x94: {  	_ =	strace s3  }
0x95: {  	s3 =	sld [smem:$0x3FFD];
	_ =	sdelay $0x3  }
0x96: {  	_ =	strace s3  }
0x97: {  	_ =	strace $0x8FFFFFFF  }
0x98: {  	s19 =	sld [smem:$0x3FDB];
	_ =	sdelay $0x1  }
0x99: {  	s4 =	simm.s32 $_scs_section_size  }
0x9a: {  	s5 =	simm.s32 $_size__tile_overlayer_lowered;
	s6 =	simm.s32 $_tile_overlayer_lowered  }
0x9b: {  	s22 =	simm.s32 $0x1BFF;
	s21 =	sshll.u32 s6, $0x1;
	s3 =	sadd.s32 s4, s19  }
0x9c: {  	s7 =	simm.s32 $0x0;
	s20 =	sshll.u32 s5, $0x1;
	s5 =	sadd.s32 s21, s3  }
0x9d: {  	[timem:s7], [sflag:s22] =	dma.local [hbm:s5], s20  }
0x9e: {  	_ =	swait.ge [sflag:s22], s20  }
0x9f: {  	s4 =	ssub.s32 $0x0, s20;
	[sflag:s22] =	ssyncset.done $0x0  }
0xa0: {  	[sflag:s22] =	ssyncadd.s32 s4;
	_ =	sdelay $0x1  }
0xa1: {  	s23 =	simm.s32 $0x1B8B  }
0xa2: {  	_ =	swait.ge [sflag:s23], $0x1  }
0xa3: {  	[sflag:s23] =	ssyncset.done $0x0  }
0xa4: {  	s25 =	simm.s32 $0x1B8E;
	s24 =	sld [smem:$0x3FFE];
	[sflag:s23] =	ssyncadd.s32 $0xFFFFFFFF  }
0xa5: {  	s26 =	simm.s32 $execute0_lowered;
	[smem:$0x3FD2] =	sst s25  }
0xa6: {  	s5 =	sshll.u32 s26, $0x1;
	_ =	strace $0x80000049;
	[dreg:$0x1] =	wrdreg $0xFFFFFFFF  }
0xa7: {  	s28 =	simm.s32 $_size_execute0_lowered;
	s3 =	sadd.s32 s3, s5;
	[dreg:$0x0] =	wrdreg $0x0  }
0xa8: {  	s5 =	sshll.u32 s28, $0x1;
	[dreg:$0x2] =	wrdreg s3  }
0xa9: {  	[dreg:$0x3] =	wrdreg s5  }
0xaa: {  	[dreg:$0x4] =	wrdreg $0xC0  }
0xab: {  	_ =	task [dreg:s7], $0x5FFFF  }
0xac: {  	[dreg:$0x1] =	wrdreg $0xFFFFFFFF  }
0xad: {  	[dreg:$0x0] =	wrdreg $0x60  }
0xae: {  	[dreg:$0x2] =	wrdreg s24  }
0xaf: {  	[dreg:$0x3] =	wrdreg s2  }
0xb0: {  	[dreg:$0x4] =	wrdreg $0x10000  }
0xb1: {  	[dreg:$0x5] =	wrdreg $0x9  }
0xb2: {  	_ =	task.clear_ibuf [dreg:s7], $0x6FFFF;
	_ =	strace $0x90000049  }
0xb3: {  	s29 =	simm.s32 $0x9;
	_ =	strace $0x8000004B  }
0xb4: {  	_ =	swait.ge [sflag:s29], $0x1  }
0xb5: {  	[sflag:s29] =	ssyncadd.s32 $0xFFFFFFFF  }
0xb6: {  	_ =	strace $0x9000004B  }
0xb7: {  	_ =	sfence  }
0xb8: {  	s30 =	sld [smem:$0x0];
	_ =	sdelay $0x2  }
0xb9: {  	s31 =	sshll.u32 s1, $0xD;
	s1 =	sshrl.u32 s1, $0x2  }
0xba: {  	s3 =	sand.u32 $0x4000, s31;
	s1 =	sadd.s32 s1, s30  }
0xbb: {  	s0 =	sor.u32 s3, s0;
	s1 =	sshll.u32 s1, $0x11  }
0xbc: {  	s0 =	sor.u32 s1, s0  }
0xbd: {  	s0 =	sadd.s32 $0x8F2B, s0  }
0xbe: {  	[sflag:s0] =	ssyncadd.remote.s32 $0x1  }
0xbf: {  	_ =	sfence.sel $0xFFFF  }
0xc0: {  	[dreg:$0x0] =	wrdreg $0xFFFFFFFF;
	(pc) =	sbr.abs _section_cstart, $3  }
0xc1: {  	[dreg:$0x1] =	wrdreg $0xFFFFFFFF  }
0xc2: {  	_ =	task.clear_ibuf [dreg:s7], $0x2FFFF;
	_ =	strace $0x9FFFFFFF  }
0xc3: {  	(tm) =	ssettm $0x7FFFFFFF  }
tec
execute0_lowered:
.L_overlay_start_1:
0x0: {  	(tag) =	ssettag $0x1  }
0x1: {  	s3 =	rddreg [dreg:$0x0]  }
0x2: {  	s4 =	rddreg [dreg:$0x1]  }
0x3: {  	s1 =	rddreg [dreg:$0x2]  }
0x4: {  	s0 =	rddreg [dreg:$0x3];
	s2 =	simm.s32 $0x0;
	s5 =	srdreg.scid  }
0x5: {  	s16 =	stileid.u32;
	s19 =	simm.s32 $0x0;
	[smem:$0x7FF] =	sst s2  }
0x6: {  	s14 =	sadd.s32 $0xF000, s3;
	s5 =	sand.u32 $0x1, s5;
	s6 =	sshll.u32 s16, $0x1  }
0x7: {  	s8 =	smul.u32 $0x1F40, s16;
	s15 =	sadd.s32 $0x18E00, s3;
	p1 =	sgt.u32 s16, $0x4  }
0x8: {  	p0 =	sne.s32 s16, $0x0;
	s16 =	simm.s32 $0x1;
	s6 =	sor.u32 s5, s6  }
0x9: {  	_ =	strace $0x8000004A;
	s7 =	ssub.s32 $0x2, s5;
	s6 =	smul.u32 $0x2710, s6  }
0xa: {  	s5 =	sshll.u32 s5, $0x4;
	s30 =	sshrl.u32 s7, $0x1;
	s31 =	sshrl.u32 s8, $0x2  }
0xb: {  	s4 =	sadd.s32 s4, s5;
	s7 =	ssub.s32 s7, s30;
	s13 =	sshrl.u32 s6, $0x3  }
0xc: {  	s3 =	sadd.s32 s31, s1;
	s5 =	smax.u32 s7, $0x1;
	s6 =	sadd.s32 s14, s13  }
0xd: {  	s9 =	sadd.s32 $0xFA, s13;
	s7 =	sadd.s32 s15, s13;
	s11 =	sadd.s32 $0x1F4, s13  }
0xe: {  	s17 =	sadd.s32 $0x2EE, s13;
	s18 =	sadd.s32 $0x3E8, s13;
	s8 =	sadd.s32 s14, s9  }
0xf: {  	s9 =	sadd.s32 s15, s9;
	s10 =	sadd.s32 s14, s11;
	s11 =	sadd.s32 s15, s11  }
0x10: {  	s12 =	sadd.s32 s14, s17;
	s13 =	sadd.s32 s15, s17;
	s14 =	sadd.s32 s14, s18  }
0x11: {  	v0 =	vimm.f32 $0.0e+00;
	s15 =	sadd.s32 s15, s18;
	s17 =	simm.s32 $0x800;
	s18 =	simm.s32 $0x7D0  }
.LBB2_1:
0x12: {  	s20 =	simm.s32 $0x40;
	s21 =	simm.s32 $0x0  }
.LBB2_2:
0x13: {  	p2 =	sne.s32 s20, $0x1F00;
	[tilespmem:s21+$0x800] =	vst v0;
	s21 =	smov.u32 s20;
	s20 =	sadd.s32 $0x40, s20  }
.Ltmp0:
0x14: {  	(pc) =	sbr.rel @p2 .LBB2_2-.Ltmp0, $2  }
0x15: {  	_ =	sdelay $0x2  }
0x16: {  	s21 =	sshra.s32 s21, $0x2  }
0x17: {  	[tilespmem:s21+$0x800] =	vst v0;
	s20 =	simm.s32 @!p1 $0x800  }
0x18: {  	[spmem:s3] =	stream.linear.scatter @!p1 [tilespmem:s20], [sflag:$0x1], $0x7D0, $0x38;
	[tilespmem:$0x1278] =	vst v63  }
0x19: {  	s20 =	simm.s32 @!p1 $0x1  }
0x1a: {  	_ =	swait.ge @!p1 [sflag:s20], $0x7D0  }
0x1b: {  	[sflag:s20] =	ssyncset.done @!p1 $0x0  }
0x1c: {  	[sflag:s20] =	ssyncadd.s32 @!p1 $0xFFFFF830  }
0x1d: {  	[bflag:$0x0] =	sbarrier.arrive $0xFFFF  }
0x1e: {  	[tilespmem:s2], [sflag:$0x1] =	stream.linear.gather [hbm4b:s6+s2], $0x7D0, $0x38;
	[tilespmem:$0x1278] =	vst v63  }
0x1f: {  	_ =	swait.ge [sflag:s16], $0x7D0  }
0x20: {  	[sflag:s16] =	ssyncset.done $0x0  }
0x21: {  	[sflag:s16] =	ssyncadd.s32 $0xFFFFF830  }
0x22: {  	[tilespmem:s17], [sflag:$0x1] =	stream.linear.gather [hbm4b:s7+s2], $0x7D0, $0x38;
	[tilespmem:$0x1278] =	vst v63  }
0x23: {  	_ =	swait.ge [sflag:s16], $0x7D0  }
0x24: {  	[sflag:s16] =	ssyncset.done $0x0  }
0x25: {  	[sflag:s16] =	ssyncadd.s32 $0xFFFFF830  }
0x26: {  	[spmem:s1] =	stream.indirect.scatter.add.f32 [tilespmem:s17], [sflag:$0x1], $0x1, s2, s18, $0xb8;
	[tilespmem:$0x1278] =	vst v63  }
0x27: {  	_ =	swait.ge [sflag:s16], $0x7D0  }
0x28: {  	[sflag:s16] =	ssyncset.done $0x0  }
0x29: {  	[sflag:s16] =	ssyncadd.s32 $0xFFFFF830  }
0x2a: {  	[tilespmem:s2], [sflag:$0x1] =	stream.linear.gather [hbm4b:s8+s2], $0x7D0, $0x38;
	[tilespmem:$0x1278] =	vst v63  }
0x2b: {  	_ =	swait.ge [sflag:s16], $0x7D0  }
0x2c: {  	[sflag:s16] =	ssyncset.done $0x0  }
0x2d: {  	[sflag:s16] =	ssyncadd.s32 $0xFFFFF830  }
0x2e: {  	[tilespmem:s17], [sflag:$0x1] =	stream.linear.gather [hbm4b:s9+s2], $0x7D0, $0x38;
	[tilespmem:$0x1278] =	vst v63  }
0x2f: {  	_ =	swait.ge [sflag:s16], $0x7D0  }
0x30: {  	[sflag:s16] =	ssyncset.done $0x0  }
0x31: {  	[sflag:s16] =	ssyncadd.s32 $0xFFFFF830  }
0x32: {  	[spmem:s1] =	stream.indirect.scatter.add.f32 [tilespmem:s17], [sflag:$0x1], $0x1, s2, s18, $0xb8;
	[tilespmem:$0x1278] =	vst v63  }
0x33: {  	_ =	swait.ge [sflag:s16], $0x7D0  }
0x34: {  	[sflag:s16] =	ssyncset.done $0x0  }
0x35: {  	[sflag:s16] =	ssyncadd.s32 $0xFFFFF830  }
0x36: {  	[tilespmem:s2], [sflag:$0x1] =	stream.linear.gather [hbm4b:s10+s2], $0x7D0, $0x38;
	[tilespmem:$0x1278] =	vst v63  }
0x37: {  	_ =	swait.ge [sflag:s16], $0x7D0  }
0x38: {  	[sflag:s16] =	ssyncset.done $0x0  }
0x39: {  	[sflag:s16] =	ssyncadd.s32 $0xFFFFF830  }
0x3a: {  	[tilespmem:s17], [sflag:$0x1] =	stream.linear.gather [hbm4b:s11+s2], $0x7D0, $0x38;
	[tilespmem:$0x1278] =	vst v63  }
0x3b: {  	_ =	swait.ge [sflag:s16], $0x7D0  }
0x3c: {  	[sflag:s16] =	ssyncset.done $0x0  }
0x3d: {  	[sflag:s16] =	ssyncadd.s32 $0xFFFFF830  }
0x3e: {  	[spmem:s1] =	stream.indirect.scatter.add.f32 [tilespmem:s17], [sflag:$0x1], $0x1, s2, s18, $0xb8;
	[tilespmem:$0x1278] =	vst v63  }
0x3f: {  	_ =	swait.ge [sflag:s16], $0x7D0  }
0x40: {  	[sflag:s16] =	ssyncset.done $0x0  }
0x41: {  	[sflag:s16] =	ssyncadd.s32 $0xFFFFF830  }
0x42: {  	[tilespmem:s2], [sflag:$0x1] =	stream.linear.gather [hbm4b:s12+s2], $0x7D0, $0x38;
	[tilespmem:$0x1278] =	vst v63  }
0x43: {  	_ =	swait.ge [sflag:s16], $0x7D0  }
0x44: {  	[sflag:s16] =	ssyncset.done $0x0  }
0x45: {  	[sflag:s16] =	ssyncadd.s32 $0xFFFFF830  }
0x46: {  	[tilespmem:s17], [sflag:$0x1] =	stream.linear.gather [hbm4b:s13+s2], $0x7D0, $0x38;
	[tilespmem:$0x1278] =	vst v63  }
0x47: {  	_ =	swait.ge [sflag:s16], $0x7D0  }
0x48: {  	[sflag:s16] =	ssyncset.done $0x0  }
0x49: {  	[sflag:s16] =	ssyncadd.s32 $0xFFFFF830  }
0x4a: {  	[spmem:s1] =	stream.indirect.scatter.add.f32 [tilespmem:s17], [sflag:$0x1], $0x1, s2, s18, $0xb8;
	[tilespmem:$0x1278] =	vst v63  }
0x4b: {  	_ =	swait.ge [sflag:s16], $0x7D0  }
0x4c: {  	[sflag:s16] =	ssyncset.done $0x0  }
0x4d: {  	[sflag:s16] =	ssyncadd.s32 $0xFFFFF830  }
0x4e: {  	[tilespmem:s2], [sflag:$0x1] =	stream.linear.gather [hbm4b:s14+s2], $0x7D0, $0x38;
	[tilespmem:$0x1278] =	vst v63  }
0x4f: {  	_ =	swait.ge [sflag:s16], $0x7D0  }
0x50: {  	[sflag:s16] =	ssyncset.done $0x0  }
0x51: {  	[sflag:s16] =	ssyncadd.s32 $0xFFFFF830  }
0x52: {  	[tilespmem:s17], [sflag:$0x1] =	stream.linear.gather [hbm4b:s15+s2], $0x7D0, $0x38;
	[tilespmem:$0x1278] =	vst v63  }
0x53: {  	_ =	swait.ge [sflag:s16], $0x7D0  }
0x54: {  	[sflag:s16] =	ssyncset.done $0x0  }
0x55: {  	[sflag:s16] =	ssyncadd.s32 $0xFFFFF830  }
0x56: {  	[spmem:s1] =	stream.indirect.scatter.add.f32 [tilespmem:s17], [sflag:$0x1], $0x1, s2, s18, $0xb8;
	[tilespmem:$0x1278] =	vst v63  }
0x57: {  	s21 =	simm.s32 @!p0 $0x1;
	s22 =	simm.s32 @!p0 $0x20;
	_ =	swait.ge [sflag:s16], $0x7D0  }
0x58: {  	s23 =	simm.s32 @!p0 $0x10;
	s19 =	sadd.s32 $0x1, s19;
	[sflag:s16] =	ssyncset.done $0x0  }
0x59: {  	s24 =	simm.s32 @!p0 $0x1C01;
	p2 =	sne.s32 s19, s5;
	[sflag:s16] =	ssyncadd.s32 $0xFFFFF830  }
.Ltmp1:
0x5a: {  	s20 =	sshrl.u32 @!p0 s1, $0x3;
	[bflag:$0x0] =	sbarrier.arrive $0xFFFF;
	(pc) =	sbr.rel @p2 .LBB2_1-.Ltmp1, $4  }
0x5b: {  	[hbm:s4@s22], [sflag:s24] =	dma.strided @!p0 [spmem:s20@s23], $0x4F0, s21, $0x10   }
0x5c: {  	_ =	swait.ge @!p0 [sflag:s21], $0x4F0  }
0x5d: {  	[sflag:s21] =	ssyncset.done @!p0 $0x0  }
0x5e: {  	[sflag:s21] =	ssyncadd.s32 @!p0 $0xFFFFFB10  }
0x5f: {  	_ =	sfence.sel $0x180000  }
0x60: {  	[bflag:$0x0] =	sbarrier.arrive $0xFFFF  }
0x61: {  	_ =	strace $0x9000004A  }
0x62: {  	s0 =	sadd.s32 @!p0 $0x100000, s0;
	[bflag:$0x2] =	sbarrier.arrive $0xFFFF  }
0x63: {  	[sflag:s0] =	ssyncadd.tile.s32 @!p0 $0x1;
	_ =	shalt  }
.Lfunc_end2:
_tile_overlayer_lowered:
.L_overlay_start_2:
0x64: {  	(tag) =	ssettag $0x2  }
0x65: {  	s0 =	rddreg [dreg:$0x0];
	s2 =	stileid.u32  }
0x66: {  	s1 =	rddreg [dreg:$0x1];
	p0 =	sne.s32 s2, $0x0  }
0x67: {  	s3 =	rddreg [dreg:$0x2];
	[bflag:$0x3] =	sbarrier.arrive $0xFFFF;
	s2 =	simm.s32 @!p0 $0x1C01  }
0x68: {  	[timem:s3], [sflag:s2] =	dma.local @!p0 [hbm:s0], s1  }
0x69: {  	s0 =	simm.s32 @!p0 $0x1  }
0x6a: {  	_ =	swait.ge @!p0 [sflag:s0], s1  }
0x6b: {  	s1 =	ssub.s32 @!p0 $0x0, s1;
	[sflag:s0] =	ssyncset.done @!p0 $0x0  }
0x6c: {  	[sflag:s0] =	ssyncadd.s32 @!p0 s1  }
0x6d: {  	[bflag:$0x3] =	sbarrier.arrive $0xFFFF  }
0x6e: {  	_ =	shalt  }

// kernel: kernel.21.cloned.1.call-start
scs
__scs_entry_jumppad:
0x0: {  	(pc) =	sbr.rel $0x88, $3  }
0x1: {  	(tag) =	ssettag $0x0;
	lr =	simm.s32 $0x1  }
0x2: {  	[smem:$0x3F8B] =	sst lr;
	_ =	strace $0xD0000000  }
0x3: {  	_ = 	snop  }
0x4: {  	_ = 	snop  }
0x5: {  	_ = 	snop  }
0x6: {  	_ = 	snop  }
0x7: {  	_ = 	snop  }
__scs_overlays_trampoline_lowered:
0x8: {  	[smem:$0x3F9A] =	sst s0  }
0x9: {  	[smem:$0x3F9B] =	sst s1  }
0xa: {  	[smem:$0x3F9C] =	sst s2  }
0xb: {  	[smem:$0x3F9D] =	sst s3  }
0xc: {  	[smem:$0x3F9E] =	sst s4  }
0xd: {  	[smem:$0x3F9F] =	sst s5  }
0xe: {  	[smem:$0x3FA0] =	sst s6  }
0xf: {  	[smem:$0x3FA1] =	sst s7  }
0x10: {  	[smem:$0x3FA2] =	sst s8  }
0x11: {  	[smem:$0x3FA3] =	sst s9;
	s0 =	simm.s32 @!p0 $0x0  }
0x12: {  	s1 =	sld [smem:$0x3F89];
	s0 =	simm.s32 @p0 $0x1  }
0x13: {  	[smem:$0x3FA4] =	sst s0;
	s0 =	simm.s32 @!p1 $0x0  }
0x14: {  	s2 =	sld [smem:$0x3F88];
	s0 =	simm.s32 @p1 $0x1  }
0x15: {  	[smem:$0x3FA5] =	sst s0;
	s0 =	simm.s32 @!p2 $0x0  }
0x16: {  	s3 =	sld [smem:$0x3FDB];
	s0 =	simm.s32 @p2 $0x1  }
0x17: {  	s4 =	simm.s32 $0x1BF5;
	[smem:$0x3FA7] =	sst s0  }
0x18: {  	s0 =	sld [smem:$0x3F8A];
	_ =	swait.ge [sflag:s4], $0x0  }
0x19: {  	s7 =	sld [smem:$0x3F8B]  }
0x1a: {  	s8 =	sadd.s32 $0xFFFFE003, lr  }
0x1b: {  	s9 =	sadd.s32 $0xFFFFFEF7, lr;
	s5 =	simm.s32 $0xFFFFFFFF;
	p2 =	slt.u32 s8, $0xFFFFF086  }
0x1c: {  	p1 =	slt.u32 s9, $0xF7A;
	s5 =	simm.s32 @!p2 $0x0  }
0x1d: {  	s5 =	simm.s32 @p1 $0x1;
	p0 =	seq.s32 s7, s2  }
0x1e: {  	s7 =	smul.u32 @!p0 $0xF7A, s2;
	p2 =	seq.s32 @!p0 s5, $0x0  }
0x1f: {  	s9 =	smul.u32 $0xF7A, s1;
	s8 =	simm.s32 @!p0 $0x1BF5;
	p2 =	por !p2, p0  }
0x20: {  	[sflag:s8] =	ssyncset.s32 @!p0 $0xFFFFF086;
	s6 =	sadd.s32 @!p0 s3, s7;
	s7 =	simm.s32 @!p0 $0x108  }
0x21: {  	s3 =	sadd.s32 s3, s9;
	s6 =	sadd.s32 @!p0 $0x88, s6;
	s7 =	simm.s32 @p2 $0x1082  }
0x22: {  	[simem:s7], [sflag:s8] =	dma.local @!p0 [hbm:s6], $0xF7A  }
0x23: {  	s9 =	sor.u32 $0xD0000000, s2;
	s6 =	simm.s32 $0x108;
	_ =	swait.ge @!p0 [sflag:s8], $0x0  }
0x24: {  	s3 =	sadd.s32 $0x88, s3;
	s6 =	simm.s32 @!p1 $0x1082;
	[sflag:s4] =	ssyncset.s32 $0xFFFFF086  }
0x25: {  	[simem:s6], [sflag:s4] =	dma.local [hbm:s3], $0xF7A  }
0x26: {  	[smem:$0x3F8B] =	sst s1;
	(tag) =	ssettag s2;
	_ =	strace s9  }
0x27: {  	s1 =	sld [smem:$0x3F9B]  }
0x28: {  	s2 =	sld [smem:$0x3F9C]  }
0x29: {  	s4 =	sld [smem:$0x3F9E]  }
0x2a: {  	p0 =	seq.s32 s5, $0x0;
	s5 =	sld [smem:$0x3F9F]  }
0x2b: {  	s6 =	sld [smem:$0x3FA0]  }
0x2c: {  	s7 =	sld [smem:$0x3FA1]  }
0x2d: {  	s3 =	simm.s32 $0x108;
	s8 =	sld [smem:$0x3FA2]  }
0x2e: {  	s3 =	simm.s32 @!p0 $0x1082;
	s9 =	sld [smem:$0x3FA3]  }
0x2f: {  	lr =	sadd.s32 s0, s3;
	s0 =	sld [smem:$0x3F9A]  }
0x30: {  	s3 =	sld [smem:$0x3F9D]  }
0x31: {  	[smem:$0x3FA6] =	sst s10  }
0x32: {  	s10 =	sld [smem:$0x3FA4];
	_ =	sdelay $0x3  }
0x33: {  	p0 =	seq.s32 s10, $0x1;
	s10 =	sld [smem:$0x3FA6];
	_ =	sdelay $0x3  }
0x34: {  	[smem:$0x3FA6] =	sst s10  }
0x35: {  	s10 =	sld [smem:$0x3FA5];
	_ =	sdelay $0x3  }
0x36: {  	p1 =	seq.s32 s10, $0x1;
	s10 =	sld [smem:$0x3FA6];
	_ =	sdelay $0x3  }
0x37: {  	[smem:$0x3FA6] =	sst s10  }
0x38: {  	s10 =	sld [smem:$0x3FA7]  }
0x39: {  	_ = 	snop;
	(pc) =	sbr.ind lr, $3  }
0x3a: {  	_ = 	snop  }
0x3b: {  	_ = 	snop  }
0x3c: {  	p2 =	seq.s32 s10, $0x1;
	s10 =	sld [smem:$0x3FA6]  }
0x3d: {  	_ =	shalt  }
0x3e: {  	_ =	shalt  }
0x3f: {  	_ =	shalt  }
0x40: {  	_ =	shalt  }
0x41: {  	_ =	shalt  }
0x42: {  	_ =	shalt  }
0x43: {  	_ =	shalt  }
0x44: {  	_ =	shalt  }
0x45: {  	_ =	shalt  }
0x46: {  	_ =	shalt  }
0x47: {  	_ =	shalt  }
0x48: {  	_ =	shalt  }
0x49: {  	_ =	shalt  }
0x4a: {  	_ =	shalt  }
0x4b: {  	_ =	shalt  }
0x4c: {  	_ =	shalt  }
0x4d: {  	_ =	shalt  }
0x4e: {  	_ =	shalt  }
0x4f: {  	_ =	shalt  }
0x50: {  	_ =	shalt  }
0x51: {  	_ =	shalt  }
0x52: {  	_ =	shalt  }
0x53: {  	_ =	shalt  }
0x54: {  	_ =	shalt  }
0x55: {  	_ =	shalt  }
0x56: {  	_ =	shalt  }
0x57: {  	_ =	shalt  }
0x58: {  	_ =	shalt  }
0x59: {  	_ =	shalt  }
0x5a: {  	_ =	shalt  }
0x5b: {  	_ =	shalt  }
0x5c: {  	_ =	shalt  }
0x5d: {  	_ =	shalt  }
0x5e: {  	_ =	shalt  }
0x5f: {  	_ =	shalt  }
0x60: {  	_ =	shalt  }
0x61: {  	_ =	shalt  }
0x62: {  	_ =	shalt  }
0x63: {  	_ =	shalt  }
0x64: {  	_ =	shalt  }
0x65: {  	_ =	shalt  }
0x66: {  	_ =	shalt  }
0x67: {  	_ =	shalt  }
0x68: {  	_ =	shalt  }
0x69: {  	_ =	shalt  }
0x6a: {  	_ =	shalt  }
0x6b: {  	_ =	shalt  }
0x6c: {  	_ =	shalt  }
0x6d: {  	_ =	shalt  }
0x6e: {  	_ =	shalt  }
0x6f: {  	_ =	shalt  }
0x70: {  	_ =	shalt  }
0x71: {  	_ =	shalt  }
0x72: {  	_ =	shalt  }
0x73: {  	_ =	shalt  }
0x74: {  	_ =	shalt  }
0x75: {  	_ =	shalt  }
0x76: {  	_ =	shalt  }
0x77: {  	_ =	shalt  }
0x78: {  	_ =	shalt  }
0x79: {  	_ =	shalt  }
0x7a: {  	_ =	shalt  }
0x7b: {  	_ =	shalt  }
0x7c: {  	_ =	shalt  }
0x7d: {  	_ =	shalt  }
0x7e: {  	_ =	shalt  }
0x7f: {  	_ =	shalt  }
0x80: {  	_ =	shalt  }
0x81: {  	_ =	shalt  }
0x82: {  	_ =	shalt  }
0x83: {  	_ =	shalt  }
0x84: {  	_ =	shalt  }
0x85: {  	_ =	shalt  }
0x86: {  	_ =	shalt  }
0x87: {  	_ =	shalt  }
.Lfunc_end0:
.L_simem_size_0:
called_computation.2_lowered:
.L_overlay_start_0:
0x88: {  	s2 =	sld [smem:$0x3FD9]  }
0x89: {  	s3 =	sld [smem:$0x3FFE];
	_ =	sdelay $0x1  }
0x8a: {  	s1 =	srdreg.scid  }
0x8b: {  	s0 =	sand.u32 $0x1, s1  }
0x8c: {  	s17 =	sshll.u32 s0, $0xA;
	s2 =	sadd.s32 s3, s2  }
0x8d: {  	s2 =	sadd.s32 s2, s17  }
0x8e: {  	[smem:$0x3FB2] =	sst s2  }
0x8f: {  	_ = 	snop  }
0x90: {  	s2 =	sld [smem:$0x3FD0];
	(tm) =	ssettm $0x1  }
0x91: {  	s18 =	sld [smem:$0x3FFB];
	_ =	sdelay $0x3  }
0x92: {  	_ =	strace s18  }
0x93: {  	s3 =	sld [smem:$0x3FFC];
	_ =	sdelay $0x3  }
0x94: {  	_ =	strace s3  }
0x95: {  	s3 =	sld [smem:$0x3FFD];
	_ =	sdelay $0x3  }
0x96: {  	_ =	strace s3  }
0x97: {  	_ =	strace $0x8FFFFFFF  }
0x98: {  	s19 =	sld [smem:$0x3FDB];
	_ =	sdelay $0x1  }
0x99: {  	s4 =	simm.s32 $_scs_section_size  }
0x9a: {  	s5 =	simm.s32 $_size__tile_overlayer_lowered;
	s6 =	simm.s32 $_tile_overlayer_lowered  }
0x9b: {  	s22 =	simm.s32 $0x1BFF;
	s21 =	sshll.u32 s6, $0x1;
	s3 =	sadd.s32 s4, s19  }
0x9c: {  	s7 =	simm.s32 $0x0;
	s20 =	sshll.u32 s5, $0x1;
	s5 =	sadd.s32 s21, s3  }
0x9d: {  	[timem:s7], [sflag:s22] =	dma.local [hbm:s5], s20  }
0x9e: {  	_ =	swait.ge [sflag:s22], s20  }
0x9f: {  	s4 =	ssub.s32 $0x0, s20;
	[sflag:s22] =	ssyncset.done $0x0  }
0xa0: {  	[sflag:s22] =	ssyncadd.s32 s4;
	_ =	sdelay $0x1  }
0xa1: {  	s23 =	simm.s32 $0x1B8B  }
0xa2: {  	_ =	swait.ge [sflag:s23], $0x1  }
0xa3: {  	[sflag:s23] =	ssyncset.done $0x0  }
0xa4: {  	s25 =	simm.s32 $0x1B8E;
	s24 =	sld [smem:$0x3FFE];
	[sflag:s23] =	ssyncadd.s32 $0xFFFFFFFF  }
0xa5: {  	s26 =	simm.s32 $execute0_lowered;
	[smem:$0x3FD2] =	sst s25  }
0xa6: {  	s5 =	sshll.u32 s26, $0x1;
	_ =	strace $0x8000004C;
	[dreg:$0x1] =	wrdreg $0xFFFFFFFF  }
0xa7: {  	s28 =	simm.s32 $_size_execute0_lowered;
	s3 =	sadd.s32 s3, s5;
	[dreg:$0x0] =	wrdreg $0x0  }
0xa8: {  	s5 =	sshll.u32 s28, $0x1;
	[dreg:$0x2] =	wrdreg s3  }
0xa9: {  	[dreg:$0x3] =	wrdreg s5  }
0xaa: {  	[dreg:$0x4] =	wrdreg $0xC0  }
0xab: {  	_ =	task [dreg:s7], $0x5FFFF  }
0xac: {  	[dreg:$0x1] =	wrdreg $0xFFFFFFFF  }
0xad: {  	[dreg:$0x0] =	wrdreg $0x60  }
0xae: {  	[dreg:$0x2] =	wrdreg s2  }
0xaf: {  	[dreg:$0x3] =	wrdreg s24  }
0xb0: {  	[dreg:$0x4] =	wrdreg $0x66000  }
0xb1: {  	[dreg:$0x5] =	wrdreg $0x9  }
0xb2: {  	_ =	task.clear_ibuf [dreg:s7], $0x6FFFF;
	_ =	strace $0x9000004C  }
0xb3: {  	s29 =	simm.s32 $0x9;
	_ =	strace $0x8000004E  }
0xb4: {  	_ =	swait.ge [sflag:s29], $0x1  }
0xb5: {  	[sflag:s29] =	ssyncadd.s32 $0xFFFFFFFF  }
0xb6: {  	_ =	strace $0x9000004E  }
0xb7: {  	_ =	sfence  }
0xb8: {  	s30 =	sld [smem:$0x0];
	_ =	sdelay $0x2  }
0xb9: {  	s31 =	sshll.u32 s1, $0xD;
	s1 =	sshrl.u32 s1, $0x2  }
0xba: {  	s3 =	sand.u32 $0x4000, s31;
	s1 =	sadd.s32 s1, s30  }
0xbb: {  	s0 =	sor.u32 s3, s0;
	s1 =	sshll.u32 s1, $0x11  }
0xbc: {  	s0 =	sor.u32 s1, s0  }
0xbd: {  	s0 =	sadd.s32 $0x8F2B, s0  }
0xbe: {  	[sflag:s0] =	ssyncadd.remote.s32 $0x1  }
0xbf: {  	_ =	sfence.sel $0xFFFF  }
0xc0: {  	[dreg:$0x0] =	wrdreg $0xFFFFFFFF;
	(pc) =	sbr.abs _section_cstart, $3  }
0xc1: {  	[dreg:$0x1] =	wrdreg $0xFFFFFFFF  }
0xc2: {  	_ =	task.clear_ibuf [dreg:s7], $0x2FFFF;
	_ =	strace $0x9FFFFFFF  }
0xc3: {  	(tm) =	ssettm $0x7FFFFFFF  }
tec
execute0_lowered:
.L_overlay_start_1:
0x0: {  	(tag) =	ssettag $0x1  }
0x1: {  	s4 =	rddreg [dreg:$0x1]  }
0x2: {  	s8 =	srdreg.scid;
	s5 =	sadd.s32 $0x5200, s4;
	s6 =	sadd.s32 $0xF000, s4  }
0x3: {  	s7 =	sadd.s32 $0x18E00, s4;
	s16 =	sadd.s32 $0x49E00, s4;
	s4 =	stileid.u32  }
0x4: {  	s10 =	sand.u32 $0x1, s8;
	s9 =	smul.u32 $0x19000, s4  }
0x5: {  	s21 =	smul.u32 $0x138800, s10  }
0x6: {  	s12 =	sor.u32 $0x10, s4;
	s24 =	smul.u32 $0x6400, s4  }
0x7: {  	s1 =	rddreg [dreg:$0x0];
	s13 =	sor.u32 $0x20, s4;
	s11 =	smul.u32 $0x19000, s12  }
0x8: {  	s2 =	rddreg [dreg:$0x2];
	s15 =	sor.u32 $0x30, s4;
	s14 =	smul.u32 $0x19000, s13  }
0x9: {  	s3 =	simm.s32 $0x0;
	s20 =	sshll.u32 s4, $0x1;
	s18 =	smul.u32 $0x19000, s15  }
0xa: {  	[smem:$0x7FF] =	sst s3;
	s8 =	sor.u32 s10, s20;
	s20 =	smul.u32 $0x6400, s12  }
0xb: {  	s0 =	rddreg [dreg:$0x3];
	_ =	strace $0x8000004D;
	s26 =	smul.u32 $0x6400, s13  }
0xc: {  	s17 =	ssub.s32 $0x2, s10;
	p0 =	sgt.u32 s4, $0x1;
	s29 =	smul.u32 $0x6400, s15  }
0xd: {  	s19 =	sshrl.u32 s17, $0x1;
	s9 =	sshrl.u32 s9, $0x2;
	s8 =	smul.u32 $0x2710, s8  }
0xe: {  	s17 =	ssub.s32 s17, s19;
	s9 =	sadd.s32 s9, s2;
	s22 =	sshrl.u32 s11, $0x2  }
0xf: {  	s23 =	sshrl.u32 s14, $0x2;
	s25 =	sshrl.u32 s18, $0x2;
	s14 =	sadd.s32 s24, s21  }
0x10: {  	s30 =	sadd.s32 s21, s20;
	s18 =	sadd.s32 s21, s26;
	s19 =	sadd.s32 s21, s29  }
0x11: {  	s17 =	smax.u32 s17, $0x1;
	s20 =	simm.s32 $0x100;
	s21 =	simm.s32 $0xC8  }
0x12: {  	s10 =	sadd.s32 s22, s2;
	s11 =	sadd.s32 s23, s2;
	s12 =	sadd.s32 s25, s2  }
0x13: {  	s28 =	sshrl.u32 s14, $0x3;
	s15 =	sshrl.u32 s30, $0x3;
	s18 =	sshrl.u32 s18, $0x3  }
0x14: {  	s31 =	sshrl.u32 s19, $0x3;
	s19 =	simm.s32 $0x2;
	s22 =	simm.s32 $0x1  }
0x15: {  	s23 =	simm.s32 $0x0;
	s13 =	sadd.s32 s16, s28;
	s14 =	sadd.s32 s16, s15  }
0x16: {  	v0 =	vimm.f32 $0.0e+00;
	s15 =	sadd.s32 s16, s18;
	s16 =	sadd.s32 s16, s31;
	s18 =	simm.s32 $0x200  }
.LBB2_1:
0x17: {  	s24 =	simm.s32 $0x0;
	s25 =	simm.s32 $0x200  }
.LBB2_2:
0x18: {  	p1 =	sne.s32 s25, $0x18E00;
	[tilespmem:s24+$0x270] =	vst v0  }
0x19: {  	[tilespmem:s24+$0x200] =	vst v0  }
0x1a: {  	[tilespmem:s24+$0x210] =	vst v0  }
.Ltmp0:
0x1b: {  	[tilespmem:s24+$0x220] =	vst v0;
	(pc) =	sbr.rel @p1 .LBB2_2-.Ltmp0, $4  }
0x1c: {  	[tilespmem:s24+$0x230] =	vst v0  }
0x1d: {  	[tilespmem:s24+$0x240] =	vst v0  }
0x1e: {  	[tilespmem:s24+$0x250] =	vst v0  }
0x1f: {  	[tilespmem:s24+$0x260] =	vst v0;
	s24 =	sshra.s32 s25, $0x2;
	s25 =	sadd.s32 $0x200, s25  }
0x20: {  	[tilespmem:s24+$0x270] =	vst v0  }
0x21: {  	[tilespmem:s24+$0x200] =	vst v0  }
0x22: {  	[tilespmem:s24+$0x210] =	vst v0  }
0x23: {  	[tilespmem:s24+$0x220] =	vst v0  }
0x24: {  	[tilespmem:s24+$0x230] =	vst v0  }
0x25: {  	[tilespmem:s24+$0x240] =	vst v0  }
0x26: {  	[tilespmem:s24+$0x250] =	vst v0  }
0x27: {  	[tilespmem:s24+$0x260] =	vst v0  }
0x28: {  	[spmem:s9] =	stream.linear.scatter [tilespmem:s18], [sflag:$0x2], $0x6400, $0x38;
	[tilespmem:$0x19E80] =	vst v63  }
0x29: {  	_ =	swait.ge [sflag:s19], $0x6400  }
0x2a: {  	[sflag:s19] =	ssyncset.done $0x0  }
0x2b: {  	[sflag:s19] =	ssyncadd.s32 $0xFFFF9C00  }
0x2c: {  	[spmem:s10] =	stream.linear.scatter [tilespmem:s18], [sflag:$0x2], $0x6400, $0x38;
	[tilespmem:$0x19E80] =	vst v63  }
0x2d: {  	_ =	swait.ge [sflag:s19], $0x6400  }
0x2e: {  	[sflag:s19] =	ssyncset.done $0x0  }
0x2f: {  	[sflag:s19] =	ssyncadd.s32 $0xFFFF9C00  }
0x30: {  	[spmem:s11] =	stream.linear.scatter [tilespmem:s18], [sflag:$0x2], $0x6400, $0x38;
	[tilespmem:$0x19E80] =	vst v63  }
0x31: {  	_ =	swait.ge [sflag:s19], $0x6400  }
0x32: {  	[sflag:s19] =	ssyncset.done $0x0  }
0x33: {  	s24 =	simm.s32 @!p0 $0x200;
	[sflag:s19] =	ssyncadd.s32 $0xFFFF9C00  }
0x34: {  	[spmem:s12] =	stream.linear.scatter @!p0 [tilespmem:s24], [sflag:$0x2], $0x6400, $0x38;
	[tilespmem:$0x19E80] =	vst v63  }
0x35: {  	s24 =	simm.s32 @!p0 $0x2  }
0x36: {  	_ =	swait.ge @!p0 [sflag:s24], $0x6400  }
0x37: {  	[sflag:s24] =	ssyncset.done @!p0 $0x0  }
0x38: {  	[sflag:s24] =	ssyncadd.s32 @!p0 $0xFFFF9C00  }
0x39: {  	s25 =	simm.s32 $0x0;
	s24 =	simm.s32 $0x0;
	[bflag:$0x0] =	sbarrier.arrive $0xFFFF  }
.LBB2_4:
0x3a: {  	s26 =	smul.u32 $0xC8, s25;
	_ =	sdelay $0x1  }
0x3b: {  	s26 =	sadd.s32 s8, s26  }
0x3c: {  	s26 =	sshrl.u32 s26, $0x3  }
0x3d: {  	s28 =	sadd.s32 s5, s26  }
0x3e: {  	[tilespmem:s24], [sflag:$0x2] =	stream.linear.gather [hbm4b:s28+s24], $0xC8, $0x38;
	[tilespmem:$0x19E80] =	vst v63  }
0x3f: {  	_ =	swait.ge [sflag:s19], $0xC8  }
0x40: {  	[sflag:s19] =	ssyncset.done $0x0  }
0x41: {  	s28 =	sadd.s32 s7, s26;
	[sflag:s19] =	ssyncadd.s32 $0xFFFFFF38  }
0x42: {  	[tilespmem:s20], [sflag:$0x2] =	stream.linear.gather [hbm4b:s28+s24], $0xC8, $0x38;
	[tilespmem:$0x19E80] =	vst v63  }
0x43: {  	_ =	swait.ge [sflag:s19], $0xC8  }
0x44: {  	[sflag:s19] =	ssyncset.done $0x0  }
0x45: {  	[sflag:s19] =	ssyncadd.s32 $0xFFFFFF38  }
0x46: {  	[tilespmem:s18], [sflag:$0x1] =	stream.indirect.gather [hbm4b:s1+s21], $0x80, s24, s21, $0xb8;
	[tilespmem:$0x19E80] =	vst v63  }
0x47: {  	_ =	swait.ge [sflag:s22], $0x6400  }
0x48: {  	[sflag:s22] =	ssyncset.done $0x0  }
0x49: {  	s28 =	simm.s32 $0x240;
	[sflag:s22] =	ssyncadd.s32 $0xFFFF9C00  }
0x4a: {  	v5 =	vld [tilespmem:s28+$0x30]  }
0x4b: {  	v8 =	vld [tilespmem:s28+$0x10]  }
0x4c: {  	s29 =	simm.s32 $0x0;
	v6 =	vld [tilespmem:s28+$0xFFFFFFC0]  }
0x4d: {  	v2 =	vld.msk [tilespmem:s29+$0x100 ss:$0x0], $0xffff  }
0x4e: {  	v10 =	vld [tilespmem:s28+$0xFFFFFFE0]  }
0x4f: {  	v1 =	vld [tilespmem:s28+$0xFFFFFFF0]  }
0x50: {  	v3 =	vld [tilespmem:s28+$0x20]  }
0x51: {  	v4 =	vld [tilespmem:s28+$0xFFFFFFD0]  }
0x52: {  	v9 =	vmul.f32 v5, v2;
	v5 =	vld [tilespmem:s28+$0x0]  }
0x53: {  	v7 =	vmul.f32 v2, v6  }
0x54: {  	s30 =	simm.s32 $0x240;
	s29 =	simm.s32 $0x4;
	v6 =	vmul.f32 v10, v2;
	v8 =	vmul.f32 v8, v2  }
.LBB2_5:
0x55: {  	p1 =	sne.s32 s29, $0x31C  }
0x56: {  	v4 =	vmul.f32 v4, v2;
	v3 =	vmul.f32 v3, v2;
	[tilespmem:s28+$0x30] =	vst v9;
	s30 =	sadd.s32 $0x80, s30;
	s31 =	smov.u32 s29;
	s29 =	sadd.s32 $0x4, s29  }
0x57: {  	[tilespmem:s28+$0xFFFFFFC0] =	vst v7;
	v7 =	vmul.f32 v1, v2;
	v2 =	vmul.f32 v5, v2  }
0x58: {  	[tilespmem:s28+$0x10] =	vst v8  }
0x59: {  	[tilespmem:s28+$0xFFFFFFE0] =	vst v6  }
0x5a: {  	v1 =	vld [tilespmem:s30+$0xFFFFFFF0];
	[tilespmem:s28+$0xFFFFFFF0] =	vst v7  }
0x5b: {  	v6 =	vld [tilespmem:s30+$0x30];
	[tilespmem:s28+$0x0] =	vst v2  }
0x5c: {  	v8 =	vld [tilespmem:s30+$0x10];
	[tilespmem:s28+$0x20] =	vst v3  }
0x5d: {  	s31 =	sshra.s32 s31, $0x2;
	v7 =	vld [tilespmem:s30+$0xFFFFFFC0];
	[tilespmem:s28+$0xFFFFFFD0] =	vst v4;
	s28 =	smov.u32 s30  }
0x5e: {  	v2 =	vld.msk [tilespmem:s31+$0x100 ss:$0x0], $0xffff  }
0x5f: {  	v10 =	vld [tilespmem:s30+$0xFFFFFFE0]  }
0x60: {  	v3 =	vld [tilespmem:s30+$0x20]  }
.Ltmp1:
0x61: {  	v4 =	vld [tilespmem:s30+$0xFFFFFFD0];
	(pc) =	sbr.rel @p1 .LBB2_5-.Ltmp1, $3  }
0x62: {  	v5 =	vld [tilespmem:s30+$0x0];
	_ =	sdelay $0x1  }
0x63: {  	v7 =	vmul.f32 v2, v7;
	v9 =	vmul.f32 v6, v2  }
0x64: {  	v8 =	vmul.f32 v8, v2;
	v6 =	vmul.f32 v10, v2  }
0x65: {  	[tilespmem:s28+$0x30] =	vst v9  }
0x66: {  	[tilespmem:s28+$0xFFFFFFC0] =	vst v7  }
0x67: {  	v1 =	vmul.f32 v1, v2;
	[tilespmem:s28+$0x10] =	vst v8  }
0x68: {  	v3 =	vmul.f32 v3, v2;
	[tilespmem:s28+$0xFFFFFFE0] =	vst v6  }
0x69: {  	v5 =	vmul.f32 v5, v2;
	[tilespmem:s28+$0xFFFFFFF0] =	vst v1  }
0x6a: {  	v1 =	vmul.f32 v4, v2;
	[tilespmem:s28+$0x20] =	vst v3  }
0x6b: {  	[tilespmem:s28+$0x0] =	vst v5  }
0x6c: {  	s26 =	sadd.s32 s6, s26;
	[tilespmem:s28+$0xFFFFFFD0] =	vst v1  }
0x6d: {  	[tilespmem:s3], [sflag:$0x2] =	stream.linear.gather [hbm4b:s26+s3], $0xC8, $0x38;
	[tilespmem:$0x19E80] =	vst v63  }
0x6e: {  	s25 =	sadd.s32 $0x1, s25;
	_ =	swait.ge [sflag:s19], $0xC8  }
0x6f: {  	p1 =	sne.s32 s25, $0x32;
	[sflag:s19] =	ssyncset.done $0x0  }
.Ltmp2:
0x70: {  	[sflag:s19] =	ssyncadd.s32 $0xFFFFFF38;
	(pc) =	sbr.rel @p1 .LBB2_4-.Ltmp2, $4  }
0x71: {  	[spmem:s2] =	stream.indirect.scatter.add.f32 [tilespmem:s18], [sflag:$0x2], $0x80, s3, s21, $0xb8;
	[tilespmem:$0x19E80] =	vst v63  }
0x72: {  	_ =	swait.ge [sflag:s19], $0x6400  }
0x73: {  	[sflag:s19] =	ssyncset.done $0x0  }
0x74: {  	[sflag:s19] =	ssyncadd.s32 $0xFFFF9C00  }
0x75: {  	s24 =	sshll.u32 s4, $0x6  }
0x76: {  	[bflag:$0x0] =	sbarrier.arrive $0xFFFF;
	s25 =	sshrl.u32 s9, $0x3;
	s24 =	sor.u32 $0x1C02, s24  }
0x77: {  	[hbm:s13], [sflag:s24] =	dma.local [spmem:s25], $0xC80  }
0x78: {  	_ =	swait.ge [sflag:s19], $0xC80  }
0x79: {  	[sflag:s19] =	ssyncset.done $0x0  }
0x7a: {  	s30 =	sshrl.u32 s10, $0x3;
	[sflag:s19] =	ssyncadd.s32 $0xFFFFF380  }
0x7b: {  	[hbm:s14], [sflag:s24] =	dma.local [spmem:s30], $0xC80  }
0x7c: {  	_ =	swait.ge [sflag:s19], $0xC80  }
0x7d: {  	[sflag:s19] =	ssyncset.done $0x0  }
0x7e: {  	s31 =	sshrl.u32 s11, $0x3;
	[sflag:s19] =	ssyncadd.s32 $0xFFFFF380  }
0x7f: {  	[hbm:s15], [sflag:s24] =	dma.local [spmem:s31], $0xC80  }
0x80: {  	_ =	swait.ge [sflag:s19], $0xC80  }
0x81: {  	s23 =	sadd.s32 $0x1, s23;
	[sflag:s19] =	ssyncset.done $0x0  }
0x82: {  	p1 =	sne.s32 s23, s17;
	s25 =	sshrl.u32 @!p0 s12, $0x3;
	[sflag:s19] =	ssyncadd.s32 $0xFFFFF380  }
0x83: {  	[hbm:s16], [sflag:s24] =	dma.local @!p0 [spmem:s25], $0xC80  }
.Ltmp3:
0x84: {  	_ = 	snop;
	(pc) =	sbr.rel @p1 .LBB2_1-.Ltmp3, $4  }
0x85: {  	s24 =	simm.s32 @!p0 $0x2  }
0x86: {  	_ =	swait.ge @!p0 [sflag:s24], $0xC80  }
0x87: {  	[sflag:s24] =	ssyncset.done @!p0 $0x0  }
0x88: {  	[sflag:s24] =	ssyncadd.s32 @!p0 $0xFFFFF380  }
0x89: {  	_ =	sfence.sel $0x180000  }
0x8a: {  	[bflag:$0x0] =	sbarrier.arrive $0xFFFF  }
0x8b: {  	p0 =	sne.s32 s4, $0x0;
	_ =	strace $0x9000004D  }
0x8c: {  	s0 =	sadd.s32 @!p0 $0x100000, s0;
	[bflag:$0x2] =	sbarrier.arrive $0xFFFF  }
0x8d: {  	[sflag:s0] =	ssyncadd.tile.s32 @!p0 $0x1;
	_ =	shalt  }
.Lfunc_end2:
_tile_overlayer_lowered:
.L_overlay_start_2:
0x8e: {  	(tag) =	ssettag $0x2  }
0x8f: {  	s0 =	rddreg [dreg:$0x0];
	s2 =	stileid.u32  }
0x90: {  	s1 =	rddreg [dreg:$0x1];
	p0 =	sne.s32 s2, $0x0  }
0x91: {  	s3 =	rddreg [dreg:$0x2];
	[bflag:$0x3] =	sbarrier.arrive $0xFFFF;
	s2 =	simm.s32 @!p0 $0x1C02  }
0x92: {  	[timem:s3], [sflag:s2] =	dma.local @!p0 [hbm:s0], s1  }
0x93: {  	s0 =	simm.s32 @!p0 $0x2  }
0x94: {  	_ =	swait.ge @!p0 [sflag:s0], s1  }
0x95: {  	s1 =	ssub.s32 @!p0 $0x0, s1;
	[sflag:s0] =	ssyncset.done @!p0 $0x0  }
0x96: {  	[sflag:s0] =	ssyncadd.s32 @!p0 s1  }
0x97: {  	[bflag:$0x3] =	sbarrier.arrive $0xFFFF  }
0x98: {  	_ =	shalt  }

// kernel: kernel.24.cloned.1.call-start
scs
__scs_entry_jumppad:
0x0: {  	(pc) =	sbr.rel $0x88, $3  }
0x1: {  	(tag) =	ssettag $0x0;
	lr =	simm.s32 $0x1  }
0x2: {  	[smem:$0x3F8B] =	sst lr;
	_ =	strace $0xD0000000  }
0x3: {  	_ = 	snop  }
0x4: {  	_ = 	snop  }
0x5: {  	_ = 	snop  }
0x6: {  	_ = 	snop  }
0x7: {  	_ = 	snop  }
__scs_overlays_trampoline_lowered:
0x8: {  	[smem:$0x3F9A] =	sst s0  }
0x9: {  	[smem:$0x3F9B] =	sst s1  }
0xa: {  	[smem:$0x3F9C] =	sst s2  }
0xb: {  	[smem:$0x3F9D] =	sst s3  }
0xc: {  	[smem:$0x3F9E] =	sst s4  }
0xd: {  	[smem:$0x3F9F] =	sst s5  }
0xe: {  	[smem:$0x3FA0] =	sst s6  }
0xf: {  	[smem:$0x3FA1] =	sst s7  }
0x10: {  	[smem:$0x3FA2] =	sst s8  }
0x11: {  	[smem:$0x3FA3] =	sst s9;
	s0 =	simm.s32 @!p0 $0x0  }
0x12: {  	s1 =	sld [smem:$0x3F89];
	s0 =	simm.s32 @p0 $0x1  }
0x13: {  	[smem:$0x3FA4] =	sst s0;
	s0 =	simm.s32 @!p1 $0x0  }
0x14: {  	s2 =	sld [smem:$0x3F88];
	s0 =	simm.s32 @p1 $0x1  }
0x15: {  	[smem:$0x3FA5] =	sst s0;
	s0 =	simm.s32 @!p2 $0x0  }
0x16: {  	s3 =	sld [smem:$0x3FDB];
	s0 =	simm.s32 @p2 $0x1  }
0x17: {  	s4 =	simm.s32 $0x1BF5;
	[smem:$0x3FA7] =	sst s0  }
0x18: {  	s0 =	sld [smem:$0x3F8A];
	_ =	swait.ge [sflag:s4], $0x0  }
0x19: {  	s7 =	sld [smem:$0x3F8B]  }
0x1a: {  	s8 =	sadd.s32 $0xFFFFE003, lr  }
0x1b: {  	s9 =	sadd.s32 $0xFFFFFEF7, lr;
	s5 =	simm.s32 $0xFFFFFFFF;
	p2 =	slt.u32 s8, $0xFFFFF086  }
0x1c: {  	p1 =	slt.u32 s9, $0xF7A;
	s5 =	simm.s32 @!p2 $0x0  }
0x1d: {  	s5 =	simm.s32 @p1 $0x1;
	p0 =	seq.s32 s7, s2  }
0x1e: {  	s7 =	smul.u32 @!p0 $0xF7A, s2;
	p2 =	seq.s32 @!p0 s5, $0x0  }
0x1f: {  	s9 =	smul.u32 $0xF7A, s1;
	s8 =	simm.s32 @!p0 $0x1BF5;
	p2 =	por !p2, p0  }
0x20: {  	[sflag:s8] =	ssyncset.s32 @!p0 $0xFFFFF086;
	s6 =	sadd.s32 @!p0 s3, s7;
	s7 =	simm.s32 @!p0 $0x108  }
0x21: {  	s3 =	sadd.s32 s3, s9;
	s6 =	sadd.s32 @!p0 $0x88, s6;
	s7 =	simm.s32 @p2 $0x1082  }
0x22: {  	[simem:s7], [sflag:s8] =	dma.local @!p0 [hbm:s6], $0xF7A  }
0x23: {  	s9 =	sor.u32 $0xD0000000, s2;
	s6 =	simm.s32 $0x108;
	_ =	swait.ge @!p0 [sflag:s8], $0x0  }
0x24: {  	s3 =	sadd.s32 $0x88, s3;
	s6 =	simm.s32 @!p1 $0x1082;
	[sflag:s4] =	ssyncset.s32 $0xFFFFF086  }
0x25: {  	[simem:s6], [sflag:s4] =	dma.local [hbm:s3], $0xF7A  }
0x26: {  	[smem:$0x3F8B] =	sst s1;
	(tag) =	ssettag s2;
	_ =	strace s9  }
0x27: {  	s1 =	sld [smem:$0x3F9B]  }
0x28: {  	s2 =	sld [smem:$0x3F9C]  }
0x29: {  	s4 =	sld [smem:$0x3F9E]  }
0x2a: {  	p0 =	seq.s32 s5, $0x0;
	s5 =	sld [smem:$0x3F9F]  }
0x2b: {  	s6 =	sld [smem:$0x3FA0]  }
0x2c: {  	s7 =	sld [smem:$0x3FA1]  }
0x2d: {  	s3 =	simm.s32 $0x108;
	s8 =	sld [smem:$0x3FA2]  }
0x2e: {  	s3 =	simm.s32 @!p0 $0x1082;
	s9 =	sld [smem:$0x3FA3]  }
0x2f: {  	lr =	sadd.s32 s0, s3;
	s0 =	sld [smem:$0x3F9A]  }
0x30: {  	s3 =	sld [smem:$0x3F9D]  }
0x31: {  	[smem:$0x3FA6] =	sst s10  }
0x32: {  	s10 =	sld [smem:$0x3FA4];
	_ =	sdelay $0x3  }
0x33: {  	p0 =	seq.s32 s10, $0x1;
	s10 =	sld [smem:$0x3FA6];
	_ =	sdelay $0x3  }
0x34: {  	[smem:$0x3FA6] =	sst s10  }
0x35: {  	s10 =	sld [smem:$0x3FA5];
	_ =	sdelay $0x3  }
0x36: {  	p1 =	seq.s32 s10, $0x1;
	s10 =	sld [smem:$0x3FA6];
	_ =	sdelay $0x3  }
0x37: {  	[smem:$0x3FA6] =	sst s10  }
0x38: {  	s10 =	sld [smem:$0x3FA7]  }
0x39: {  	_ = 	snop;
	(pc) =	sbr.ind lr, $3  }
0x3a: {  	_ = 	snop  }
0x3b: {  	_ = 	snop  }
0x3c: {  	p2 =	seq.s32 s10, $0x1;
	s10 =	sld [smem:$0x3FA6]  }
0x3d: {  	_ =	shalt  }
0x3e: {  	_ =	shalt  }
0x3f: {  	_ =	shalt  }
0x40: {  	_ =	shalt  }
0x41: {  	_ =	shalt  }
0x42: {  	_ =	shalt  }
0x43: {  	_ =	shalt  }
0x44: {  	_ =	shalt  }
0x45: {  	_ =	shalt  }
0x46: {  	_ =	shalt  }
0x47: {  	_ =	shalt  }
0x48: {  	_ =	shalt  }
0x49: {  	_ =	shalt  }
0x4a: {  	_ =	shalt  }
0x4b: {  	_ =	shalt  }
0x4c: {  	_ =	shalt  }
0x4d: {  	_ =	shalt  }
0x4e: {  	_ =	shalt  }
0x4f: {  	_ =	shalt  }
0x50: {  	_ =	shalt  }
0x51: {  	_ =	shalt  }
0x52: {  	_ =	shalt  }
0x53: {  	_ =	shalt  }
0x54: {  	_ =	shalt  }
0x55: {  	_ =	shalt  }
0x56: {  	_ =	shalt  }
0x57: {  	_ =	shalt  }
0x58: {  	_ =	shalt  }
0x59: {  	_ =	shalt  }
0x5a: {  	_ =	shalt  }
0x5b: {  	_ =	shalt  }
0x5c: {  	_ =	shalt  }
0x5d: {  	_ =	shalt  }
0x5e: {  	_ =	shalt  }
0x5f: {  	_ =	shalt  }
0x60: {  	_ =	shalt  }
0x61: {  	_ =	shalt  }
0x62: {  	_ =	shalt  }
0x63: {  	_ =	shalt  }
0x64: {  	_ =	shalt  }
0x65: {  	_ =	shalt  }
0x66: {  	_ =	shalt  }
0x67: {  	_ =	shalt  }
0x68: {  	_ =	shalt  }
0x69: {  	_ =	shalt  }
0x6a: {  	_ =	shalt  }
0x6b: {  	_ =	shalt  }
0x6c: {  	_ =	shalt  }
0x6d: {  	_ =	shalt  }
0x6e: {  	_ =	shalt  }
0x6f: {  	_ =	shalt  }
0x70: {  	_ =	shalt  }
0x71: {  	_ =	shalt  }
0x72: {  	_ =	shalt  }
0x73: {  	_ =	shalt  }
0x74: {  	_ =	shalt  }
0x75: {  	_ =	shalt  }
0x76: {  	_ =	shalt  }
0x77: {  	_ =	shalt  }
0x78: {  	_ =	shalt  }
0x79: {  	_ =	shalt  }
0x7a: {  	_ =	shalt  }
0x7b: {  	_ =	shalt  }
0x7c: {  	_ =	shalt  }
0x7d: {  	_ =	shalt  }
0x7e: {  	_ =	shalt  }
0x7f: {  	_ =	shalt  }
0x80: {  	_ =	shalt  }
0x81: {  	_ =	shalt  }
0x82: {  	_ =	shalt  }
0x83: {  	_ =	shalt  }
0x84: {  	_ =	shalt  }
0x85: {  	_ =	shalt  }
0x86: {  	_ =	shalt  }
0x87: {  	_ =	shalt  }
.Lfunc_end0:
.L_simem_size_0:
called_computation.3_lowered:
.L_overlay_start_0:
0x88: {  	s2 =	sld [smem:$0x3FD9]  }
0x89: {  	s3 =	sld [smem:$0x3FFE];
	_ =	sdelay $0x1  }
0x8a: {  	s1 =	srdreg.scid  }
0x8b: {  	s0 =	sand.u32 $0x1, s1  }
0x8c: {  	s17 =	sshll.u32 s0, $0xA;
	s2 =	sadd.s32 s3, s2  }
0x8d: {  	s2 =	sadd.s32 s2, s17  }
0x8e: {  	[smem:$0x3FB2] =	sst s2  }
0x8f: {  	_ = 	snop  }
0x90: {  	s2 =	sld [smem:$0x3FD0];
	(tm) =	ssettm $0x1  }
0x91: {  	s18 =	sld [smem:$0x3FFB];
	_ =	sdelay $0x3  }
0x92: {  	_ =	strace s18  }
0x93: {  	s3 =	sld [smem:$0x3FFC];
	_ =	sdelay $0x3  }
0x94: {  	_ =	strace s3  }
0x95: {  	s3 =	sld [smem:$0x3FFD];
	_ =	sdelay $0x3  }
0x96: {  	_ =	strace s3  }
0x97: {  	_ =	strace $0x8FFFFFFF  }
0x98: {  	s19 =	sld [smem:$0x3FDB];
	_ =	sdelay $0x1  }
0x99: {  	s4 =	simm.s32 $_scs_section_size  }
0x9a: {  	s5 =	simm.s32 $_size__tile_overlayer_lowered;
	s6 =	simm.s32 $_tile_overlayer_lowered  }
0x9b: {  	s22 =	simm.s32 $0x1BFF;
	s21 =	sshll.u32 s6, $0x1;
	s3 =	sadd.s32 s4, s19  }
0x9c: {  	s7 =	simm.s32 $0x0;
	s20 =	sshll.u32 s5, $0x1;
	s5 =	sadd.s32 s21, s3  }
0x9d: {  	[timem:s7], [sflag:s22] =	dma.local [hbm:s5], s20  }
0x9e: {  	_ =	swait.ge [sflag:s22], s20  }
0x9f: {  	s4 =	ssub.s32 $0x0, s20;
	[sflag:s22] =	ssyncset.done $0x0  }
0xa0: {  	[sflag:s22] =	ssyncadd.s32 s4;
	_ =	sdelay $0x1  }
0xa1: {  	s23 =	simm.s32 $0x1B8B  }
0xa2: {  	_ =	swait.ge [sflag:s23], $0x1  }
0xa3: {  	[sflag:s23] =	ssyncset.done $0x0  }
0xa4: {  	s25 =	simm.s32 $0x1B8E;
	s24 =	sld [smem:$0x3FFE];
	[sflag:s23] =	ssyncadd.s32 $0xFFFFFFFF  }
0xa5: {  	s26 =	simm.s32 $execute0_lowered;
	[smem:$0x3FD2] =	sst s25  }
0xa6: {  	s5 =	sshll.u32 s26, $0x1;
	_ =	strace $0x8000004F;
	[dreg:$0x1] =	wrdreg $0xFFFFFFFF  }
0xa7: {  	s28 =	simm.s32 $_size_execute0_lowered;
	s3 =	sadd.s32 s3, s5;
	[dreg:$0x0] =	wrdreg $0x0  }
0xa8: {  	s5 =	sshll.u32 s28, $0x1;
	[dreg:$0x2] =	wrdreg s3  }
0xa9: {  	[dreg:$0x3] =	wrdreg s5  }
0xaa: {  	[dreg:$0x4] =	wrdreg $0xC0  }
0xab: {  	_ =	task [dreg:s7], $0x5FFFF  }
0xac: {  	[dreg:$0x1] =	wrdreg $0xFFFFFFFF  }
0xad: {  	[dreg:$0x0] =	wrdreg $0x60  }
0xae: {  	[dreg:$0x2] =	wrdreg s2  }
0xaf: {  	[dreg:$0x3] =	wrdreg s24  }
0xb0: {  	[dreg:$0x4] =	wrdreg $0x9  }
0xb1: {  	_ =	task.clear_ibuf [dreg:s7], $0x5FFFF;
	_ =	strace $0x9000004F  }
0xb2: {  	s29 =	simm.s32 $0x9;
	_ =	strace $0x80000051  }
0xb3: {  	_ =	swait.ge [sflag:s29], $0x1  }
0xb4: {  	[sflag:s29] =	ssyncadd.s32 $0xFFFFFFFF  }
0xb5: {  	_ =	strace $0x90000051  }
0xb6: {  	_ =	sfence  }
0xb7: {  	s30 =	sld [smem:$0x0];
	_ =	sdelay $0x2  }
0xb8: {  	s31 =	sshll.u32 s1, $0xD;
	s1 =	sshrl.u32 s1, $0x2  }
0xb9: {  	s3 =	sand.u32 $0x4000, s31;
	s1 =	sadd.s32 s1, s30  }
0xba: {  	s0 =	sor.u32 s3, s0;
	s1 =	sshll.u32 s1, $0x11  }
0xbb: {  	s0 =	sor.u32 s1, s0  }
0xbc: {  	s0 =	sadd.s32 $0x8F2B, s0  }
0xbd: {  	[sflag:s0] =	ssyncadd.remote.s32 $0x1  }
0xbe: {  	_ =	sfence.sel $0xFFFF  }
0xbf: {  	[dreg:$0x0] =	wrdreg $0xFFFFFFFF;
	(pc) =	sbr.abs _section_cstart, $3  }
0xc0: {  	[dreg:$0x1] =	wrdreg $0xFFFFFFFF  }
0xc1: {  	_ =	task.clear_ibuf [dreg:s7], $0x2FFFF;
	_ =	strace $0x9FFFFFFF  }
0xc2: {  	(tm) =	ssettm $0x7FFFFFFF  }
0xc3: {  	_ =	shalt  }
tec
execute0_lowered:
.L_overlay_start_1:
0x0: {  	(tag) =	ssettag $0x1  }
0x1: {  	s2 =	rddreg [dreg:$0x0]  }
0x2: {  	s5 =	rddreg [dreg:$0x1]  }
0x3: {  	s0 =	rddreg [dreg:$0x2]  }
0x4: {  	s4 =	srdreg.scid;
	s1 =	stileid.u32;
	s3 =	simm.s32 $0x0  }
0x5: {  	s11 =	simm.s32 $0x1;
	s12 =	simm.s32 $0x0;
	s7 =	smul.u32 $0x4E20, s1  }
0x6: {  	s6 =	sand.u32 $0x1, s4;
	[smem:$0x7FF] =	sst s3;
	s9 =	smul.u32 $0x4E200, s1  }
0x7: {  	s4 =	sadd.s32 $0x18E00, s5;
	s8 =	smul.u32 $0x2710, s6;
	s10 =	ssub.s32 $0x2, s6  }
0x8: {  	_ =	strace $0x80000050;
	s6 =	smul.u32 $0x27100, s6;
	s30 =	sshrl.u32 s10, $0x1  }
0x9: {  	s29 =	sadd.s32 s9, s5;
	s7 =	sadd.s32 s8, s7;
	s9 =	ssub.s32 s10, s30  }
0xa: {  	s6 =	sadd.s32 s6, s29;
	s10 =	simm.s32 $0x190;
	s7 =	sshrl.u32 s7, $0x3  }
0xb: {  	s6 =	sadd.s32 $0x50EA00, s6;
	s31 =	sadd.s32 s7, s5;
	s5 =	smax.u32 s9, $0x1  }
0xc: {  	s9 =	simm.s32 $0x2;
	s7 =	sadd.s32 $0xF000, s31;
	s8 =	sadd.s32 $0x5200, s31  }
.LBB2_1:
0xd: {  	s13 =	sadd.s32 $0x0, s8  }
0xe: {  	[tilespmem:s3], [sflag:$0x2] =	stream.linear.gather [hbm4b:s13+s3], $0x190, $0x38;
	[tilespmem:$0xC990] =	vst v63  }
0xf: {  	_ =	swait.ge [sflag:s9], $0x190  }
0x10: {  	[sflag:s9] =	ssyncset.done $0x0  }
0x11: {  	[sflag:s9] =	ssyncadd.s32 $0xFFFFFE70  }
0x12: {  	[tilespmem:s10], [sflag:$0x1] =	stream.indirect.gather [hbm4b:s2+s10], $0x80, s3, s10, $0xb8;
	[tilespmem:$0xC990] =	vst v63  }
0x13: {  	_ =	swait.ge [sflag:s11], $0xC800  }
0x14: {  	[sflag:s11] =	ssyncset.done $0x0  }
0x15: {  	s31 =	sadd.s32 $0x0, s7;
	[sflag:s11] =	ssyncadd.s32 $0xFFFF3800  }
0x16: {  	[tilespmem:s3], [sflag:$0x2] =	stream.linear.gather [hbm4b:s31+s3], $0x190, $0x38;
	[tilespmem:$0xC990] =	vst v63  }
0x17: {  	_ =	swait.ge [sflag:s9], $0x190  }
0x18: {  	[sflag:s9] =	ssyncset.done $0x0  }
0x19: {  	[sflag:s9] =	ssyncadd.s32 $0xFFFFFE70  }
0x1a: {  	[tilespmem:s10], [sflag:$0x1] =	stream.indirect.gather.add.f32 [hbm:s4], $0x80, s3, s10, $0xb8;
	[tilespmem:$0xC990] =	vst v63  }
0x1b: {  	_ =	swait.ge [sflag:s11], $0xC800  }
0x1c: {  	[sflag:s11] =	ssyncset.done $0x0  }
0x1d: {  	[sflag:s11] =	ssyncadd.s32 $0xFFFF3800  }
0x1e: {  	[hbm4b:s6+s3] =	stream.linear.scatter [tilespmem:s10], [sflag:$0x2], $0xC800, $0x38;
	[tilespmem:$0xC990] =	vst v63  }
0x1f: {  	s14 =	simm.s32 $0x32;
	_ =	swait.ge [sflag:s9], $0xC800  }
0x20: {  	s15 =	simm.s32 $0x64;
	s13 =	sadd.s32 $0x1900, s6;
	[sflag:s9] =	ssyncset.done $0x0  }
.LBB2_2:
0x21: {  	s16 =	sadd.s32 s14, s8  }
0x22: {  	[sflag:s9] =	ssyncadd.s32 $0xFFFF3800;
	s17 =	smov.u32 s15;
	s18 =	sadd.s32 $0x32, s15  }
0x23: {  	[tilespmem:s3], [sflag:$0x2] =	stream.linear.gather [hbm4b:s16+s3], $0x190, $0x38;
	[tilespmem:$0xC990] =	vst v63  }
0x24: {  	p0 =	sne.s32 s15, $0x4B0;
	_ =	swait.ge [sflag:s9], $0x190  }
0x25: {  	[sflag:s9] =	ssyncset.done $0x0  }
0x26: {  	[sflag:s9] =	ssyncadd.s32 $0xFFFFFE70  }
0x27: {  	[tilespmem:s10], [sflag:$0x1] =	stream.indirect.gather [hbm4b:s2+s10], $0x80, s3, s10, $0xb8;
	[tilespmem:$0xC990] =	vst v63  }
0x28: {  	_ =	swait.ge [sflag:s11], $0xC800  }
0x29: {  	[sflag:s11] =	ssyncset.done $0x0  }
0x2a: {  	s15 =	sadd.s32 s14, s7;
	s14 =	smov.u32 s17;
	[sflag:s11] =	ssyncadd.s32 $0xFFFF3800  }
0x2b: {  	[tilespmem:s3], [sflag:$0x2] =	stream.linear.gather [hbm4b:s15+s3], $0x190, $0x38;
	[tilespmem:$0xC990] =	vst v63  }
0x2c: {  	_ =	swait.ge [sflag:s9], $0x190  }
0x2d: {  	[sflag:s9] =	ssyncset.done $0x0  }
0x2e: {  	[sflag:s9] =	ssyncadd.s32 $0xFFFFFE70  }
0x2f: {  	[tilespmem:s10], [sflag:$0x1] =	stream.indirect.gather.add.f32 [hbm:s4], $0x80, s3, s10, $0xb8;
	[tilespmem:$0xC990] =	vst v63  }
0x30: {  	_ =	swait.ge [sflag:s11], $0xC800  }
.Ltmp0:
0x31: {  	[sflag:s11] =	ssyncset.done $0x0;
	(pc) =	sbr.rel @p0 .LBB2_2-.Ltmp0, $4  }
0x32: {  	[sflag:s11] =	ssyncadd.s32 $0xFFFF3800  }
0x33: {  	[hbm4b:s13+s3] =	stream.linear.scatter [tilespmem:s10], [sflag:$0x2], $0xC800, $0x38;
	[tilespmem:$0xC990] =	vst v63  }
0x34: {  	_ =	swait.ge [sflag:s9], $0xC800  }
0x35: {  	s15 =	smov.u32 s18;
	s13 =	sadd.s32 $0x1900, s13;
	[sflag:s9] =	ssyncset.done $0x0  }
0x36: {  	s15 =	sadd.s32 s14, s8;
	[sflag:s9] =	ssyncadd.s32 $0xFFFF3800  }
0x37: {  	[tilespmem:s3], [sflag:$0x2] =	stream.linear.gather [hbm4b:s15+s3], $0x190, $0x38;
	[tilespmem:$0xC990] =	vst v63  }
0x38: {  	_ =	swait.ge [sflag:s9], $0x190  }
0x39: {  	[sflag:s9] =	ssyncset.done $0x0  }
0x3a: {  	[sflag:s9] =	ssyncadd.s32 $0xFFFFFE70  }
0x3b: {  	[tilespmem:s10], [sflag:$0x1] =	stream.indirect.gather [hbm4b:s2+s10], $0x80, s3, s10, $0xb8;
	[tilespmem:$0xC990] =	vst v63  }
0x3c: {  	_ =	swait.ge [sflag:s11], $0xC800  }
0x3d: {  	[sflag:s11] =	ssyncset.done $0x0  }
0x3e: {  	s31 =	sadd.s32 s14, s7;
	[sflag:s11] =	ssyncadd.s32 $0xFFFF3800  }
0x3f: {  	[tilespmem:s3], [sflag:$0x2] =	stream.linear.gather [hbm4b:s31+s3], $0x190, $0x38;
	[tilespmem:$0xC990] =	vst v63  }
0x40: {  	_ =	swait.ge [sflag:s9], $0x190  }
0x41: {  	[sflag:s9] =	ssyncset.done $0x0  }
0x42: {  	[sflag:s9] =	ssyncadd.s32 $0xFFFFFE70  }
0x43: {  	[tilespmem:s10], [sflag:$0x1] =	stream.indirect.gather.add.f32 [hbm:s4], $0x80, s3, s10, $0xb8;
	[tilespmem:$0xC990] =	vst v63  }
0x44: {  	s12 =	sadd.s32 $0x1, s12;
	_ =	swait.ge [sflag:s11], $0xC800  }
0x45: {  	p0 =	sne.s32 s12, s5;
	[sflag:s11] =	ssyncset.done $0x0  }
.Ltmp1:
0x46: {  	[sflag:s11] =	ssyncadd.s32 $0xFFFF3800;
	(pc) =	sbr.rel @p0 .LBB2_1-.Ltmp1, $4  }
0x47: {  	[hbm4b:s13+s3] =	stream.linear.scatter [tilespmem:s10], [sflag:$0x2], $0xC800, $0x38;
	[tilespmem:$0xC990] =	vst v63  }
0x48: {  	_ =	swait.ge [sflag:s9], $0xC800  }
0x49: {  	[sflag:s9] =	ssyncset.done $0x0  }
0x4a: {  	[sflag:s9] =	ssyncadd.s32 $0xFFFF3800  }
0x4b: {  	_ =	sfence.sel $0x180000  }
0x4c: {  	[bflag:$0x0] =	sbarrier.arrive $0xFFFF  }
0x4d: {  	p0 =	sne.s32 s1, $0x0;
	_ =	strace $0x90000050  }
0x4e: {  	s0 =	sadd.s32 @!p0 $0x100000, s0;
	[bflag:$0x2] =	sbarrier.arrive $0xFFFF  }
0x4f: {  	[sflag:s0] =	ssyncadd.tile.s32 @!p0 $0x1;
	_ =	shalt  }
.Lfunc_end2:
_tile_overlayer_lowered:
.L_overlay_start_2:
0x50: {  	(tag) =	ssettag $0x2  }
0x51: {  	s0 =	rddreg [dreg:$0x0];
	s2 =	stileid.u32  }
0x52: {  	s1 =	rddreg [dreg:$0x1];
	p0 =	sne.s32 s2, $0x0  }
0x53: {  	s3 =	rddreg [dreg:$0x2];
	[bflag:$0x3] =	sbarrier.arrive $0xFFFF;
	s2 =	simm.s32 @!p0 $0x1C02  }
0x54: {  	[timem:s3], [sflag:s2] =	dma.local @!p0 [hbm:s0], s1  }
0x55: {  	s0 =	simm.s32 @!p0 $0x2  }
0x56: {  	_ =	swait.ge @!p0 [sflag:s0], s1  }
0x57: {  	s1 =	ssub.s32 @!p0 $0x0, s1;
	[sflag:s0] =	ssyncset.done @!p0 $0x0  }
0x58: {  	[sflag:s0] =	ssyncadd.s32 @!p0 s1  }
0x59: {  	[bflag:$0x3] =	sbarrier.arrive $0xFFFF  }
0x5a: {  	_ =	shalt  }

// kernel: kernel.27.cloned.1.call-start
scs
__scs_entry_jumppad:
0x0: {  	(pc) =	sbr.rel $0x88, $3  }
0x1: {  	(tag) =	ssettag $0x0;
	lr =	simm.s32 $0x1  }
0x2: {  	[smem:$0x3F8B] =	sst lr;
	_ =	strace $0xD0000000  }
0x3: {  	_ = 	snop  }
0x4: {  	_ = 	snop  }
0x5: {  	_ = 	snop  }
0x6: {  	_ = 	snop  }
0x7: {  	_ = 	snop  }
__scs_overlays_trampoline_lowered:
0x8: {  	[smem:$0x3F9A] =	sst s0  }
0x9: {  	[smem:$0x3F9B] =	sst s1  }
0xa: {  	[smem:$0x3F9C] =	sst s2  }
0xb: {  	[smem:$0x3F9D] =	sst s3  }
0xc: {  	[smem:$0x3F9E] =	sst s4  }
0xd: {  	[smem:$0x3F9F] =	sst s5  }
0xe: {  	[smem:$0x3FA0] =	sst s6  }
0xf: {  	[smem:$0x3FA1] =	sst s7  }
0x10: {  	[smem:$0x3FA2] =	sst s8  }
0x11: {  	[smem:$0x3FA3] =	sst s9;
	s0 =	simm.s32 @!p0 $0x0  }
0x12: {  	s1 =	sld [smem:$0x3F89];
	s0 =	simm.s32 @p0 $0x1  }
0x13: {  	[smem:$0x3FA4] =	sst s0;
	s0 =	simm.s32 @!p1 $0x0  }
0x14: {  	s2 =	sld [smem:$0x3F88];
	s0 =	simm.s32 @p1 $0x1  }
0x15: {  	[smem:$0x3FA5] =	sst s0;
	s0 =	simm.s32 @!p2 $0x0  }
0x16: {  	s3 =	sld [smem:$0x3FDB];
	s0 =	simm.s32 @p2 $0x1  }
0x17: {  	s4 =	simm.s32 $0x1BF5;
	[smem:$0x3FA7] =	sst s0  }
0x18: {  	s0 =	sld [smem:$0x3F8A];
	_ =	swait.ge [sflag:s4], $0x0  }
0x19: {  	s7 =	sld [smem:$0x3F8B]  }
0x1a: {  	s8 =	sadd.s32 $0xFFFFE003, lr  }
0x1b: {  	s9 =	sadd.s32 $0xFFFFFEF7, lr;
	s5 =	simm.s32 $0xFFFFFFFF;
	p2 =	slt.u32 s8, $0xFFFFF086  }
0x1c: {  	p1 =	slt.u32 s9, $0xF7A;
	s5 =	simm.s32 @!p2 $0x0  }
0x1d: {  	s5 =	simm.s32 @p1 $0x1;
	p0 =	seq.s32 s7, s2  }
0x1e: {  	s7 =	smul.u32 @!p0 $0xF7A, s2;
	p2 =	seq.s32 @!p0 s5, $0x0  }
0x1f: {  	s9 =	smul.u32 $0xF7A, s1;
	s8 =	simm.s32 @!p0 $0x1BF5;
	p2 =	por !p2, p0  }
0x20: {  	[sflag:s8] =	ssyncset.s32 @!p0 $0xFFFFF086;
	s6 =	sadd.s32 @!p0 s3, s7;
	s7 =	simm.s32 @!p0 $0x108  }
0x21: {  	s3 =	sadd.s32 s3, s9;
	s6 =	sadd.s32 @!p0 $0x88, s6;
	s7 =	simm.s32 @p2 $0x1082  }
0x22: {  	[simem:s7], [sflag:s8] =	dma.local @!p0 [hbm:s6], $0xF7A  }
0x23: {  	s9 =	sor.u32 $0xD0000000, s2;
	s6 =	simm.s32 $0x108;
	_ =	swait.ge @!p0 [sflag:s8], $0x0  }
0x24: {  	s3 =	sadd.s32 $0x88, s3;
	s6 =	simm.s32 @!p1 $0x1082;
	[sflag:s4] =	ssyncset.s32 $0xFFFFF086  }
0x25: {  	[simem:s6], [sflag:s4] =	dma.local [hbm:s3], $0xF7A  }
0x26: {  	[smem:$0x3F8B] =	sst s1;
	(tag) =	ssettag s2;
	_ =	strace s9  }
0x27: {  	s1 =	sld [smem:$0x3F9B]  }
0x28: {  	s2 =	sld [smem:$0x3F9C]  }
0x29: {  	s4 =	sld [smem:$0x3F9E]  }
0x2a: {  	p0 =	seq.s32 s5, $0x0;
	s5 =	sld [smem:$0x3F9F]  }
0x2b: {  	s6 =	sld [smem:$0x3FA0]  }
0x2c: {  	s7 =	sld [smem:$0x3FA1]  }
0x2d: {  	s3 =	simm.s32 $0x108;
	s8 =	sld [smem:$0x3FA2]  }
0x2e: {  	s3 =	simm.s32 @!p0 $0x1082;
	s9 =	sld [smem:$0x3FA3]  }
0x2f: {  	lr =	sadd.s32 s0, s3;
	s0 =	sld [smem:$0x3F9A]  }
0x30: {  	s3 =	sld [smem:$0x3F9D]  }
0x31: {  	[smem:$0x3FA6] =	sst s10  }
0x32: {  	s10 =	sld [smem:$0x3FA4];
	_ =	sdelay $0x3  }
0x33: {  	p0 =	seq.s32 s10, $0x1;
	s10 =	sld [smem:$0x3FA6];
	_ =	sdelay $0x3  }
0x34: {  	[smem:$0x3FA6] =	sst s10  }
0x35: {  	s10 =	sld [smem:$0x3FA5];
	_ =	sdelay $0x3  }
0x36: {  	p1 =	seq.s32 s10, $0x1;
	s10 =	sld [smem:$0x3FA6];
	_ =	sdelay $0x3  }
0x37: {  	[smem:$0x3FA6] =	sst s10  }
0x38: {  	s10 =	sld [smem:$0x3FA7]  }
0x39: {  	_ = 	snop;
	(pc) =	sbr.ind lr, $3  }
0x3a: {  	_ = 	snop  }
0x3b: {  	_ = 	snop  }
0x3c: {  	p2 =	seq.s32 s10, $0x1;
	s10 =	sld [smem:$0x3FA6]  }
0x3d: {  	_ =	shalt  }
0x3e: {  	_ =	shalt  }
0x3f: {  	_ =	shalt  }
0x40: {  	_ =	shalt  }
0x41: {  	_ =	shalt  }
0x42: {  	_ =	shalt  }
0x43: {  	_ =	shalt  }
0x44: {  	_ =	shalt  }
0x45: {  	_ =	shalt  }
0x46: {  	_ =	shalt  }
0x47: {  	_ =	shalt  }
0x48: {  	_ =	shalt  }
0x49: {  	_ =	shalt  }
0x4a: {  	_ =	shalt  }
0x4b: {  	_ =	shalt  }
0x4c: {  	_ =	shalt  }
0x4d: {  	_ =	shalt  }
0x4e: {  	_ =	shalt  }
0x4f: {  	_ =	shalt  }
0x50: {  	_ =	shalt  }
0x51: {  	_ =	shalt  }
0x52: {  	_ =	shalt  }
0x53: {  	_ =	shalt  }
0x54: {  	_ =	shalt  }
0x55: {  	_ =	shalt  }
0x56: {  	_ =	shalt  }
0x57: {  	_ =	shalt  }
0x58: {  	_ =	shalt  }
0x59: {  	_ =	shalt  }
0x5a: {  	_ =	shalt  }
0x5b: {  	_ =	shalt  }
0x5c: {  	_ =	shalt  }
0x5d: {  	_ =	shalt  }
0x5e: {  	_ =	shalt  }
0x5f: {  	_ =	shalt  }
0x60: {  	_ =	shalt  }
0x61: {  	_ =	shalt  }
0x62: {  	_ =	shalt  }
0x63: {  	_ =	shalt  }
0x64: {  	_ =	shalt  }
0x65: {  	_ =	shalt  }
0x66: {  	_ =	shalt  }
0x67: {  	_ =	shalt  }
0x68: {  	_ =	shalt  }
0x69: {  	_ =	shalt  }
0x6a: {  	_ =	shalt  }
0x6b: {  	_ =	shalt  }
0x6c: {  	_ =	shalt  }
0x6d: {  	_ =	shalt  }
0x6e: {  	_ =	shalt  }
0x6f: {  	_ =	shalt  }
0x70: {  	_ =	shalt  }
0x71: {  	_ =	shalt  }
0x72: {  	_ =	shalt  }
0x73: {  	_ =	shalt  }
0x74: {  	_ =	shalt  }
0x75: {  	_ =	shalt  }
0x76: {  	_ =	shalt  }
0x77: {  	_ =	shalt  }
0x78: {  	_ =	shalt  }
0x79: {  	_ =	shalt  }
0x7a: {  	_ =	shalt  }
0x7b: {  	_ =	shalt  }
0x7c: {  	_ =	shalt  }
0x7d: {  	_ =	shalt  }
0x7e: {  	_ =	shalt  }
0x7f: {  	_ =	shalt  }
0x80: {  	_ =	shalt  }
0x81: {  	_ =	shalt  }
0x82: {  	_ =	shalt  }
0x83: {  	_ =	shalt  }
0x84: {  	_ =	shalt  }
0x85: {  	_ =	shalt  }
0x86: {  	_ =	shalt  }
0x87: {  	_ =	shalt  }
.Lfunc_end0:
.L_simem_size_0:
called_computation.4_lowered:
.L_overlay_start_0:
0x88: {  	s2 =	sld [smem:$0x3FD9]  }
0x89: {  	s3 =	sld [smem:$0x3FFE];
	_ =	sdelay $0x1  }
0x8a: {  	s1 =	srdreg.scid  }
0x8b: {  	s0 =	sand.u32 $0x1, s1  }
0x8c: {  	s17 =	sshll.u32 s0, $0xA;
	s2 =	sadd.s32 s3, s2  }
0x8d: {  	s2 =	sadd.s32 s2, s17  }
0x8e: {  	[smem:$0x3FB2] =	sst s2  }
0x8f: {  	_ = 	snop  }
0x90: {  	s2 =	sld [smem:$0x3FD0];
	(tm) =	ssettm $0x1  }
0x91: {  	s18 =	sld [smem:$0x3FFB];
	_ =	sdelay $0x3  }
0x92: {  	_ =	strace s18  }
0x93: {  	s3 =	sld [smem:$0x3FFC];
	_ =	sdelay $0x3  }
0x94: {  	_ =	strace s3  }
0x95: {  	s3 =	sld [smem:$0x3FFD];
	_ =	sdelay $0x3  }
0x96: {  	_ =	strace s3  }
0x97: {  	_ =	strace $0x8FFFFFFF  }
0x98: {  	s19 =	sld [smem:$0x3FDB];
	_ =	sdelay $0x1  }
0x99: {  	s4 =	simm.s32 $_scs_section_size  }
0x9a: {  	s5 =	simm.s32 $_size__tile_overlayer_lowered;
	s6 =	simm.s32 $_tile_overlayer_lowered  }
0x9b: {  	s22 =	simm.s32 $0x1BFF;
	s21 =	sshll.u32 s6, $0x1;
	s3 =	sadd.s32 s4, s19  }
0x9c: {  	s7 =	simm.s32 $0x0;
	s20 =	sshll.u32 s5, $0x1;
	s5 =	sadd.s32 s21, s3  }
0x9d: {  	[timem:s7], [sflag:s22] =	dma.local [hbm:s5], s20  }
0x9e: {  	_ =	swait.ge [sflag:s22], s20  }
0x9f: {  	s4 =	ssub.s32 $0x0, s20;
	[sflag:s22] =	ssyncset.done $0x0  }
0xa0: {  	[sflag:s22] =	ssyncadd.s32 s4;
	_ =	sdelay $0x1  }
0xa1: {  	s23 =	simm.s32 $0x1B8B  }
0xa2: {  	_ =	swait.ge [sflag:s23], $0x1  }
0xa3: {  	[sflag:s23] =	ssyncset.done $0x0  }
0xa4: {  	s25 =	simm.s32 $0x1B8E;
	s24 =	sld [smem:$0x3FFE];
	[sflag:s23] =	ssyncadd.s32 $0xFFFFFFFF  }
0xa5: {  	s26 =	simm.s32 $execute0_lowered;
	[smem:$0x3FD2] =	sst s25  }
0xa6: {  	s5 =	sshll.u32 s26, $0x1;
	_ =	strace $0x80000052;
	[dreg:$0x1] =	wrdreg $0xFFFFFFFF  }
0xa7: {  	s28 =	simm.s32 $_size_execute0_lowered;
	s3 =	sadd.s32 s3, s5;
	[dreg:$0x0] =	wrdreg $0x0  }
0xa8: {  	s5 =	sshll.u32 s28, $0x1;
	[dreg:$0x2] =	wrdreg s3  }
0xa9: {  	[dreg:$0x3] =	wrdreg s5  }
0xaa: {  	[dreg:$0x4] =	wrdreg $0xC0  }
0xab: {  	_ =	task [dreg:s7], $0x5FFFF  }
0xac: {  	[dreg:$0x1] =	wrdreg $0xFFFFFFFF  }
0xad: {  	[dreg:$0x0] =	wrdreg $0x60  }
0xae: {  	[dreg:$0x2] =	wrdreg s24  }
0xaf: {  	[dreg:$0x3] =	wrdreg s2  }
0xb0: {  	[dreg:$0x4] =	wrdreg $0x10000  }
0xb1: {  	[dreg:$0x5] =	wrdreg $0x9  }
0xb2: {  	_ =	task.clear_ibuf [dreg:s7], $0x6FFFF;
	_ =	strace $0x90000052  }
0xb3: {  	s29 =	simm.s32 $0x9;
	_ =	strace $0x80000054  }
0xb4: {  	_ =	swait.ge [sflag:s29], $0x1  }
0xb5: {  	[sflag:s29] =	ssyncadd.s32 $0xFFFFFFFF  }
0xb6: {  	_ =	strace $0x90000054  }
0xb7: {  	_ =	sfence  }
0xb8: {  	s30 =	sld [smem:$0x0];
	_ =	sdelay $0x2  }
0xb9: {  	s31 =	sshll.u32 s1, $0xD;
	s1 =	sshrl.u32 s1, $0x2  }
0xba: {  	s3 =	sand.u32 $0x4000, s31;
	s1 =	sadd.s32 s1, s30  }
0xbb: {  	s0 =	sor.u32 s3, s0;
	s1 =	sshll.u32 s1, $0x11  }
0xbc: {  	s0 =	sor.u32 s1, s0  }
0xbd: {  	s0 =	sadd.s32 $0x8F2B, s0  }
0xbe: {  	[sflag:s0] =	ssyncadd.remote.s32 $0x1  }
0xbf: {  	_ =	sfence.sel $0xFFFF  }
0xc0: {  	[dreg:$0x0] =	wrdreg $0xFFFFFFFF;
	(pc) =	sbr.abs _section_cstart, $3  }
0xc1: {  	[dreg:$0x1] =	wrdreg $0xFFFFFFFF  }
0xc2: {  	_ =	task.clear_ibuf [dreg:s7], $0x2FFFF;
	_ =	strace $0x9FFFFFFF  }
0xc3: {  	(tm) =	ssettm $0x7FFFFFFF  }
tec
execute0_lowered:
.L_overlay_start_1:
0x0: {  	(tag) =	ssettag $0x1  }
0x1: {  	s3 =	rddreg [dreg:$0x0]  }
0x2: {  	s4 =	rddreg [dreg:$0x1]  }
0x3: {  	s1 =	rddreg [dreg:$0x2]  }
0x4: {  	s0 =	rddreg [dreg:$0x3];
	s2 =	simm.s32 $0x0;
	s5 =	srdreg.scid  }
0x5: {  	s16 =	stileid.u32;
	s19 =	simm.s32 $0x0;
	[smem:$0x7FF] =	sst s2  }
0x6: {  	s14 =	sadd.s32 $0xF000, s3;
	s5 =	sand.u32 $0x1, s5;
	s6 =	sshll.u32 s16, $0x1  }
0x7: {  	s8 =	smul.u32 $0x1F40, s16;
	s15 =	sadd.s32 $0x18E00, s3;
	p1 =	sgt.u32 s16, $0x4  }
0x8: {  	p0 =	sne.s32 s16, $0x0;
	s16 =	simm.s32 $0x1;
	s6 =	sor.u32 s5, s6  }
0x9: {  	_ =	strace $0x80000053;
	s7 =	ssub.s32 $0x2, s5;
	s6 =	smul.u32 $0x2710, s6  }
0xa: {  	s5 =	sshll.u32 s5, $0x4;
	s30 =	sshrl.u32 s7, $0x1;
	s31 =	sshrl.u32 s8, $0x2  }
0xb: {  	s4 =	sadd.s32 s4, s5;
	s7 =	ssub.s32 s7, s30;
	s13 =	sshrl.u32 s6, $0x3  }
0xc: {  	s3 =	sadd.s32 s31, s1;
	s5 =	smax.u32 s7, $0x1;
	s6 =	sadd.s32 s14, s13  }
0xd: {  	s9 =	sadd.s32 $0xFA, s13;
	s7 =	sadd.s32 s15, s13;
	s11 =	sadd.s32 $0x1F4, s13  }
0xe: {  	s17 =	sadd.s32 $0x2EE, s13;
	s18 =	sadd.s32 $0x3E8, s13;
	s8 =	sadd.s32 s14, s9  }
0xf: {  	s9 =	sadd.s32 s15, s9;
	s10 =	sadd.s32 s14, s11;
	s11 =	sadd.s32 s15, s11  }
0x10: {  	s12 =	sadd.s32 s14, s17;
	s13 =	sadd.s32 s15, s17;
	s14 =	sadd.s32 s14, s18  }
0x11: {  	v0 =	vimm.f32 $0.0e+00;
	s15 =	sadd.s32 s15, s18;
	s17 =	simm.s32 $0x800;
	s18 =	simm.s32 $0x7D0  }
.LBB2_1:
0x12: {  	s20 =	simm.s32 $0x40;
	s21 =	simm.s32 $0x0  }
.LBB2_2:
0x13: {  	p2 =	sne.s32 s20, $0x1F00;
	[tilespmem:s21+$0x800] =	vst v0;
	s21 =	smov.u32 s20;
	s20 =	sadd.s32 $0x40, s20  }
.Ltmp0:
0x14: {  	(pc) =	sbr.rel @p2 .LBB2_2-.Ltmp0, $2  }
0x15: {  	_ =	sdelay $0x2  }
0x16: {  	s21 =	sshra.s32 s21, $0x2  }
0x17: {  	[tilespmem:s21+$0x800] =	vst v0;
	s20 =	simm.s32 @!p1 $0x800  }
0x18: {  	[spmem:s3] =	stream.linear.scatter @!p1 [tilespmem:s20], [sflag:$0x1], $0x7D0, $0x38;
	[tilespmem:$0x1278] =	vst v63  }
0x19: {  	s20 =	simm.s32 @!p1 $0x1  }
0x1a: {  	_ =	swait.ge @!p1 [sflag:s20], $0x7D0  }
0x1b: {  	[sflag:s20] =	ssyncset.done @!p1 $0x0  }
0x1c: {  	[sflag:s20] =	ssyncadd.s32 @!p1 $0xFFFFF830  }
0x1d: {  	[bflag:$0x0] =	sbarrier.arrive $0xFFFF  }
0x1e: {  	[tilespmem:s2], [sflag:$0x1] =	stream.linear.gather [hbm4b:s6+s2], $0x7D0, $0x38;
	[tilespmem:$0x1278] =	vst v63  }
0x1f: {  	_ =	swait.ge [sflag:s16], $0x7D0  }
0x20: {  	[sflag:s16] =	ssyncset.done $0x0  }
0x21: {  	[sflag:s16] =	ssyncadd.s32 $0xFFFFF830  }
0x22: {  	[tilespmem:s17], [sflag:$0x1] =	stream.linear.gather [hbm4b:s7+s2], $0x7D0, $0x38;
	[tilespmem:$0x1278] =	vst v63  }
0x23: {  	_ =	swait.ge [sflag:s16], $0x7D0  }
0x24: {  	[sflag:s16] =	ssyncset.done $0x0  }
0x25: {  	[sflag:s16] =	ssyncadd.s32 $0xFFFFF830  }
0x26: {  	[spmem:s1] =	stream.indirect.scatter.add.f32 [tilespmem:s17], [sflag:$0x1], $0x1, s2, s18, $0xb8;
	[tilespmem:$0x1278] =	vst v63  }
0x27: {  	_ =	swait.ge [sflag:s16], $0x7D0  }
0x28: {  	[sflag:s16] =	ssyncset.done $0x0  }
0x29: {  	[sflag:s16] =	ssyncadd.s32 $0xFFFFF830  }
0x2a: {  	[tilespmem:s2], [sflag:$0x1] =	stream.linear.gather [hbm4b:s8+s2], $0x7D0, $0x38;
	[tilespmem:$0x1278] =	vst v63  }
0x2b: {  	_ =	swait.ge [sflag:s16], $0x7D0  }
0x2c: {  	[sflag:s16] =	ssyncset.done $0x0  }
0x2d: {  	[sflag:s16] =	ssyncadd.s32 $0xFFFFF830  }
0x2e: {  	[tilespmem:s17], [sflag:$0x1] =	stream.linear.gather [hbm4b:s9+s2], $0x7D0, $0x38;
	[tilespmem:$0x1278] =	vst v63  }
0x2f: {  	_ =	swait.ge [sflag:s16], $0x7D0  }
0x30: {  	[sflag:s16] =	ssyncset.done $0x0  }
0x31: {  	[sflag:s16] =	ssyncadd.s32 $0xFFFFF830  }
0x32: {  	[spmem:s1] =	stream.indirect.scatter.add.f32 [tilespmem:s17], [sflag:$0x1], $0x1, s2, s18, $0xb8;
	[tilespmem:$0x1278] =	vst v63  }
0x33: {  	_ =	swait.ge [sflag:s16], $0x7D0  }
0x34: {  	[sflag:s16] =	ssyncset.done $0x0  }
0x35: {  	[sflag:s16] =	ssyncadd.s32 $0xFFFFF830  }
0x36: {  	[tilespmem:s2], [sflag:$0x1] =	stream.linear.gather [hbm4b:s10+s2], $0x7D0, $0x38;
	[tilespmem:$0x1278] =	vst v63  }
0x37: {  	_ =	swait.ge [sflag:s16], $0x7D0  }
0x38: {  	[sflag:s16] =	ssyncset.done $0x0  }
0x39: {  	[sflag:s16] =	ssyncadd.s32 $0xFFFFF830  }
0x3a: {  	[tilespmem:s17], [sflag:$0x1] =	stream.linear.gather [hbm4b:s11+s2], $0x7D0, $0x38;
	[tilespmem:$0x1278] =	vst v63  }
0x3b: {  	_ =	swait.ge [sflag:s16], $0x7D0  }
0x3c: {  	[sflag:s16] =	ssyncset.done $0x0  }
0x3d: {  	[sflag:s16] =	ssyncadd.s32 $0xFFFFF830  }
0x3e: {  	[spmem:s1] =	stream.indirect.scatter.add.f32 [tilespmem:s17], [sflag:$0x1], $0x1, s2, s18, $0xb8;
	[tilespmem:$0x1278] =	vst v63  }
0x3f: {  	_ =	swait.ge [sflag:s16], $0x7D0  }
0x40: {  	[sflag:s16] =	ssyncset.done $0x0  }
0x41: {  	[sflag:s16] =	ssyncadd.s32 $0xFFFFF830  }
0x42: {  	[tilespmem:s2], [sflag:$0x1] =	stream.linear.gather [hbm4b:s12+s2], $0x7D0, $0x38;
	[tilespmem:$0x1278] =	vst v63  }
0x43: {  	_ =	swait.ge [sflag:s16], $0x7D0  }
0x44: {  	[sflag:s16] =	ssyncset.done $0x0  }
0x45: {  	[sflag:s16] =	ssyncadd.s32 $0xFFFFF830  }
0x46: {  	[tilespmem:s17], [sflag:$0x1] =	stream.linear.gather [hbm4b:s13+s2], $0x7D0, $0x38;
	[tilespmem:$0x1278] =	vst v63  }
0x47: {  	_ =	swait.ge [sflag:s16], $0x7D0  }
0x48: {  	[sflag:s16] =	ssyncset.done $0x0  }
0x49: {  	[sflag:s16] =	ssyncadd.s32 $0xFFFFF830  }
0x4a: {  	[spmem:s1] =	stream.indirect.scatter.add.f32 [tilespmem:s17], [sflag:$0x1], $0x1, s2, s18, $0xb8;
	[tilespmem:$0x1278] =	vst v63  }
0x4b: {  	_ =	swait.ge [sflag:s16], $0x7D0  }
0x4c: {  	[sflag:s16] =	ssyncset.done $0x0  }
0x4d: {  	[sflag:s16] =	ssyncadd.s32 $0xFFFFF830  }
0x4e: {  	[tilespmem:s2], [sflag:$0x1] =	stream.linear.gather [hbm4b:s14+s2], $0x7D0, $0x38;
	[tilespmem:$0x1278] =	vst v63  }
0x4f: {  	_ =	swait.ge [sflag:s16], $0x7D0  }
0x50: {  	[sflag:s16] =	ssyncset.done $0x0  }
0x51: {  	[sflag:s16] =	ssyncadd.s32 $0xFFFFF830  }
0x52: {  	[tilespmem:s17], [sflag:$0x1] =	stream.linear.gather [hbm4b:s15+s2], $0x7D0, $0x38;
	[tilespmem:$0x1278] =	vst v63  }
0x53: {  	_ =	swait.ge [sflag:s16], $0x7D0  }
0x54: {  	[sflag:s16] =	ssyncset.done $0x0  }
0x55: {  	[sflag:s16] =	ssyncadd.s32 $0xFFFFF830  }
0x56: {  	[spmem:s1] =	stream.indirect.scatter.add.f32 [tilespmem:s17], [sflag:$0x1], $0x1, s2, s18, $0xb8;
	[tilespmem:$0x1278] =	vst v63  }
0x57: {  	s21 =	simm.s32 @!p0 $0x1;
	s22 =	simm.s32 @!p0 $0x20;
	_ =	swait.ge [sflag:s16], $0x7D0  }
0x58: {  	s23 =	simm.s32 @!p0 $0x10;
	s19 =	sadd.s32 $0x1, s19;
	[sflag:s16] =	ssyncset.done $0x0  }
0x59: {  	s24 =	simm.s32 @!p0 $0x1C01;
	p2 =	sne.s32 s19, s5;
	[sflag:s16] =	ssyncadd.s32 $0xFFFFF830  }
.Ltmp1:
0x5a: {  	s20 =	sshrl.u32 @!p0 s1, $0x3;
	[bflag:$0x0] =	sbarrier.arrive $0xFFFF;
	(pc) =	sbr.rel @p2 .LBB2_1-.Ltmp1, $4  }
0x5b: {  	[hbm:s4@s22], [sflag:s24] =	dma.strided @!p0 [spmem:s20@s23], $0x4F0, s21, $0x10   }
0x5c: {  	_ =	swait.ge @!p0 [sflag:s21], $0x4F0  }
0x5d: {  	[sflag:s21] =	ssyncset.done @!p0 $0x0  }
0x5e: {  	[sflag:s21] =	ssyncadd.s32 @!p0 $0xFFFFFB10  }
0x5f: {  	_ =	sfence.sel $0x180000  }
0x60: {  	[bflag:$0x0] =	sbarrier.arrive $0xFFFF  }
0x61: {  	_ =	strace $0x90000053  }
0x62: {  	s0 =	sadd.s32 @!p0 $0x100000, s0;
	[bflag:$0x2] =	sbarrier.arrive $0xFFFF  }
0x63: {  	[sflag:s0] =	ssyncadd.tile.s32 @!p0 $0x1;
	_ =	shalt  }
.Lfunc_end2:
_tile_overlayer_lowered:
.L_overlay_start_2:
0x64: {  	(tag) =	ssettag $0x2  }
0x65: {  	s0 =	rddreg [dreg:$0x0];
	s2 =	stileid.u32  }
0x66: {  	s1 =	rddreg [dreg:$0x1];
	p0 =	sne.s32 s2, $0x0  }
0x67: {  	s3 =	rddreg [dreg:$0x2];
	[bflag:$0x3] =	sbarrier.arrive $0xFFFF;
	s2 =	simm.s32 @!p0 $0x1C01  }
0x68: {  	[timem:s3], [sflag:s2] =	dma.local @!p0 [hbm:s0], s1  }
0x69: {  	s0 =	simm.s32 @!p0 $0x1  }
0x6a: {  	_ =	swait.ge @!p0 [sflag:s0], s1  }
0x6b: {  	s1 =	ssub.s32 @!p0 $0x0, s1;
	[sflag:s0] =	ssyncset.done @!p0 $0x0  }
0x6c: {  	[sflag:s0] =	ssyncadd.s32 @!p0 s1  }
0x6d: {  	[bflag:$0x3] =	sbarrier.arrive $0xFFFF  }
0x6e: {  	_ =	shalt  }

// kernel: kernel.30.cloned.1.call-start
scs
__scs_entry_jumppad:
0x0: {  	(pc) =	sbr.rel $0x88, $3  }
0x1: {  	(tag) =	ssettag $0x0;
	lr =	simm.s32 $0x1  }
0x2: {  	[smem:$0x3F8B] =	sst lr;
	_ =	strace $0xD0000000  }
0x3: {  	_ = 	snop  }
0x4: {  	_ = 	snop  }
0x5: {  	_ = 	snop  }
0x6: {  	_ = 	snop  }
0x7: {  	_ = 	snop  }
__scs_overlays_trampoline_lowered:
0x8: {  	[smem:$0x3F9A] =	sst s0  }
0x9: {  	[smem:$0x3F9B] =	sst s1  }
0xa: {  	[smem:$0x3F9C] =	sst s2  }
0xb: {  	[smem:$0x3F9D] =	sst s3  }
0xc: {  	[smem:$0x3F9E] =	sst s4  }
0xd: {  	[smem:$0x3F9F] =	sst s5  }
0xe: {  	[smem:$0x3FA0] =	sst s6  }
0xf: {  	[smem:$0x3FA1] =	sst s7  }
0x10: {  	[smem:$0x3FA2] =	sst s8  }
0x11: {  	[smem:$0x3FA3] =	sst s9;
	s0 =	simm.s32 @!p0 $0x0  }
0x12: {  	s1 =	sld [smem:$0x3F89];
	s0 =	simm.s32 @p0 $0x1  }
0x13: {  	[smem:$0x3FA4] =	sst s0;
	s0 =	simm.s32 @!p1 $0x0  }
0x14: {  	s2 =	sld [smem:$0x3F88];
	s0 =	simm.s32 @p1 $0x1  }
0x15: {  	[smem:$0x3FA5] =	sst s0;
	s0 =	simm.s32 @!p2 $0x0  }
0x16: {  	s3 =	sld [smem:$0x3FDB];
	s0 =	simm.s32 @p2 $0x1  }
0x17: {  	s4 =	simm.s32 $0x1BF5;
	[smem:$0x3FA7] =	sst s0  }
0x18: {  	s0 =	sld [smem:$0x3F8A];
	_ =	swait.ge [sflag:s4], $0x0  }
0x19: {  	s7 =	sld [smem:$0x3F8B]  }
0x1a: {  	s8 =	sadd.s32 $0xFFFFE003, lr  }
0x1b: {  	s9 =	sadd.s32 $0xFFFFFEF7, lr;
	s5 =	simm.s32 $0xFFFFFFFF;
	p2 =	slt.u32 s8, $0xFFFFF086  }
0x1c: {  	p1 =	slt.u32 s9, $0xF7A;
	s5 =	simm.s32 @!p2 $0x0  }
0x1d: {  	s5 =	simm.s32 @p1 $0x1;
	p0 =	seq.s32 s7, s2  }
0x1e: {  	s7 =	smul.u32 @!p0 $0xF7A, s2;
	p2 =	seq.s32 @!p0 s5, $0x0  }
0x1f: {  	s9 =	smul.u32 $0xF7A, s1;
	s8 =	simm.s32 @!p0 $0x1BF5;
	p2 =	por !p2, p0  }
0x20: {  	[sflag:s8] =	ssyncset.s32 @!p0 $0xFFFFF086;
	s6 =	sadd.s32 @!p0 s3, s7;
	s7 =	simm.s32 @!p0 $0x108  }
0x21: {  	s3 =	sadd.s32 s3, s9;
	s6 =	sadd.s32 @!p0 $0x88, s6;
	s7 =	simm.s32 @p2 $0x1082  }
0x22: {  	[simem:s7], [sflag:s8] =	dma.local @!p0 [hbm:s6], $0xF7A  }
0x23: {  	s9 =	sor.u32 $0xD0000000, s2;
	s6 =	simm.s32 $0x108;
	_ =	swait.ge @!p0 [sflag:s8], $0x0  }
0x24: {  	s3 =	sadd.s32 $0x88, s3;
	s6 =	simm.s32 @!p1 $0x1082;
	[sflag:s4] =	ssyncset.s32 $0xFFFFF086  }
0x25: {  	[simem:s6], [sflag:s4] =	dma.local [hbm:s3], $0xF7A  }
0x26: {  	[smem:$0x3F8B] =	sst s1;
	(tag) =	ssettag s2;
	_ =	strace s9  }
0x27: {  	s1 =	sld [smem:$0x3F9B]  }
0x28: {  	s2 =	sld [smem:$0x3F9C]  }
0x29: {  	s4 =	sld [smem:$0x3F9E]  }
0x2a: {  	p0 =	seq.s32 s5, $0x0;
	s5 =	sld [smem:$0x3F9F]  }
0x2b: {  	s6 =	sld [smem:$0x3FA0]  }
0x2c: {  	s7 =	sld [smem:$0x3FA1]  }
0x2d: {  	s3 =	simm.s32 $0x108;
	s8 =	sld [smem:$0x3FA2]  }
0x2e: {  	s3 =	simm.s32 @!p0 $0x1082;
	s9 =	sld [smem:$0x3FA3]  }
0x2f: {  	lr =	sadd.s32 s0, s3;
	s0 =	sld [smem:$0x3F9A]  }
0x30: {  	s3 =	sld [smem:$0x3F9D]  }
0x31: {  	[smem:$0x3FA6] =	sst s10  }
0x32: {  	s10 =	sld [smem:$0x3FA4];
	_ =	sdelay $0x3  }
0x33: {  	p0 =	seq.s32 s10, $0x1;
	s10 =	sld [smem:$0x3FA6];
	_ =	sdelay $0x3  }
0x34: {  	[smem:$0x3FA6] =	sst s10  }
0x35: {  	s10 =	sld [smem:$0x3FA5];
	_ =	sdelay $0x3  }
0x36: {  	p1 =	seq.s32 s10, $0x1;
	s10 =	sld [smem:$0x3FA6];
	_ =	sdelay $0x3  }
0x37: {  	[smem:$0x3FA6] =	sst s10  }
0x38: {  	s10 =	sld [smem:$0x3FA7]  }
0x39: {  	_ = 	snop;
	(pc) =	sbr.ind lr, $3  }
0x3a: {  	_ = 	snop  }
0x3b: {  	_ = 	snop  }
0x3c: {  	p2 =	seq.s32 s10, $0x1;
	s10 =	sld [smem:$0x3FA6]  }
0x3d: {  	_ =	shalt  }
0x3e: {  	_ =	shalt  }
0x3f: {  	_ =	shalt  }
0x40: {  	_ =	shalt  }
0x41: {  	_ =	shalt  }
0x42: {  	_ =	shalt  }
0x43: {  	_ =	shalt  }
0x44: {  	_ =	shalt  }
0x45: {  	_ =	shalt  }
0x46: {  	_ =	shalt  }
0x47: {  	_ =	shalt  }
0x48: {  	_ =	shalt  }
0x49: {  	_ =	shalt  }
0x4a: {  	_ =	shalt  }
0x4b: {  	_ =	shalt  }
0x4c: {  	_ =	shalt  }
0x4d: {  	_ =	shalt  }
0x4e: {  	_ =	shalt  }
0x4f: {  	_ =	shalt  }
0x50: {  	_ =	shalt  }
0x51: {  	_ =	shalt  }
0x52: {  	_ =	shalt  }
0x53: {  	_ =	shalt  }
0x54: {  	_ =	shalt  }
0x55: {  	_ =	shalt  }
0x56: {  	_ =	shalt  }
0x57: {  	_ =	shalt  }
0x58: {  	_ =	shalt  }
0x59: {  	_ =	shalt  }
0x5a: {  	_ =	shalt  }
0x5b: {  	_ =	shalt  }
0x5c: {  	_ =	shalt  }
0x5d: {  	_ =	shalt  }
0x5e: {  	_ =	shalt  }
0x5f: {  	_ =	shalt  }
0x60: {  	_ =	shalt  }
0x61: {  	_ =	shalt  }
0x62: {  	_ =	shalt  }
0x63: {  	_ =	shalt  }
0x64: {  	_ =	shalt  }
0x65: {  	_ =	shalt  }
0x66: {  	_ =	shalt  }
0x67: {  	_ =	shalt  }
0x68: {  	_ =	shalt  }
0x69: {  	_ =	shalt  }
0x6a: {  	_ =	shalt  }
0x6b: {  	_ =	shalt  }
0x6c: {  	_ =	shalt  }
0x6d: {  	_ =	shalt  }
0x6e: {  	_ =	shalt  }
0x6f: {  	_ =	shalt  }
0x70: {  	_ =	shalt  }
0x71: {  	_ =	shalt  }
0x72: {  	_ =	shalt  }
0x73: {  	_ =	shalt  }
0x74: {  	_ =	shalt  }
0x75: {  	_ =	shalt  }
0x76: {  	_ =	shalt  }
0x77: {  	_ =	shalt  }
0x78: {  	_ =	shalt  }
0x79: {  	_ =	shalt  }
0x7a: {  	_ =	shalt  }
0x7b: {  	_ =	shalt  }
0x7c: {  	_ =	shalt  }
0x7d: {  	_ =	shalt  }
0x7e: {  	_ =	shalt  }
0x7f: {  	_ =	shalt  }
0x80: {  	_ =	shalt  }
0x81: {  	_ =	shalt  }
0x82: {  	_ =	shalt  }
0x83: {  	_ =	shalt  }
0x84: {  	_ =	shalt  }
0x85: {  	_ =	shalt  }
0x86: {  	_ =	shalt  }
0x87: {  	_ =	shalt  }
.Lfunc_end0:
.L_simem_size_0:
called_computation.5_lowered:
.L_overlay_start_0:
0x88: {  	s2 =	sld [smem:$0x3FD9]  }
0x89: {  	s3 =	sld [smem:$0x3FFE];
	_ =	sdelay $0x1  }
0x8a: {  	s1 =	srdreg.scid  }
0x8b: {  	s0 =	sand.u32 $0x1, s1  }
0x8c: {  	s17 =	sshll.u32 s0, $0xA;
	s2 =	sadd.s32 s3, s2  }
0x8d: {  	s2 =	sadd.s32 s2, s17  }
0x8e: {  	[smem:$0x3FB2] =	sst s2  }
0x8f: {  	_ = 	snop  }
0x90: {  	s2 =	sld [smem:$0x3FD0];
	(tm) =	ssettm $0x1  }
0x91: {  	s18 =	sld [smem:$0x3FFB];
	_ =	sdelay $0x3  }
0x92: {  	_ =	strace s18  }
0x93: {  	s3 =	sld [smem:$0x3FFC];
	_ =	sdelay $0x3  }
0x94: {  	_ =	strace s3  }
0x95: {  	s3 =	sld [smem:$0x3FFD];
	_ =	sdelay $0x3  }
0x96: {  	_ =	strace s3  }
0x97: {  	_ =	strace $0x8FFFFFFF  }
0x98: {  	s19 =	sld [smem:$0x3FDB];
	_ =	sdelay $0x1  }
0x99: {  	s4 =	simm.s32 $_scs_section_size  }
0x9a: {  	s5 =	simm.s32 $_size__tile_overlayer_lowered;
	s6 =	simm.s32 $_tile_overlayer_lowered  }
0x9b: {  	s22 =	simm.s32 $0x1BFF;
	s21 =	sshll.u32 s6, $0x1;
	s3 =	sadd.s32 s4, s19  }
0x9c: {  	s7 =	simm.s32 $0x0;
	s20 =	sshll.u32 s5, $0x1;
	s5 =	sadd.s32 s21, s3  }
0x9d: {  	[timem:s7], [sflag:s22] =	dma.local [hbm:s5], s20  }
0x9e: {  	_ =	swait.ge [sflag:s22], s20  }
0x9f: {  	s4 =	ssub.s32 $0x0, s20;
	[sflag:s22] =	ssyncset.done $0x0  }
0xa0: {  	[sflag:s22] =	ssyncadd.s32 s4;
	_ =	sdelay $0x1  }
0xa1: {  	s23 =	simm.s32 $0x1B8B  }
0xa2: {  	_ =	swait.ge [sflag:s23], $0x1  }
0xa3: {  	[sflag:s23] =	ssyncset.done $0x0  }
0xa4: {  	s25 =	simm.s32 $0x1B8E;
	s24 =	sld [smem:$0x3FFE];
	[sflag:s23] =	ssyncadd.s32 $0xFFFFFFFF  }
0xa5: {  	s26 =	simm.s32 $execute0_lowered;
	[smem:$0x3FD2] =	sst s25  }
0xa6: {  	s5 =	sshll.u32 s26, $0x1;
	_ =	strace $0x80000055;
	[dreg:$0x1] =	wrdreg $0xFFFFFFFF  }
0xa7: {  	s28 =	simm.s32 $_size_execute0_lowered;
	s3 =	sadd.s32 s3, s5;
	[dreg:$0x0] =	wrdreg $0x0  }
0xa8: {  	s5 =	sshll.u32 s28, $0x1;
	[dreg:$0x2] =	wrdreg s3  }
0xa9: {  	[dreg:$0x3] =	wrdreg s5  }
0xaa: {  	[dreg:$0x4] =	wrdreg $0xC0  }
0xab: {  	_ =	task [dreg:s7], $0x5FFFF  }
0xac: {  	[dreg:$0x1] =	wrdreg $0xFFFFFFFF  }
0xad: {  	[dreg:$0x0] =	wrdreg $0x60  }
0xae: {  	[dreg:$0x2] =	wrdreg s2  }
0xaf: {  	[dreg:$0x3] =	wrdreg s24  }
0xb0: {  	[dreg:$0x4] =	wrdreg $0x66000  }
0xb1: {  	[dreg:$0x5] =	wrdreg $0x9  }
0xb2: {  	_ =	task.clear_ibuf [dreg:s7], $0x6FFFF;
	_ =	strace $0x90000055  }
0xb3: {  	s29 =	simm.s32 $0x9;
	_ =	strace $0x80000057  }
0xb4: {  	_ =	swait.ge [sflag:s29], $0x1  }
0xb5: {  	[sflag:s29] =	ssyncadd.s32 $0xFFFFFFFF  }
0xb6: {  	_ =	strace $0x90000057  }
0xb7: {  	_ =	sfence  }
0xb8: {  	s30 =	sld [smem:$0x0];
	_ =	sdelay $0x2  }
0xb9: {  	s31 =	sshll.u32 s1, $0xD;
	s1 =	sshrl.u32 s1, $0x2  }
0xba: {  	s3 =	sand.u32 $0x4000, s31;
	s1 =	sadd.s32 s1, s30  }
0xbb: {  	s0 =	sor.u32 s3, s0;
	s1 =	sshll.u32 s1, $0x11  }
0xbc: {  	s0 =	sor.u32 s1, s0  }
0xbd: {  	s0 =	sadd.s32 $0x8F2B, s0  }
0xbe: {  	[sflag:s0] =	ssyncadd.remote.s32 $0x1  }
0xbf: {  	_ =	sfence.sel $0xFFFF  }
0xc0: {  	[dreg:$0x0] =	wrdreg $0xFFFFFFFF;
	(pc) =	sbr.abs _section_cstart, $3  }
0xc1: {  	[dreg:$0x1] =	wrdreg $0xFFFFFFFF  }
0xc2: {  	_ =	task.clear_ibuf [dreg:s7], $0x2FFFF;
	_ =	strace $0x9FFFFFFF  }
0xc3: {  	(tm) =	ssettm $0x7FFFFFFF  }
tec
execute0_lowered:
.L_overlay_start_1:
0x0: {  	(tag) =	ssettag $0x1  }
0x1: {  	s4 =	rddreg [dreg:$0x1]  }
0x2: {  	s8 =	srdreg.scid;
	s5 =	sadd.s32 $0x5200, s4;
	s6 =	sadd.s32 $0xF000, s4  }
0x3: {  	s7 =	sadd.s32 $0x18E00, s4;
	s16 =	sadd.s32 $0x22C00, s4;
	s4 =	stileid.u32  }
0x4: {  	s10 =	sand.u32 $0x1, s8;
	s9 =	smul.u32 $0x19000, s4  }
0x5: {  	s21 =	smul.u32 $0x138800, s10  }
0x6: {  	s12 =	sor.u32 $0x10, s4;
	s24 =	smul.u32 $0x6400, s4  }
0x7: {  	s1 =	rddreg [dreg:$0x0];
	s13 =	sor.u32 $0x20, s4;
	s11 =	smul.u32 $0x19000, s12  }
0x8: {  	s2 =	rddreg [dreg:$0x2];
	s15 =	sor.u32 $0x30, s4;
	s14 =	smul.u32 $0x19000, s13  }
0x9: {  	s3 =	simm.s32 $0x0;
	s20 =	sshll.u32 s4, $0x1;
	s18 =	smul.u32 $0x19000, s15  }
0xa: {  	[smem:$0x7FF] =	sst s3;
	s8 =	sor.u32 s10, s20;
	s20 =	smul.u32 $0x6400, s12  }
0xb: {  	s0 =	rddreg [dreg:$0x3];
	_ =	strace $0x80000056;
	s26 =	smul.u32 $0x6400, s13  }
0xc: {  	s17 =	ssub.s32 $0x2, s10;
	p0 =	sgt.u32 s4, $0x1;
	s29 =	smul.u32 $0x6400, s15  }
0xd: {  	s19 =	sshrl.u32 s17, $0x1;
	s9 =	sshrl.u32 s9, $0x2;
	s8 =	smul.u32 $0x2710, s8  }
0xe: {  	s17 =	ssub.s32 s17, s19;
	s9 =	sadd.s32 s9, s2;
	s22 =	sshrl.u32 s11, $0x2  }
0xf: {  	s23 =	sshrl.u32 s14, $0x2;
	s25 =	sshrl.u32 s18, $0x2;
	s14 =	sadd.s32 s24, s21  }
0x10: {  	s30 =	sadd.s32 s21, s20;
	s18 =	sadd.s32 s21, s26;
	s19 =	sadd.s32 s21, s29  }
0x11: {  	s17 =	smax.u32 s17, $0x1;
	s20 =	simm.s32 $0x100;
	s21 =	simm.s32 $0xC8  }
0x12: {  	s10 =	sadd.s32 s22, s2;
	s11 =	sadd.s32 s23, s2;
	s12 =	sadd.s32 s25, s2  }
0x13: {  	s28 =	sshrl.u32 s14, $0x3;
	s15 =	sshrl.u32 s30, $0x3;
	s18 =	sshrl.u32 s18, $0x3  }
0x14: {  	s31 =	sshrl.u32 s19, $0x3;
	s19 =	simm.s32 $0x2;
	s22 =	simm.s32 $0x1  }
0x15: {  	s23 =	simm.s32 $0x0;
	s13 =	sadd.s32 s16, s28;
	s14 =	sadd.s32 s16, s15  }
0x16: {  	v0 =	vimm.f32 $0.0e+00;
	s15 =	sadd.s32 s16, s18;
	s16 =	sadd.s32 s16, s31;
	s18 =	simm.s32 $0x200  }
.LBB2_1:
0x17: {  	s24 =	simm.s32 $0x0;
	s25 =	simm.s32 $0x200  }
.LBB2_2:
0x18: {  	p1 =	sne.s32 s25, $0x18E00;
	[tilespmem:s24+$0x270] =	vst v0  }
0x19: {  	[tilespmem:s24+$0x200] =	vst v0  }
0x1a: {  	[tilespmem:s24+$0x210] =	vst v0  }
.Ltmp0:
0x1b: {  	[tilespmem:s24+$0x220] =	vst v0;
	(pc) =	sbr.rel @p1 .LBB2_2-.Ltmp0, $4  }
0x1c: {  	[tilespmem:s24+$0x230] =	vst v0  }
0x1d: {  	[tilespmem:s24+$0x240] =	vst v0  }
0x1e: {  	[tilespmem:s24+$0x250] =	vst v0  }
0x1f: {  	[tilespmem:s24+$0x260] =	vst v0;
	s24 =	sshra.s32 s25, $0x2;
	s25 =	sadd.s32 $0x200, s25  }
0x20: {  	[tilespmem:s24+$0x270] =	vst v0  }
0x21: {  	[tilespmem:s24+$0x200] =	vst v0  }
0x22: {  	[tilespmem:s24+$0x210] =	vst v0  }
0x23: {  	[tilespmem:s24+$0x220] =	vst v0  }
0x24: {  	[tilespmem:s24+$0x230] =	vst v0  }
0x25: {  	[tilespmem:s24+$0x240] =	vst v0  }
0x26: {  	[tilespmem:s24+$0x250] =	vst v0  }
0x27: {  	[tilespmem:s24+$0x260] =	vst v0  }
0x28: {  	[spmem:s9] =	stream.linear.scatter [tilespmem:s18], [sflag:$0x2], $0x6400, $0x38;
	[tilespmem:$0x19E80] =	vst v63  }
0x29: {  	_ =	swait.ge [sflag:s19], $0x6400  }
0x2a: {  	[sflag:s19] =	ssyncset.done $0x0  }
0x2b: {  	[sflag:s19] =	ssyncadd.s32 $0xFFFF9C00  }
0x2c: {  	[spmem:s10] =	stream.linear.scatter [tilespmem:s18], [sflag:$0x2], $0x6400, $0x38;
	[tilespmem:$0x19E80] =	vst v63  }
0x2d: {  	_ =	swait.ge [sflag:s19], $0x6400  }
0x2e: {  	[sflag:s19] =	ssyncset.done $0x0  }
0x2f: {  	[sflag:s19] =	ssyncadd.s32 $0xFFFF9C00  }
0x30: {  	[spmem:s11] =	stream.linear.scatter [tilespmem:s18], [sflag:$0x2], $0x6400, $0x38;
	[tilespmem:$0x19E80] =	vst v63  }
0x31: {  	_ =	swait.ge [sflag:s19], $0x6400  }
0x32: {  	[sflag:s19] =	ssyncset.done $0x0  }
0x33: {  	s24 =	simm.s32 @!p0 $0x200;
	[sflag:s19] =	ssyncadd.s32 $0xFFFF9C00  }
0x34: {  	[spmem:s12] =	stream.linear.scatter @!p0 [tilespmem:s24], [sflag:$0x2], $0x6400, $0x38;
	[tilespmem:$0x19E80] =	vst v63  }
0x35: {  	s24 =	simm.s32 @!p0 $0x2  }
0x36: {  	_ =	swait.ge @!p0 [sflag:s24], $0x6400  }
0x37: {  	[sflag:s24] =	ssyncset.done @!p0 $0x0  }
0x38: {  	[sflag:s24] =	ssyncadd.s32 @!p0 $0xFFFF9C00  }
0x39: {  	s25 =	simm.s32 $0x0;
	s24 =	simm.s32 $0x0;
	[bflag:$0x0] =	sbarrier.arrive $0xFFFF  }
.LBB2_4:
0x3a: {  	s26 =	smul.u32 $0xC8, s25;
	_ =	sdelay $0x1  }
0x3b: {  	s26 =	sadd.s32 s8, s26  }
0x3c: {  	s26 =	sshrl.u32 s26, $0x3  }
0x3d: {  	s28 =	sadd.s32 s5, s26  }
0x3e: {  	[tilespmem:s24], [sflag:$0x2] =	stream.linear.gather [hbm4b:s28+s24], $0xC8, $0x38;
	[tilespmem:$0x19E80] =	vst v63  }
0x3f: {  	_ =	swait.ge [sflag:s19], $0xC8  }
0x40: {  	[sflag:s19] =	ssyncset.done $0x0  }
0x41: {  	s28 =	sadd.s32 s7, s26;
	[sflag:s19] =	ssyncadd.s32 $0xFFFFFF38  }
0x42: {  	[tilespmem:s20], [sflag:$0x2] =	stream.linear.gather [hbm4b:s28+s24], $0xC8, $0x38;
	[tilespmem:$0x19E80] =	vst v63  }
0x43: {  	_ =	swait.ge [sflag:s19], $0xC8  }
0x44: {  	[sflag:s19] =	ssyncset.done $0x0  }
0x45: {  	[sflag:s19] =	ssyncadd.s32 $0xFFFFFF38  }
0x46: {  	[tilespmem:s18], [sflag:$0x1] =	stream.indirect.gather [hbm4b:s1+s21], $0x80, s24, s21, $0xb8;
	[tilespmem:$0x19E80] =	vst v63  }
0x47: {  	_ =	swait.ge [sflag:s22], $0x6400  }
0x48: {  	[sflag:s22] =	ssyncset.done $0x0  }
0x49: {  	s28 =	simm.s32 $0x240;
	[sflag:s22] =	ssyncadd.s32 $0xFFFF9C00  }
0x4a: {  	v5 =	vld [tilespmem:s28+$0x30]  }
0x4b: {  	v8 =	vld [tilespmem:s28+$0x10]  }
0x4c: {  	s29 =	simm.s32 $0x0;
	v6 =	vld [tilespmem:s28+$0xFFFFFFC0]  }
0x4d: {  	v2 =	vld.msk [tilespmem:s29+$0x100 ss:$0x0], $0xffff  }
0x4e: {  	v10 =	vld [tilespmem:s28+$0xFFFFFFE0]  }
0x4f: {  	v1 =	vld [tilespmem:s28+$0xFFFFFFF0]  }
0x50: {  	v3 =	vld [tilespmem:s28+$0x20]  }
0x51: {  	v4 =	vld [tilespmem:s28+$0xFFFFFFD0]  }
0x52: {  	v9 =	vmul.f32 v5, v2;
	v5 =	vld [tilespmem:s28+$0x0]  }
0x53: {  	v7 =	vmul.f32 v2, v6  }
0x54: {  	s30 =	simm.s32 $0x240;
	s29 =	simm.s32 $0x4;
	v6 =	vmul.f32 v10, v2;
	v8 =	vmul.f32 v8, v2  }
.LBB2_5:
0x55: {  	p1 =	sne.s32 s29, $0x31C  }
0x56: {  	v4 =	vmul.f32 v4, v2;
	v3 =	vmul.f32 v3, v2;
	[tilespmem:s28+$0x30] =	vst v9;
	s30 =	sadd.s32 $0x80, s30;
	s31 =	smov.u32 s29;
	s29 =	sadd.s32 $0x4, s29  }
0x57: {  	[tilespmem:s28+$0xFFFFFFC0] =	vst v7;
	v7 =	vmul.f32 v1, v2;
	v2 =	vmul.f32 v5, v2  }
0x58: {  	[tilespmem:s28+$0x10] =	vst v8  }
0x59: {  	[tilespmem:s28+$0xFFFFFFE0] =	vst v6  }
0x5a: {  	v1 =	vld [tilespmem:s30+$0xFFFFFFF0];
	[tilespmem:s28+$0xFFFFFFF0] =	vst v7  }
0x5b: {  	v6 =	vld [tilespmem:s30+$0x30];
	[tilespmem:s28+$0x0] =	vst v2  }
0x5c: {  	v8 =	vld [tilespmem:s30+$0x10];
	[tilespmem:s28+$0x20] =	vst v3  }
0x5d: {  	s31 =	sshra.s32 s31, $0x2;
	v7 =	vld [tilespmem:s30+$0xFFFFFFC0];
	[tilespmem:s28+$0xFFFFFFD0] =	vst v4;
	s28 =	smov.u32 s30  }
0x5e: {  	v2 =	vld.msk [tilespmem:s31+$0x100 ss:$0x0], $0xffff  }
0x5f: {  	v10 =	vld [tilespmem:s30+$0xFFFFFFE0]  }
0x60: {  	v3 =	vld [tilespmem:s30+$0x20]  }
.Ltmp1:
0x61: {  	v4 =	vld [tilespmem:s30+$0xFFFFFFD0];
	(pc) =	sbr.rel @p1 .LBB2_5-.Ltmp1, $3  }
0x62: {  	v5 =	vld [tilespmem:s30+$0x0];
	_ =	sdelay $0x1  }
0x63: {  	v7 =	vmul.f32 v2, v7;
	v9 =	vmul.f32 v6, v2  }
0x64: {  	v8 =	vmul.f32 v8, v2;
	v6 =	vmul.f32 v10, v2  }
0x65: {  	[tilespmem:s28+$0x30] =	vst v9  }
0x66: {  	[tilespmem:s28+$0xFFFFFFC0] =	vst v7  }
0x67: {  	v1 =	vmul.f32 v1, v2;
	[tilespmem:s28+$0x10] =	vst v8  }
0x68: {  	v3 =	vmul.f32 v3, v2;
	[tilespmem:s28+$0xFFFFFFE0] =	vst v6  }
0x69: {  	v5 =	vmul.f32 v5, v2;
	[tilespmem:s28+$0xFFFFFFF0] =	vst v1  }
0x6a: {  	v1 =	vmul.f32 v4, v2;
	[tilespmem:s28+$0x20] =	vst v3  }
0x6b: {  	[tilespmem:s28+$0x0] =	vst v5  }
0x6c: {  	s26 =	sadd.s32 s6, s26;
	[tilespmem:s28+$0xFFFFFFD0] =	vst v1  }
0x6d: {  	[tilespmem:s3], [sflag:$0x2] =	stream.linear.gather [hbm4b:s26+s3], $0xC8, $0x38;
	[tilespmem:$0x19E80] =	vst v63  }
0x6e: {  	s25 =	sadd.s32 $0x1, s25;
	_ =	swait.ge [sflag:s19], $0xC8  }
0x6f: {  	p1 =	sne.s32 s25, $0x32;
	[sflag:s19] =	ssyncset.done $0x0  }
.Ltmp2:
0x70: {  	[sflag:s19] =	ssyncadd.s32 $0xFFFFFF38;
	(pc) =	sbr.rel @p1 .LBB2_4-.Ltmp2, $4  }
0x71: {  	[spmem:s2] =	stream.indirect.scatter.add.f32 [tilespmem:s18], [sflag:$0x2], $0x80, s3, s21, $0xb8;
	[tilespmem:$0x19E80] =	vst v63  }
0x72: {  	_ =	swait.ge [sflag:s19], $0x6400  }
0x73: {  	[sflag:s19] =	ssyncset.done $0x0  }
0x74: {  	[sflag:s19] =	ssyncadd.s32 $0xFFFF9C00  }
0x75: {  	s24 =	sshll.u32 s4, $0x6  }
0x76: {  	[bflag:$0x0] =	sbarrier.arrive $0xFFFF;
	s25 =	sshrl.u32 s9, $0x3;
	s24 =	sor.u32 $0x1C02, s24  }
0x77: {  	[hbm:s13], [sflag:s24] =	dma.local [spmem:s25], $0xC80  }
0x78: {  	_ =	swait.ge [sflag:s19], $0xC80  }
0x79: {  	[sflag:s19] =	ssyncset.done $0x0  }
0x7a: {  	s30 =	sshrl.u32 s10, $0x3;
	[sflag:s19] =	ssyncadd.s32 $0xFFFFF380  }
0x7b: {  	[hbm:s14], [sflag:s24] =	dma.local [spmem:s30], $0xC80  }
0x7c: {  	_ =	swait.ge [sflag:s19], $0xC80  }
0x7d: {  	[sflag:s19] =	ssyncset.done $0x0  }
0x7e: {  	s31 =	sshrl.u32 s11, $0x3;
	[sflag:s19] =	ssyncadd.s32 $0xFFFFF380  }
0x7f: {  	[hbm:s15], [sflag:s24] =	dma.local [spmem:s31], $0xC80  }
0x80: {  	_ =	swait.ge [sflag:s19], $0xC80  }
0x81: {  	s23 =	sadd.s32 $0x1, s23;
	[sflag:s19] =	ssyncset.done $0x0  }
0x82: {  	p1 =	sne.s32 s23, s17;
	s25 =	sshrl.u32 @!p0 s12, $0x3;
	[sflag:s19] =	ssyncadd.s32 $0xFFFFF380  }
0x83: {  	[hbm:s16], [sflag:s24] =	dma.local @!p0 [spmem:s25], $0xC80  }
.Ltmp3:
0x84: {  	_ = 	snop;
	(pc) =	sbr.rel @p1 .LBB2_1-.Ltmp3, $4  }
0x85: {  	s24 =	simm.s32 @!p0 $0x2  }
0x86: {  	_ =	swait.ge @!p0 [sflag:s24], $0xC80  }
0x87: {  	[sflag:s24] =	ssyncset.done @!p0 $0x0  }
0x88: {  	[sflag:s24] =	ssyncadd.s32 @!p0 $0xFFFFF380  }
0x89: {  	_ =	sfence.sel $0x180000  }
0x8a: {  	[bflag:$0x0] =	sbarrier.arrive $0xFFFF  }
0x8b: {  	p0 =	sne.s32 s4, $0x0;
	_ =	strace $0x90000056  }
0x8c: {  	s0 =	sadd.s32 @!p0 $0x100000, s0;
	[bflag:$0x2] =	sbarrier.arrive $0xFFFF  }
0x8d: {  	[sflag:s0] =	ssyncadd.tile.s32 @!p0 $0x1;
	_ =	shalt  }
.Lfunc_end2:
_tile_overlayer_lowered:
.L_overlay_start_2:
0x8e: {  	(tag) =	ssettag $0x2  }
0x8f: {  	s0 =	rddreg [dreg:$0x0];
	s2 =	stileid.u32  }
0x90: {  	s1 =	rddreg [dreg:$0x1];
	p0 =	sne.s32 s2, $0x0  }
0x91: {  	s3 =	rddreg [dreg:$0x2];
	[bflag:$0x3] =	sbarrier.arrive $0xFFFF;
	s2 =	simm.s32 @!p0 $0x1C02  }
0x92: {  	[timem:s3], [sflag:s2] =	dma.local @!p0 [hbm:s0], s1  }
0x93: {  	s0 =	simm.s32 @!p0 $0x2  }
0x94: {  	_ =	swait.ge @!p0 [sflag:s0], s1  }
0x95: {  	s1 =	ssub.s32 @!p0 $0x0, s1;
	[sflag:s0] =	ssyncset.done @!p0 $0x0  }
0x96: {  	[sflag:s0] =	ssyncadd.s32 @!p0 s1  }
0x97: {  	[bflag:$0x3] =	sbarrier.arrive $0xFFFF  }
0x98: {  	_ =	shalt  }

</sc_bundles>
